<compile_context>
chip_gen: v7x
topology: tpu7x:2x2x1
jax: 0.10.2.dev20260603
libtpu: 0.0.44.dev20260713+nightly
codegen_flags: <defaults>
</compile_context>

<pallas_src>
import functools

import jax
import jax.numpy as jnp
from jax import lax
from jax.experimental import pallas as pl
from jax.experimental.pallas import tpu as pltpu
from jax.experimental.pallas import tpu_sc as plsc

NC = 2
NS = 16
L = 16
NB = 8
W = 512
NPIX = 512 * 512
BPC = NB // NC
P = NPIX // NS
ROWS = P // W
NIT = P // L

_DELTA_AGG = 0.5
_DELTA_DIS = 3.0

_PAIRS = [(a, b) for a in range(1, 8) for b in range(a + 1, 8)]
_PAIRS = _PAIRS + [(1, 1)] * (32 - len(_PAIRS))
_PAIR_TAB = [[[p[0] for p in _PAIRS[k * 16:(k + 1) * 16]],
              [p[1] for p in _PAIRS[k * 16:(k + 1) * 16]]] for k in range(2)]


def _recip16(x):
    i = jnp.int32(0x7EF477D5) - plsc.bitcast(x, jnp.int32)
    y = plsc.bitcast(i, jnp.float32)
    for _ in range(2):
        y = y * (2.0 - x * y)
    return y


def _sqrt16(s, iters=2):
    i = plsc.bitcast(s, jnp.int32)
    i = jnp.int32(0x5F3759DF) - (i >> 1)
    y = plsc.bitcast(i, jnp.float32)
    for _ in range(iters):
        y = y * (1.5 - 0.5 * s * y * y)
    return s * y


_LOGC = (-1.9316715417209647, 3.498227901209959, -2.420812563219248,
         1.1048082361995168, -0.2806325404497544, 0.030102625011692218)


def _log16(x):
    b = plsc.bitcast(x, jnp.int32)
    e = ((b >> 23) - 127).astype(jnp.float32)
    m = plsc.bitcast((b & jnp.int32(0x007FFFFF)) | jnp.int32(0x3F800000),
                     jnp.float32)
    acc = jnp.full((L,), _LOGC[-1], jnp.float32)
    for c in _LOGC[-2::-1]:
        acc = acc * m + c
    return e * 0.6931471805599453 + acc


def _sc_body(preds_hbm, tgt_hbm, pairs_hbm, out_hbm,
             sv_v, tt_v, tk_v, tab_v, tmp_v, acc_v, gtab_v,
             stat_v, outbuf_v, pairs_v, shared_v, sem):
    cid = lax.axis_index("c")
    sid = lax.axis_index("s")
    lane = lax.iota(jnp.int32, L)
    zeros = jnp.zeros((L,), jnp.float32)
    ones = jnp.full((L,), 1.0, jnp.float32)

    pltpu.sync_copy(pairs_hbm, pairs_v)

    @pl.when(sid == 0)
    def _():
        for r in range(2):
            outbuf_v[r] = zeros

    def reduce_tables(r0, nr):
        pltpu.sync_copy(shared_v.at[0, pl.ds(r0, nr)], acc_v.at[pl.ds(r0, nr)])

        def rbody(s, _):
            pltpu.sync_copy(shared_v.at[s, pl.ds(r0, nr)],
                            tmp_v.at[pl.ds(0, nr)])
            for r in range(nr):
                for j in range(128 // L):
                    ds = pl.ds(j * L, L)
                    acc_v[r0 + r, ds] = acc_v[r0 + r, ds] + tmp_v[r, ds]
            return 0

        lax.fori_loop(1, NS, rbody, 0)

    rbase = sid * ROWS

    def strip_copies(b, make):
        mk = pltpu.make_async_copy if make else pltpu.async_copy
        cps = []
        for ch in range(4):
            cps.append(mk(preds_hbm.at[b, 2 + ch, pl.ds(rbase, ROWS), :],
                          sv_v.at[ch], sem))
        cps.append(mk(tgt_hbm.at[b, 0, pl.ds(rbase, ROWS), :], tt_v, sem))
        cps.append(mk(tgt_hbm.at[b, 1, pl.ds(rbase, ROWS), :], tk_v, sem))
        return cps

    strip_copies(cid * BPC, make=False)

    def batch_body(bl, _):
        b = cid * BPC + bl

        for cp in strip_copies(b, make=True):
            cp.wait()

        for r in range(8):
            for j in range(128 // L):
                tab_v[r, pl.ds(j * L, L)] = zeros

        @plsc.parallel_loop(0, NIT, 1, unroll=8)
        def _(i):
            r = i >> 5
            c = (i & 31) << 4
            idx = (tk_v[r, pl.ds(c, L)] << 4) | lane
            plsc.addupdate_scatter(tab_v.at[4], [idx], ones)
            for ch in range(4):
                plsc.addupdate_scatter(tab_v.at[ch], [idx],
                                       sv_v[ch, r, pl.ds(c, L)])

        pltpu.sync_copy(tab_v.at[pl.ds(0, 5)], shared_v.at[sid, pl.ds(0, 5)])
        plsc.subcore_barrier()
        reduce_tables(0, 5)
        ckvec = zeros
        gv = [zeros, zeros, zeros, zeros]
        for i in range(8):
            sel = lane == i
            ckvec = jnp.where(sel, jnp.sum(acc_v[4, pl.ds(i * L, L)]), ckvec)
            for ch in range(4):
                gv[ch] = jnp.where(sel, jnp.sum(acc_v[ch, pl.ds(i * L, L)]),
                                   gv[ch])
        stat_v[0] = ckvec
        inv = _recip16(jnp.maximum(ckvec, 1.0))
        for ch in range(4):
            gtab_v[ch] = gv[ch] * inv
        plsc.subcore_barrier()

        @plsc.parallel_loop(0, NIT, 1, unroll=6)
        def _(i):
            r = i >> 5
            c = (i & 31) << 4
            tt16 = tt_v[r, pl.ds(c, L)]
            s = zeros
            for ch in range(4):
                d = sv_v[ch, r, pl.ds(c, L)] - plsc.load_gather(
                    gtab_v.at[ch], [tt16])
                s = s + d * d
            s = jnp.maximum(s, 0.25)
            lg = _log16(s - _sqrt16(s, iters=1) + 1.25)
            idx = (tt16 << 4) | lane
            plsc.addupdate_scatter(tab_v.at[5], [idx], lg)
            plsc.addupdate_scatter(tab_v.at[6], [idx], ones)

        @pl.when(bl < BPC - 1)
        def _():
            strip_copies(b + 1, make=False)

        pltpu.sync_copy(tab_v.at[pl.ds(5, 2)], shared_v.at[sid, pl.ds(5, 2)])
        plsc.subcore_barrier()

        @pl.when(sid == 0)
        def _():
            reduce_tables(5, 2)
            lsum = zeros
            ctv = zeros
            for i in range(1, 8):
                sel = lane == i
                lsum = jnp.where(sel, jnp.sum(acc_v[5, pl.ds(i * L, L)]),
                                 lsum)
                ctv = jnp.where(sel, jnp.sum(acc_v[6, pl.ds(i * L, L)]), ctv)
            ckv = stat_v[0]
            lanemask = (lane >= 1) & (lane < 8)
            validf = jnp.where((ctv > 0.0) & (ckv > 0.0) & lanemask, 1.0, 0.0)
            stat_v[3] = validf
            m = zeros + jnp.sum(validf)
            inst = lsum * _recip16(jnp.maximum(ctv, 1.0))
            aggsum = jnp.sum(validf * inst)
            agg_b = jnp.where(m > 0.0,
                              aggsum * _recip16(jnp.maximum(m, 1.0)), 0.0)
            dsum = 0.0
            for k in range(2):
                pa = pairs_v[k, 0]
                pb = pairs_v[k, 1]
                pm = jnp.where(pa < pb, 1.0, 0.0)
                s = zeros
                for ch in range(4):
                    dg = (plsc.load_gather(gtab_v.at[ch], [pa])
                          - plsc.load_gather(gtab_v.at[ch], [pb]))
                    s = s + dg * dg
                nrm = _sqrt16(jnp.maximum(s, 1e-12))
                dd = jnp.maximum(_DELTA_DIS - nrm, 0.0)
                va = plsc.load_gather(stat_v.at[3], [pa])
                vb = plsc.load_gather(stat_v.at[3], [pb])
                dsum = dsum + jnp.sum(_log16(dd * dd + 1.0) * va * vb * pm)
            denom = jnp.maximum(m * (m - 1.0), 1.0)
            dis_b = jnp.where(m > 1.0, dsum * _recip16(denom), 0.0)
            outbuf_v[0] = jnp.where(lane == bl, agg_b, outbuf_v[0])
            outbuf_v[1] = jnp.where(lane == bl, dis_b, outbuf_v[1])
        plsc.subcore_barrier()
        return 0

    lax.fori_loop(0, BPC, batch_body, 0)

    @pl.when(sid == 0)
    def _():
        pltpu.sync_copy(outbuf_v, out_hbm.at[cid])


@jax.jit
def kernel(preds, targets):
    mesh = plsc.VectorSubcoreMesh(core_axis_name="c", subcore_axis_name="s",
                                  num_cores=NC, num_subcores=NS)
    out = pl.kernel(
        _sc_body,
        out_type=jax.ShapeDtypeStruct((NC, 2, L), jnp.float32),
        mesh=mesh,
        compiler_params=pltpu.CompilerParams(needs_layout_passes=False,
                                             use_tc_tiling_on_sc=True),
        scratch_types=[
            pltpu.VMEM((4, ROWS, W), jnp.float32),
            pltpu.VMEM((ROWS, W), jnp.int32),
            pltpu.VMEM((ROWS, W), jnp.int32),
            pltpu.VMEM((8, 128), jnp.float32),
            pltpu.VMEM((8, 128), jnp.float32),
            pltpu.VMEM((8, 128), jnp.float32),
            pltpu.VMEM((4, L), jnp.float32),
            pltpu.VMEM((4, L), jnp.float32),
            pltpu.VMEM((2, L), jnp.float32),
            pltpu.VMEM((2, 2, L), jnp.int32),
            pltpu.VMEM_SHARED((NS, 8, 128), jnp.float32),
            pltpu.SemaphoreType.DMA,
        ],
    )(preds, targets, jnp.asarray(_PAIR_TAB, jnp.int32))
    agg = jnp.concatenate([out[0, 0, :BPC], out[1, 0, :BPC]])
    dis = jnp.concatenate([out[0, 1, :BPC], out[1, 1, :BPC]])
    return agg, dis

# --- scband reference (transcript-rebuilt; emitter-appended) ---
"""Pipeline reference for scband-aggregation-discrimination-loss-30958124270216 (READ-ONLY COPY).

The authoritative reference and input builder live on the scoring server;
editing this copy changes nothing except your own understanding.
"""

import jax, jax.numpy as jnp
import numpy as np
import itertools

DELTA_AGG = 0.5
DELTA_DIS = 3.0

def setup_inputs(seed: int = 0) -> dict:
    key = jax.random.key(seed)
    k1, k2 = jax.random.split(key)
    preds = jax.random.normal(k1, (8, 6, 512, 512), dtype=jnp.float32)
    targets = jax.random.randint(k2, (8, 2, 512, 512), 0, 8, dtype=jnp.int32)
    return {"preds": preds, "targets": targets}

def _forward(preds, targets_np):
    N = preds.shape[0]
    sim = preds[:, 2:, :, :].reshape(N, 4, -1)
    ttext = targets_np[:, 0].reshape(N, -1)
    tker = targets_np[:, 1].reshape(N, -1)
    max_num_texts = 8
    agg_losses, dis_losses = [], []
    for i in range(N):
        sv = sim[i]
        tt = ttext[i]
        tk = tker[i]
        inst_losses = []
        G_Ks = []
        valids = []
        for id_text in range(1, max_num_texts):
            mask_t = (tt == id_text)
            mask_k = (tk == id_text)
            cnt_t = mask_t.sum()
            cnt_k = mask_k.sum()
            valid = (cnt_t > 0) & (cnt_k > 0)
            safe_k = jnp.maximum(cnt_k, 1).astype(sv.dtype)
            G_Ki = (sv * mask_k[None, :]).sum(axis=1) / safe_k
            G_Ks.append(G_Ki)
            valids.append(valid)
            d = jnp.linalg.norm(sv - G_Ki.reshape(4, 1), ord=2, axis=0) - DELTA_AGG
            D_p_Ki = jnp.maximum(d, jnp.zeros_like(d)) ** 2
            safe_t = jnp.maximum(cnt_t, 1).astype(sv.dtype)
            inst = (jnp.log(D_p_Ki + 1) * mask_t).sum() / safe_t
            inst_losses.append(jnp.where(valid, inst, jnp.asarray(0.0, dtype=jnp.float32)))
        valid_arr = jnp.stack(valids)
        inst_arr = jnp.stack(inst_losses)
        M = valid_arr.sum()
        safe_M = jnp.maximum(M, 1).astype(jnp.float32)
        agg = jnp.where(M > 0, inst_arr.sum() / safe_M, jnp.asarray(0.0, dtype=jnp.float32))
        agg_losses.append(agg)
        dis_loss = jnp.asarray(0.0, dtype=jnp.float32)
        for a in range(len(G_Ks)):
            for b in range(a + 1, len(G_Ks)):
                pair_valid = valids[a] & valids[b]
                D_Ki_Kj = DELTA_DIS - jnp.linalg.norm(G_Ks[a] - G_Ks[b], ord=2)
                D_Ki_Kj = jnp.maximum(D_Ki_Kj, jnp.zeros_like(D_Ki_Kj)) ** 2
                dis_loss = dis_loss + jnp.where(pair_valid, jnp.log(D_Ki_Kj + 1),
                                                jnp.asarray(0.0, dtype=jnp.float32))
        denom = jnp.maximum((M * (M - 1)).astype(jnp.float32), 1.0)
        dis_final = jnp.where(M > 1, dis_loss / denom, jnp.asarray(0.0, dtype=jnp.float32))
        dis_losses.append(dis_final)
    return (jnp.stack(agg_losses), jnp.stack(dis_losses))

def reference(preds, targets):
    return _forward(preds, targets)

if __name__ == "__main__":
    import jax
    _d = setup_inputs()
    print(jax.jit(kernel)(*tuple(_d.values())))

</pallas_src>

<mosaic_0001>
#map = affine_map<(d0, d1) -> (0, 0, 0, 0)>
#map1 = affine_map<(d0, d1) -> (0, 0, 0)>
module attributes {stable_mosaic.version = 14 : i64} {
  func.func @_sc_body(%arg0: i32, %arg1: i32, %arg2: memref<8x6x512x512xf32, #tpu.memory_space<hbm>>, %arg3: memref<8x2x512x512xi32, #tpu.memory_space<hbm>>, %arg4: memref<2x2x16xi32, #tpu.memory_space<hbm>>, %arg5: memref<2x2x16xf32, #tpu.memory_space<hbm>>, %arg6: memref<4x32x512xf32, #tpu.memory_space<vmem>>, %arg7: memref<32x512xi32, #tpu.memory_space<vmem>>, %arg8: memref<32x512xi32, #tpu.memory_space<vmem>>, %arg9: memref<8x128xf32, #tpu.memory_space<vmem>>, %arg10: memref<8x128xf32, #tpu.memory_space<vmem>>, %arg11: memref<8x128xf32, #tpu.memory_space<vmem>>, %arg12: memref<4x16xf32, #tpu.memory_space<vmem>>, %arg13: memref<4x16xf32, #tpu.memory_space<vmem>>, %arg14: memref<2x16xf32, #tpu.memory_space<vmem>>, %arg15: memref<2x2x16xi32, #tpu.memory_space<vmem>>, %arg16: memref<16x8x128xf32, #tpu.memory_space<vmem_shared>>, %arg17: memref<!tpu.dma_semaphore, #tpu.memory_space<semaphore_mem>>) attributes {dimension_semantics = [#tpu.dimension_semantics<core_parallel>, #tpu.dimension_semantics<subcore_parallel>], iteration_bounds = array<i64: 2, 16>, scalar_prefetch = 0 : i64, scratch_operands = 12 : i64, tpu.core_type = #tpu.core_type<sc_vector_subcore>, window_params = [{transform_indices = #map}, {transform_indices = #map}, {transform_indices = #map1}, {transform_indices = #map1}]} {
    %iota3A = tpu.iota {dimensions = array<i32: 0>} : vector<16xi32>
    %broadcast_in_dim3A = arith.constant 0.000000e+00 : f32
    %broadcast_in_dim3A_0 = vector.broadcast %broadcast_in_dim3A : f32 to vector<16xf32>
    %broadcast_in_dim3A_1 = arith.constant 1.000000e+00 : f32
    %broadcast_in_dim3A_2 = vector.broadcast %broadcast_in_dim3A_1 : f32 to vector<16xf32>
    "tpu.region"() ({
      %run_scoped3A = tpu.sem_alloc : memref<!tpu.dma_semaphore, #tpu.memory_space<semaphore_mem>>
      tpu.enqueue_dma source(%arg4 : memref<2x2x16xi32, #tpu.memory_space<hbm>>) target(%arg15 : memref<2x2x16xi32, #tpu.memory_space<vmem>>) target_semaphore(%run_scoped3A : memref<!tpu.dma_semaphore, #tpu.memory_space<semaphore_mem>>)
      tpu.wait_dma2 semaphore(%run_scoped3A : memref<!tpu.dma_semaphore, #tpu.memory_space<semaphore_mem>>) src(%arg4 : memref<2x2x16xi32, #tpu.memory_space<hbm>>) dst(%arg15 : memref<2x2x16xi32, #tpu.memory_space<vmem>>)
      tpu.yield
    }) : () -> ()
    %eq3A = arith.constant 0 : i32
    %eq3A_3 = arith.cmpi eq, %arg1, %eq3A : i32
    %convert_element_type3A = arith.extui %eq3A_3 : i1 to i32
    %cond3A = arith.constant 0 : i32
    %cond3A_4 = arith.cmpi ne, %convert_element_type3A, %cond3A : i32
    scf.if %cond3A_4 {
      %swap3A = arith.constant 0 : i32
      %swap3A_96 = arith.index_cast %swap3A : i32 to index
      %swap3A_97 = arith.constant 0 : index
      %swap3A_98 = tpu.vector_load %arg14[%swap3A_96, %swap3A_97] {strides = array<i32>} : memref<2x16xf32, #tpu.memory_space<vmem>>, vector<16xf32>,
      tpu.vector_store %arg14[%swap3A_96, %swap3A_97], %broadcast_in_dim3A_0 {strides = array<i32>} : memref<2x16xf32, #tpu.memory_space<vmem>>, vector<16xf32>,
      %swap3A_99 = arith.constant 1 : i32
      %swap3A_100 = arith.index_cast %swap3A_99 : i32 to index
      %swap3A_101 = arith.constant 0 : index
      %swap3A_102 = tpu.vector_load %arg14[%swap3A_100, %swap3A_101] {strides = array<i32>} : memref<2x16xf32, #tpu.memory_space<vmem>>, vector<16xf32>,
      tpu.vector_store %arg14[%swap3A_100, %swap3A_101], %broadcast_in_dim3A_0 {strides = array<i32>} : memref<2x16xf32, #tpu.memory_space<vmem>>, vector<16xf32>,
    } else {
    }
    %mul3A = arith.constant 32 : i32
    %mul3A_5 = arith.muli %arg1, %mul3A : i32
    %mul3A_6 = arith.constant 4 : i32
    %mul3A_7 = arith.muli %arg0, %mul3A_6 : i32
    %dma_start3A = arith.constant 2 : i32
    %dma_start3A_8 = arith.constant 0 : i32
    %dma_start3A_9 = arith.constant 0 : i32
    %dma_start3A_10 = arith.constant 0 : i32
    %dma_start3A_11 = tpu.memref_slice %arg6[%dma_start3A_8, %dma_start3A_9, %dma_start3A_10] : memref<4x32x512xf32, #tpu.memory_space<vmem>> -> memref<1x32x512xf32, #tpu.memory_space<vmem>>
    %dma_start3A_12 = tpu.memref_squeeze %dma_start3A_11 : memref<1x32x512xf32, #tpu.memory_space<vmem>> -> memref<32x512xf32, #tpu.memory_space<vmem>>
    %dma_start3A_13 = arith.constant 0 : i32
    %dma_start3A_14 = tpu.memref_slice %arg2[%mul3A_7, %dma_start3A, %mul3A_5, %dma_start3A_13] : memref<8x6x512x512xf32, #tpu.memory_space<hbm>> -> memref<1x1x32x512xf32, #tpu.memory_space<hbm>>
    %dma_start3A_15 = tpu.memref_squeeze %dma_start3A_14 : memref<1x1x32x512xf32, #tpu.memory_space<hbm>> -> memref<32x512xf32, #tpu.memory_space<hbm>>
    %dma_start3A_16 = arith.constant 0 : i32
    %dma_start3A_17 = arith.constant 0 : i32
    %dma_start3A_18 = tpu.memref_slice %arg6[%dma_start3A_8, %dma_start3A_16, %dma_start3A_17] : memref<4x32x512xf32, #tpu.memory_space<vmem>> -> memref<1x32x512xf32, #tpu.memory_space<vmem>>
    %dma_start3A_19 = tpu.memref_squeeze %dma_start3A_18 : memref<1x32x512xf32, #tpu.memory_space<vmem>> -> memref<32x512xf32, #tpu.memory_space<vmem>>
    %dma_start3A_20 = arith.constant 0 : i32
    %dma_start3A_21 = tpu.memref_slice %arg2[%mul3A_7, %dma_start3A, %mul3A_5, %dma_start3A_20] : memref<8x6x512x512xf32, #tpu.memory_space<hbm>> -> memref<1x1x32x512xf32, #tpu.memory_space<hbm>>
    %dma_start3A_22 = tpu.memref_squeeze %dma_start3A_21 : memref<1x1x32x512xf32, #tpu.memory_space<hbm>> -> memref<32x512xf32, #tpu.memory_space<hbm>>
    tpu.enqueue_dma source(%dma_start3A_22 : memref<32x512xf32, #tpu.memory_space<hbm>>) target(%dma_start3A_19 : memref<32x512xf32, #tpu.memory_space<vmem>>) target_semaphore(%arg17 : memref<!tpu.dma_semaphore, #tpu.memory_space<semaphore_mem>>)
    %dma_start3A_23 = arith.constant 3 : i32
    %dma_start3A_24 = arith.constant 1 : i32
    %dma_start3A_25 = arith.constant 0 : i32
    %dma_start3A_26 = arith.constant 0 : i32
    %dma_start3A_27 = tpu.memref_slice %arg6[%dma_start3A_24, %dma_start3A_25, %dma_start3A_26] : memref<4x32x512xf32, #tpu.memory_space<vmem>> -> memref<1x32x512xf32, #tpu.memory_space<vmem>>
    %dma_start3A_28 = tpu.memref_squeeze %dma_start3A_27 : memref<1x32x512xf32, #tpu.memory_space<vmem>> -> memref<32x512xf32, #tpu.memory_space<vmem>>
    %dma_start3A_29 = arith.constant 0 : i32
    %dma_start3A_30 = tpu.memref_slice %arg2[%mul3A_7, %dma_start3A_23, %mul3A_5, %dma_start3A_29] : memref<8x6x512x512xf32, #tpu.memory_space<hbm>> -> memref<1x1x32x512xf32, #tpu.memory_space<hbm>>
    %dma_start3A_31 = tpu.memref_squeeze %dma_start3A_30 : memref<1x1x32x512xf32, #tpu.memory_space<hbm>> -> memref<32x512xf32, #tpu.memory_space<hbm>>
    %dma_start3A_32 = arith.constant 0 : i32
    %dma_start3A_33 = arith.constant 0 : i32
    %dma_start3A_34 = tpu.memref_slice %arg6[%dma_start3A_24, %dma_start3A_32, %dma_start3A_33] : memref<4x32x512xf32, #tpu.memory_space<vmem>> -> memref<1x32x512xf32, #tpu.memory_space<vmem>>
    %dma_start3A_35 = tpu.memref_squeeze %dma_start3A_34 : memref<1x32x512xf32, #tpu.memory_space<vmem>> -> memref<32x512xf32, #tpu.memory_space<vmem>>
    %dma_start3A_36 = arith.constant 0 : i32
    %dma_start3A_37 = tpu.memref_slice %arg2[%mul3A_7, %dma_start3A_23, %mul3A_5, %dma_start3A_36] : memref<8x6x512x512xf32, #tpu.memory_space<hbm>> -> memref<1x1x32x512xf32, #tpu.memory_space<hbm>>
    %dma_start3A_38 = tpu.memref_squeeze %dma_start3A_37 : memref<1x1x32x512xf32, #tpu.memory_space<hbm>> -> memref<32x512xf32, #tpu.memory_space<hbm>>
    tpu.enqueue_dma source(%dma_start3A_38 : memref<32x512xf32, #tpu.memory_space<hbm>>) target(%dma_start3A_35 : memref<32x512xf32, #tpu.memory_space<vmem>>) target_semaphore(%arg17 : memref<!tpu.dma_semaphore, #tpu.memory_space<semaphore_mem>>)
    %dma_start3A_39 = arith.constant 4 : i32
    %dma_start3A_40 = arith.constant 2 : i32
    %dma_start3A_41 = arith.constant 0 : i32
    %dma_start3A_42 = arith.constant 0 : i32
    %dma_start3A_43 = tpu.memref_slice %arg6[%dma_start3A_40, %dma_start3A_41, %dma_start3A_42] : memref<4x32x512xf32, #tpu.memory_space<vmem>> -> memref<1x32x512xf32, #tpu.memory_space<vmem>>
    %dma_start3A_44 = tpu.memref_squeeze %dma_start3A_43 : memref<1x32x512xf32, #tpu.memory_space<vmem>> -> memref<32x512xf32, #tpu.memory_space<vmem>>
    %dma_start3A_45 = arith.constant 0 : i32
    %dma_start3A_46 = tpu.memref_slice %arg2[%mul3A_7, %dma_start3A_39, %mul3A_5, %dma_start3A_45] : memref<8x6x512x512xf32, #tpu.memory_space<hbm>> -> memref<1x1x32x512xf32, #tpu.memory_space<hbm>>
    %dma_start3A_47 = tpu.memref_squeeze %dma_start3A_46 : memref<1x1x32x512xf32, #tpu.memory_space<hbm>> -> memref<32x512xf32, #tpu.memory_space<hbm>>
    %dma_start3A_48 = arith.constant 0 : i32
    %dma_start3A_49 = arith.constant 0 : i32
    %dma_start3A_50 = tpu.memref_slice %arg6[%dma_start3A_40, %dma_start3A_48, %dma_start3A_49] : memref<4x32x512xf32, #tpu.memory_space<vmem>> -> memref<1x32x512xf32, #tpu.memory_space<vmem>>
    %dma_start3A_51 = tpu.memref_squeeze %dma_start3A_50 : memref<1x32x512xf32, #tpu.memory_space<vmem>> -> memref<32x512xf32, #tpu.memory_space<vmem>>
    %dma_start3A_52 = arith.constant 0 : i32
    %dma_start3A_53 = tpu.memref_slice %arg2[%mul3A_7, %dma_start3A_39, %mul3A_5, %dma_start3A_52] : memref<8x6x512x512xf32, #tpu.memory_space<hbm>> -> memref<1x1x32x512xf32, #tpu.memory_space<hbm>>
    %dma_start3A_54 = tpu.memref_squeeze %dma_start3A_53 : memref<1x1x32x512xf32, #tpu.memory_space<hbm>> -> memref<32x512xf32, #tpu.memory_space<hbm>>
    tpu.enqueue_dma source(%dma_start3A_54 : memref<32x512xf32, #tpu.memory_space<hbm>>) target(%dma_start3A_51 : memref<32x512xf32, #tpu.memory_space<vmem>>) target_semaphore(%arg17 : memref<!tpu.dma_semaphore, #tpu.memory_space<semaphore_mem>>)
    %dma_start3A_55 = arith.constant 5 : i32
    %dma_start3A_56 = arith.constant 3 : i32
    %dma_start3A_57 = arith.constant 0 : i32
    %dma_start3A_58 = arith.constant 0 : i32
    %dma_start3A_59 = tpu.memref_slice %arg6[%dma_start3A_56, %dma_start3A_57, %dma_start3A_58] : memref<4x32x512xf32, #tpu.memory_space<vmem>> -> memref<1x32x512xf32, #tpu.memory_space<vmem>>
    %dma_start3A_60 = tpu.memref_squeeze %dma_start3A_59 : memref<1x32x512xf32, #tpu.memory_space<vmem>> -> memref<32x512xf32, #tpu.memory_space<vmem>>
    %dma_start3A_61 = arith.constant 0 : i32
    %dma_start3A_62 = tpu.memref_slice %arg2[%mul3A_7, %dma_start3A_55, %mul3A_5, %dma_start3A_61] : memref<8x6x512x512xf32, #tpu.memory_space<hbm>> -> memref<1x1x32x512xf32, #tpu.memory_space<hbm>>
    %dma_start3A_63 = tpu.memref_squeeze %dma_start3A_62 : memref<1x1x32x512xf32, #tpu.memory_space<hbm>> -> memref<32x512xf32, #tpu.memory_space<hbm>>
    %dma_start3A_64 = arith.constant 0 : i32
    %dma_start3A_65 = arith.constant 0 : i32
    %dma_start3A_66 = tpu.memref_slice %arg6[%dma_start3A_56, %dma_start3A_64, %dma_start3A_65] : memref<4x32x512xf32, #tpu.memory_space<vmem>> -> memref<1x32x512xf32, #tpu.memory_space<vmem>>
    %dma_start3A_67 = tpu.memref_squeeze %dma_start3A_66 : memref<1x32x512xf32, #tpu.memory_space<vmem>> -> memref<32x512xf32, #tpu.memory_space<vmem>>
    %dma_start3A_68 = arith.constant 0 : i32
    %dma_start3A_69 = tpu.memref_slice %arg2[%mul3A_7, %dma_start3A_55, %mul3A_5, %dma_start3A_68] : memref<8x6x512x512xf32, #tpu.memory_space<hbm>> -> memref<1x1x32x512xf32, #tpu.memory_space<hbm>>
    %dma_start3A_70 = tpu.memref_squeeze %dma_start3A_69 : memref<1x1x32x512xf32, #tpu.memory_space<hbm>> -> memref<32x512xf32, #tpu.memory_space<hbm>>
    tpu.enqueue_dma source(%dma_start3A_70 : memref<32x512xf32, #tpu.memory_space<hbm>>) target(%dma_start3A_67 : memref<32x512xf32, #tpu.memory_space<vmem>>) target_semaphore(%arg17 : memref<!tpu.dma_semaphore, #tpu.memory_space<semaphore_mem>>)
    %dma_start3A_71 = arith.constant 0 : i32
    %dma_start3A_72 = arith.constant 0 : i32
    %dma_start3A_73 = tpu.memref_slice %arg3[%mul3A_7, %dma_start3A_71, %mul3A_5, %dma_start3A_72] : memref<8x2x512x512xi32, #tpu.memory_space<hbm>> -> memref<1x1x32x512xi32, #tpu.memory_space<hbm>>
    %dma_start3A_74 = tpu.memref_squeeze %dma_start3A_73 : memref<1x1x32x512xi32, #tpu.memory_space<hbm>> -> memref<32x512xi32, #tpu.memory_space<hbm>>
    %dma_start3A_75 = arith.constant 0 : i32
    %dma_start3A_76 = tpu.memref_slice %arg3[%mul3A_7, %dma_start3A_71, %mul3A_5, %dma_start3A_75] : memref<8x2x512x512xi32, #tpu.memory_space<hbm>> -> memref<1x1x32x512xi32, #tpu.memory_space<hbm>>
    %dma_start3A_77 = tpu.memref_squeeze %dma_start3A_76 : memref<1x1x32x512xi32, #tpu.memory_space<hbm>> -> memref<32x512xi32, #tpu.memory_space<hbm>>
    tpu.enqueue_dma source(%dma_start3A_77 : memref<32x512xi32, #tpu.memory_space<hbm>>) target(%arg7 : memref<32x512xi32, #tpu.memory_space<vmem>>) target_semaphore(%arg17 : memref<!tpu.dma_semaphore, #tpu.memory_space<semaphore_mem>>)
    %dma_start3A_78 = arith.constant 1 : i32
    %dma_start3A_79 = arith.constant 0 : i32
    %dma_start3A_80 = tpu.memref_slice %arg3[%mul3A_7, %dma_start3A_78, %mul3A_5, %dma_start3A_79] : memref<8x2x512x512xi32, #tpu.memory_space<hbm>> -> memref<1x1x32x512xi32, #tpu.memory_space<hbm>>
    %dma_start3A_81 = tpu.memref_squeeze %dma_start3A_80 : memref<1x1x32x512xi32, #tpu.memory_space<hbm>> -> memref<32x512xi32, #tpu.memory_space<hbm>>
    %dma_start3A_82 = arith.constant 0 : i32
    %dma_start3A_83 = tpu.memref_slice %arg3[%mul3A_7, %dma_start3A_78, %mul3A_5, %dma_start3A_82] : memref<8x2x512x512xi32, #tpu.memory_space<hbm>> -> memref<1x1x32x512xi32, #tpu.memory_space<hbm>>
    %dma_start3A_84 = tpu.memref_squeeze %dma_start3A_83 : memref<1x1x32x512xi32, #tpu.memory_space<hbm>> -> memref<32x512xi32, #tpu.memory_space<hbm>>
    tpu.enqueue_dma source(%dma_start3A_84 : memref<32x512xi32, #tpu.memory_space<hbm>>) target(%arg8 : memref<32x512xi32, #tpu.memory_space<vmem>>) target_semaphore(%arg17 : memref<!tpu.dma_semaphore, #tpu.memory_space<semaphore_mem>>)
    %scan3A = arith.constant 0 : i32
    %scan3A_85 = arith.constant 0 : i32
    %scan3A_86 = arith.constant 4 : i32
    %scan3A_87 = arith.addi %scan3A_85, %scan3A_86 : i32
    %scan3A_88 = arith.constant 1 : i32
    %scan3A_89 = scf.for %scan3A_96 = %scan3A_85 to %scan3A_87 step %scan3A_88 iter_args(%scan3A_97 = %scan3A) -> (i32)  : i32 {
      %mul3A_98 = arith.constant 4 : i32
      %mul3A_99 = arith.muli %arg0, %mul3A_98 : i32
      %add3A = arith.addi %mul3A_99, %scan3A_96 : i32
      %dma_wait3A = arith.constant 2 : i32
      %dma_wait3A_100 = arith.constant 0 : i32
      %dma_wait3A_101 = arith.constant 0 : i32
      %dma_wait3A_102 = arith.constant 0 : i32
      %dma_wait3A_103 = tpu.memref_slice %arg6[%dma_wait3A_100, %dma_wait3A_101, %dma_wait3A_102] : memref<4x32x512xf32, #tpu.memory_space<vmem>> -> memref<1x32x512xf32, #tpu.memory_space<vmem>>
      %dma_wait3A_104 = tpu.memref_squeeze %dma_wait3A_103 : memref<1x32x512xf32, #tpu.memory_space<vmem>> -> memref<32x512xf32, #tpu.memory_space<vmem>>
      %dma_wait3A_105 = arith.constant 0 : i32
      %dma_wait3A_106 = tpu.memref_slice %arg2[%add3A, %dma_wait3A, %mul3A_5, %dma_wait3A_105] : memref<8x6x512x512xf32, #tpu.memory_space<hbm>> -> memref<1x1x32x512xf32, #tpu.memory_space<hbm>>
      %dma_wait3A_107 = tpu.memref_squeeze %dma_wait3A_106 : memref<1x1x32x512xf32, #tpu.memory_space<hbm>> -> memref<32x512xf32, #tpu.memory_space<hbm>>
      %dma_wait3A_108 = arith.constant 0 : i32
      %dma_wait3A_109 = arith.constant 0 : i32
      %dma_wait3A_110 = tpu.memref_slice %arg6[%dma_wait3A_100, %dma_wait3A_108, %dma_wait3A_109] : memref<4x32x512xf32, #tpu.memory_space<vmem>> -> memref<1x32x512xf32, #tpu.memory_space<vmem>>
      %dma_wait3A_111 = tpu.memref_squeeze %dma_wait3A_110 : memref<1x32x512xf32, #tpu.memory_space<vmem>> -> memref<32x512xf32, #tpu.memory_space<vmem>>
      %dma_wait3A_112 = arith.constant 0 : i32
      %dma_wait3A_113 = tpu.memref_slice %arg2[%add3A, %dma_wait3A, %mul3A_5, %dma_wait3A_112] : memref<8x6x512x512xf32, #tpu.memory_space<hbm>> -> memref<1x1x32x512xf32, #tpu.memory_space<hbm>>
      %dma_wait3A_114 = tpu.memref_squeeze %dma_wait3A_113 : memref<1x1x32x512xf32, #tpu.memory_space<hbm>> -> memref<32x512xf32, #tpu.memory_space<hbm>>
      tpu.wait_dma2 semaphore(%arg17 : memref<!tpu.dma_semaphore, #tpu.memory_space<semaphore_mem>>) src(%dma_wait3A_114 : memref<32x512xf32, #tpu.memory_space<hbm>>) dst(%dma_wait3A_111 : memref<32x512xf32, #tpu.memory_space<vmem>>)
      %dma_wait3A_115 = arith.constant 3 : i32
      %dma_wait3A_116 = arith.constant 1 : i32
      %dma_wait3A_117 = arith.constant 0 : i32
      %dma_wait3A_118 = arith.constant 0 : i32
      %dma_wait3A_119 = tpu.memref_slice %arg6[%dma_wait3A_116, %dma_wait3A_117, %dma_wait3A_118] : memref<4x32x512xf32, #tpu.memory_space<vmem>> -> memref<1x32x512xf32, #tpu.memory_space<vmem>>
      %dma_wait3A_120 = tpu.memref_squeeze %dma_wait3A_119 : memref<1x32x512xf32, #tpu.memory_space<vmem>> -> memref<32x512xf32, #tpu.memory_space<vmem>>
      %dma_wait3A_121 = arith.constant 0 : i32
      %dma_wait3A_122 = tpu.memref_slice %arg2[%add3A, %dma_wait3A_115, %mul3A_5, %dma_wait3A_121] : memref<8x6x512x512xf32, #tpu.memory_space<hbm>> -> memref<1x1x32x512xf32, #tpu.memory_space<hbm>>
      %dma_wait3A_123 = tpu.memref_squeeze %dma_wait3A_122 : memref<1x1x32x512xf32, #tpu.memory_space<hbm>> -> memref<32x512xf32, #tpu.memory_space<hbm>>
      %dma_wait3A_124 = arith.constant 0 : i32
      %dma_wait3A_125 = arith.constant 0 : i32
      %dma_wait3A_126 = tpu.memref_slice %arg6[%dma_wait3A_116, %dma_wait3A_124, %dma_wait3A_125] : memref<4x32x512xf32, #tpu.memory_space<vmem>> -> memref<1x32x512xf32, #tpu.memory_space<vmem>>
      %dma_wait3A_127 = tpu.memref_squeeze %dma_wait3A_126 : memref<1x32x512xf32, #tpu.memory_space<vmem>> -> memref<32x512xf32, #tpu.memory_space<vmem>>
      %dma_wait3A_128 = arith.constant 0 : i32
      %dma_wait3A_129 = tpu.memref_slice %arg2[%add3A, %dma_wait3A_115, %mul3A_5, %dma_wait3A_128] : memref<8x6x512x512xf32, #tpu.memory_space<hbm>> -> memref<1x1x32x512xf32, #tpu.memory_space<hbm>>
      %dma_wait3A_130 = tpu.memref_squeeze %dma_wait3A_129 : memref<1x1x32x512xf32, #tpu.memory_space<hbm>> -> memref<32x512xf32, #tpu.memory_space<hbm>>
      tpu.wait_dma2 semaphore(%arg17 : memref<!tpu.dma_semaphore, #tpu.memory_space<semaphore_mem>>) src(%dma_wait3A_130 : memref<32x512xf32, #tpu.memory_space<hbm>>) dst(%dma_wait3A_127 : memref<32x512xf32, #tpu.memory_space<vmem>>)
      %dma_wait3A_131 = arith.constant 4 : i32
      %dma_wait3A_132 = arith.constant 2 : i32
      %dma_wait3A_133 = arith.constant 0 : i32
      %dma_wait3A_134 = arith.constant 0 : i32
      %dma_wait3A_135 = tpu.memref_slice %arg6[%dma_wait3A_132, %dma_wait3A_133, %dma_wait3A_134] : memref<4x32x512xf32, #tpu.memory_space<vmem>> -> memref<1x32x512xf32, #tpu.memory_space<vmem>>
      %dma_wait3A_136 = tpu.memref_squeeze %dma_wait3A_135 : memref<1x32x512xf32, #tpu.memory_space<vmem>> -> memref<32x512xf32, #tpu.memory_space<vmem>>
      %dma_wait3A_137 = arith.constant 0 : i32
      %dma_wait3A_138 = tpu.memref_slice %arg2[%add3A, %dma_wait3A_131, %mul3A_5, %dma_wait3A_137] : memref<8x6x512x512xf32, #tpu.memory_space<hbm>> -> memref<1x1x32x512xf32, #tpu.memory_space<hbm>>
      %dma_wait3A_139 = tpu.memref_squeeze %dma_wait3A_138 : memref<1x1x32x512xf32, #tpu.memory_space<hbm>> -> memref<32x512xf32, #tpu.memory_space<hbm>>
      %dma_wait3A_140 = arith.constant 0 : i32
      %dma_wait3A_141 = arith.constant 0 : i32
      %dma_wait3A_142 = tpu.memref_slice %arg6[%dma_wait3A_132, %dma_wait3A_140, %dma_wait3A_141] : memref<4x32x512xf32, #tpu.memory_space<vmem>> -> memref<1x32x512xf32, #tpu.memory_space<vmem>>
      %dma_wait3A_143 = tpu.memref_squeeze %dma_wait3A_142 : memref<1x32x512xf32, #tpu.memory_space<vmem>> -> memref<32x512xf32, #tpu.memory_space<vmem>>
      %dma_wait3A_144 = arith.constant 0 : i32
      %dma_wait3A_145 = tpu.memref_slice %arg2[%add3A, %dma_wait3A_131, %mul3A_5, %dma_wait3A_144] : memref<8x6x512x512xf32, #tpu.memory_space<hbm>> -> memref<1x1x32x512xf32, #tpu.memory_space<hbm>>
      %dma_wait3A_146 = tpu.memref_squeeze %dma_wait3A_145 : memref<1x1x32x512xf32, #tpu.memory_space<hbm>> -> memref<32x512xf32, #tpu.memory_space<hbm>>
      tpu.wait_dma2 semaphore(%arg17 : memref<!tpu.dma_semaphore, #tpu.memory_space<semaphore_mem>>) src(%dma_wait3A_146 : memref<32x512xf32, #tpu.memory_space<hbm>>) dst(%dma_wait3A_143 : memref<32x512xf32, #tpu.memory_space<vmem>>)
      %dma_wait3A_147 = arith.constant 5 : i32
      %dma_wait3A_148 = arith.constant 3 : i32
      %dma_wait3A_149 = arith.constant 0 : i32
      %dma_wait3A_150 = arith.constant 0 : i32
      %dma_wait3A_151 = tpu.memref_slice %arg6[%dma_wait3A_148, %dma_wait3A_149, %dma_wait3A_150] : memref<4x32x512xf32, #tpu.memory_space<vmem>> -> memref<1x32x512xf32, #tpu.memory_space<vmem>>
      %dma_wait3A_152 = tpu.memref_squeeze %dma_wait3A_151 : memref<1x32x512xf32, #tpu.memory_space<vmem>> -> memref<32x512xf32, #tpu.memory_space<vmem>>
      %dma_wait3A_153 = arith.constant 0 : i32
      %dma_wait3A_154 = tpu.memref_slice %arg2[%add3A, %dma_wait3A_147, %mul3A_5, %dma_wait3A_153] : memref<8x6x512x512xf32, #tpu.memory_space<hbm>> -> memref<1x1x32x512xf32, #tpu.memory_space<hbm>>
      %dma_wait3A_155 = tpu.memref_squeeze %dma_wait3A_154 : memref<1x1x32x512xf32, #tpu.memory_space<hbm>> -> memref<32x512xf32, #tpu.memory_space<hbm>>
      %dma_wait3A_156 = arith.constant 0 : i32
      %dma_wait3A_157 = arith.constant 0 : i32
      %dma_wait3A_158 = tpu.memref_slice %arg6[%dma_wait3A_148, %dma_wait3A_156, %dma_wait3A_157] : memref<4x32x512xf32, #tpu.memory_space<vmem>> -> memref<1x32x512xf32, #tpu.memory_space<vmem>>
      %dma_wait3A_159 = tpu.memref_squeeze %dma_wait3A_158 : memref<1x32x512xf32, #tpu.memory_space<vmem>> -> memref<32x512xf32, #tpu.memory_space<vmem>>
      %dma_wait3A_160 = arith.constant 0 : i32
      %dma_wait3A_161 = tpu.memref_slice %arg2[%add3A, %dma_wait3A_147, %mul3A_5, %dma_wait3A_160] : memref<8x6x512x512xf32, #tpu.memory_space<hbm>> -> memref<1x1x32x512xf32, #tpu.memory_space<hbm>>
      %dma_wait3A_162 = tpu.memref_squeeze %dma_wait3A_161 : memref<1x1x32x512xf32, #tpu.memory_space<hbm>> -> memref<32x512xf32, #tpu.memory_space<hbm>>
      tpu.wait_dma2 semaphore(%arg17 : memref<!tpu.dma_semaphore, #tpu.memory_space<semaphore_mem>>) src(%dma_wait3A_162 : memref<32x512xf32, #tpu.memory_space<hbm>>) dst(%dma_wait3A_159 : memref<32x512xf32, #tpu.memory_space<vmem>>)
      %dma_wait3A_163 = arith.constant 0 : i32
      %dma_wait3A_164 = arith.constant 0 : i32
      %dma_wait3A_165 = tpu.memref_slice %arg3[%add3A, %dma_wait3A_163, %mul3A_5, %dma_wait3A_164] : memref<8x2x512x512xi32, #tpu.memory_space<hbm>> -> memref<1x1x32x512xi32, #tpu.memory_space<hbm>>
      %dma_wait3A_166 = tpu.memref_squeeze %dma_wait3A_165 : memref<1x1x32x512xi32, #tpu.memory_space<hbm>> -> memref<32x512xi32, #tpu.memory_space<hbm>>
      %dma_wait3A_167 = arith.constant 0 : i32
      %dma_wait3A_168 = tpu.memref_slice %arg3[%add3A, %dma_wait3A_163, %mul3A_5, %dma_wait3A_167] : memref<8x2x512x512xi32, #tpu.memory_space<hbm>> -> memref<1x1x32x512xi32, #tpu.memory_space<hbm>>
      %dma_wait3A_169 = tpu.memref_squeeze %dma_wait3A_168 : memref<1x1x32x512xi32, #tpu.memory_space<hbm>> -> memref<32x512xi32, #tpu.memory_space<hbm>>
      tpu.wait_dma2 semaphore(%arg17 : memref<!tpu.dma_semaphore, #tpu.memory_space<semaphore_mem>>) src(%dma_wait3A_169 : memref<32x512xi32, #tpu.memory_space<hbm>>) dst(%arg7 : memref<32x512xi32, #tpu.memory_space<vmem>>)
      %dma_wait3A_170 = arith.constant 1 : i32
      %dma_wait3A_171 = arith.constant 0 : i32
      %dma_wait3A_172 = tpu.memref_slice %arg3[%add3A, %dma_wait3A_170, %mul3A_5, %dma_wait3A_171] : memref<8x2x512x512xi32, #tpu.memory_space<hbm>> -> memref<1x1x32x512xi32, #tpu.memory_space<hbm>>
      %dma_wait3A_173 = tpu.memref_squeeze %dma_wait3A_172 : memref<1x1x32x512xi32, #tpu.memory_space<hbm>> -> memref<32x512xi32, #tpu.memory_space<hbm>>
      %dma_wait3A_174 = arith.constant 0 : i32
      %dma_wait3A_175 = tpu.memref_slice %arg3[%add3A, %dma_wait3A_170, %mul3A_5, %dma_wait3A_174] : memref<8x2x512x512xi32, #tpu.memory_space<hbm>> -> memref<1x1x32x512xi32, #tpu.memory_space<hbm>>
      %dma_wait3A_176 = tpu.memref_squeeze %dma_wait3A_175 : memref<1x1x32x512xi32, #tpu.memory_space<hbm>> -> memref<32x512xi32, #tpu.memory_space<hbm>>
      tpu.wait_dma2 semaphore(%arg17 : memref<!tpu.dma_semaphore, #tpu.memory_space<semaphore_mem>>) src(%dma_wait3A_176 : memref<32x512xi32, #tpu.memory_space<hbm>>) dst(%arg8 : memref<32x512xi32, #tpu.memory_space<vmem>>)
      %swap3A = arith.constant 0 : i32
      %swap3A_177 = arith.index_cast %swap3A : i32 to index
      %swap3A_178 = arith.constant 0 : index
      %swap3A_179 = tpu.vector_load %arg9[%swap3A_177, %swap3A_178] {strides = array<i32>} : memref<8x128xf32, #tpu.memory_space<vmem>>, vector<16xf32>,
      tpu.vector_store %arg9[%swap3A_177, %swap3A_178], %broadcast_in_dim3A_0 {strides = array<i32>} : memref<8x128xf32, #tpu.memory_space<vmem>>, vector<16xf32>,
      %swap3A_180 = arith.constant 0 : i32
      %swap3A_181 = arith.index_cast %swap3A_180 : i32 to index
      %swap3A_182 = arith.constant 16 : index
      %swap3A_183 = tpu.vector_load %arg9[%swap3A_181, %swap3A_182] {strides = array<i32>} : memref<8x128xf32, #tpu.memory_space<vmem>>, vector<16xf32>,
      tpu.vector_store %arg9[%swap3A_181, %swap3A_182], %broadcast_in_dim3A_0 {strides = array<i32>} : memref<8x128xf32, #tpu.memory_space<vmem>>, vector<16xf32>,
      %swap3A_184 = arith.constant 0 : i32
      %swap3A_185 = arith.index_cast %swap3A_184 : i32 to index
      %swap3A_186 = arith.constant 32 : index
      %swap3A_187 = tpu.vector_load %arg9[%swap3A_185, %swap3A_186] {strides = array<i32>} : memref<8x128xf32, #tpu.memory_space<vmem>>, vector<16xf32>,
      tpu.vector_store %arg9[%swap3A_185, %swap3A_186], %broadcast_in_dim3A_0 {strides = array<i32>} : memref<8x128xf32, #tpu.memory_space<vmem>>, vector<16xf32>,
      %swap3A_188 = arith.constant 0 : i32
      %swap3A_189 = arith.index_cast %swap3A_188 : i32 to index
      %swap3A_190 = arith.constant 48 : index
      %swap3A_191 = tpu.vector_load %arg9[%swap3A_189, %swap3A_190] {strides = array<i32>} : memref<8x128xf32, #tpu.memory_space<vmem>>, vector<16xf32>,
      tpu.vector_store %arg9[%swap3A_189, %swap3A_190], %broadcast_in_dim3A_0 {strides = array<i32>} : memref<8x128xf32, #tpu.memory_space<vmem>>, vector<16xf32>,
      %swap3A_192 = arith.constant 0 : i32
      %swap3A_193 = arith.index_cast %swap3A_192 : i32 to index
      %swap3A_194 = arith.constant 64 : index
      %swap3A_195 = tpu.vector_load %arg9[%swap3A_193, %swap3A_194] {strides = array<i32>} : memref<8x128xf32, #tpu.memory_space<vmem>>, vector<16xf32>,
      tpu.vector_store %arg9[%swap3A_193, %swap3A_194], %broadcast_in_dim3A_0 {strides = array<i32>} : memref<8x128xf32, #tpu.memory_space<vmem>>, vector<16xf32>,
      %swap3A_196 = arith.constant 0 : i32
      %swap3A_197 = arith.index_cast %swap3A_196 : i32 to index
      %swap3A_198 = arith.constant 80 : index
      %swap3A_199 = tpu.vector_load %arg9[%swap3A_197, %swap3A_198] {strides = array<i32>} : memref<8x128xf32, #tpu.memory_space<vmem>>, vector<16xf32>,
      tpu.vector_store %arg9[%swap3A_197, %swap3A_198], %broadcast_in_dim3A_0 {strides = array<i32>} : memref<8x128xf32, #tpu.memory_space<vmem>>, vector<16xf32>,
      %swap3A_200 = arith.constant 0 : i32
      %swap3A_201 = arith.index_cast %swap3A_200 : i32 to index
      %swap3A_202 = arith.constant 96 : index
      %swap3A_203 = tpu.vector_load %arg9[%swap3A_201, %swap3A_202] {strides = array<i32>} : memref<8x128xf32, #tpu.memory_space<vmem>>, vector<16xf32>,
      tpu.vector_store %arg9[%swap3A_201, %swap3A_202], %broadcast_in_dim3A_0 {strides = array<i32>} : memref<8x128xf32, #tpu.memory_space<vmem>>, vector<16xf32>,
      %swap3A_204 = arith.constant 0 : i32
      %swap3A_205 = arith.index_cast %swap3A_204 : i32 to index
      %swap3A_206 = arith.constant 112 : index
      %swap3A_207 = tpu.vector_load %arg9[%swap3A_205, %swap3A_206] {strides = array<i32>} : memref<8x128xf32, #tpu.memory_space<vmem>>, vector<16xf32>,
      tpu.vector_store %arg9[%swap3A_205, %swap3A_206], %broadcast_in_dim3A_0 {strides = array<i32>} : memref<8x128xf32, #tpu.memory_space<vmem>>, vector<16xf32>,
      %swap3A_208 = arith.constant 1 : i32
      %swap3A_209 = arith.index_cast %swap3A_208 : i32 to index
      %swap3A_210 = arith.constant 0 : index
      %swap3A_211 = tpu.vector_load %arg9[%swap3A_209, %swap3A_210] {strides = array<i32>} : memref<8x128xf32, #tpu.memory_space<vmem>>, vector<16xf32>,
      tpu.vector_store %arg9[%swap3A_209, %swap3A_210], %broadcast_in_dim3A_0 {strides = array<i32>} : memref<8x128xf32, #tpu.memory_space<vmem>>, vector<16xf32>,
      %swap3A_212 = arith.constant 1 : i32
      %swap3A_213 = arith.index_cast %swap3A_212 : i32 to index
      %swap3A_214 = arith.constant 16 : index
      %swap3A_215 = tpu.vector_load %arg9[%swap3A_213, %swap3A_214] {strides = array<i32>} : memref<8x128xf32, #tpu.memory_space<vmem>>, vector<16xf32>,
      tpu.vector_store %arg9[%swap3A_213, %swap3A_214], %broadcast_in_dim3A_0 {strides = array<i32>} : memref<8x128xf32, #tpu.memory_space<vmem>>, vector<16xf32>,
      %swap3A_216 = arith.constant 1 : i32
      %swap3A_217 = arith.index_cast %swap3A_216 : i32 to index
      %swap3A_218 = arith.constant 32 : index
      %swap3A_219 = tpu.vector_load %arg9[%swap3A_217, %swap3A_218] {strides = array<i32>} : memref<8x128xf32, #tpu.memory_space<vmem>>, vector<16xf32>,
      tpu.vector_store %arg9[%swap3A_217, %swap3A_218], %broadcast_in_dim3A_0 {strides = array<i32>} : memref<8x128xf32, #tpu.memory_space<vmem>>, vector<16xf32>,
      %swap3A_220 = arith.constant 1 : i32
      %swap3A_221 = arith.index_cast %swap3A_220 : i32 to index
      %swap3A_222 = arith.constant 48 : index
      %swap3A_223 = tpu.vector_load %arg9[%swap3A_221, %swap3A_222] {strides = array<i32>} : memref<8x128xf32, #tpu.memory_space<vmem>>, vector<16xf32>,
      tpu.vector_store %arg9[%swap3A_221, %swap3A_222], %broadcast_in_dim3A_0 {strides = array<i32>} : memref<8x128xf32, #tpu.memory_space<vmem>>, vector<16xf32>,
      %swap3A_224 = arith.constant 1 : i32
      %swap3A_225 = arith.index_cast %swap3A_224 : i32 to index
      %swap3A_226 = arith.constant 64 : index
      %swap3A_227 = tpu.vector_load %arg9[%swap3A_225, %swap3A_226] {strides = array<i32>} : memref<8x128xf32, #tpu.memory_space<vmem>>, vector<16xf32>,
      tpu.vector_store %arg9[%swap3A_225, %swap3A_226], %broadcast_in_dim3A_0 {strides = array<i32>} : memref<8x128xf32, #tpu.memory_space<vmem>>, vector<16xf32>,
      %swap3A_228 = arith.constant 1 : i32
      %swap3A_229 = arith.index_cast %swap3A_228 : i32 to index
      %swap3A_230 = arith.constant 80 : index
      %swap3A_231 = tpu.vector_load %arg9[%swap3A_229, %swap3A_230] {strides = array<i32>} : memref<8x128xf32, #tpu.memory_space<vmem>>, vector<16xf32>,
      tpu.vector_store %arg9[%swap3A_229, %swap3A_230], %broadcast_in_dim3A_0 {strides = array<i32>} : memref<8x128xf32, #tpu.memory_space<vmem>>, vector<16xf32>,
      %swap3A_232 = arith.constant 1 : i32
      %swap3A_233 = arith.index_cast %swap3A_232 : i32 to index
      %swap3A_234 = arith.constant 96 : index
      %swap3A_235 = tpu.vector_load %arg9[%swap3A_233, %swap3A_234] {strides = array<i32>} : memref<8x128xf32, #tpu.memory_space<vmem>>, vector<16xf32>,
      tpu.vector_store %arg9[%swap3A_233, %swap3A_234], %broadcast_in_dim3A_0 {strides = array<i32>} : memref<8x128xf32, #tpu.memory_space<vmem>>, vector<16xf32>,
      %swap3A_236 = arith.constant 1 : i32
      %swap3A_237 = arith.index_cast %swap3A_236 : i32 to index
      %swap3A_238 = arith.constant 112 : index
      %swap3A_239 = tpu.vector_load %arg9[%swap3A_237, %swap3A_238] {strides = array<i32>} : memref<8x128xf32, #tpu.memory_space<vmem>>, vector<16xf32>,
      tpu.vector_store %arg9[%swap3A_237, %swap3A_238], %broadcast_in_dim3A_0 {strides = array<i32>} : memref<8x128xf32, #tpu.memory_space<vmem>>, vector<16xf32>,
      %swap3A_240 = arith.constant 2 : i32
      %swap3A_241 = arith.index_cast %swap3A_240 : i32 to index
      %swap3A_242 = arith.constant 0 : index
      %swap3A_243 = tpu.vector_load %arg9[%swap3A_241, %swap3A_242] {strides = array<i32>} : memref<8x128xf32, #tpu.memory_space<vmem>>, vector<16xf32>,
      tpu.vector_store %arg9[%swap3A_241, %swap3A_242], %broadcast_in_dim3A_0 {strides = array<i32>} : memref<8x128xf32, #tpu.memory_space<vmem>>, vector<16xf32>,
      %swap3A_244 = arith.constant 2 : i32
      %swap3A_245 = arith.index_cast %swap3A_244 : i32 to index
      %swap3A_246 = arith.constant 16 : index
      %swap3A_247 = tpu.vector_load %arg9[%swap3A_245, %swap3A_246] {strides = array<i32>} : memref<8x128xf32, #tpu.memory_space<vmem>>, vector<16xf32>,
      tpu.vector_store %arg9[%swap3A_245, %swap3A_246], %broadcast_in_dim3A_0 {strides = array<i32>} : memref<8x128xf32, #tpu.memory_space<vmem>>, vector<16xf32>,
      %swap3A_248 = arith.constant 2 : i32
      %swap3A_249 = arith.index_cast %swap3A_248 : i32 to index
      %swap3A_250 = arith.constant 32 : index
      %swap3A_251 = tpu.vector_load %arg9[%swap3A_249, %swap3A_250] {strides = array<i32>} : memref<8x128xf32, #tpu.memory_space<vmem>>, vector<16xf32>,
      tpu.vector_store %arg9[%swap3A_249, %swap3A_250], %broadcast_in_dim3A_0 {strides = array<i32>} : memref<8x128xf32, #tpu.memory_space<vmem>>, vector<16xf32>,
      %swap3A_252 = arith.constant 2 : i32
      %swap3A_253 = arith.index_cast %swap3A_252 : i32 to index
      %swap3A_254 = arith.constant 48 : index
      %swap3A_255 = tpu.vector_load %arg9[%swap3A_253, %swap3A_254] {strides = array<i32>} : memref<8x128xf32, #tpu.memory_space<vmem>>, vector<16xf32>,
      tpu.vector_store %arg9[%swap3A_253, %swap3A_254], %broadcast_in_dim3A_0 {strides = array<i32>} : memref<8x128xf32, #tpu.memory_space<vmem>>, vector<16xf32>,
      %swap3A_256 = arith.constant 2 : i32
      %swap3A_257 = arith.index_cast %swap3A_256 : i32 to index
      %swap3A_258 = arith.constant 64 : index
      %swap3A_259 = tpu.vector_load %arg9[%swap3A_257, %swap3A_258] {strides = array<i32>} : memref<8x128xf32, #tpu.memory_space<vmem>>, vector<16xf32>,
      tpu.vector_store %arg9[%swap3A_257, %swap3A_258], %broadcast_in_dim3A_0 {strides = array<i32>} : memref<8x128xf32, #tpu.memory_space<vmem>>, vector<16xf32>,
      %swap3A_260 = arith.constant 2 : i32
      %swap3A_261 = arith.index_cast %swap3A_260 : i32 to index
      %swap3A_262 = arith.constant 80 : index
      %swap3A_263 = tpu.vector_load %arg9[%swap3A_261, %swap3A_262] {strides = array<i32>} : memref<8x128xf32, #tpu.memory_space<vmem>>, vector<16xf32>,
      tpu.vector_store %arg9[%swap3A_261, %swap3A_262], %broadcast_in_dim3A_0 {strides = array<i32>} : memref<8x128xf32, #tpu.memory_space<vmem>>, vector<16xf32>,
      %swap3A_264 = arith.constant 2 : i32
      %swap3A_265 = arith.index_cast %swap3A_264 : i32 to index
      %swap3A_266 = arith.constant 96 : index
      %swap3A_267 = tpu.vector_load %arg9[%swap3A_265, %swap3A_266] {strides = array<i32>} : memref<8x128xf32, #tpu.memory_space<vmem>>, vector<16xf32>,
      tpu.vector_store %arg9[%swap3A_265, %swap3A_266], %broadcast_in_dim3A_0 {strides = array<i32>} : memref<8x128xf32, #tpu.memory_space<vmem>>, vector<16xf32>,
      %swap3A_268 = arith.constant 2 : i32
      %swap3A_269 = arith.index_cast %swap3A_268 : i32 to index
      %swap3A_270 = arith.constant 112 : index
      %swap3A_271 = tpu.vector_load %arg9[%swap3A_269, %swap3A_270] {strides = array<i32>} : memref<8x128xf32, #tpu.memory_space<vmem>>, vector<16xf32>,
      tpu.vector_store %arg9[%swap3A_269, %swap3A_270], %broadcast_in_dim3A_0 {strides = array<i32>} : memref<8x128xf32, #tpu.memory_space<vmem>>, vector<16xf32>,
      %swap3A_272 = arith.constant 3 : i32
      %swap3A_273 = arith.index_cast %swap3A_272 : i32 to index
      %swap3A_274 = arith.constant 0 : index
      %swap3A_275 = tpu.vector_load %arg9[%swap3A_273, %swap3A_274] {strides = array<i32>} : memref<8x128xf32, #tpu.memory_space<vmem>>, vector<16xf32>,
      tpu.vector_store %arg9[%swap3A_273, %swap3A_274], %broadcast_in_dim3A_0 {strides = array<i32>} : memref<8x128xf32, #tpu.memory_space<vmem>>, vector<16xf32>,
      %swap3A_276 = arith.constant 3 : i32
      %swap3A_277 = arith.index_cast %swap3A_276 : i32 to index
      %swap3A_278 = arith.constant 16 : index
      %swap3A_279 = tpu.vector_load %arg9[%swap3A_277, %swap3A_278] {strides = array<i32>} : memref<8x128xf32, #tpu.memory_space<vmem>>, vector<16xf32>,
      tpu.vector_store %arg9[%swap3A_277, %swap3A_278], %broadcast_in_dim3A_0 {strides = array<i32>} : memref<8x128xf32, #tpu.memory_space<vmem>>, vector<16xf32>,
      %swap3A_280 = arith.constant 3 : i32
      %swap3A_281 = arith.index_cast %swap3A_280 : i32 to index
      %swap3A_282 = arith.constant 32 : index
      %swap3A_283 = tpu.vector_load %arg9[%swap3A_281, %swap3A_282] {strides = array<i32>} : memref<8x128xf32, #tpu.memory_space<vmem>>, vector<16xf32>,
      tpu.vector_store %arg9[%swap3A_281, %swap3A_282], %broadcast_in_dim3A_0 {strides = array<i32>} : memref<8x128xf32, #tpu.memory_space<vmem>>, vector<16xf32>,
      %swap3A_284 = arith.constant 3 : i32
      %swap3A_285 = arith.index_cast %swap3A_284 : i32 to index
      %swap3A_286 = arith.constant 48 : index
      %swap3A_287 = tpu.vector_load %arg9[%swap3A_285, %swap3A_286] {strides = array<i32>} : memref<8x128xf32, #tpu.memory_space<vmem>>, vector<16xf32>,
      tpu.vector_store %arg9[%swap3A_285, %swap3A_286], %broadcast_in_dim3A_0 {strides = array<i32>} : memref<8x128xf32, #tpu.memory_space<vmem>>, vector<16xf32>,
      %swap3A_288 = arith.constant 3 : i32
      %swap3A_289 = arith.index_cast %swap3A_288 : i32 to index
      %swap3A_290 = arith.constant 64 : index
      %swap3A_291 = tpu.vector_load %arg9[%swap3A_289, %swap3A_290] {strides = array<i32>} : memref<8x128xf32, #tpu.memory_space<vmem>>, vector<16xf32>,
      tpu.vector_store %arg9[%swap3A_289, %swap3A_290], %broadcast_in_dim3A_0 {strides = array<i32>} : memref<8x128xf32, #tpu.memory_space<vmem>>, vector<16xf32>,
      %swap3A_292 = arith.constant 3 : i32
      %swap3A_293 = arith.index_cast %swap3A_292 : i32 to index
      %swap3A_294 = arith.constant 80 : index
      %swap3A_295 = tpu.vector_load %arg9[%swap3A_293, %swap3A_294] {strides = array<i32>} : memref<8x128xf32, #tpu.memory_space<vmem>>, vector<16xf32>,
      tpu.vector_store %arg9[%swap3A_293, %swap3A_294], %broadcast_in_dim3A_0 {strides = array<i32>} : memref<8x128xf32, #tpu.memory_space<vmem>>, vector<16xf32>,
      %swap3A_296 = arith.constant 3 : i32
      %swap3A_297 = arith.index_cast %swap3A_296 : i32 to index
      %swap3A_298 = arith.constant 96 : index
      %swap3A_299 = tpu.vector_load %arg9[%swap3A_297, %swap3A_298] {strides = array<i32>} : memref<8x128xf32, #tpu.memory_space<vmem>>, vector<16xf32>,
      tpu.vector_store %arg9[%swap3A_297, %swap3A_298], %broadcast_in_dim3A_0 {strides = array<i32>} : memref<8x128xf32, #tpu.memory_space<vmem>>, vector<16xf32>,
      %swap3A_300 = arith.constant 3 : i32
      %swap3A_301 = arith.index_cast %swap3A_300 : i32 to index
      %swap3A_302 = arith.constant 112 : index
      %swap3A_303 = tpu.vector_load %arg9[%swap3A_301, %swap3A_302] {strides = array<i32>} : memref<8x128xf32, #tpu.memory_space<vmem>>, vector<16xf32>,
      tpu.vector_store %arg9[%swap3A_301, %swap3A_302], %broadcast_in_dim3A_0 {strides = array<i32>} : memref<8x128xf32, #tpu.memory_space<vmem>>, vector<16xf32>,
      %swap3A_304 = arith.constant 4 : i32
      %swap3A_305 = arith.index_cast %swap3A_304 : i32 to index
      %swap3A_306 = arith.constant 0 : index
      %swap3A_307 = tpu.vector_load %arg9[%swap3A_305, %swap3A_306] {strides = array<i32>} : memref<8x128xf32, #tpu.memory_space<vmem>>, vector<16xf32>,
      tpu.vector_store %arg9[%swap3A_305, %swap3A_306], %broadcast_in_dim3A_0 {strides = array<i32>} : memref<8x128xf32, #tpu.memory_space<vmem>>, vector<16xf32>,
      %swap3A_308 = arith.constant 4 : i32
      %swap3A_309 = arith.index_cast %swap3A_308 : i32 to index
      %swap3A_310 = arith.constant 16 : index
      %swap3A_311 = tpu.vector_load %arg9[%swap3A_309, %swap3A_310] {strides = array<i32>} : memref<8x128xf32, #tpu.memory_space<vmem>>, vector<16xf32>,
      tpu.vector_store %arg9[%swap3A_309, %swap3A_310], %broadcast_in_dim3A_0 {strides = array<i32>} : memref<8x128xf32, #tpu.memory_space<vmem>>, vector<16xf32>,
      %swap3A_312 = arith.constant 4 : i32
      %swap3A_313 = arith.index_cast %swap3A_312 : i32 to index
      %swap3A_314 = arith.constant 32 : index
      %swap3A_315 = tpu.vector_load %arg9[%swap3A_313, %swap3A_314] {strides = array<i32>} : memref<8x128xf32, #tpu.memory_space<vmem>>, vector<16xf32>,
      tpu.vector_store %arg9[%swap3A_313, %swap3A_314], %broadcast_in_dim3A_0 {strides = array<i32>} : memref<8x128xf32, #tpu.memory_space<vmem>>, vector<16xf32>,
      %swap3A_316 = arith.constant 4 : i32
      %swap3A_317 = arith.index_cast %swap3A_316 : i32 to index
      %swap3A_318 = arith.constant 48 : index
      %swap3A_319 = tpu.vector_load %arg9[%swap3A_317, %swap3A_318] {strides = array<i32>} : memref<8x128xf32, #tpu.memory_space<vmem>>, vector<16xf32>,
      tpu.vector_store %arg9[%swap3A_317, %swap3A_318], %broadcast_in_dim3A_0 {strides = array<i32>} : memref<8x128xf32, #tpu.memory_space<vmem>>, vector<16xf32>,
      %swap3A_320 = arith.constant 4 : i32
      %swap3A_321 = arith.index_cast %swap3A_320 : i32 to index
      %swap3A_322 = arith.constant 64 : index
      %swap3A_323 = tpu.vector_load %arg9[%swap3A_321, %swap3A_322] {strides = array<i32>} : memref<8x128xf32, #tpu.memory_space<vmem>>, vector<16xf32>,
      tpu.vector_store %arg9[%swap3A_321, %swap3A_322], %broadcast_in_dim3A_0 {strides = array<i32>} : memref<8x128xf32, #tpu.memory_space<vmem>>, vector<16xf32>,
      %swap3A_324 = arith.constant 4 : i32
      %swap3A_325 = arith.index_cast %swap3A_324 : i32 to index
      %swap3A_326 = arith.constant 80 : index
      %swap3A_327 = tpu.vector_load %arg9[%swap3A_325, %swap3A_326] {strides = array<i32>} : memref<8x128xf32, #tpu.memory_space<vmem>>, vector<16xf32>,
      tpu.vector_store %arg9[%swap3A_325, %swap3A_326], %broadcast_in_dim3A_0 {strides = array<i32>} : memref<8x128xf32, #tpu.memory_space<vmem>>, vector<16xf32>,
      %swap3A_328 = arith.constant 4 : i32
      %swap3A_329 = arith.index_cast %swap3A_328 : i32 to index
      %swap3A_330 = arith.constant 96 : index
      %swap3A_331 = tpu.vector_load %arg9[%swap3A_329, %swap3A_330] {strides = array<i32>} : memref<8x128xf32, #tpu.memory_space<vmem>>, vector<16xf32>,
      tpu.vector_store %arg9[%swap3A_329, %swap3A_330], %broadcast_in_dim3A_0 {strides = array<i32>} : memref<8x128xf32, #tpu.memory_space<vmem>>, vector<16xf32>,
      %swap3A_332 = arith.constant 4 : i32
      %swap3A_333 = arith.index_cast %swap3A_332 : i32 to index
      %swap3A_334 = arith.constant 112 : index
      %swap3A_335 = tpu.vector_load %arg9[%swap3A_333, %swap3A_334] {strides = array<i32>} : memref<8x128xf32, #tpu.memory_space<vmem>>, vector<16xf32>,
      tpu.vector_store %arg9[%swap3A_333, %swap3A_334], %broadcast_in_dim3A_0 {strides = array<i32>} : memref<8x128xf32, #tpu.memory_space<vmem>>, vector<16xf32>,
      %swap3A_336 = arith.constant 5 : i32
      %swap3A_337 = arith.index_cast %swap3A_336 : i32 to index
      %swap3A_338 = arith.constant 0 : index
      %swap3A_339 = tpu.vector_load %arg9[%swap3A_337, %swap3A_338] {strides = array<i32>} : memref<8x128xf32, #tpu.memory_space<vmem>>, vector<16xf32>,
      tpu.vector_store %arg9[%swap3A_337, %swap3A_338], %broadcast_in_dim3A_0 {strides = array<i32>} : memref<8x128xf32, #tpu.memory_space<vmem>>, vector<16xf32>,
      %swap3A_340 = arith.constant 5 : i32
      %swap3A_341 = arith.index_cast %swap3A_340 : i32 to index
      %swap3A_342 = arith.constant 16 : index
      %swap3A_343 = tpu.vector_load %arg9[%swap3A_341, %swap3A_342] {strides = array<i32>} : memref<8x128xf32, #tpu.memory_space<vmem>>, vector<16xf32>,
      tpu.vector_store %arg9[%swap3A_341, %swap3A_342], %broadcast_in_dim3A_0 {strides = array<i32>} : memref<8x128xf32, #tpu.memory_space<vmem>>, vector<16xf32>,
      %swap3A_344 = arith.constant 5 : i32
      %swap3A_345 = arith.index_cast %swap3A_344 : i32 to index
      %swap3A_346 = arith.constant 32 : index
      %swap3A_347 = tpu.vector_load %arg9[%swap3A_345, %swap3A_346] {strides = array<i32>} : memref<8x128xf32, #tpu.memory_space<vmem>>, vector<16xf32>,
      tpu.vector_store %arg9[%swap3A_345, %swap3A_346], %broadcast_in_dim3A_0 {strides = array<i32>} : memref<8x128xf32, #tpu.memory_space<vmem>>, vector<16xf32>,
      %swap3A_348 = arith.constant 5 : i32
      %swap3A_349 = arith.index_cast %swap3A_348 : i32 to index
      %swap3A_350 = arith.constant 48 : index
      %swap3A_351 = tpu.vector_load %arg9[%swap3A_349, %swap3A_350] {strides = array<i32>} : memref<8x128xf32, #tpu.memory_space<vmem>>, vector<16xf32>,
      tpu.vector_store %arg9[%swap3A_349, %swap3A_350], %broadcast_in_dim3A_0 {strides = array<i32>} : memref<8x128xf32, #tpu.memory_space<vmem>>, vector<16xf32>,
      %swap3A_352 = arith.constant 5 : i32
      %swap3A_353 = arith.index_cast %swap3A_352 : i32 to index
      %swap3A_354 = arith.constant 64 : index
      %swap3A_355 = tpu.vector_load %arg9[%swap3A_353, %swap3A_354] {strides = array<i32>} : memref<8x128xf32, #tpu.memory_space<vmem>>, vector<16xf32>,
      tpu.vector_store %arg9[%swap3A_353, %swap3A_354], %broadcast_in_dim3A_0 {strides = array<i32>} : memref<8x128xf32, #tpu.memory_space<vmem>>, vector<16xf32>,
      %swap3A_356 = arith.constant 5 : i32
      %swap3A_357 = arith.index_cast %swap3A_356 : i32 to index
      %swap3A_358 = arith.constant 80 : index
      %swap3A_359 = tpu.vector_load %arg9[%swap3A_357, %swap3A_358] {strides = array<i32>} : memref<8x128xf32, #tpu.memory_space<vmem>>, vector<16xf32>,
      tpu.vector_store %arg9[%swap3A_357, %swap3A_358], %broadcast_in_dim3A_0 {strides = array<i32>} : memref<8x128xf32, #tpu.memory_space<vmem>>, vector<16xf32>,
      %swap3A_360 = arith.constant 5 : i32
      %swap3A_361 = arith.index_cast %swap3A_360 : i32 to index
      %swap3A_362 = arith.constant 96 : index
      %swap3A_363 = tpu.vector_load %arg9[%swap3A_361, %swap3A_362] {strides = array<i32>} : memref<8x128xf32, #tpu.memory_space<vmem>>, vector<16xf32>,
      tpu.vector_store %arg9[%swap3A_361, %swap3A_362], %broadcast_in_dim3A_0 {strides = array<i32>} : memref<8x128xf32, #tpu.memory_space<vmem>>, vector<16xf32>,
      %swap3A_364 = arith.constant 5 : i32
      %swap3A_365 = arith.index_cast %swap3A_364 : i32 to index
      %swap3A_366 = arith.constant 112 : index
      %swap3A_367 = tpu.vector_load %arg9[%swap3A_365, %swap3A_366] {strides = array<i32>} : memref<8x128xf32, #tpu.memory_space<vmem>>, vector<16xf32>,
      tpu.vector_store %arg9[%swap3A_365, %swap3A_366], %broadcast_in_dim3A_0 {strides = array<i32>} : memref<8x128xf32, #tpu.memory_space<vmem>>, vector<16xf32>,
      %swap3A_368 = arith.constant 6 : i32
      %swap3A_369 = arith.index_cast %swap3A_368 : i32 to index
      %swap3A_370 = arith.constant 0 : index
      %swap3A_371 = tpu.vector_load %arg9[%swap3A_369, %swap3A_370] {strides = array<i32>} : memref<8x128xf32, #tpu.memory_space<vmem>>, vector<16xf32>,
      tpu.vector_store %arg9[%swap3A_369, %swap3A_370], %broadcast_in_dim3A_0 {strides = array<i32>} : memref<8x128xf32, #tpu.memory_space<vmem>>, vector<16xf32>,
      %swap3A_372 = arith.constant 6 : i32
      %swap3A_373 = arith.index_cast %swap3A_372 : i32 to index
      %swap3A_374 = arith.constant 16 : index
      %swap3A_375 = tpu.vector_load %arg9[%swap3A_373, %swap3A_374] {strides = array<i32>} : memref<8x128xf32, #tpu.memory_space<vmem>>, vector<16xf32>,
      tpu.vector_store %arg9[%swap3A_373, %swap3A_374], %broadcast_in_dim3A_0 {strides = array<i32>} : memref<8x128xf32, #tpu.memory_space<vmem>>, vector<16xf32>,
      %swap3A_376 = arith.constant 6 : i32
      %swap3A_377 = arith.index_cast %swap3A_376 : i32 to index
      %swap3A_378 = arith.constant 32 : index
      %swap3A_379 = tpu.vector_load %arg9[%swap3A_377, %swap3A_378] {strides = array<i32>} : memref<8x128xf32, #tpu.memory_space<vmem>>, vector<16xf32>,
      tpu.vector_store %arg9[%swap3A_377, %swap3A_378], %broadcast_in_dim3A_0 {strides = array<i32>} : memref<8x128xf32, #tpu.memory_space<vmem>>, vector<16xf32>,
      %swap3A_380 = arith.constant 6 : i32
      %swap3A_381 = arith.index_cast %swap3A_380 : i32 to index
      %swap3A_382 = arith.constant 48 : index
      %swap3A_383 = tpu.vector_load %arg9[%swap3A_381, %swap3A_382] {strides = array<i32>} : memref<8x128xf32, #tpu.memory_space<vmem>>, vector<16xf32>,
      tpu.vector_store %arg9[%swap3A_381, %swap3A_382], %broadcast_in_dim3A_0 {strides = array<i32>} : memref<8x128xf32, #tpu.memory_space<vmem>>, vector<16xf32>,
      %swap3A_384 = arith.constant 6 : i32
      %swap3A_385 = arith.index_cast %swap3A_384 : i32 to index
      %swap3A_386 = arith.constant 64 : index
      %swap3A_387 = tpu.vector_load %arg9[%swap3A_385, %swap3A_386] {strides = array<i32>} : memref<8x128xf32, #tpu.memory_space<vmem>>, vector<16xf32>,
      tpu.vector_store %arg9[%swap3A_385, %swap3A_386], %broadcast_in_dim3A_0 {strides = array<i32>} : memref<8x128xf32, #tpu.memory_space<vmem>>, vector<16xf32>,
      %swap3A_388 = arith.constant 6 : i32
      %swap3A_389 = arith.index_cast %swap3A_388 : i32 to index
      %swap3A_390 = arith.constant 80 : index
      %swap3A_391 = tpu.vector_load %arg9[%swap3A_389, %swap3A_390] {strides = array<i32>} : memref<8x128xf32, #tpu.memory_space<vmem>>, vector<16xf32>,
      tpu.vector_store %arg9[%swap3A_389, %swap3A_390], %broadcast_in_dim3A_0 {strides = array<i32>} : memref<8x128xf32, #tpu.memory_space<vmem>>, vector<16xf32>,
      %swap3A_392 = arith.constant 6 : i32
      %swap3A_393 = arith.index_cast %swap3A_392 : i32 to index
      %swap3A_394 = arith.constant 96 : index
      %swap3A_395 = tpu.vector_load %arg9[%swap3A_393, %swap3A_394] {strides = array<i32>} : memref<8x128xf32, #tpu.memory_space<vmem>>, vector<16xf32>,
      tpu.vector_store %arg9[%swap3A_393, %swap3A_394], %broadcast_in_dim3A_0 {strides = array<i32>} : memref<8x128xf32, #tpu.memory_space<vmem>>, vector<16xf32>,
      %swap3A_396 = arith.constant 6 : i32
      %swap3A_397 = arith.index_cast %swap3A_396 : i32 to index
      %swap3A_398 = arith.constant 112 : index
      %swap3A_399 = tpu.vector_load %arg9[%swap3A_397, %swap3A_398] {strides = array<i32>} : memref<8x128xf32, #tpu.memory_space<vmem>>, vector<16xf32>,
      tpu.vector_store %arg9[%swap3A_397, %swap3A_398], %broadcast_in_dim3A_0 {strides = array<i32>} : memref<8x128xf32, #tpu.memory_space<vmem>>, vector<16xf32>,
      %swap3A_400 = arith.constant 7 : i32
      %swap3A_401 = arith.index_cast %swap3A_400 : i32 to index
      %swap3A_402 = arith.constant 0 : index
      %swap3A_403 = tpu.vector_load %arg9[%swap3A_401, %swap3A_402] {strides = array<i32>} : memref<8x128xf32, #tpu.memory_space<vmem>>, vector<16xf32>,
      tpu.vector_store %arg9[%swap3A_401, %swap3A_402], %broadcast_in_dim3A_0 {strides = array<i32>} : memref<8x128xf32, #tpu.memory_space<vmem>>, vector<16xf32>,
      %swap3A_404 = arith.constant 7 : i32
      %swap3A_405 = arith.index_cast %swap3A_404 : i32 to index
      %swap3A_406 = arith.constant 16 : index
      %swap3A_407 = tpu.vector_load %arg9[%swap3A_405, %swap3A_406] {strides = array<i32>} : memref<8x128xf32, #tpu.memory_space<vmem>>, vector<16xf32>,
      tpu.vector_store %arg9[%swap3A_405, %swap3A_406], %broadcast_in_dim3A_0 {strides = array<i32>} : memref<8x128xf32, #tpu.memory_space<vmem>>, vector<16xf32>,
      %swap3A_408 = arith.constant 7 : i32
      %swap3A_409 = arith.index_cast %swap3A_408 : i32 to index
      %swap3A_410 = arith.constant 32 : index
      %swap3A_411 = tpu.vector_load %arg9[%swap3A_409, %swap3A_410] {strides = array<i32>} : memref<8x128xf32, #tpu.memory_space<vmem>>, vector<16xf32>,
      tpu.vector_store %arg9[%swap3A_409, %swap3A_410], %broadcast_in_dim3A_0 {strides = array<i32>} : memref<8x128xf32, #tpu.memory_space<vmem>>, vector<16xf32>,
      %swap3A_412 = arith.constant 7 : i32
      %swap3A_413 = arith.index_cast %swap3A_412 : i32 to index
      %swap3A_414 = arith.constant 48 : index
      %swap3A_415 = tpu.vector_load %arg9[%swap3A_413, %swap3A_414] {strides = array<i32>} : memref<8x128xf32, #tpu.memory_space<vmem>>, vector<16xf32>,
      tpu.vector_store %arg9[%swap3A_413, %swap3A_414], %broadcast_in_dim3A_0 {strides = array<i32>} : memref<8x128xf32, #tpu.memory_space<vmem>>, vector<16xf32>,
      %swap3A_416 = arith.constant 7 : i32
      %swap3A_417 = arith.index_cast %swap3A_416 : i32 to index
      %swap3A_418 = arith.constant 64 : index
      %swap3A_419 = tpu.vector_load %arg9[%swap3A_417, %swap3A_418] {strides = array<i32>} : memref<8x128xf32, #tpu.memory_space<vmem>>, vector<16xf32>,
      tpu.vector_store %arg9[%swap3A_417, %swap3A_418], %broadcast_in_dim3A_0 {strides = array<i32>} : memref<8x128xf32, #tpu.memory_space<vmem>>, vector<16xf32>,
      %swap3A_420 = arith.constant 7 : i32
      %swap3A_421 = arith.index_cast %swap3A_420 : i32 to index
      %swap3A_422 = arith.constant 80 : index
      %swap3A_423 = tpu.vector_load %arg9[%swap3A_421, %swap3A_422] {strides = array<i32>} : memref<8x128xf32, #tpu.memory_space<vmem>>, vector<16xf32>,
      tpu.vector_store %arg9[%swap3A_421, %swap3A_422], %broadcast_in_dim3A_0 {strides = array<i32>} : memref<8x128xf32, #tpu.memory_space<vmem>>, vector<16xf32>,
      %swap3A_424 = arith.constant 7 : i32
      %swap3A_425 = arith.index_cast %swap3A_424 : i32 to index
      %swap3A_426 = arith.constant 96 : index
      %swap3A_427 = tpu.vector_load %arg9[%swap3A_425, %swap3A_426] {strides = array<i32>} : memref<8x128xf32, #tpu.memory_space<vmem>>, vector<16xf32>,
      tpu.vector_store %arg9[%swap3A_425, %swap3A_426], %broadcast_in_dim3A_0 {strides = array<i32>} : memref<8x128xf32, #tpu.memory_space<vmem>>, vector<16xf32>,
      %swap3A_428 = arith.constant 7 : i32
      %swap3A_429 = arith.index_cast %swap3A_428 : i32 to index
      %swap3A_430 = arith.constant 112 : index
      %swap3A_431 = tpu.vector_load %arg9[%swap3A_429, %swap3A_430] {strides = array<i32>} : memref<8x128xf32, #tpu.memory_space<vmem>>, vector<16xf32>,
      tpu.vector_store %arg9[%swap3A_429, %swap3A_430], %broadcast_in_dim3A_0 {strides = array<i32>} : memref<8x128xf32, #tpu.memory_space<vmem>>, vector<16xf32>,
      %parallel_loop3A = arith.constant 0 : i32
      %parallel_loop3A_432 = arith.constant 1024 : i32
      %parallel_loop3A_433 = arith.constant 1 : i32
      scf.for %parallel_loop3A_917 = %parallel_loop3A to %parallel_loop3A_432 step %parallel_loop3A_433  : i32 {
        %parallel_loop3A_918 = arith.constant 5 : i32
        %parallel_loop3A_919 = arith.shrsi %parallel_loop3A_917, %parallel_loop3A_918 : i32
        %parallel_loop3A_920 = arith.constant 31 : i32
        %parallel_loop3A_921 = arith.andi %parallel_loop3A_917, %parallel_loop3A_920 : i32
        %parallel_loop3A_922 = arith.constant 4 : i32
        %parallel_loop3A_923 = arith.shli %parallel_loop3A_921, %parallel_loop3A_922 : i32
        %parallel_loop3A_924 = arith.index_cast %parallel_loop3A_919 : i32 to index
        %parallel_loop3A_925 = arith.index_cast %parallel_loop3A_923 : i32 to index
        %parallel_loop3A_926 = tpu.vector_load %arg8[%parallel_loop3A_924, %parallel_loop3A_925] {strides = array<i32>} : memref<32x512xi32, #tpu.memory_space<vmem>>, vector<16xi32>,
        %parallel_loop3A_927 = arith.constant 4 : i32
        %parallel_loop3A_928 = vector.broadcast %parallel_loop3A_927 : i32 to vector<16xi32>
        %parallel_loop3A_929 = arith.shli %parallel_loop3A_926, %parallel_loop3A_928 : vector<16xi32>
        %parallel_loop3A_930 = arith.ori %parallel_loop3A_929, %iota3A : vector<16xi32>
        %parallel_loop3A_931 = arith.constant 4 : i32
        %parallel_loop3A_932 = arith.constant 0 : i32
        %parallel_loop3A_933 = tpu.memref_slice %arg9[%parallel_loop3A_931, %parallel_loop3A_932] : memref<8x128xf32, #tpu.memory_space<vmem>> -> memref<1x128xf32, #tpu.memory_space<vmem>>
        %parallel_loop3A_934 = tpu.memref_squeeze %parallel_loop3A_933 : memref<1x128xf32, #tpu.memory_space<vmem>> -> memref<128xf32, #tpu.memory_space<vmem>>
        tpu.vector_store_idx %parallel_loop3A_934[%parallel_loop3A_930], %broadcast_in_dim3A_2 {add = true} : memref<128xf32, #tpu.memory_space<vmem>>[vector<16xi32>], vector<16xf32>,
        %parallel_loop3A_935 = arith.constant 0 : i32
        %parallel_loop3A_936 = arith.index_cast %parallel_loop3A_935 : i32 to index
        %parallel_loop3A_937 = arith.index_cast %parallel_loop3A_919 : i32 to index
        %parallel_loop3A_938 = arith.index_cast %parallel_loop3A_923 : i32 to index
        %parallel_loop3A_939 = tpu.vector_load %arg6[%parallel_loop3A_936, %parallel_loop3A_937, %parallel_loop3A_938] {strides = array<i32>} : memref<4x32x512xf32, #tpu.memory_space<vmem>>, vector<16xf32>,
        %parallel_loop3A_940 = arith.constant 0 : i32
        %parallel_loop3A_941 = arith.constant 0 : i32
        %parallel_loop3A_942 = tpu.memref_slice %arg9[%parallel_loop3A_940, %parallel_loop3A_941] : memref<8x128xf32, #tpu.memory_space<vmem>> -> memref<1x128xf32, #tpu.memory_space<vmem>>
        %parallel_loop3A_943 = tpu.memref_squeeze %parallel_loop3A_942 : memref<1x128xf32, #tpu.memory_space<vmem>> -> memref<128xf32, #tpu.memory_space<vmem>>
        tpu.vector_store_idx %parallel_loop3A_943[%parallel_loop3A_930], %parallel_loop3A_939 {add = true} : memref<128xf32, #tpu.memory_space<vmem>>[vector<16xi32>], vector<16xf32>,
        %parallel_loop3A_944 = arith.constant 1 : i32
        %parallel_loop3A_945 = arith.index_cast %parallel_loop3A_944 : i32 to index
        %parallel_loop3A_946 = arith.index_cast %parallel_loop3A_919 : i32 to index
        %parallel_loop3A_947 = arith.index_cast %parallel_loop3A_923 : i32 to index
        %parallel_loop3A_948 = tpu.vector_load %arg6[%parallel_loop3A_945, %parallel_loop3A_946, %parallel_loop3A_947] {strides = array<i32>} : memref<4x32x512xf32, #tpu.memory_space<vmem>>, vector<16xf32>,
        %parallel_loop3A_949 = arith.constant 1 : i32
        %parallel_loop3A_950 = arith.constant 0 : i32
        %parallel_loop3A_951 = tpu.memref_slice %arg9[%parallel_loop3A_949, %parallel_loop3A_950] : memref<8x128xf32, #tpu.memory_space<vmem>> -> memref<1x128xf32, #tpu.memory_space<vmem>>
        %parallel_loop3A_952 = tpu.memref_squeeze %parallel_loop3A_951 : memref<1x128xf32, #tpu.memory_space<vmem>> -> memref<128xf32, #tpu.memory_space<vmem>>
        tpu.vector_store_idx %parallel_loop3A_952[%parallel_loop3A_930], %parallel_loop3A_948 {add = true} : memref<128xf32, #tpu.memory_space<vmem>>[vector<16xi32>], vector<16xf32>,
        %parallel_loop3A_953 = arith.constant 2 : i32
        %parallel_loop3A_954 = arith.index_cast %parallel_loop3A_953 : i32 to index
        %parallel_loop3A_955 = arith.index_cast %parallel_loop3A_919 : i32 to index
        %parallel_loop3A_956 = arith.index_cast %parallel_loop3A_923 : i32 to index
        %parallel_loop3A_957 = tpu.vector_load %arg6[%parallel_loop3A_954, %parallel_loop3A_955, %parallel_loop3A_956] {strides = array<i32>} : memref<4x32x512xf32, #tpu.memory_space<vmem>>, vector<16xf32>,
        %parallel_loop3A_958 = arith.constant 2 : i32
        %parallel_loop3A_959 = arith.constant 0 : i32
        %parallel_loop3A_960 = tpu.memref_slice %arg9[%parallel_loop3A_958, %parallel_loop3A_959] : memref<8x128xf32, #tpu.memory_space<vmem>> -> memref<1x128xf32, #tpu.memory_space<vmem>>
        %parallel_loop3A_961 = tpu.memref_squeeze %parallel_loop3A_960 : memref<1x128xf32, #tpu.memory_space<vmem>> -> memref<128xf32, #tpu.memory_space<vmem>>
        tpu.vector_store_idx %parallel_loop3A_961[%parallel_loop3A_930], %parallel_loop3A_957 {add = true} : memref<128xf32, #tpu.memory_space<vmem>>[vector<16xi32>], vector<16xf32>,
        %parallel_loop3A_962 = arith.constant 3 : i32
        %parallel_loop3A_963 = arith.index_cast %parallel_loop3A_962 : i32 to index
        %parallel_loop3A_964 = arith.index_cast %parallel_loop3A_919 : i32 to index
        %parallel_loop3A_965 = arith.index_cast %parallel_loop3A_923 : i32 to index
        %parallel_loop3A_966 = tpu.vector_load %arg6[%parallel_loop3A_963, %parallel_loop3A_964, %parallel_loop3A_965] {strides = array<i32>} : memref<4x32x512xf32, #tpu.memory_space<vmem>>, vector<16xf32>,
        %parallel_loop3A_967 = arith.constant 3 : i32
        %parallel_loop3A_968 = arith.constant 0 : i32
        %parallel_loop3A_969 = tpu.memref_slice %arg9[%parallel_loop3A_967, %parallel_loop3A_968] : memref<8x128xf32, #tpu.memory_space<vmem>> -> memref<1x128xf32, #tpu.memory_space<vmem>>
        %parallel_loop3A_970 = tpu.memref_squeeze %parallel_loop3A_969 : memref<1x128xf32, #tpu.memory_space<vmem>> -> memref<128xf32, #tpu.memory_space<vmem>>
        tpu.vector_store_idx %parallel_loop3A_970[%parallel_loop3A_930], %parallel_loop3A_966 {add = true} : memref<128xf32, #tpu.memory_space<vmem>>[vector<16xi32>], vector<16xf32>,
      } {sc.loop_unroll_factor = 8 : i64, sc.parallel_access}
      "tpu.region"() ({
        %run_scoped3A_917 = tpu.sem_alloc : memref<!tpu.dma_semaphore, #tpu.memory_space<semaphore_mem>>
        %dma_start3A_918 = arith.constant 0 : i32
        %dma_start3A_919 = arith.constant 0 : i32
        %dma_start3A_920 = tpu.memref_slice %arg9[%dma_start3A_918, %dma_start3A_919] : memref<8x128xf32, #tpu.memory_space<vmem>> -> memref<5x128xf32, #tpu.memory_space<vmem>>
        %dma_start3A_921 = arith.constant 0 : i32
        %dma_start3A_922 = arith.constant 0 : i32
        %dma_start3A_923 = tpu.memref_slice %arg16[%arg1, %dma_start3A_921, %dma_start3A_922] : memref<16x8x128xf32, #tpu.memory_space<vmem_shared>> -> memref<1x5x128xf32, #tpu.memory_space<vmem_shared>>
        %dma_start3A_924 = tpu.memref_squeeze %dma_start3A_923 : memref<1x5x128xf32, #tpu.memory_space<vmem_shared>> -> memref<5x128xf32, #tpu.memory_space<vmem_shared>>
        %dma_start3A_925 = arith.constant 0 : i32
        %dma_start3A_926 = arith.constant 0 : i32
        %dma_start3A_927 = tpu.memref_slice %arg16[%arg1, %dma_start3A_925, %dma_start3A_926] : memref<16x8x128xf32, #tpu.memory_space<vmem_shared>> -> memref<1x5x128xf32, #tpu.memory_space<vmem_shared>>
        %dma_start3A_928 = tpu.memref_squeeze %dma_start3A_927 : memref<1x5x128xf32, #tpu.memory_space<vmem_shared>> -> memref<5x128xf32, #tpu.memory_space<vmem_shared>>
        %dma_start3A_929 = arith.constant 0 : i32
        %dma_start3A_930 = arith.constant 0 : i32
        %dma_start3A_931 = tpu.memref_slice %arg9[%dma_start3A_929, %dma_start3A_930] : memref<8x128xf32, #tpu.memory_space<vmem>> -> memref<5x128xf32, #tpu.memory_space<vmem>>
        tpu.enqueue_dma source(%dma_start3A_931 : memref<5x128xf32, #tpu.memory_space<vmem>>) target(%dma_start3A_928 : memref<5x128xf32, #tpu.memory_space<vmem_shared>>) target_semaphore(%run_scoped3A_917 : memref<!tpu.dma_semaphore, #tpu.memory_space<semaphore_mem>>)
        %dma_wait3A_932 = arith.constant 0 : i32
        %dma_wait3A_933 = arith.constant 0 : i32
        %dma_wait3A_934 = tpu.memref_slice %arg9[%dma_wait3A_932, %dma_wait3A_933] : memref<8x128xf32, #tpu.memory_space<vmem>> -> memref<5x128xf32, #tpu.memory_space<vmem>>
        %dma_wait3A_935 = arith.constant 0 : i32
        %dma_wait3A_936 = arith.constant 0 : i32
        %dma_wait3A_937 = tpu.memref_slice %arg16[%arg1, %dma_wait3A_935, %dma_wait3A_936] : memref<16x8x128xf32, #tpu.memory_space<vmem_shared>> -> memref<1x5x128xf32, #tpu.memory_space<vmem_shared>>
        %dma_wait3A_938 = tpu.memref_squeeze %dma_wait3A_937 : memref<1x5x128xf32, #tpu.memory_space<vmem_shared>> -> memref<5x128xf32, #tpu.memory_space<vmem_shared>>
        %dma_wait3A_939 = arith.constant 0 : i32
        %dma_wait3A_940 = arith.constant 0 : i32
        %dma_wait3A_941 = tpu.memref_slice %arg16[%arg1, %dma_wait3A_939, %dma_wait3A_940] : memref<16x8x128xf32, #tpu.memory_space<vmem_shared>> -> memref<1x5x128xf32, #tpu.memory_space<vmem_shared>>
        %dma_wait3A_942 = tpu.memref_squeeze %dma_wait3A_941 : memref<1x5x128xf32, #tpu.memory_space<vmem_shared>> -> memref<5x128xf32, #tpu.memory_space<vmem_shared>>
        %dma_wait3A_943 = arith.constant 0 : i32
        %dma_wait3A_944 = arith.constant 0 : i32
        %dma_wait3A_945 = tpu.memref_slice %arg9[%dma_wait3A_943, %dma_wait3A_944] : memref<8x128xf32, #tpu.memory_space<vmem>> -> memref<5x128xf32, #tpu.memory_space<vmem>>
        tpu.wait_dma2 semaphore(%run_scoped3A_917 : memref<!tpu.dma_semaphore, #tpu.memory_space<semaphore_mem>>) src(%dma_wait3A_945 : memref<5x128xf32, #tpu.memory_space<vmem>>) dst(%dma_wait3A_942 : memref<5x128xf32, #tpu.memory_space<vmem_shared>>)
        tpu.yield
      }) : () -> ()
      %barrier3A = arith.constant 0 : index
      tpu.barrier barrier_id(%barrier3A)
      %run_scoped3A = arith.constant 0 : i32
      "tpu.region"() ({
        %run_scoped3A_917 = tpu.sem_alloc : memref<!tpu.dma_semaphore, #tpu.memory_space<semaphore_mem>>
        %dma_start3A_918 = arith.constant 0 : i32
        %dma_start3A_919 = arith.constant 0 : i32
        %dma_start3A_920 = tpu.memref_slice %arg11[%dma_start3A_918, %dma_start3A_919] : memref<8x128xf32, #tpu.memory_space<vmem>> -> memref<5x128xf32, #tpu.memory_space<vmem>>
        %dma_start3A_921 = arith.constant 0 : i32
        %dma_start3A_922 = arith.constant 0 : i32
        %dma_start3A_923 = tpu.memref_slice %arg16[%run_scoped3A, %dma_start3A_921, %dma_start3A_922] : memref<16x8x128xf32, #tpu.memory_space<vmem_shared>> -> memref<1x5x128xf32, #tpu.memory_space<vmem_shared>>
        %dma_start3A_924 = tpu.memref_squeeze %dma_start3A_923 : memref<1x5x128xf32, #tpu.memory_space<vmem_shared>> -> memref<5x128xf32, #tpu.memory_space<vmem_shared>>
        %dma_start3A_925 = arith.constant 0 : i32
        %dma_start3A_926 = arith.constant 0 : i32
        %dma_start3A_927 = tpu.memref_slice %arg11[%dma_start3A_925, %dma_start3A_926] : memref<8x128xf32, #tpu.memory_space<vmem>> -> memref<5x128xf32, #tpu.memory_space<vmem>>
        %dma_start3A_928 = arith.constant 0 : i32
        %dma_start3A_929 = arith.constant 0 : i32
        %dma_start3A_930 = tpu.memref_slice %arg16[%run_scoped3A, %dma_start3A_928, %dma_start3A_929] : memref<16x8x128xf32, #tpu.memory_space<vmem_shared>> -> memref<1x5x128xf32, #tpu.memory_space<vmem_shared>>
        %dma_start3A_931 = tpu.memref_squeeze %dma_start3A_930 : memref<1x5x128xf32, #tpu.memory_space<vmem_shared>> -> memref<5x128xf32, #tpu.memory_space<vmem_shared>>
        tpu.enqueue_dma source(%dma_start3A_931 : memref<5x128xf32, #tpu.memory_space<vmem_shared>>) target(%dma_start3A_927 : memref<5x128xf32, #tpu.memory_space<vmem>>) target_semaphore(%run_scoped3A_917 : memref<!tpu.dma_semaphore, #tpu.memory_space<semaphore_mem>>)
        %dma_wait3A_932 = arith.constant 0 : i32
        %dma_wait3A_933 = arith.constant 0 : i32
        %dma_wait3A_934 = tpu.memref_slice %arg11[%dma_wait3A_932, %dma_wait3A_933] : memref<8x128xf32, #tpu.memory_space<vmem>> -> memref<5x128xf32, #tpu.memory_space<vmem>>
        %dma_wait3A_935 = arith.constant 0 : i32
        %dma_wait3A_936 = arith.constant 0 : i32
        %dma_wait3A_937 = tpu.memref_slice %arg16[%run_scoped3A, %dma_wait3A_935, %dma_wait3A_936] : memref<16x8x128xf32, #tpu.memory_space<vmem_shared>> -> memref<1x5x128xf32, #tpu.memory_space<vmem_shared>>
        %dma_wait3A_938 = tpu.memref_squeeze %dma_wait3A_937 : memref<1x5x128xf32, #tpu.memory_space<vmem_shared>> -> memref<5x128xf32, #tpu.memory_space<vmem_shared>>
        %dma_wait3A_939 = arith.constant 0 : i32
        %dma_wait3A_940 = arith.constant 0 : i32
        %dma_wait3A_941 = tpu.memref_slice %arg11[%dma_wait3A_939, %dma_wait3A_940] : memref<8x128xf32, #tpu.memory_space<vmem>> -> memref<5x128xf32, #tpu.memory_space<vmem>>
        %dma_wait3A_942 = arith.constant 0 : i32
        %dma_wait3A_943 = arith.constant 0 : i32
        %dma_wait3A_944 = tpu.memref_slice %arg16[%run_scoped3A, %dma_wait3A_942, %dma_wait3A_943] : memref<16x8x128xf32, #tpu.memory_space<vmem_shared>> -> memref<1x5x128xf32, #tpu.memory_space<vmem_shared>>
        %dma_wait3A_945 = tpu.memref_squeeze %dma_wait3A_944 : memref<1x5x128xf32, #tpu.memory_space<vmem_shared>> -> memref<5x128xf32, #tpu.memory_space<vmem_shared>>
        tpu.wait_dma2 semaphore(%run_scoped3A_917 : memref<!tpu.dma_semaphore, #tpu.memory_space<semaphore_mem>>) src(%dma_wait3A_945 : memref<5x128xf32, #tpu.memory_space<vmem_shared>>) dst(%dma_wait3A_941 : memref<5x128xf32, #tpu.memory_space<vmem>>)
        tpu.yield
      }) : () -> ()
      %scan3A_434 = arith.constant 0 : i32
      %scan3A_435 = arith.constant 1 : i32
      %scan3A_436 = arith.constant 15 : i32
      %scan3A_437 = arith.addi %scan3A_435, %scan3A_436 : i32
      %scan3A_438 = arith.constant 1 : i32
      %scan3A_439 = scf.for %scan3A_917 = %scan3A_435 to %scan3A_437 step %scan3A_438 iter_args(%scan3A_918 = %scan3A_434) -> (i32)  : i32 {
        "tpu.region"() ({
          %run_scoped3A_1440 = tpu.sem_alloc : memref<!tpu.dma_semaphore, #tpu.memory_space<semaphore_mem>>
          %dma_start3A_1441 = arith.constant 0 : i32
          %dma_start3A_1442 = arith.constant 0 : i32
          %dma_start3A_1443 = tpu.memref_slice %arg10[%dma_start3A_1441, %dma_start3A_1442] : memref<8x128xf32, #tpu.memory_space<vmem>> -> memref<5x128xf32, #tpu.memory_space<vmem>>
          %dma_start3A_1444 = arith.constant 0 : i32
          %dma_start3A_1445 = arith.constant 0 : i32
          %dma_start3A_1446 = tpu.memref_slice %arg16[%scan3A_917, %dma_start3A_1444, %dma_start3A_1445] : memref<16x8x128xf32, #tpu.memory_space<vmem_shared>> -> memref<1x5x128xf32, #tpu.memory_space<vmem_shared>>
          %dma_start3A_1447 = tpu.memref_squeeze %dma_start3A_1446 : memref<1x5x128xf32, #tpu.memory_space<vmem_shared>> -> memref<5x128xf32, #tpu.memory_space<vmem_shared>>
          %dma_start3A_1448 = arith.constant 0 : i32
          %dma_start3A_1449 = arith.constant 0 : i32
          %dma_start3A_1450 = tpu.memref_slice %arg10[%dma_start3A_1448, %dma_start3A_1449] : memref<8x128xf32, #tpu.memory_space<vmem>> -> memref<5x128xf32, #tpu.memory_space<vmem>>
          %dma_start3A_1451 = arith.constant 0 : i32
          %dma_start3A_1452 = arith.constant 0 : i32
          %dma_start3A_1453 = tpu.memref_slice %arg16[%scan3A_917, %dma_start3A_1451, %dma_start3A_1452] : memref<16x8x128xf32, #tpu.memory_space<vmem_shared>> -> memref<1x5x128xf32, #tpu.memory_space<vmem_shared>>
          %dma_start3A_1454 = tpu.memref_squeeze %dma_start3A_1453 : memref<1x5x128xf32, #tpu.memory_space<vmem_shared>> -> memref<5x128xf32, #tpu.memory_space<vmem_shared>>
          tpu.enqueue_dma source(%dma_start3A_1454 : memref<5x128xf32, #tpu.memory_space<vmem_shared>>) target(%dma_start3A_1450 : memref<5x128xf32, #tpu.memory_space<vmem>>) target_semaphore(%run_scoped3A_1440 : memref<!tpu.dma_semaphore, #tpu.memory_space<semaphore_mem>>)
          %dma_wait3A_1455 = arith.constant 0 : i32
          %dma_wait3A_1456 = arith.constant 0 : i32
          %dma_wait3A_1457 = tpu.memref_slice %arg10[%dma_wait3A_1455, %dma_wait3A_1456] : memref<8x128xf32, #tpu.memory_space<vmem>> -> memref<5x128xf32, #tpu.memory_space<vmem>>
          %dma_wait3A_1458 = arith.constant 0 : i32
          %dma_wait3A_1459 = arith.constant 0 : i32
          %dma_wait3A_1460 = tpu.memref_slice %arg16[%scan3A_917, %dma_wait3A_1458, %dma_wait3A_1459] : memref<16x8x128xf32, #tpu.memory_space<vmem_shared>> -> memref<1x5x128xf32, #tpu.memory_space<vmem_shared>>
          %dma_wait3A_1461 = tpu.memref_squeeze %dma_wait3A_1460 : memref<1x5x128xf32, #tpu.memory_space<vmem_shared>> -> memref<5x128xf32, #tpu.memory_space<vmem_shared>>
          %dma_wait3A_1462 = arith.constant 0 : i32
          %dma_wait3A_1463 = arith.constant 0 : i32
          %dma_wait3A_1464 = tpu.memref_slice %arg10[%dma_wait3A_1462, %dma_wait3A_1463] : memref<8x128xf32, #tpu.memory_space<vmem>> -> memref<5x128xf32, #tpu.memory_space<vmem>>
          %dma_wait3A_1465 = arith.constant 0 : i32
          %dma_wait3A_1466 = arith.constant 0 : i32
          %dma_wait3A_1467 = tpu.memref_slice %arg16[%scan3A_917, %dma_wait3A_1465, %dma_wait3A_1466] : memref<16x8x128xf32, #tpu.memory_space<vmem_shared>> -> memref<1x5x128xf32, #tpu.memory_space<vmem_shared>>
          %dma_wait3A_1468 = tpu.memref_squeeze %dma_wait3A_1467 : memref<1x5x128xf32, #tpu.memory_space<vmem_shared>> -> memref<5x128xf32, #tpu.memory_space<vmem_shared>>
          tpu.wait_dma2 semaphore(%run_scoped3A_1440 : memref<!tpu.dma_semaphore, #tpu.memory_space<semaphore_mem>>) src(%dma_wait3A_1468 : memref<5x128xf32, #tpu.memory_space<vmem_shared>>) dst(%dma_wait3A_1464 : memref<5x128xf32, #tpu.memory_space<vmem>>)
          tpu.yield
        }) : () -> ()
        %get3A_919 = arith.constant 0 : i32
        %get3A_920 = arith.index_cast %get3A_919 : i32 to index
        %get3A_921 = arith.constant 0 : index
        %get3A_922 = tpu.vector_load %arg11[%get3A_920, %get3A_921] {strides = array<i32>} : memref<8x128xf32, #tpu.memory_space<vmem>>, vector<16xf32>,
        %get3A_923 = arith.constant 0 : i32
        %get3A_924 = arith.index_cast %get3A_923 : i32 to index
        %get3A_925 = arith.constant 0 : index
        %get3A_926 = tpu.vector_load %arg10[%get3A_924, %get3A_925] {strides = array<i32>} : memref<8x128xf32, #tpu.memory_space<vmem>>, vector<16xf32>,
        %add3A_927 = arith.addf %get3A_922, %get3A_926 : vector<16xf32>
        %swap3A_928 = arith.constant 0 : i32
        %swap3A_929 = arith.index_cast %swap3A_928 : i32 to index
        %swap3A_930 = arith.constant 0 : index
        %swap3A_931 = tpu.vector_load %arg11[%swap3A_929, %swap3A_930] {strides = array<i32>} : memref<8x128xf32, #tpu.memory_space<vmem>>, vector<16xf32>,
        tpu.vector_store %arg11[%swap3A_929, %swap3A_930], %add3A_927 {strides = array<i32>} : memref<8x128xf32, #tpu.memory_space<vmem>>, vector<16xf32>,
        %get3A_932 = arith.constant 0 : i32
        %get3A_933 = arith.index_cast %get3A_932 : i32 to index
        %get3A_934 = arith.constant 16 : index
        %get3A_935 = tpu.vector_load %arg11[%get3A_933, %get3A_934] {strides = array<i32>} : memref<8x128xf32, #tpu.memory_space<vmem>>, vector<16xf32>,
        %get3A_936 = arith.constant 0 : i32
        %get3A_937 = arith.index_cast %get3A_936 : i32 to index
        %get3A_938 = arith.constant 16 : index
        %get3A_939 = tpu.vector_load %arg10[%get3A_937, %get3A_938] {strides = array<i32>} : memref<8x128xf32, #tpu.memory_space<vmem>>, vector<16xf32>,
        %add3A_940 = arith.addf %get3A_935, %get3A_939 : vector<16xf32>
        %swap3A_941 = arith.constant 0 : i32
        %swap3A_942 = arith.index_cast %swap3A_941 : i32 to index
        %swap3A_943 = arith.constant 16 : index
        %swap3A_944 = tpu.vector_load %arg11[%swap3A_942, %swap3A_943] {strides = array<i32>} : memref<8x128xf32, #tpu.memory_space<vmem>>, vector<16xf32>,
        tpu.vector_store %arg11[%swap3A_942, %swap3A_943], %add3A_940 {strides = array<i32>} : memref<8x128xf32, #tpu.memory_space<vmem>>, vector<16xf32>,
        %get3A_945 = arith.constant 0 : i32
        %get3A_946 = arith.index_cast %get3A_945 : i32 to index
        %get3A_947 = arith.constant 32 : index
        %get3A_948 = tpu.vector_load %arg11[%get3A_946, %get3A_947] {strides = array<i32>} : memref<8x128xf32, #tpu.memory_space<vmem>>, vector<16xf32>,
        %get3A_949 = arith.constant 0 : i32
        %get3A_950 = arith.index_cast %get3A_949 : i32 to index
        %get3A_951 = arith.constant 32 : index
        %get3A_952 = tpu.vector_load %arg10[%get3A_950, %get3A_951] {strides = array<i32>} : memref<8x128xf32, #tpu.memory_space<vmem>>, vector<16xf32>,
        %add3A_953 = arith.addf %get3A_948, %get3A_952 : vector<16xf32>
        %swap3A_954 = arith.constant 0 : i32
        %swap3A_955 = arith.index_cast %swap3A_954 : i32 to index
        %swap3A_956 = arith.constant 32 : index
        %swap3A_957 = tpu.vector_load %arg11[%swap3A_955, %swap3A_956] {strides = array<i32>} : memref<8x128xf32, #tpu.memory_space<vmem>>, vector<16xf32>,
        tpu.vector_store %arg11[%swap3A_955, %swap3A_956], %add3A_953 {strides = array<i32>} : memref<8x128xf32, #tpu.memory_space<vmem>>, vector<16xf32>,
        %get3A_958 = arith.constant 0 : i32
        %get3A_959 = arith.index_cast %get3A_958 : i32 to index
        %get3A_960 = arith.constant 48 : index
        %get3A_961 = tpu.vector_load %arg11[%get3A_959, %get3A_960] {strides = array<i32>} : memref<8x128xf32, #tpu.memory_space<vmem>>, vector<16xf32>,
        %get3A_962 = arith.constant 0 : i32
        %get3A_963 = arith.index_cast %get3A_962 : i32 to index
        %get3A_964 = arith.constant 48 : index
        %get3A_965 = tpu.vector_load %arg10[%get3A_963, %get3A_964] {strides = array<i32>} : memref<8x128xf32, #tpu.memory_space<vmem>>, vector<16xf32>,
        %add3A_966 = arith.addf %get3A_961, %get3A_965 : vector<16xf32>
        %swap3A_967 = arith.constant 0 : i32
        %swap3A_968 = arith.index_cast %swap3A_967 : i32 to index
        %swap3A_969 = arith.constant 48 : index
        %swap3A_970 = tpu.vector_load %arg11[%swap3A_968, %swap3A_969] {strides = array<i32>} : memref<8x128xf32, #tpu.memory_space<vmem>>, vector<16xf32>,
        tpu.vector_store %arg11[%swap3A_968, %swap3A_969], %add3A_966 {strides = array<i32>} : memref<8x128xf32, #tpu.memory_space<vmem>>, vector<16xf32>,
        %get3A_971 = arith.constant 0 : i32
        %get3A_972 = arith.index_cast %get3A_971 : i32 to index
        %get3A_973 = arith.constant 64 : index
        %get3A_974 = tpu.vector_load %arg11[%get3A_972, %get3A_973] {strides = array<i32>} : memref<8x128xf32, #tpu.memory_space<vmem>>, vector<16xf32>,
        %get3A_975 = arith.constant 0 : i32
        %get3A_976 = arith.index_cast %get3A_975 : i32 to index
        %get3A_977 = arith.constant 64 : index
        %get3A_978 = tpu.vector_load %arg10[%get3A_976, %get3A_977] {strides = array<i32>} : memref<8x128xf32, #tpu.memory_space<vmem>>, vector<16xf32>,
        %add3A_979 = arith.addf %get3A_974, %get3A_978 : vector<16xf32>
        %swap3A_980 = arith.constant 0 : i32
        %swap3A_981 = arith.index_cast %swap3A_980 : i32 to index
        %swap3A_982 = arith.constant 64 : index
        %swap3A_983 = tpu.vector_load %arg11[%swap3A_981, %swap3A_982] {strides = array<i32>} : memref<8x128xf32, #tpu.memory_space<vmem>>, vector<16xf32>,
        tpu.vector_store %arg11[%swap3A_981, %swap3A_982], %add3A_979 {strides = array<i32>} : memref<8x128xf32, #tpu.memory_space<vmem>>, vector<16xf32>,
        %get3A_984 = arith.constant 0 : i32
        %get3A_985 = arith.index_cast %get3A_984 : i32 to index
        %get3A_986 = arith.constant 80 : index
        %get3A_987 = tpu.vector_load %arg11[%get3A_985, %get3A_986] {strides = array<i32>} : memref<8x128xf32, #tpu.memory_space<vmem>>, vector<16xf32>,
        %get3A_988 = arith.constant 0 : i32
        %get3A_989 = arith.index_cast %get3A_988 : i32 to index
        %get3A_990 = arith.constant 80 : index
        %get3A_991 = tpu.vector_load %arg10[%get3A_989, %get3A_990] {strides = array<i32>} : memref<8x128xf32, #tpu.memory_space<vmem>>, vector<16xf32>,
        %add3A_992 = arith.addf %get3A_987, %get3A_991 : vector<16xf32>
        %swap3A_993 = arith.constant 0 : i32
        %swap3A_994 = arith.index_cast %swap3A_993 : i32 to index
        %swap3A_995 = arith.constant 80 : index
        %swap3A_996 = tpu.vector_load %arg11[%swap3A_994, %swap3A_995] {strides = array<i32>} : memref<8x128xf32, #tpu.memory_space<vmem>>, vector<16xf32>,
        tpu.vector_store %arg11[%swap3A_994, %swap3A_995], %add3A_992 {strides = array<i32>} : memref<8x128xf32, #tpu.memory_space<vmem>>, vector<16xf32>,
        %get3A_997 = arith.constant 0 : i32
        %get3A_998 = arith.index_cast %get3A_997 : i32 to index
        %get3A_999 = arith.constant 96 : index
        %get3A_1000 = tpu.vector_load %arg11[%get3A_998, %get3A_999] {strides = array<i32>} : memref<8x128xf32, #tpu.memory_space<vmem>>, vector<16xf32>,
        %get3A_1001 = arith.constant 0 : i32
        %get3A_1002 = arith.index_cast %get3A_1001 : i32 to index
        %get3A_1003 = arith.constant 96 : index
        %get3A_1004 = tpu.vector_load %arg10[%get3A_1002, %get3A_1003] {strides = array<i32>} : memref<8x128xf32, #tpu.memory_space<vmem>>, vector<16xf32>,
        %add3A_1005 = arith.addf %get3A_1000, %get3A_1004 : vector<16xf32>
        %swap3A_1006 = arith.constant 0 : i32
        %swap3A_1007 = arith.index_cast %swap3A_1006 : i32 to index
        %swap3A_1008 = arith.constant 96 : index
        %swap3A_1009 = tpu.vector_load %arg11[%swap3A_1007, %swap3A_1008] {strides = array<i32>} : memref<8x128xf32, #tpu.memory_space<vmem>>, vector<16xf32>,
        tpu.vector_store %arg11[%swap3A_1007, %swap3A_1008], %add3A_1005 {strides = array<i32>} : memref<8x128xf32, #tpu.memory_space<vmem>>, vector<16xf32>,
        %get3A_1010 = arith.constant 0 : i32
        %get3A_1011 = arith.index_cast %get3A_1010 : i32 to index
        %get3A_1012 = arith.constant 112 : index
        %get3A_1013 = tpu.vector_load %arg11[%get3A_1011, %get3A_1012] {strides = array<i32>} : memref<8x128xf32, #tpu.memory_space<vmem>>, vector<16xf32>,
        %get3A_1014 = arith.constant 0 : i32
        %get3A_1015 = arith.index_cast %get3A_1014 : i32 to index
        %get3A_1016 = arith.constant 112 : index
        %get3A_1017 = tpu.vector_load %arg10[%get3A_1015, %get3A_1016] {strides = array<i32>} : memref<8x128xf32, #tpu.memory_space<vmem>>, vector<16xf32>,
        %add3A_1018 = arith.addf %get3A_1013, %get3A_1017 : vector<16xf32>
        %swap3A_1019 = arith.constant 0 : i32
        %swap3A_1020 = arith.index_cast %swap3A_1019 : i32 to index
        %swap3A_1021 = arith.constant 112 : index
        %swap3A_1022 = tpu.vector_load %arg11[%swap3A_1020, %swap3A_1021] {strides = array<i32>} : memref<8x128xf32, #tpu.memory_space<vmem>>, vector<16xf32>,
        tpu.vector_store %arg11[%swap3A_1020, %swap3A_1021], %add3A_1018 {strides = array<i32>} : memref<8x128xf32, #tpu.memory_space<vmem>>, vector<16xf32>,
        %get3A_1023 = arith.constant 1 : i32
        %get3A_1024 = arith.index_cast %get3A_1023 : i32 to index
        %get3A_1025 = arith.constant 0 : index
        %get3A_1026 = tpu.vector_load %arg11[%get3A_1024, %get3A_1025] {strides = array<i32>} : memref<8x128xf32, #tpu.memory_space<vmem>>, vector<16xf32>,
        %get3A_1027 = arith.constant 1 : i32
        %get3A_1028 = arith.index_cast %get3A_1027 : i32 to index
        %get3A_1029 = arith.constant 0 : index
        %get3A_1030 = tpu.vector_load %arg10[%get3A_1028, %get3A_1029] {strides = array<i32>} : memref<8x128xf32, #tpu.memory_space<vmem>>, vector<16xf32>,
        %add3A_1031 = arith.addf %get3A_1026, %get3A_1030 : vector<16xf32>
        %swap3A_1032 = arith.constant 1 : i32
        %swap3A_1033 = arith.index_cast %swap3A_1032 : i32 to index
        %swap3A_1034 = arith.constant 0 : index
        %swap3A_1035 = tpu.vector_load %arg11[%swap3A_1033, %swap3A_1034] {strides = array<i32>} : memref<8x128xf32, #tpu.memory_space<vmem>>, vector<16xf32>,
        tpu.vector_store %arg11[%swap3A_1033, %swap3A_1034], %add3A_1031 {strides = array<i32>} : memref<8x128xf32, #tpu.memory_space<vmem>>, vector<16xf32>,
        %get3A_1036 = arith.constant 1 : i32
        %get3A_1037 = arith.index_cast %get3A_1036 : i32 to index
        %get3A_1038 = arith.constant 16 : index
        %get3A_1039 = tpu.vector_load %arg11[%get3A_1037, %get3A_1038] {strides = array<i32>} : memref<8x128xf32, #tpu.memory_space<vmem>>, vector<16xf32>,
        %get3A_1040 = arith.constant 1 : i32
        %get3A_1041 = arith.index_cast %get3A_1040 : i32 to index
        %get3A_1042 = arith.constant 16 : index
        %get3A_1043 = tpu.vector_load %arg10[%get3A_1041, %get3A_1042] {strides = array<i32>} : memref<8x128xf32, #tpu.memory_space<vmem>>, vector<16xf32>,
        %add3A_1044 = arith.addf %get3A_1039, %get3A_1043 : vector<16xf32>
        %swap3A_1045 = arith.constant 1 : i32
        %swap3A_1046 = arith.index_cast %swap3A_1045 : i32 to index
        %swap3A_1047 = arith.constant 16 : index
        %swap3A_1048 = tpu.vector_load %arg11[%swap3A_1046, %swap3A_1047] {strides = array<i32>} : memref<8x128xf32, #tpu.memory_space<vmem>>, vector<16xf32>,
        tpu.vector_store %arg11[%swap3A_1046, %swap3A_1047], %add3A_1044 {strides = array<i32>} : memref<8x128xf32, #tpu.memory_space<vmem>>, vector<16xf32>,
        %get3A_1049 = arith.constant 1 : i32
        %get3A_1050 = arith.index_cast %get3A_1049 : i32 to index
        %get3A_1051 = arith.constant 32 : index
        %get3A_1052 = tpu.vector_load %arg11[%get3A_1050, %get3A_1051] {strides = array<i32>} : memref<8x128xf32, #tpu.memory_space<vmem>>, vector<16xf32>,
        %get3A_1053 = arith.constant 1 : i32
        %get3A_1054 = arith.index_cast %get3A_1053 : i32 to index
        %get3A_1055 = arith.constant 32 : index
        %get3A_1056 = tpu.vector_load %arg10[%get3A_1054, %get3A_1055] {strides = array<i32>} : memref<8x128xf32, #tpu.memory_space<vmem>>, vector<16xf32>,
        %add3A_1057 = arith.addf %get3A_1052, %get3A_1056 : vector<16xf32>
        %swap3A_1058 = arith.constant 1 : i32
        %swap3A_1059 = arith.index_cast %swap3A_1058 : i32 to index
        %swap3A_1060 = arith.constant 32 : index
        %swap3A_1061 = tpu.vector_load %arg11[%swap3A_1059, %swap3A_1060] {strides = array<i32>} : memref<8x128xf32, #tpu.memory_space<vmem>>, vector<16xf32>,
        tpu.vector_store %arg11[%swap3A_1059, %swap3A_1060], %add3A_1057 {strides = array<i32>} : memref<8x128xf32, #tpu.memory_space<vmem>>, vector<16xf32>,
        %get3A_1062 = arith.constant 1 : i32
        %get3A_1063 = arith.index_cast %get3A_1062 : i32 to index
        %get3A_1064 = arith.constant 48 : index
        %get3A_1065 = tpu.vector_load %arg11[%get3A_1063, %get3A_1064] {strides = array<i32>} : memref<8x128xf32, #tpu.memory_space<vmem>>, vector<16xf32>,
        %get3A_1066 = arith.constant 1 : i32
        %get3A_1067 = arith.index_cast %get3A_1066 : i32 to index
        %get3A_1068 = arith.constant 48 : index
        %get3A_1069 = tpu.vector_load %arg10[%get3A_1067, %get3A_1068] {strides = array<i32>} : memref<8x128xf32, #tpu.memory_space<vmem>>, vector<16xf32>,
        %add3A_1070 = arith.addf %get3A_1065, %get3A_1069 : vector<16xf32>
        %swap3A_1071 = arith.constant 1 : i32
        %swap3A_1072 = arith.index_cast %swap3A_1071 : i32 to index
        %swap3A_1073 = arith.constant 48 : index
        %swap3A_1074 = tpu.vector_load %arg11[%swap3A_1072, %swap3A_1073] {strides = array<i32>} : memref<8x128xf32, #tpu.memory_space<vmem>>, vector<16xf32>,
        tpu.vector_store %arg11[%swap3A_1072, %swap3A_1073], %add3A_1070 {strides = array<i32>} : memref<8x128xf32, #tpu.memory_space<vmem>>, vector<16xf32>,
        %get3A_1075 = arith.constant 1 : i32
        %get3A_1076 = arith.index_cast %get3A_1075 : i32 to index
        %get3A_1077 = arith.constant 64 : index
        %get3A_1078 = tpu.vector_load %arg11[%get3A_1076, %get3A_1077] {strides = array<i32>} : memref<8x128xf32, #tpu.memory_space<vmem>>, vector<16xf32>,
        %get3A_1079 = arith.constant 1 : i32
        %get3A_1080 = arith.index_cast %get3A_1079 : i32 to index
        %get3A_1081 = arith.constant 64 : index
        %get3A_1082 = tpu.vector_load %arg10[%get3A_1080, %get3A_1081] {strides = array<i32>} : memref<8x128xf32, #tpu.memory_space<vmem>>, vector<16xf32>,
        %add3A_1083 = arith.addf %get3A_1078, %get3A_1082 : vector<16xf32>
        %swap3A_1084 = arith.constant 1 : i32
        %swap3A_1085 = arith.index_cast %swap3A_1084 : i32 to index
        %swap3A_1086 = arith.constant 64 : index
        %swap3A_1087 = tpu.vector_load %arg11[%swap3A_1085, %swap3A_1086] {strides = array<i32>} : memref<8x128xf32, #tpu.memory_space<vmem>>, vector<16xf32>,
        tpu.vector_store %arg11[%swap3A_1085, %swap3A_1086], %add3A_1083 {strides = array<i32>} : memref<8x128xf32, #tpu.memory_space<vmem>>, vector<16xf32>,
        %get3A_1088 = arith.constant 1 : i32
        %get3A_1089 = arith.index_cast %get3A_1088 : i32 to index
        %get3A_1090 = arith.constant 80 : index
        %get3A_1091 = tpu.vector_load %arg11[%get3A_1089, %get3A_1090] {strides = array<i32>} : memref<8x128xf32, #tpu.memory_space<vmem>>, vector<16xf32>,
        %get3A_1092 = arith.constant 1 : i32
        %get3A_1093 = arith.index_cast %get3A_1092 : i32 to index
        %get3A_1094 = arith.constant 80 : index
        %get3A_1095 = tpu.vector_load %arg10[%get3A_1093, %get3A_1094] {strides = array<i32>} : memref<8x128xf32, #tpu.memory_space<vmem>>, vector<16xf32>,
        %add3A_1096 = arith.addf %get3A_1091, %get3A_1095 : vector<16xf32>
        %swap3A_1097 = arith.constant 1 : i32
        %swap3A_1098 = arith.index_cast %swap3A_1097 : i32 to index
        %swap3A_1099 = arith.constant 80 : index
        %swap3A_1100 = tpu.vector_load %arg11[%swap3A_1098, %swap3A_1099] {strides = array<i32>} : memref<8x128xf32, #tpu.memory_space<vmem>>, vector<16xf32>,
        tpu.vector_store %arg11[%swap3A_1098, %swap3A_1099], %add3A_1096 {strides = array<i32>} : memref<8x128xf32, #tpu.memory_space<vmem>>, vector<16xf32>,
        %get3A_1101 = arith.constant 1 : i32
        %get3A_1102 = arith.index_cast %get3A_1101 : i32 to index
        %get3A_1103 = arith.constant 96 : index
        %get3A_1104 = tpu.vector_load %arg11[%get3A_1102, %get3A_1103] {strides = array<i32>} : memref<8x128xf32, #tpu.memory_space<vmem>>, vector<16xf32>,
        %get3A_1105 = arith.constant 1 : i32
        %get3A_1106 = arith.index_cast %get3A_1105 : i32 to index
        %get3A_1107 = arith.constant 96 : index
        %get3A_1108 = tpu.vector_load %arg10[%get3A_1106, %get3A_1107] {strides = array<i32>} : memref<8x128xf32, #tpu.memory_space<vmem>>, vector<16xf32>,
        %add3A_1109 = arith.addf %get3A_1104, %get3A_1108 : vector<16xf32>
        %swap3A_1110 = arith.constant 1 : i32
        %swap3A_1111 = arith.index_cast %swap3A_1110 : i32 to index
        %swap3A_1112 = arith.constant 96 : index
        %swap3A_1113 = tpu.vector_load %arg11[%swap3A_1111, %swap3A_1112] {strides = array<i32>} : memref<8x128xf32, #tpu.memory_space<vmem>>, vector<16xf32>,
        tpu.vector_store %arg11[%swap3A_1111, %swap3A_1112], %add3A_1109 {strides = array<i32>} : memref<8x128xf32, #tpu.memory_space<vmem>>, vector<16xf32>,
        %get3A_1114 = arith.constant 1 : i32
        %get3A_1115 = arith.index_cast %get3A_1114 : i32 to index
        %get3A_1116 = arith.constant 112 : index
        %get3A_1117 = tpu.vector_load %arg11[%get3A_1115, %get3A_1116] {strides = array<i32>} : memref<8x128xf32, #tpu.memory_space<vmem>>, vector<16xf32>,
        %get3A_1118 = arith.constant 1 : i32
        %get3A_1119 = arith.index_cast %get3A_1118 : i32 to index
        %get3A_1120 = arith.constant 112 : index
        %get3A_1121 = tpu.vector_load %arg10[%get3A_1119, %get3A_1120] {strides = array<i32>} : memref<8x128xf32, #tpu.memory_space<vmem>>, vector<16xf32>,
        %add3A_1122 = arith.addf %get3A_1117, %get3A_1121 : vector<16xf32>
        %swap3A_1123 = arith.constant 1 : i32
        %swap3A_1124 = arith.index_cast %swap3A_1123 : i32 to index
        %swap3A_1125 = arith.constant 112 : index
        %swap3A_1126 = tpu.vector_load %arg11[%swap3A_1124, %swap3A_1125] {strides = array<i32>} : memref<8x128xf32, #tpu.memory_space<vmem>>, vector<16xf32>,
        tpu.vector_store %arg11[%swap3A_1124, %swap3A_1125], %add3A_1122 {strides = array<i32>} : memref<8x128xf32, #tpu.memory_space<vmem>>, vector<16xf32>,
        %get3A_1127 = arith.constant 2 : i32
        %get3A_1128 = arith.index_cast %get3A_1127 : i32 to index
        %get3A_1129 = arith.constant 0 : index
        %get3A_1130 = tpu.vector_load %arg11[%get3A_1128, %get3A_1129] {strides = array<i32>} : memref<8x128xf32, #tpu.memory_space<vmem>>, vector<16xf32>,
        %get3A_1131 = arith.constant 2 : i32
        %get3A_1132 = arith.index_cast %get3A_1131 : i32 to index
        %get3A_1133 = arith.constant 0 : index
        %get3A_1134 = tpu.vector_load %arg10[%get3A_1132, %get3A_1133] {strides = array<i32>} : memref<8x128xf32, #tpu.memory_space<vmem>>, vector<16xf32>,
        %add3A_1135 = arith.addf %get3A_1130, %get3A_1134 : vector<16xf32>
        %swap3A_1136 = arith.constant 2 : i32
        %swap3A_1137 = arith.index_cast %swap3A_1136 : i32 to index
        %swap3A_1138 = arith.constant 0 : index
        %swap3A_1139 = tpu.vector_load %arg11[%swap3A_1137, %swap3A_1138] {strides = array<i32>} : memref<8x128xf32, #tpu.memory_space<vmem>>, vector<16xf32>,
        tpu.vector_store %arg11[%swap3A_1137, %swap3A_1138], %add3A_1135 {strides = array<i32>} : memref<8x128xf32, #tpu.memory_space<vmem>>, vector<16xf32>,
        %get3A_1140 = arith.constant 2 : i32
        %get3A_1141 = arith.index_cast %get3A_1140 : i32 to index
        %get3A_1142 = arith.constant 16 : index
        %get3A_1143 = tpu.vector_load %arg11[%get3A_1141, %get3A_1142] {strides = array<i32>} : memref<8x128xf32, #tpu.memory_space<vmem>>, vector<16xf32>,
        %get3A_1144 = arith.constant 2 : i32
        %get3A_1145 = arith.index_cast %get3A_1144 : i32 to index
        %get3A_1146 = arith.constant 16 : index
        %get3A_1147 = tpu.vector_load %arg10[%get3A_1145, %get3A_1146] {strides = array<i32>} : memref<8x128xf32, #tpu.memory_space<vmem>>, vector<16xf32>,
        %add3A_1148 = arith.addf %get3A_1143, %get3A_1147 : vector<16xf32>
        %swap3A_1149 = arith.constant 2 : i32
        %swap3A_1150 = arith.index_cast %swap3A_1149 : i32 to index
        %swap3A_1151 = arith.constant 16 : index
        %swap3A_1152 = tpu.vector_load %arg11[%swap3A_1150, %swap3A_1151] {strides = array<i32>} : memref<8x128xf32, #tpu.memory_space<vmem>>, vector<16xf32>,
        tpu.vector_store %arg11[%swap3A_1150, %swap3A_1151], %add3A_1148 {strides = array<i32>} : memref<8x128xf32, #tpu.memory_space<vmem>>, vector<16xf32>,
        %get3A_1153 = arith.constant 2 : i32
        %get3A_1154 = arith.index_cast %get3A_1153 : i32 to index
        %get3A_1155 = arith.constant 32 : index
        %get3A_1156 = tpu.vector_load %arg11[%get3A_1154, %get3A_1155] {strides = array<i32>} : memref<8x128xf32, #tpu.memory_space<vmem>>, vector<16xf32>,
        %get3A_1157 = arith.constant 2 : i32
        %get3A_1158 = arith.index_cast %get3A_1157 : i32 to index
        %get3A_1159 = arith.constant 32 : index
        %get3A_1160 = tpu.vector_load %arg10[%get3A_1158, %get3A_1159] {strides = array<i32>} : memref<8x128xf32, #tpu.memory_space<vmem>>, vector<16xf32>,
        %add3A_1161 = arith.addf %get3A_1156, %get3A_1160 : vector<16xf32>
        %swap3A_1162 = arith.constant 2 : i32
        %swap3A_1163 = arith.index_cast %swap3A_1162 : i32 to index
        %swap3A_1164 = arith.constant 32 : index
        %swap3A_1165 = tpu.vector_load %arg11[%swap3A_1163, %swap3A_1164] {strides = array<i32>} : memref<8x128xf32, #tpu.memory_space<vmem>>, vector<16xf32>,
        tpu.vector_store %arg11[%swap3A_1163, %swap3A_1164], %add3A_1161 {strides = array<i32>} : memref<8x128xf32, #tpu.memory_space<vmem>>, vector<16xf32>,
        %get3A_1166 = arith.constant 2 : i32
        %get3A_1167 = arith.index_cast %get3A_1166 : i32 to index
        %get3A_1168 = arith.constant 48 : index
        %get3A_1169 = tpu.vector_load %arg11[%get3A_1167, %get3A_1168] {strides = array<i32>} : memref<8x128xf32, #tpu.memory_space<vmem>>, vector<16xf32>,
        %get3A_1170 = arith.constant 2 : i32
        %get3A_1171 = arith.index_cast %get3A_1170 : i32 to index
        %get3A_1172 = arith.constant 48 : index
        %get3A_1173 = tpu.vector_load %arg10[%get3A_1171, %get3A_1172] {strides = array<i32>} : memref<8x128xf32, #tpu.memory_space<vmem>>, vector<16xf32>,
        %add3A_1174 = arith.addf %get3A_1169, %get3A_1173 : vector<16xf32>
        %swap3A_1175 = arith.constant 2 : i32
        %swap3A_1176 = arith.index_cast %swap3A_1175 : i32 to index
        %swap3A_1177 = arith.constant 48 : index
        %swap3A_1178 = tpu.vector_load %arg11[%swap3A_1176, %swap3A_1177] {strides = array<i32>} : memref<8x128xf32, #tpu.memory_space<vmem>>, vector<16xf32>,
        tpu.vector_store %arg11[%swap3A_1176, %swap3A_1177], %add3A_1174 {strides = array<i32>} : memref<8x128xf32, #tpu.memory_space<vmem>>, vector<16xf32>,
        %get3A_1179 = arith.constant 2 : i32
        %get3A_1180 = arith.index_cast %get3A_1179 : i32 to index
        %get3A_1181 = arith.constant 64 : index
        %get3A_1182 = tpu.vector_load %arg11[%get3A_1180, %get3A_1181] {strides = array<i32>} : memref<8x128xf32, #tpu.memory_space<vmem>>, vector<16xf32>,
        %get3A_1183 = arith.constant 2 : i32
        %get3A_1184 = arith.index_cast %get3A_1183 : i32 to index
        %get3A_1185 = arith.constant 64 : index
        %get3A_1186 = tpu.vector_load %arg10[%get3A_1184, %get3A_1185] {strides = array<i32>} : memref<8x128xf32, #tpu.memory_space<vmem>>, vector<16xf32>,
        %add3A_1187 = arith.addf %get3A_1182, %get3A_1186 : vector<16xf32>
        %swap3A_1188 = arith.constant 2 : i32
        %swap3A_1189 = arith.index_cast %swap3A_1188 : i32 to index
        %swap3A_1190 = arith.constant 64 : index
        %swap3A_1191 = tpu.vector_load %arg11[%swap3A_1189, %swap3A_1190] {strides = array<i32>} : memref<8x128xf32, #tpu.memory_space<vmem>>, vector<16xf32>,
        tpu.vector_store %arg11[%swap3A_1189, %swap3A_1190], %add3A_1187 {strides = array<i32>} : memref<8x128xf32, #tpu.memory_space<vmem>>, vector<16xf32>,
        %get3A_1192 = arith.constant 2 : i32
        %get3A_1193 = arith.index_cast %get3A_1192 : i32 to index
        %get3A_1194 = arith.constant 80 : index
        %get3A_1195 = tpu.vector_load %arg11[%get3A_1193, %get3A_1194] {strides = array<i32>} : memref<8x128xf32, #tpu.memory_space<vmem>>, vector<16xf32>,
        %get3A_1196 = arith.constant 2 : i32
        %get3A_1197 = arith.index_cast %get3A_1196 : i32 to index
        %get3A_1198 = arith.constant 80 : index
        %get3A_1199 = tpu.vector_load %arg10[%get3A_1197, %get3A_1198] {strides = array<i32>} : memref<8x128xf32, #tpu.memory_space<vmem>>, vector<16xf32>,
        %add3A_1200 = arith.addf %get3A_1195, %get3A_1199 : vector<16xf32>
        %swap3A_1201 = arith.constant 2 : i32
        %swap3A_1202 = arith.index_cast %swap3A_1201 : i32 to index
        %swap3A_1203 = arith.constant 80 : index
        %swap3A_1204 = tpu.vector_load %arg11[%swap3A_1202, %swap3A_1203] {strides = array<i32>} : memref<8x128xf32, #tpu.memory_space<vmem>>, vector<16xf32>,
        tpu.vector_store %arg11[%swap3A_1202, %swap3A_1203], %add3A_1200 {strides = array<i32>} : memref<8x128xf32, #tpu.memory_space<vmem>>, vector<16xf32>,
        %get3A_1205 = arith.constant 2 : i32
        %get3A_1206 = arith.index_cast %get3A_1205 : i32 to index
        %get3A_1207 = arith.constant 96 : index
        %get3A_1208 = tpu.vector_load %arg11[%get3A_1206, %get3A_1207] {strides = array<i32>} : memref<8x128xf32, #tpu.memory_space<vmem>>, vector<16xf32>,
        %get3A_1209 = arith.constant 2 : i32
        %get3A_1210 = arith.index_cast %get3A_1209 : i32 to index
        %get3A_1211 = arith.constant 96 : index
        %get3A_1212 = tpu.vector_load %arg10[%get3A_1210, %get3A_1211] {strides = array<i32>} : memref<8x128xf32, #tpu.memory_space<vmem>>, vector<16xf32>,
        %add3A_1213 = arith.addf %get3A_1208, %get3A_1212 : vector<16xf32>
        %swap3A_1214 = arith.constant 2 : i32
        %swap3A_1215 = arith.index_cast %swap3A_1214 : i32 to index
        %swap3A_1216 = arith.constant 96 : index
        %swap3A_1217 = tpu.vector_load %arg11[%swap3A_1215, %swap3A_1216] {strides = array<i32>} : memref<8x128xf32, #tpu.memory_space<vmem>>, vector<16xf32>,
        tpu.vector_store %arg11[%swap3A_1215, %swap3A_1216], %add3A_1213 {strides = array<i32>} : memref<8x128xf32, #tpu.memory_space<vmem>>, vector<16xf32>,
        %get3A_1218 = arith.constant 2 : i32
        %get3A_1219 = arith.index_cast %get3A_1218 : i32 to index
        %get3A_1220 = arith.constant 112 : index
        %get3A_1221 = tpu.vector_load %arg11[%get3A_1219, %get3A_1220] {strides = array<i32>} : memref<8x128xf32, #tpu.memory_space<vmem>>, vector<16xf32>,
        %get3A_1222 = arith.constant 2 : i32
        %get3A_1223 = arith.index_cast %get3A_1222 : i32 to index
        %get3A_1224 = arith.constant 112 : index
        %get3A_1225 = tpu.vector_load %arg10[%get3A_1223, %get3A_1224] {strides = array<i32>} : memref<8x128xf32, #tpu.memory_space<vmem>>, vector<16xf32>,
        %add3A_1226 = arith.addf %get3A_1221, %get3A_1225 : vector<16xf32>
        %swap3A_1227 = arith.constant 2 : i32
        %swap3A_1228 = arith.index_cast %swap3A_1227 : i32 to index
        %swap3A_1229 = arith.constant 112 : index
        %swap3A_1230 = tpu.vector_load %arg11[%swap3A_1228, %swap3A_1229] {strides = array<i32>} : memref<8x128xf32, #tpu.memory_space<vmem>>, vector<16xf32>,
        tpu.vector_store %arg11[%swap3A_1228, %swap3A_1229], %add3A_1226 {strides = array<i32>} : memref<8x128xf32, #tpu.memory_space<vmem>>, vector<16xf32>,
        %get3A_1231 = arith.constant 3 : i32
        %get3A_1232 = arith.index_cast %get3A_1231 : i32 to index
        %get3A_1233 = arith.constant 0 : index
        %get3A_1234 = tpu.vector_load %arg11[%get3A_1232, %get3A_1233] {strides = array<i32>} : memref<8x128xf32, #tpu.memory_space<vmem>>, vector<16xf32>,
        %get3A_1235 = arith.constant 3 : i32
        %get3A_1236 = arith.index_cast %get3A_1235 : i32 to index
        %get3A_1237 = arith.constant 0 : index
        %get3A_1238 = tpu.vector_load %arg10[%get3A_1236, %get3A_1237] {strides = array<i32>} : memref<8x128xf32, #tpu.memory_space<vmem>>, vector<16xf32>,
        %add3A_1239 = arith.addf %get3A_1234, %get3A_1238 : vector<16xf32>
        %swap3A_1240 = arith.constant 3 : i32
        %swap3A_1241 = arith.index_cast %swap3A_1240 : i32 to index
        %swap3A_1242 = arith.constant 0 : index
        %swap3A_1243 = tpu.vector_load %arg11[%swap3A_1241, %swap3A_1242] {strides = array<i32>} : memref<8x128xf32, #tpu.memory_space<vmem>>, vector<16xf32>,
        tpu.vector_store %arg11[%swap3A_1241, %swap3A_1242], %add3A_1239 {strides = array<i32>} : memref<8x128xf32, #tpu.memory_space<vmem>>, vector<16xf32>,
        %get3A_1244 = arith.constant 3 : i32
        %get3A_1245 = arith.index_cast %get3A_1244 : i32 to index
        %get3A_1246 = arith.constant 16 : index
        %get3A_1247 = tpu.vector_load %arg11[%get3A_1245, %get3A_1246] {strides = array<i32>} : memref<8x128xf32, #tpu.memory_space<vmem>>, vector<16xf32>,
        %get3A_1248 = arith.constant 3 : i32
        %get3A_1249 = arith.index_cast %get3A_1248 : i32 to index
        %get3A_1250 = arith.constant 16 : index
        %get3A_1251 = tpu.vector_load %arg10[%get3A_1249, %get3A_1250] {strides = array<i32>} : memref<8x128xf32, #tpu.memory_space<vmem>>, vector<16xf32>,
        %add3A_1252 = arith.addf %get3A_1247, %get3A_1251 : vector<16xf32>
        %swap3A_1253 = arith.constant 3 : i32
        %swap3A_1254 = arith.index_cast %swap3A_1253 : i32 to index
        %swap3A_1255 = arith.constant 16 : index
        %swap3A_1256 = tpu.vector_load %arg11[%swap3A_1254, %swap3A_1255] {strides = array<i32>} : memref<8x128xf32, #tpu.memory_space<vmem>>, vector<16xf32>,
        tpu.vector_store %arg11[%swap3A_1254, %swap3A_1255], %add3A_1252 {strides = array<i32>} : memref<8x128xf32, #tpu.memory_space<vmem>>, vector<16xf32>,
        %get3A_1257 = arith.constant 3 : i32
        %get3A_1258 = arith.index_cast %get3A_1257 : i32 to index
        %get3A_1259 = arith.constant 32 : index
        %get3A_1260 = tpu.vector_load %arg11[%get3A_1258, %get3A_1259] {strides = array<i32>} : memref<8x128xf32, #tpu.memory_space<vmem>>, vector<16xf32>,
        %get3A_1261 = arith.constant 3 : i32
        %get3A_1262 = arith.index_cast %get3A_1261 : i32 to index
        %get3A_1263 = arith.constant 32 : index
        %get3A_1264 = tpu.vector_load %arg10[%get3A_1262, %get3A_1263] {strides = array<i32>} : memref<8x128xf32, #tpu.memory_space<vmem>>, vector<16xf32>,
        %add3A_1265 = arith.addf %get3A_1260, %get3A_1264 : vector<16xf32>
        %swap3A_1266 = arith.constant 3 : i32
        %swap3A_1267 = arith.index_cast %swap3A_1266 : i32 to index
        %swap3A_1268 = arith.constant 32 : index
        %swap3A_1269 = tpu.vector_load %arg11[%swap3A_1267, %swap3A_1268] {strides = array<i32>} : memref<8x128xf32, #tpu.memory_space<vmem>>, vector<16xf32>,
        tpu.vector_store %arg11[%swap3A_1267, %swap3A_1268], %add3A_1265 {strides = array<i32>} : memref<8x128xf32, #tpu.memory_space<vmem>>, vector<16xf32>,
        %get3A_1270 = arith.constant 3 : i32
        %get3A_1271 = arith.index_cast %get3A_1270 : i32 to index
        %get3A_1272 = arith.constant 48 : index
        %get3A_1273 = tpu.vector_load %arg11[%get3A_1271, %get3A_1272] {strides = array<i32>} : memref<8x128xf32, #tpu.memory_space<vmem>>, vector<16xf32>,
        %get3A_1274 = arith.constant 3 : i32
        %get3A_1275 = arith.index_cast %get3A_1274 : i32 to index
        %get3A_1276 = arith.constant 48 : index
        %get3A_1277 = tpu.vector_load %arg10[%get3A_1275, %get3A_1276] {strides = array<i32>} : memref<8x128xf32, #tpu.memory_space<vmem>>, vector<16xf32>,
        %add3A_1278 = arith.addf %get3A_1273, %get3A_1277 : vector<16xf32>
        %swap3A_1279 = arith.constant 3 : i32
        %swap3A_1280 = arith.index_cast %swap3A_1279 : i32 to index
        %swap3A_1281 = arith.constant 48 : index
        %swap3A_1282 = tpu.vector_load %arg11[%swap3A_1280, %swap3A_1281] {strides = array<i32>} : memref<8x128xf32, #tpu.memory_space<vmem>>, vector<16xf32>,
        tpu.vector_store %arg11[%swap3A_1280, %swap3A_1281], %add3A_1278 {strides = array<i32>} : memref<8x128xf32, #tpu.memory_space<vmem>>, vector<16xf32>,
        %get3A_1283 = arith.constant 3 : i32
        %get3A_1284 = arith.index_cast %get3A_1283 : i32 to index
        %get3A_1285 = arith.constant 64 : index
        %get3A_1286 = tpu.vector_load %arg11[%get3A_1284, %get3A_1285] {strides = array<i32>} : memref<8x128xf32, #tpu.memory_space<vmem>>, vector<16xf32>,
        %get3A_1287 = arith.constant 3 : i32
        %get3A_1288 = arith.index_cast %get3A_1287 : i32 to index
        %get3A_1289 = arith.constant 64 : index
        %get3A_1290 = tpu.vector_load %arg10[%get3A_1288, %get3A_1289] {strides = array<i32>} : memref<8x128xf32, #tpu.memory_space<vmem>>, vector<16xf32>,
        %add3A_1291 = arith.addf %get3A_1286, %get3A_1290 : vector<16xf32>
        %swap3A_1292 = arith.constant 3 : i32
        %swap3A_1293 = arith.index_cast %swap3A_1292 : i32 to index
        %swap3A_1294 = arith.constant 64 : index
        %swap3A_1295 = tpu.vector_load %arg11[%swap3A_1293, %swap3A_1294] {strides = array<i32>} : memref<8x128xf32, #tpu.memory_space<vmem>>, vector<16xf32>,
        tpu.vector_store %arg11[%swap3A_1293, %swap3A_1294], %add3A_1291 {strides = array<i32>} : memref<8x128xf32, #tpu.memory_space<vmem>>, vector<16xf32>,
        %get3A_1296 = arith.constant 3 : i32
        %get3A_1297 = arith.index_cast %get3A_1296 : i32 to index
        %get3A_1298 = arith.constant 80 : index
        %get3A_1299 = tpu.vector_load %arg11[%get3A_1297, %get3A_1298] {strides = array<i32>} : memref<8x128xf32, #tpu.memory_space<vmem>>, vector<16xf32>,
        %get3A_1300 = arith.constant 3 : i32
        %get3A_1301 = arith.index_cast %get3A_1300 : i32 to index
        %get3A_1302 = arith.constant 80 : index
        %get3A_1303 = tpu.vector_load %arg10[%get3A_1301, %get3A_1302] {strides = array<i32>} : memref<8x128xf32, #tpu.memory_space<vmem>>, vector<16xf32>,
        %add3A_1304 = arith.addf %get3A_1299, %get3A_1303 : vector<16xf32>
        %swap3A_1305 = arith.constant 3 : i32
        %swap3A_1306 = arith.index_cast %swap3A_1305 : i32 to index
        %swap3A_1307 = arith.constant 80 : index
        %swap3A_1308 = tpu.vector_load %arg11[%swap3A_1306, %swap3A_1307] {strides = array<i32>} : memref<8x128xf32, #tpu.memory_space<vmem>>, vector<16xf32>,
        tpu.vector_store %arg11[%swap3A_1306, %swap3A_1307], %add3A_1304 {strides = array<i32>} : memref<8x128xf32, #tpu.memory_space<vmem>>, vector<16xf32>,
        %get3A_1309 = arith.constant 3 : i32
        %get3A_1310 = arith.index_cast %get3A_1309 : i32 to index
        %get3A_1311 = arith.constant 96 : index
        %get3A_1312 = tpu.vector_load %arg11[%get3A_1310, %get3A_1311] {strides = array<i32>} : memref<8x128xf32, #tpu.memory_space<vmem>>, vector<16xf32>,
        %get3A_1313 = arith.constant 3 : i32
        %get3A_1314 = arith.index_cast %get3A_1313 : i32 to index
        %get3A_1315 = arith.constant 96 : index
        %get3A_1316 = tpu.vector_load %arg10[%get3A_1314, %get3A_1315] {strides = array<i32>} : memref<8x128xf32, #tpu.memory_space<vmem>>, vector<16xf32>,
        %add3A_1317 = arith.addf %get3A_1312, %get3A_1316 : vector<16xf32>
        %swap3A_1318 = arith.constant 3 : i32
        %swap3A_1319 = arith.index_cast %swap3A_1318 : i32 to index
        %swap3A_1320 = arith.constant 96 : index
        %swap3A_1321 = tpu.vector_load %arg11[%swap3A_1319, %swap3A_1320] {strides = array<i32>} : memref<8x128xf32, #tpu.memory_space<vmem>>, vector<16xf32>,
        tpu.vector_store %arg11[%swap3A_1319, %swap3A_1320], %add3A_1317 {strides = array<i32>} : memref<8x128xf32, #tpu.memory_space<vmem>>, vector<16xf32>,
        %get3A_1322 = arith.constant 3 : i32
        %get3A_1323 = arith.index_cast %get3A_1322 : i32 to index
        %get3A_1324 = arith.constant 112 : index
        %get3A_1325 = tpu.vector_load %arg11[%get3A_1323, %get3A_1324] {strides = array<i32>} : memref<8x128xf32, #tpu.memory_space<vmem>>, vector<16xf32>,
        %get3A_1326 = arith.constant 3 : i32
        %get3A_1327 = arith.index_cast %get3A_1326 : i32 to index
        %get3A_1328 = arith.constant 112 : index
        %get3A_1329 = tpu.vector_load %arg10[%get3A_1327, %get3A_1328] {strides = array<i32>} : memref<8x128xf32, #tpu.memory_space<vmem>>, vector<16xf32>,
        %add3A_1330 = arith.addf %get3A_1325, %get3A_1329 : vector<16xf32>
        %swap3A_1331 = arith.constant 3 : i32
        %swap3A_1332 = arith.index_cast %swap3A_1331 : i32 to index
        %swap3A_1333 = arith.constant 112 : index
        %swap3A_1334 = tpu.vector_load %arg11[%swap3A_1332, %swap3A_1333] {strides = array<i32>} : memref<8x128xf32, #tpu.memory_space<vmem>>, vector<16xf32>,
        tpu.vector_store %arg11[%swap3A_1332, %swap3A_1333], %add3A_1330 {strides = array<i32>} : memref<8x128xf32, #tpu.memory_space<vmem>>, vector<16xf32>,
        %get3A_1335 = arith.constant 4 : i32
        %get3A_1336 = arith.index_cast %get3A_1335 : i32 to index
        %get3A_1337 = arith.constant 0 : index
        %get3A_1338 = tpu.vector_load %arg11[%get3A_1336, %get3A_1337] {strides = array<i32>} : memref<8x128xf32, #tpu.memory_space<vmem>>, vector<16xf32>,
        %get3A_1339 = arith.constant 4 : i32
        %get3A_1340 = arith.index_cast %get3A_1339 : i32 to index
        %get3A_1341 = arith.constant 0 : index
        %get3A_1342 = tpu.vector_load %arg10[%get3A_1340, %get3A_1341] {strides = array<i32>} : memref<8x128xf32, #tpu.memory_space<vmem>>, vector<16xf32>,
        %add3A_1343 = arith.addf %get3A_1338, %get3A_1342 : vector<16xf32>
        %swap3A_1344 = arith.constant 4 : i32
        %swap3A_1345 = arith.index_cast %swap3A_1344 : i32 to index
        %swap3A_1346 = arith.constant 0 : index
        %swap3A_1347 = tpu.vector_load %arg11[%swap3A_1345, %swap3A_1346] {strides = array<i32>} : memref<8x128xf32, #tpu.memory_space<vmem>>, vector<16xf32>,
        tpu.vector_store %arg11[%swap3A_1345, %swap3A_1346], %add3A_1343 {strides = array<i32>} : memref<8x128xf32, #tpu.memory_space<vmem>>, vector<16xf32>,
        %get3A_1348 = arith.constant 4 : i32
        %get3A_1349 = arith.index_cast %get3A_1348 : i32 to index
        %get3A_1350 = arith.constant 16 : index
        %get3A_1351 = tpu.vector_load %arg11[%get3A_1349, %get3A_1350] {strides = array<i32>} : memref<8x128xf32, #tpu.memory_space<vmem>>, vector<16xf32>,
        %get3A_1352 = arith.constant 4 : i32
        %get3A_1353 = arith.index_cast %get3A_1352 : i32 to index
        %get3A_1354 = arith.constant 16 : index
        %get3A_1355 = tpu.vector_load %arg10[%get3A_1353, %get3A_1354] {strides = array<i32>} : memref<8x128xf32, #tpu.memory_space<vmem>>, vector<16xf32>,
        %add3A_1356 = arith.addf %get3A_1351, %get3A_1355 : vector<16xf32>
        %swap3A_1357 = arith.constant 4 : i32
        %swap3A_1358 = arith.index_cast %swap3A_1357 : i32 to index
        %swap3A_1359 = arith.constant 16 : index
        %swap3A_1360 = tpu.vector_load %arg11[%swap3A_1358, %swap3A_1359] {strides = array<i32>} : memref<8x128xf32, #tpu.memory_space<vmem>>, vector<16xf32>,
        tpu.vector_store %arg11[%swap3A_1358, %swap3A_1359], %add3A_1356 {strides = array<i32>} : memref<8x128xf32, #tpu.memory_space<vmem>>, vector<16xf32>,
        %get3A_1361 = arith.constant 4 : i32
        %get3A_1362 = arith.index_cast %get3A_1361 : i32 to index
        %get3A_1363 = arith.constant 32 : index
        %get3A_1364 = tpu.vector_load %arg11[%get3A_1362, %get3A_1363] {strides = array<i32>} : memref<8x128xf32, #tpu.memory_space<vmem>>, vector<16xf32>,
        %get3A_1365 = arith.constant 4 : i32
        %get3A_1366 = arith.index_cast %get3A_1365 : i32 to index
        %get3A_1367 = arith.constant 32 : index
        %get3A_1368 = tpu.vector_load %arg10[%get3A_1366, %get3A_1367] {strides = array<i32>} : memref<8x128xf32, #tpu.memory_space<vmem>>, vector<16xf32>,
        %add3A_1369 = arith.addf %get3A_1364, %get3A_1368 : vector<16xf32>
        %swap3A_1370 = arith.constant 4 : i32
        %swap3A_1371 = arith.index_cast %swap3A_1370 : i32 to index
        %swap3A_1372 = arith.constant 32 : index
        %swap3A_1373 = tpu.vector_load %arg11[%swap3A_1371, %swap3A_1372] {strides = array<i32>} : memref<8x128xf32, #tpu.memory_space<vmem>>, vector<16xf32>,
        tpu.vector_store %arg11[%swap3A_1371, %swap3A_1372], %add3A_1369 {strides = array<i32>} : memref<8x128xf32, #tpu.memory_space<vmem>>, vector<16xf32>,
        %get3A_1374 = arith.constant 4 : i32
        %get3A_1375 = arith.index_cast %get3A_1374 : i32 to index
        %get3A_1376 = arith.constant 48 : index
        %get3A_1377 = tpu.vector_load %arg11[%get3A_1375, %get3A_1376] {strides = array<i32>} : memref<8x128xf32, #tpu.memory_space<vmem>>, vector<16xf32>,
        %get3A_1378 = arith.constant 4 : i32
        %get3A_1379 = arith.index_cast %get3A_1378 : i32 to index
        %get3A_1380 = arith.constant 48 : index
        %get3A_1381 = tpu.vector_load %arg10[%get3A_1379, %get3A_1380] {strides = array<i32>} : memref<8x128xf32, #tpu.memory_space<vmem>>, vector<16xf32>,
        %add3A_1382 = arith.addf %get3A_1377, %get3A_1381 : vector<16xf32>
        %swap3A_1383 = arith.constant 4 : i32
        %swap3A_1384 = arith.index_cast %swap3A_1383 : i32 to index
        %swap3A_1385 = arith.constant 48 : index
        %swap3A_1386 = tpu.vector_load %arg11[%swap3A_1384, %swap3A_1385] {strides = array<i32>} : memref<8x128xf32, #tpu.memory_space<vmem>>, vector<16xf32>,
        tpu.vector_store %arg11[%swap3A_1384, %swap3A_1385], %add3A_1382 {strides = array<i32>} : memref<8x128xf32, #tpu.memory_space<vmem>>, vector<16xf32>,
        %get3A_1387 = arith.constant 4 : i32
        %get3A_1388 = arith.index_cast %get3A_1387 : i32 to index
        %get3A_1389 = arith.constant 64 : index
        %get3A_1390 = tpu.vector_load %arg11[%get3A_1388, %get3A_1389] {strides = array<i32>} : memref<8x128xf32, #tpu.memory_space<vmem>>, vector<16xf32>,
        %get3A_1391 = arith.constant 4 : i32
        %get3A_1392 = arith.index_cast %get3A_1391 : i32 to index
        %get3A_1393 = arith.constant 64 : index
        %get3A_1394 = tpu.vector_load %arg10[%get3A_1392, %get3A_1393] {strides = array<i32>} : memref<8x128xf32, #tpu.memory_space<vmem>>, vector<16xf32>,
        %add3A_1395 = arith.addf %get3A_1390, %get3A_1394 : vector<16xf32>
        %swap3A_1396 = arith.constant 4 : i32
        %swap3A_1397 = arith.index_cast %swap3A_1396 : i32 to index
        %swap3A_1398 = arith.constant 64 : index
        %swap3A_1399 = tpu.vector_load %arg11[%swap3A_1397, %swap3A_1398] {strides = array<i32>} : memref<8x128xf32, #tpu.memory_space<vmem>>, vector<16xf32>,
        tpu.vector_store %arg11[%swap3A_1397, %swap3A_1398], %add3A_1395 {strides = array<i32>} : memref<8x128xf32, #tpu.memory_space<vmem>>, vector<16xf32>,
        %get3A_1400 = arith.constant 4 : i32
        %get3A_1401 = arith.index_cast %get3A_1400 : i32 to index
        %get3A_1402 = arith.constant 80 : index
        %get3A_1403 = tpu.vector_load %arg11[%get3A_1401, %get3A_1402] {strides = array<i32>} : memref<8x128xf32, #tpu.memory_space<vmem>>, vector<16xf32>,
        %get3A_1404 = arith.constant 4 : i32
        %get3A_1405 = arith.index_cast %get3A_1404 : i32 to index
        %get3A_1406 = arith.constant 80 : index
        %get3A_1407 = tpu.vector_load %arg10[%get3A_1405, %get3A_1406] {strides = array<i32>} : memref<8x128xf32, #tpu.memory_space<vmem>>, vector<16xf32>,
        %add3A_1408 = arith.addf %get3A_1403, %get3A_1407 : vector<16xf32>
        %swap3A_1409 = arith.constant 4 : i32
        %swap3A_1410 = arith.index_cast %swap3A_1409 : i32 to index
        %swap3A_1411 = arith.constant 80 : index
        %swap3A_1412 = tpu.vector_load %arg11[%swap3A_1410, %swap3A_1411] {strides = array<i32>} : memref<8x128xf32, #tpu.memory_space<vmem>>, vector<16xf32>,
        tpu.vector_store %arg11[%swap3A_1410, %swap3A_1411], %add3A_1408 {strides = array<i32>} : memref<8x128xf32, #tpu.memory_space<vmem>>, vector<16xf32>,
        %get3A_1413 = arith.constant 4 : i32
        %get3A_1414 = arith.index_cast %get3A_1413 : i32 to index
        %get3A_1415 = arith.constant 96 : index
        %get3A_1416 = tpu.vector_load %arg11[%get3A_1414, %get3A_1415] {strides = array<i32>} : memref<8x128xf32, #tpu.memory_space<vmem>>, vector<16xf32>,
        %get3A_1417 = arith.constant 4 : i32
        %get3A_1418 = arith.index_cast %get3A_1417 : i32 to index
        %get3A_1419 = arith.constant 96 : index
        %get3A_1420 = tpu.vector_load %arg10[%get3A_1418, %get3A_1419] {strides = array<i32>} : memref<8x128xf32, #tpu.memory_space<vmem>>, vector<16xf32>,
        %add3A_1421 = arith.addf %get3A_1416, %get3A_1420 : vector<16xf32>
        %swap3A_1422 = arith.constant 4 : i32
        %swap3A_1423 = arith.index_cast %swap3A_1422 : i32 to index
        %swap3A_1424 = arith.constant 96 : index
        %swap3A_1425 = tpu.vector_load %arg11[%swap3A_1423, %swap3A_1424] {strides = array<i32>} : memref<8x128xf32, #tpu.memory_space<vmem>>, vector<16xf32>,
        tpu.vector_store %arg11[%swap3A_1423, %swap3A_1424], %add3A_1421 {strides = array<i32>} : memref<8x128xf32, #tpu.memory_space<vmem>>, vector<16xf32>,
        %get3A_1426 = arith.constant 4 : i32
        %get3A_1427 = arith.index_cast %get3A_1426 : i32 to index
        %get3A_1428 = arith.constant 112 : index
        %get3A_1429 = tpu.vector_load %arg11[%get3A_1427, %get3A_1428] {strides = array<i32>} : memref<8x128xf32, #tpu.memory_space<vmem>>, vector<16xf32>,
        %get3A_1430 = arith.constant 4 : i32
        %get3A_1431 = arith.index_cast %get3A_1430 : i32 to index
        %get3A_1432 = arith.constant 112 : index
        %get3A_1433 = tpu.vector_load %arg10[%get3A_1431, %get3A_1432] {strides = array<i32>} : memref<8x128xf32, #tpu.memory_space<vmem>>, vector<16xf32>,
        %add3A_1434 = arith.addf %get3A_1429, %get3A_1433 : vector<16xf32>
        %swap3A_1435 = arith.constant 4 : i32
        %swap3A_1436 = arith.index_cast %swap3A_1435 : i32 to index
        %swap3A_1437 = arith.constant 112 : index
        %swap3A_1438 = tpu.vector_load %arg11[%swap3A_1436, %swap3A_1437] {strides = array<i32>} : memref<8x128xf32, #tpu.memory_space<vmem>>, vector<16xf32>,
        tpu.vector_store %arg11[%swap3A_1436, %swap3A_1437], %add3A_1434 {strides = array<i32>} : memref<8x128xf32, #tpu.memory_space<vmem>>, vector<16xf32>,
        %scan3A_1439 = arith.constant 0 : i32
        scf.yield %scan3A_1439 : i32
      }
      %scan3A_440 = arith.constant 15 : i32
      %eq3A_441 = arith.constant 0 : i32
      %eq3A_442 = vector.broadcast %eq3A_441 : i32 to vector<16xi32>
      %eq3A_443 = arith.cmpi eq, %iota3A, %eq3A_442 : vector<16xi32>
      %get3A = arith.constant 4 : i32
      %get3A_444 = arith.index_cast %get3A : i32 to index
      %get3A_445 = arith.constant 0 : index
      %get3A_446 = tpu.vector_load %arg11[%get3A_444, %get3A_445] {strides = array<i32>} : memref<8x128xf32, #tpu.memory_space<vmem>>, vector<16xf32>,
      %reduce_sum3A = arith.constant true
      %reduce_sum3A_447 = vector.broadcast %reduce_sum3A : i1 to vector<16xi1>
      %reduce_sum3A_448 = tpu.scan <sum>, %get3A_446 masked %reduce_sum3A_447 : vector<16xf32>, vector<16xi1> -> vector<16xf32>
      %reduce_sum3A_449 = vector.extract %reduce_sum3A_448[15] : f32 from vector<16xf32>
      %broadcast_in_dim3A_450 = vector.broadcast %reduce_sum3A_449 : f32 to vector<16xf32>
      %select_n3A = arith.select %eq3A_443, %broadcast_in_dim3A_450, %broadcast_in_dim3A_0 : vector<16xi1>, vector<16xf32>
      %get3A_451 = arith.constant 0 : i32
      %get3A_452 = arith.index_cast %get3A_451 : i32 to index
      %get3A_453 = arith.constant 0 : index
      %get3A_454 = tpu.vector_load %arg11[%get3A_452, %get3A_453] {strides = array<i32>} : memref<8x128xf32, #tpu.memory_space<vmem>>, vector<16xf32>,
      %reduce_sum3A_455 = arith.constant true
      %reduce_sum3A_456 = vector.broadcast %reduce_sum3A_455 : i1 to vector<16xi1>
      %reduce_sum3A_457 = tpu.scan <sum>, %get3A_454 masked %reduce_sum3A_456 : vector<16xf32>, vector<16xi1> -> vector<16xf32>
      %reduce_sum3A_458 = vector.extract %reduce_sum3A_457[15] : f32 from vector<16xf32>
      %broadcast_in_dim3A_459 = vector.broadcast %reduce_sum3A_458 : f32 to vector<16xf32>
      %select_n3A_460 = arith.select %eq3A_443, %broadcast_in_dim3A_459, %broadcast_in_dim3A_0 : vector<16xi1>, vector<16xf32>
      %get3A_461 = arith.constant 1 : i32
      %get3A_462 = arith.index_cast %get3A_461 : i32 to index
      %get3A_463 = arith.constant 0 : index
      %get3A_464 = tpu.vector_load %arg11[%get3A_462, %get3A_463] {strides = array<i32>} : memref<8x128xf32, #tpu.memory_space<vmem>>, vector<16xf32>,
      %reduce_sum3A_465 = arith.constant true
      %reduce_sum3A_466 = vector.broadcast %reduce_sum3A_465 : i1 to vector<16xi1>
      %reduce_sum3A_467 = tpu.scan <sum>, %get3A_464 masked %reduce_sum3A_466 : vector<16xf32>, vector<16xi1> -> vector<16xf32>
      %reduce_sum3A_468 = vector.extract %reduce_sum3A_467[15] : f32 from vector<16xf32>
      %broadcast_in_dim3A_469 = vector.broadcast %reduce_sum3A_468 : f32 to vector<16xf32>
      %select_n3A_470 = arith.select %eq3A_443, %broadcast_in_dim3A_469, %broadcast_in_dim3A_0 : vector<16xi1>, vector<16xf32>
      %get3A_471 = arith.constant 2 : i32
      %get3A_472 = arith.index_cast %get3A_471 : i32 to index
      %get3A_473 = arith.constant 0 : index
      %get3A_474 = tpu.vector_load %arg11[%get3A_472, %get3A_473] {strides = array<i32>} : memref<8x128xf32, #tpu.memory_space<vmem>>, vector<16xf32>,
      %reduce_sum3A_475 = arith.constant true
      %reduce_sum3A_476 = vector.broadcast %reduce_sum3A_475 : i1 to vector<16xi1>
      %reduce_sum3A_477 = tpu.scan <sum>, %get3A_474 masked %reduce_sum3A_476 : vector<16xf32>, vector<16xi1> -> vector<16xf32>
      %reduce_sum3A_478 = vector.extract %reduce_sum3A_477[15] : f32 from vector<16xf32>
      %broadcast_in_dim3A_479 = vector.broadcast %reduce_sum3A_478 : f32 to vector<16xf32>
      %select_n3A_480 = arith.select %eq3A_443, %broadcast_in_dim3A_479, %broadcast_in_dim3A_0 : vector<16xi1>, vector<16xf32>
      %get3A_481 = arith.constant 3 : i32
      %get3A_482 = arith.index_cast %get3A_481 : i32 to index
      %get3A_483 = arith.constant 0 : index
      %get3A_484 = tpu.vector_load %arg11[%get3A_482, %get3A_483] {strides = array<i32>} : memref<8x128xf32, #tpu.memory_space<vmem>>, vector<16xf32>,
      %reduce_sum3A_485 = arith.constant true
      %reduce_sum3A_486 = vector.broadcast %reduce_sum3A_485 : i1 to vector<16xi1>
      %reduce_sum3A_487 = tpu.scan <sum>, %get3A_484 masked %reduce_sum3A_486 : vector<16xf32>, vector<16xi1> -> vector<16xf32>
      %reduce_sum3A_488 = vector.extract %reduce_sum3A_487[15] : f32 from vector<16xf32>
      %broadcast_in_dim3A_489 = vector.broadcast %reduce_sum3A_488 : f32 to vector<16xf32>
      %select_n3A_490 = arith.select %eq3A_443, %broadcast_in_dim3A_489, %broadcast_in_dim3A_0 : vector<16xi1>, vector<16xf32>
      %eq3A_491 = arith.constant 1 : i32
      %eq3A_492 = vector.broadcast %eq3A_491 : i32 to vector<16xi32>
      %eq3A_493 = arith.cmpi eq, %iota3A, %eq3A_492 : vector<16xi32>
      %get3A_494 = arith.constant 4 : i32
      %get3A_495 = arith.index_cast %get3A_494 : i32 to index
      %get3A_496 = arith.constant 16 : index
      %get3A_497 = tpu.vector_load %arg11[%get3A_495, %get3A_496] {strides = array<i32>} : memref<8x128xf32, #tpu.memory_space<vmem>>, vector<16xf32>,
      %reduce_sum3A_498 = arith.constant true
      %reduce_sum3A_499 = vector.broadcast %reduce_sum3A_498 : i1 to vector<16xi1>
      %reduce_sum3A_500 = tpu.scan <sum>, %get3A_497 masked %reduce_sum3A_499 : vector<16xf32>, vector<16xi1> -> vector<16xf32>
      %reduce_sum3A_501 = vector.extract %reduce_sum3A_500[15] : f32 from vector<16xf32>
      %broadcast_in_dim3A_502 = vector.broadcast %reduce_sum3A_501 : f32 to vector<16xf32>
      %select_n3A_503 = arith.select %eq3A_493, %broadcast_in_dim3A_502, %select_n3A : vector<16xi1>, vector<16xf32>
      %get3A_504 = arith.constant 0 : i32
      %get3A_505 = arith.index_cast %get3A_504 : i32 to index
      %get3A_506 = arith.constant 16 : index
      %get3A_507 = tpu.vector_load %arg11[%get3A_505, %get3A_506] {strides = array<i32>} : memref<8x128xf32, #tpu.memory_space<vmem>>, vector<16xf32>,
      %reduce_sum3A_508 = arith.constant true
      %reduce_sum3A_509 = vector.broadcast %reduce_sum3A_508 : i1 to vector<16xi1>
      %reduce_sum3A_510 = tpu.scan <sum>, %get3A_507 masked %reduce_sum3A_509 : vector<16xf32>, vector<16xi1> -> vector<16xf32>
      %reduce_sum3A_511 = vector.extract %reduce_sum3A_510[15] : f32 from vector<16xf32>
      %broadcast_in_dim3A_512 = vector.broadcast %reduce_sum3A_511 : f32 to vector<16xf32>
      %select_n3A_513 = arith.select %eq3A_493, %broadcast_in_dim3A_512, %select_n3A_460 : vector<16xi1>, vector<16xf32>
      %get3A_514 = arith.constant 1 : i32
      %get3A_515 = arith.index_cast %get3A_514 : i32 to index
      %get3A_516 = arith.constant 16 : index
      %get3A_517 = tpu.vector_load %arg11[%get3A_515, %get3A_516] {strides = array<i32>} : memref<8x128xf32, #tpu.memory_space<vmem>>, vector<16xf32>,
      %reduce_sum3A_518 = arith.constant true
      %reduce_sum3A_519 = vector.broadcast %reduce_sum3A_518 : i1 to vector<16xi1>
      %reduce_sum3A_520 = tpu.scan <sum>, %get3A_517 masked %reduce_sum3A_519 : vector<16xf32>, vector<16xi1> -> vector<16xf32>
      %reduce_sum3A_521 = vector.extract %reduce_sum3A_520[15] : f32 from vector<16xf32>
      %broadcast_in_dim3A_522 = vector.broadcast %reduce_sum3A_521 : f32 to vector<16xf32>
      %select_n3A_523 = arith.select %eq3A_493, %broadcast_in_dim3A_522, %select_n3A_470 : vector<16xi1>, vector<16xf32>
      %get3A_524 = arith.constant 2 : i32
      %get3A_525 = arith.index_cast %get3A_524 : i32 to index
      %get3A_526 = arith.constant 16 : index
      %get3A_527 = tpu.vector_load %arg11[%get3A_525, %get3A_526] {strides = array<i32>} : memref<8x128xf32, #tpu.memory_space<vmem>>, vector<16xf32>,
      %reduce_sum3A_528 = arith.constant true
      %reduce_sum3A_529 = vector.broadcast %reduce_sum3A_528 : i1 to vector<16xi1>
      %reduce_sum3A_530 = tpu.scan <sum>, %get3A_527 masked %reduce_sum3A_529 : vector<16xf32>, vector<16xi1> -> vector<16xf32>
      %reduce_sum3A_531 = vector.extract %reduce_sum3A_530[15] : f32 from vector<16xf32>
      %broadcast_in_dim3A_532 = vector.broadcast %reduce_sum3A_531 : f32 to vector<16xf32>
      %select_n3A_533 = arith.select %eq3A_493, %broadcast_in_dim3A_532, %select_n3A_480 : vector<16xi1>, vector<16xf32>
      %get3A_534 = arith.constant 3 : i32
      %get3A_535 = arith.index_cast %get3A_534 : i32 to index
      %get3A_536 = arith.constant 16 : index
      %get3A_537 = tpu.vector_load %arg11[%get3A_535, %get3A_536] {strides = array<i32>} : memref<8x128xf32, #tpu.memory_space<vmem>>, vector<16xf32>,
      %reduce_sum3A_538 = arith.constant true
      %reduce_sum3A_539 = vector.broadcast %reduce_sum3A_538 : i1 to vector<16xi1>
      %reduce_sum3A_540 = tpu.scan <sum>, %get3A_537 masked %reduce_sum3A_539 : vector<16xf32>, vector<16xi1> -> vector<16xf32>
      %reduce_sum3A_541 = vector.extract %reduce_sum3A_540[15] : f32 from vector<16xf32>
      %broadcast_in_dim3A_542 = vector.broadcast %reduce_sum3A_541 : f32 to vector<16xf32>
      %select_n3A_543 = arith.select %eq3A_493, %broadcast_in_dim3A_542, %select_n3A_490 : vector<16xi1>, vector<16xf32>
      %eq3A_544 = arith.constant 2 : i32
      %eq3A_545 = vector.broadcast %eq3A_544 : i32 to vector<16xi32>
      %eq3A_546 = arith.cmpi eq, %iota3A, %eq3A_545 : vector<16xi32>
      %get3A_547 = arith.constant 4 : i32
      %get3A_548 = arith.index_cast %get3A_547 : i32 to index
      %get3A_549 = arith.constant 32 : index
      %get3A_550 = tpu.vector_load %arg11[%get3A_548, %get3A_549] {strides = array<i32>} : memref<8x128xf32, #tpu.memory_space<vmem>>, vector<16xf32>,
      %reduce_sum3A_551 = arith.constant true
      %reduce_sum3A_552 = vector.broadcast %reduce_sum3A_551 : i1 to vector<16xi1>
      %reduce_sum3A_553 = tpu.scan <sum>, %get3A_550 masked %reduce_sum3A_552 : vector<16xf32>, vector<16xi1> -> vector<16xf32>
      %reduce_sum3A_554 = vector.extract %reduce_sum3A_553[15] : f32 from vector<16xf32>
      %broadcast_in_dim3A_555 = vector.broadcast %reduce_sum3A_554 : f32 to vector<16xf32>
      %select_n3A_556 = arith.select %eq3A_546, %broadcast_in_dim3A_555, %select_n3A_503 : vector<16xi1>, vector<16xf32>
      %get3A_557 = arith.constant 0 : i32
      %get3A_558 = arith.index_cast %get3A_557 : i32 to index
      %get3A_559 = arith.constant 32 : index
      %get3A_560 = tpu.vector_load %arg11[%get3A_558, %get3A_559] {strides = array<i32>} : memref<8x128xf32, #tpu.memory_space<vmem>>, vector<16xf32>,
      %reduce_sum3A_561 = arith.constant true
      %reduce_sum3A_562 = vector.broadcast %reduce_sum3A_561 : i1 to vector<16xi1>
      %reduce_sum3A_563 = tpu.scan <sum>, %get3A_560 masked %reduce_sum3A_562 : vector<16xf32>, vector<16xi1> -> vector<16xf32>
      %reduce_sum3A_564 = vector.extract %reduce_sum3A_563[15] : f32 from vector<16xf32>
      %broadcast_in_dim3A_565 = vector.broadcast %reduce_sum3A_564 : f32 to vector<16xf32>
      %select_n3A_566 = arith.select %eq3A_546, %broadcast_in_dim3A_565, %select_n3A_513 : vector<16xi1>, vector<16xf32>
      %get3A_567 = arith.constant 1 : i32
      %get3A_568 = arith.index_cast %get3A_567 : i32 to index
      %get3A_569 = arith.constant 32 : index
      %get3A_570 = tpu.vector_load %arg11[%get3A_568, %get3A_569] {strides = array<i32>} : memref<8x128xf32, #tpu.memory_space<vmem>>, vector<16xf32>,
      %reduce_sum3A_571 = arith.constant true
      %reduce_sum3A_572 = vector.broadcast %reduce_sum3A_571 : i1 to vector<16xi1>
      %reduce_sum3A_573 = tpu.scan <sum>, %get3A_570 masked %reduce_sum3A_572 : vector<16xf32>, vector<16xi1> -> vector<16xf32>
      %reduce_sum3A_574 = vector.extract %reduce_sum3A_573[15] : f32 from vector<16xf32>
      %broadcast_in_dim3A_575 = vector.broadcast %reduce_sum3A_574 : f32 to vector<16xf32>
      %select_n3A_576 = arith.select %eq3A_546, %broadcast_in_dim3A_575, %select_n3A_523 : vector<16xi1>, vector<16xf32>
      %get3A_577 = arith.constant 2 : i32
      %get3A_578 = arith.index_cast %get3A_577 : i32 to index
      %get3A_579 = arith.constant 32 : index
      %get3A_580 = tpu.vector_load %arg11[%get3A_578, %get3A_579] {strides = array<i32>} : memref<8x128xf32, #tpu.memory_space<vmem>>, vector<16xf32>,
      %reduce_sum3A_581 = arith.constant true
      %reduce_sum3A_582 = vector.broadcast %reduce_sum3A_581 : i1 to vector<16xi1>
      %reduce_sum3A_583 = tpu.scan <sum>, %get3A_580 masked %reduce_sum3A_582 : vector<16xf32>, vector<16xi1> -> vector<16xf32>
      %reduce_sum3A_584 = vector.extract %reduce_sum3A_583[15] : f32 from vector<16xf32>
      %broadcast_in_dim3A_585 = vector.broadcast %reduce_sum3A_584 : f32 to vector<16xf32>
      %select_n3A_586 = arith.select %eq3A_546, %broadcast_in_dim3A_585, %select_n3A_533 : vector<16xi1>, vector<16xf32>
      %get3A_587 = arith.constant 3 : i32
      %get3A_588 = arith.index_cast %get3A_587 : i32 to index
      %get3A_589 = arith.constant 32 : index
      %get3A_590 = tpu.vector_load %arg11[%get3A_588, %get3A_589] {strides = array<i32>} : memref<8x128xf32, #tpu.memory_space<vmem>>, vector<16xf32>,
      %reduce_sum3A_591 = arith.constant true
      %reduce_sum3A_592 = vector.broadcast %reduce_sum3A_591 : i1 to vector<16xi1>
      %reduce_sum3A_593 = tpu.scan <sum>, %get3A_590 masked %reduce_sum3A_592 : vector<16xf32>, vector<16xi1> -> vector<16xf32>
      %reduce_sum3A_594 = vector.extract %reduce_sum3A_593[15] : f32 from vector<16xf32>
      %broadcast_in_dim3A_595 = vector.broadcast %reduce_sum3A_594 : f32 to vector<16xf32>
      %select_n3A_596 = arith.select %eq3A_546, %broadcast_in_dim3A_595, %select_n3A_543 : vector<16xi1>, vector<16xf32>
      %eq3A_597 = arith.constant 3 : i32
      %eq3A_598 = vector.broadcast %eq3A_597 : i32 to vector<16xi32>
      %eq3A_599 = arith.cmpi eq, %iota3A, %eq3A_598 : vector<16xi32>
      %get3A_600 = arith.constant 4 : i32
      %get3A_601 = arith.index_cast %get3A_600 : i32 to index
      %get3A_602 = arith.constant 48 : index
      %get3A_603 = tpu.vector_load %arg11[%get3A_601, %get3A_602] {strides = array<i32>} : memref<8x128xf32, #tpu.memory_space<vmem>>, vector<16xf32>,
      %reduce_sum3A_604 = arith.constant true
      %reduce_sum3A_605 = vector.broadcast %reduce_sum3A_604 : i1 to vector<16xi1>
      %reduce_sum3A_606 = tpu.scan <sum>, %get3A_603 masked %reduce_sum3A_605 : vector<16xf32>, vector<16xi1> -> vector<16xf32>
      %reduce_sum3A_607 = vector.extract %reduce_sum3A_606[15] : f32 from vector<16xf32>
      %broadcast_in_dim3A_608 = vector.broadcast %reduce_sum3A_607 : f32 to vector<16xf32>
      %select_n3A_609 = arith.select %eq3A_599, %broadcast_in_dim3A_608, %select_n3A_556 : vector<16xi1>, vector<16xf32>
      %get3A_610 = arith.constant 0 : i32
      %get3A_611 = arith.index_cast %get3A_610 : i32 to index
      %get3A_612 = arith.constant 48 : index
      %get3A_613 = tpu.vector_load %arg11[%get3A_611, %get3A_612] {strides = array<i32>} : memref<8x128xf32, #tpu.memory_space<vmem>>, vector<16xf32>,
      %reduce_sum3A_614 = arith.constant true
      %reduce_sum3A_615 = vector.broadcast %reduce_sum3A_614 : i1 to vector<16xi1>
      %reduce_sum3A_616 = tpu.scan <sum>, %get3A_613 masked %reduce_sum3A_615 : vector<16xf32>, vector<16xi1> -> vector<16xf32>
      %reduce_sum3A_617 = vector.extract %reduce_sum3A_616[15] : f32 from vector<16xf32>
      %broadcast_in_dim3A_618 = vector.broadcast %reduce_sum3A_617 : f32 to vector<16xf32>
      %select_n3A_619 = arith.select %eq3A_599, %broadcast_in_dim3A_618, %select_n3A_566 : vector<16xi1>, vector<16xf32>
      %get3A_620 = arith.constant 1 : i32
      %get3A_621 = arith.index_cast %get3A_620 : i32 to index
      %get3A_622 = arith.constant 48 : index
      %get3A_623 = tpu.vector_load %arg11[%get3A_621, %get3A_622] {strides = array<i32>} : memref<8x128xf32, #tpu.memory_space<vmem>>, vector<16xf32>,
      %reduce_sum3A_624 = arith.constant true
      %reduce_sum3A_625 = vector.broadcast %reduce_sum3A_624 : i1 to vector<16xi1>
      %reduce_sum3A_626 = tpu.scan <sum>, %get3A_623 masked %reduce_sum3A_625 : vector<16xf32>, vector<16xi1> -> vector<16xf32>
      %reduce_sum3A_627 = vector.extract %reduce_sum3A_626[15] : f32 from vector<16xf32>
      %broadcast_in_dim3A_628 = vector.broadcast %reduce_sum3A_627 : f32 to vector<16xf32>
      %select_n3A_629 = arith.select %eq3A_599, %broadcast_in_dim3A_628, %select_n3A_576 : vector<16xi1>, vector<16xf32>
      %get3A_630 = arith.constant 2 : i32
      %get3A_631 = arith.index_cast %get3A_630 : i32 to index
      %get3A_632 = arith.constant 48 : index
      %get3A_633 = tpu.vector_load %arg11[%get3A_631, %get3A_632] {strides = array<i32>} : memref<8x128xf32, #tpu.memory_space<vmem>>, vector<16xf32>,
      %reduce_sum3A_634 = arith.constant true
      %reduce_sum3A_635 = vector.broadcast %reduce_sum3A_634 : i1 to vector<16xi1>
      %reduce_sum3A_636 = tpu.scan <sum>, %get3A_633 masked %reduce_sum3A_635 : vector<16xf32>, vector<16xi1> -> vector<16xf32>
      %reduce_sum3A_637 = vector.extract %reduce_sum3A_636[15] : f32 from vector<16xf32>
      %broadcast_in_dim3A_638 = vector.broadcast %reduce_sum3A_637 : f32 to vector<16xf32>
      %select_n3A_639 = arith.select %eq3A_599, %broadcast_in_dim3A_638, %select_n3A_586 : vector<16xi1>, vector<16xf32>
      %get3A_640 = arith.constant 3 : i32
      %get3A_641 = arith.index_cast %get3A_640 : i32 to index
      %get3A_642 = arith.constant 48 : index
      %get3A_643 = tpu.vector_load %arg11[%get3A_641, %get3A_642] {strides = array<i32>} : memref<8x128xf32, #tpu.memory_space<vmem>>, vector<16xf32>,
      %reduce_sum3A_644 = arith.constant true
      %reduce_sum3A_645 = vector.broadcast %reduce_sum3A_644 : i1 to vector<16xi1>
      %reduce_sum3A_646 = tpu.scan <sum>, %get3A_643 masked %reduce_sum3A_645 : vector<16xf32>, vector<16xi1> -> vector<16xf32>
      %reduce_sum3A_647 = vector.extract %reduce_sum3A_646[15] : f32 from vector<16xf32>
      %broadcast_in_dim3A_648 = vector.broadcast %reduce_sum3A_647 : f32 to vector<16xf32>
      %select_n3A_649 = arith.select %eq3A_599, %broadcast_in_dim3A_648, %select_n3A_596 : vector<16xi1>, vector<16xf32>
      %eq3A_650 = arith.constant 4 : i32
      %eq3A_651 = vector.broadcast %eq3A_650 : i32 to vector<16xi32>
      %eq3A_652 = arith.cmpi eq, %iota3A, %eq3A_651 : vector<16xi32>
      %get3A_653 = arith.constant 4 : i32
      %get3A_654 = arith.index_cast %get3A_653 : i32 to index
      %get3A_655 = arith.constant 64 : index
      %get3A_656 = tpu.vector_load %arg11[%get3A_654, %get3A_655] {strides = array<i32>} : memref<8x128xf32, #tpu.memory_space<vmem>>, vector<16xf32>,
      %reduce_sum3A_657 = arith.constant true
      %reduce_sum3A_658 = vector.broadcast %reduce_sum3A_657 : i1 to vector<16xi1>
      %reduce_sum3A_659 = tpu.scan <sum>, %get3A_656 masked %reduce_sum3A_658 : vector<16xf32>, vector<16xi1> -> vector<16xf32>
      %reduce_sum3A_660 = vector.extract %reduce_sum3A_659[15] : f32 from vector<16xf32>
      %broadcast_in_dim3A_661 = vector.broadcast %reduce_sum3A_660 : f32 to vector<16xf32>
      %select_n3A_662 = arith.select %eq3A_652, %broadcast_in_dim3A_661, %select_n3A_609 : vector<16xi1>, vector<16xf32>
      %get3A_663 = arith.constant 0 : i32
      %get3A_664 = arith.index_cast %get3A_663 : i32 to index
      %get3A_665 = arith.constant 64 : index
      %get3A_666 = tpu.vector_load %arg11[%get3A_664, %get3A_665] {strides = array<i32>} : memref<8x128xf32, #tpu.memory_space<vmem>>, vector<16xf32>,
      %reduce_sum3A_667 = arith.constant true
      %reduce_sum3A_668 = vector.broadcast %reduce_sum3A_667 : i1 to vector<16xi1>
      %reduce_sum3A_669 = tpu.scan <sum>, %get3A_666 masked %reduce_sum3A_668 : vector<16xf32>, vector<16xi1> -> vector<16xf32>
      %reduce_sum3A_670 = vector.extract %reduce_sum3A_669[15] : f32 from vector<16xf32>
      %broadcast_in_dim3A_671 = vector.broadcast %reduce_sum3A_670 : f32 to vector<16xf32>
      %select_n3A_672 = arith.select %eq3A_652, %broadcast_in_dim3A_671, %select_n3A_619 : vector<16xi1>, vector<16xf32>
      %get3A_673 = arith.constant 1 : i32
      %get3A_674 = arith.index_cast %get3A_673 : i32 to index
      %get3A_675 = arith.constant 64 : index
      %get3A_676 = tpu.vector_load %arg11[%get3A_674, %get3A_675] {strides = array<i32>} : memref<8x128xf32, #tpu.memory_space<vmem>>, vector<16xf32>,
      %reduce_sum3A_677 = arith.constant true
      %reduce_sum3A_678 = vector.broadcast %reduce_sum3A_677 : i1 to vector<16xi1>
      %reduce_sum3A_679 = tpu.scan <sum>, %get3A_676 masked %reduce_sum3A_678 : vector<16xf32>, vector<16xi1> -> vector<16xf32>
      %reduce_sum3A_680 = vector.extract %reduce_sum3A_679[15] : f32 from vector<16xf32>
      %broadcast_in_dim3A_681 = vector.broadcast %reduce_sum3A_680 : f32 to vector<16xf32>
      %select_n3A_682 = arith.select %eq3A_652, %broadcast_in_dim3A_681, %select_n3A_629 : vector<16xi1>, vector<16xf32>
      %get3A_683 = arith.constant 2 : i32
      %get3A_684 = arith.index_cast %get3A_683 : i32 to index
      %get3A_685 = arith.constant 64 : index
      %get3A_686 = tpu.vector_load %arg11[%get3A_684, %get3A_685] {strides = array<i32>} : memref<8x128xf32, #tpu.memory_space<vmem>>, vector<16xf32>,
      %reduce_sum3A_687 = arith.constant true
      %reduce_sum3A_688 = vector.broadcast %reduce_sum3A_687 : i1 to vector<16xi1>
      %reduce_sum3A_689 = tpu.scan <sum>, %get3A_686 masked %reduce_sum3A_688 : vector<16xf32>, vector<16xi1> -> vector<16xf32>
      %reduce_sum3A_690 = vector.extract %reduce_sum3A_689[15] : f32 from vector<16xf32>
      %broadcast_in_dim3A_691 = vector.broadcast %reduce_sum3A_690 : f32 to vector<16xf32>
      %select_n3A_692 = arith.select %eq3A_652, %broadcast_in_dim3A_691, %select_n3A_639 : vector<16xi1>, vector<16xf32>
      %get3A_693 = arith.constant 3 : i32
      %get3A_694 = arith.index_cast %get3A_693 : i32 to index
      %get3A_695 = arith.constant 64 : index
      %get3A_696 = tpu.vector_load %arg11[%get3A_694, %get3A_695] {strides = array<i32>} : memref<8x128xf32, #tpu.memory_space<vmem>>, vector<16xf32>,
      %reduce_sum3A_697 = arith.constant true
      %reduce_sum3A_698 = vector.broadcast %reduce_sum3A_697 : i1 to vector<16xi1>
      %reduce_sum3A_699 = tpu.scan <sum>, %get3A_696 masked %reduce_sum3A_698 : vector<16xf32>, vector<16xi1> -> vector<16xf32>
      %reduce_sum3A_700 = vector.extract %reduce_sum3A_699[15] : f32 from vector<16xf32>
      %broadcast_in_dim3A_701 = vector.broadcast %reduce_sum3A_700 : f32 to vector<16xf32>
      %select_n3A_702 = arith.select %eq3A_652, %broadcast_in_dim3A_701, %select_n3A_649 : vector<16xi1>, vector<16xf32>
      %eq3A_703 = arith.constant 5 : i32
      %eq3A_704 = vector.broadcast %eq3A_703 : i32 to vector<16xi32>
      %eq3A_705 = arith.cmpi eq, %iota3A, %eq3A_704 : vector<16xi32>
      %get3A_706 = arith.constant 4 : i32
      %get3A_707 = arith.index_cast %get3A_706 : i32 to index
      %get3A_708 = arith.constant 80 : index
      %get3A_709 = tpu.vector_load %arg11[%get3A_707, %get3A_708] {strides = array<i32>} : memref<8x128xf32, #tpu.memory_space<vmem>>, vector<16xf32>,
      %reduce_sum3A_710 = arith.constant true
      %reduce_sum3A_711 = vector.broadcast %reduce_sum3A_710 : i1 to vector<16xi1>
      %reduce_sum3A_712 = tpu.scan <sum>, %get3A_709 masked %reduce_sum3A_711 : vector<16xf32>, vector<16xi1> -> vector<16xf32>
      %reduce_sum3A_713 = vector.extract %reduce_sum3A_712[15] : f32 from vector<16xf32>
      %broadcast_in_dim3A_714 = vector.broadcast %reduce_sum3A_713 : f32 to vector<16xf32>
      %select_n3A_715 = arith.select %eq3A_705, %broadcast_in_dim3A_714, %select_n3A_662 : vector<16xi1>, vector<16xf32>
      %get3A_716 = arith.constant 0 : i32
      %get3A_717 = arith.index_cast %get3A_716 : i32 to index
      %get3A_718 = arith.constant 80 : index
      %get3A_719 = tpu.vector_load %arg11[%get3A_717, %get3A_718] {strides = array<i32>} : memref<8x128xf32, #tpu.memory_space<vmem>>, vector<16xf32>,
      %reduce_sum3A_720 = arith.constant true
      %reduce_sum3A_721 = vector.broadcast %reduce_sum3A_720 : i1 to vector<16xi1>
      %reduce_sum3A_722 = tpu.scan <sum>, %get3A_719 masked %reduce_sum3A_721 : vector<16xf32>, vector<16xi1> -> vector<16xf32>
      %reduce_sum3A_723 = vector.extract %reduce_sum3A_722[15] : f32 from vector<16xf32>
      %broadcast_in_dim3A_724 = vector.broadcast %reduce_sum3A_723 : f32 to vector<16xf32>
      %select_n3A_725 = arith.select %eq3A_705, %broadcast_in_dim3A_724, %select_n3A_672 : vector<16xi1>, vector<16xf32>
      %get3A_726 = arith.constant 1 : i32
      %get3A_727 = arith.index_cast %get3A_726 : i32 to index
      %get3A_728 = arith.constant 80 : index
      %get3A_729 = tpu.vector_load %arg11[%get3A_727, %get3A_728] {strides = array<i32>} : memref<8x128xf32, #tpu.memory_space<vmem>>, vector<16xf32>,
      %reduce_sum3A_730 = arith.constant true
      %reduce_sum3A_731 = vector.broadcast %reduce_sum3A_730 : i1 to vector<16xi1>
      %reduce_sum3A_732 = tpu.scan <sum>, %get3A_729 masked %reduce_sum3A_731 : vector<16xf32>, vector<16xi1> -> vector<16xf32>
      %reduce_sum3A_733 = vector.extract %reduce_sum3A_732[15] : f32 from vector<16xf32>
      %broadcast_in_dim3A_734 = vector.broadcast %reduce_sum3A_733 : f32 to vector<16xf32>
      %select_n3A_735 = arith.select %eq3A_705, %broadcast_in_dim3A_734, %select_n3A_682 : vector<16xi1>, vector<16xf32>
      %get3A_736 = arith.constant 2 : i32
      %get3A_737 = arith.index_cast %get3A_736 : i32 to index
      %get3A_738 = arith.constant 80 : index
      %get3A_739 = tpu.vector_load %arg11[%get3A_737, %get3A_738] {strides = array<i32>} : memref<8x128xf32, #tpu.memory_space<vmem>>, vector<16xf32>,
      %reduce_sum3A_740 = arith.constant true
      %reduce_sum3A_741 = vector.broadcast %reduce_sum3A_740 : i1 to vector<16xi1>
      %reduce_sum3A_742 = tpu.scan <sum>, %get3A_739 masked %reduce_sum3A_741 : vector<16xf32>, vector<16xi1> -> vector<16xf32>
      %reduce_sum3A_743 = vector.extract %reduce_sum3A_742[15] : f32 from vector<16xf32>
      %broadcast_in_dim3A_744 = vector.broadcast %reduce_sum3A_743 : f32 to vector<16xf32>
      %select_n3A_745 = arith.select %eq3A_705, %broadcast_in_dim3A_744, %select_n3A_692 : vector<16xi1>, vector<16xf32>
      %get3A_746 = arith.constant 3 : i32
      %get3A_747 = arith.index_cast %get3A_746 : i32 to index
      %get3A_748 = arith.constant 80 : index
      %get3A_749 = tpu.vector_load %arg11[%get3A_747, %get3A_748] {strides = array<i32>} : memref<8x128xf32, #tpu.memory_space<vmem>>, vector<16xf32>,
      %reduce_sum3A_750 = arith.constant true
      %reduce_sum3A_751 = vector.broadcast %reduce_sum3A_750 : i1 to vector<16xi1>
      %reduce_sum3A_752 = tpu.scan <sum>, %get3A_749 masked %reduce_sum3A_751 : vector<16xf32>, vector<16xi1> -> vector<16xf32>
      %reduce_sum3A_753 = vector.extract %reduce_sum3A_752[15] : f32 from vector<16xf32>
      %broadcast_in_dim3A_754 = vector.broadcast %reduce_sum3A_753 : f32 to vector<16xf32>
      %select_n3A_755 = arith.select %eq3A_705, %broadcast_in_dim3A_754, %select_n3A_702 : vector<16xi1>, vector<16xf32>
      %eq3A_756 = arith.constant 6 : i32
      %eq3A_757 = vector.broadcast %eq3A_756 : i32 to vector<16xi32>
      %eq3A_758 = arith.cmpi eq, %iota3A, %eq3A_757 : vector<16xi32>
      %get3A_759 = arith.constant 4 : i32
      %get3A_760 = arith.index_cast %get3A_759 : i32 to index
      %get3A_761 = arith.constant 96 : index
      %get3A_762 = tpu.vector_load %arg11[%get3A_760, %get3A_761] {strides = array<i32>} : memref<8x128xf32, #tpu.memory_space<vmem>>, vector<16xf32>,
      %reduce_sum3A_763 = arith.constant true
      %reduce_sum3A_764 = vector.broadcast %reduce_sum3A_763 : i1 to vector<16xi1>
      %reduce_sum3A_765 = tpu.scan <sum>, %get3A_762 masked %reduce_sum3A_764 : vector<16xf32>, vector<16xi1> -> vector<16xf32>
      %reduce_sum3A_766 = vector.extract %reduce_sum3A_765[15] : f32 from vector<16xf32>
      %broadcast_in_dim3A_767 = vector.broadcast %reduce_sum3A_766 : f32 to vector<16xf32>
      %select_n3A_768 = arith.select %eq3A_758, %broadcast_in_dim3A_767, %select_n3A_715 : vector<16xi1>, vector<16xf32>
      %get3A_769 = arith.constant 0 : i32
      %get3A_770 = arith.index_cast %get3A_769 : i32 to index
      %get3A_771 = arith.constant 96 : index
      %get3A_772 = tpu.vector_load %arg11[%get3A_770, %get3A_771] {strides = array<i32>} : memref<8x128xf32, #tpu.memory_space<vmem>>, vector<16xf32>,
      %reduce_sum3A_773 = arith.constant true
      %reduce_sum3A_774 = vector.broadcast %reduce_sum3A_773 : i1 to vector<16xi1>
      %reduce_sum3A_775 = tpu.scan <sum>, %get3A_772 masked %reduce_sum3A_774 : vector<16xf32>, vector<16xi1> -> vector<16xf32>
      %reduce_sum3A_776 = vector.extract %reduce_sum3A_775[15] : f32 from vector<16xf32>
      %broadcast_in_dim3A_777 = vector.broadcast %reduce_sum3A_776 : f32 to vector<16xf32>
      %select_n3A_778 = arith.select %eq3A_758, %broadcast_in_dim3A_777, %select_n3A_725 : vector<16xi1>, vector<16xf32>
      %get3A_779 = arith.constant 1 : i32
      %get3A_780 = arith.index_cast %get3A_779 : i32 to index
      %get3A_781 = arith.constant 96 : index
      %get3A_782 = tpu.vector_load %arg11[%get3A_780, %get3A_781] {strides = array<i32>} : memref<8x128xf32, #tpu.memory_space<vmem>>, vector<16xf32>,
      %reduce_sum3A_783 = arith.constant true
      %reduce_sum3A_784 = vector.broadcast %reduce_sum3A_783 : i1 to vector<16xi1>
      %reduce_sum3A_785 = tpu.scan <sum>, %get3A_782 masked %reduce_sum3A_784 : vector<16xf32>, vector<16xi1> -> vector<16xf32>
      %reduce_sum3A_786 = vector.extract %reduce_sum3A_785[15] : f32 from vector<16xf32>
      %broadcast_in_dim3A_787 = vector.broadcast %reduce_sum3A_786 : f32 to vector<16xf32>
      %select_n3A_788 = arith.select %eq3A_758, %broadcast_in_dim3A_787, %select_n3A_735 : vector<16xi1>, vector<16xf32>
      %get3A_789 = arith.constant 2 : i32
      %get3A_790 = arith.index_cast %get3A_789 : i32 to index
      %get3A_791 = arith.constant 96 : index
      %get3A_792 = tpu.vector_load %arg11[%get3A_790, %get3A_791] {strides = array<i32>} : memref<8x128xf32, #tpu.memory_space<vmem>>, vector<16xf32>,
      %reduce_sum3A_793 = arith.constant true
      %reduce_sum3A_794 = vector.broadcast %reduce_sum3A_793 : i1 to vector<16xi1>
      %reduce_sum3A_795 = tpu.scan <sum>, %get3A_792 masked %reduce_sum3A_794 : vector<16xf32>, vector<16xi1> -> vector<16xf32>
      %reduce_sum3A_796 = vector.extract %reduce_sum3A_795[15] : f32 from vector<16xf32>
      %broadcast_in_dim3A_797 = vector.broadcast %reduce_sum3A_796 : f32 to vector<16xf32>
      %select_n3A_798 = arith.select %eq3A_758, %broadcast_in_dim3A_797, %select_n3A_745 : vector<16xi1>, vector<16xf32>
      %get3A_799 = arith.constant 3 : i32
      %get3A_800 = arith.index_cast %get3A_799 : i32 to index
      %get3A_801 = arith.constant 96 : index
      %get3A_802 = tpu.vector_load %arg11[%get3A_800, %get3A_801] {strides = array<i32>} : memref<8x128xf32, #tpu.memory_space<vmem>>, vector<16xf32>,
      %reduce_sum3A_803 = arith.constant true
      %reduce_sum3A_804 = vector.broadcast %reduce_sum3A_803 : i1 to vector<16xi1>
      %reduce_sum3A_805 = tpu.scan <sum>, %get3A_802 masked %reduce_sum3A_804 : vector<16xf32>, vector<16xi1> -> vector<16xf32>
      %reduce_sum3A_806 = vector.extract %reduce_sum3A_805[15] : f32 from vector<16xf32>
      %broadcast_in_dim3A_807 = vector.broadcast %reduce_sum3A_806 : f32 to vector<16xf32>
      %select_n3A_808 = arith.select %eq3A_758, %broadcast_in_dim3A_807, %select_n3A_755 : vector<16xi1>, vector<16xf32>
      %eq3A_809 = arith.constant 7 : i32
      %eq3A_810 = vector.broadcast %eq3A_809 : i32 to vector<16xi32>
      %eq3A_811 = arith.cmpi eq, %iota3A, %eq3A_810 : vector<16xi32>
      %get3A_812 = arith.constant 4 : i32
      %get3A_813 = arith.index_cast %get3A_812 : i32 to index
      %get3A_814 = arith.constant 112 : index
      %get3A_815 = tpu.vector_load %arg11[%get3A_813, %get3A_814] {strides = array<i32>} : memref<8x128xf32, #tpu.memory_space<vmem>>, vector<16xf32>,
      %reduce_sum3A_816 = arith.constant true
      %reduce_sum3A_817 = vector.broadcast %reduce_sum3A_816 : i1 to vector<16xi1>
      %reduce_sum3A_818 = tpu.scan <sum>, %get3A_815 masked %reduce_sum3A_817 : vector<16xf32>, vector<16xi1> -> vector<16xf32>
      %reduce_sum3A_819 = vector.extract %reduce_sum3A_818[15] : f32 from vector<16xf32>
      %broadcast_in_dim3A_820 = vector.broadcast %reduce_sum3A_819 : f32 to vector<16xf32>
      %select_n3A_821 = arith.select %eq3A_811, %broadcast_in_dim3A_820, %select_n3A_768 : vector<16xi1>, vector<16xf32>
      %get3A_822 = arith.constant 0 : i32
      %get3A_823 = arith.index_cast %get3A_822 : i32 to index
      %get3A_824 = arith.constant 112 : index
      %get3A_825 = tpu.vector_load %arg11[%get3A_823, %get3A_824] {strides = array<i32>} : memref<8x128xf32, #tpu.memory_space<vmem>>, vector<16xf32>,
      %reduce_sum3A_826 = arith.constant true
      %reduce_sum3A_827 = vector.broadcast %reduce_sum3A_826 : i1 to vector<16xi1>
      %reduce_sum3A_828 = tpu.scan <sum>, %get3A_825 masked %reduce_sum3A_827 : vector<16xf32>, vector<16xi1> -> vector<16xf32>
      %reduce_sum3A_829 = vector.extract %reduce_sum3A_828[15] : f32 from vector<16xf32>
      %broadcast_in_dim3A_830 = vector.broadcast %reduce_sum3A_829 : f32 to vector<16xf32>
      %select_n3A_831 = arith.select %eq3A_811, %broadcast_in_dim3A_830, %select_n3A_778 : vector<16xi1>, vector<16xf32>
      %get3A_832 = arith.constant 1 : i32
      %get3A_833 = arith.index_cast %get3A_832 : i32 to index
      %get3A_834 = arith.constant 112 : index
      %get3A_835 = tpu.vector_load %arg11[%get3A_833, %get3A_834] {strides = array<i32>} : memref<8x128xf32, #tpu.memory_space<vmem>>, vector<16xf32>,
      %reduce_sum3A_836 = arith.constant true
      %reduce_sum3A_837 = vector.broadcast %reduce_sum3A_836 : i1 to vector<16xi1>
      %reduce_sum3A_838 = tpu.scan <sum>, %get3A_835 masked %reduce_sum3A_837 : vector<16xf32>, vector<16xi1> -> vector<16xf32>
      %reduce_sum3A_839 = vector.extract %reduce_sum3A_838[15] : f32 from vector<16xf32>
      %broadcast_in_dim3A_840 = vector.broadcast %reduce_sum3A_839 : f32 to vector<16xf32>
      %select_n3A_841 = arith.select %eq3A_811, %broadcast_in_dim3A_840, %select_n3A_788 : vector<16xi1>, vector<16xf32>
      %get3A_842 = arith.constant 2 : i32
      %get3A_843 = arith.index_cast %get3A_842 : i32 to index
      %get3A_844 = arith.constant 112 : index
      %get3A_845 = tpu.vector_load %arg11[%get3A_843, %get3A_844] {strides = array<i32>} : memref<8x128xf32, #tpu.memory_space<vmem>>, vector<16xf32>,
      %reduce_sum3A_846 = arith.constant true
      %reduce_sum3A_847 = vector.broadcast %reduce_sum3A_846 : i1 to vector<16xi1>
      %reduce_sum3A_848 = tpu.scan <sum>, %get3A_845 masked %reduce_sum3A_847 : vector<16xf32>, vector<16xi1> -> vector<16xf32>
      %reduce_sum3A_849 = vector.extract %reduce_sum3A_848[15] : f32 from vector<16xf32>
      %broadcast_in_dim3A_850 = vector.broadcast %reduce_sum3A_849 : f32 to vector<16xf32>
      %select_n3A_851 = arith.select %eq3A_811, %broadcast_in_dim3A_850, %select_n3A_798 : vector<16xi1>, vector<16xf32>
      %get3A_852 = arith.constant 3 : i32
      %get3A_853 = arith.index_cast %get3A_852 : i32 to index
      %get3A_854 = arith.constant 112 : index
      %get3A_855 = tpu.vector_load %arg11[%get3A_853, %get3A_854] {strides = array<i32>} : memref<8x128xf32, #tpu.memory_space<vmem>>, vector<16xf32>,
      %reduce_sum3A_856 = arith.constant true
      %reduce_sum3A_857 = vector.broadcast %reduce_sum3A_856 : i1 to vector<16xi1>
      %reduce_sum3A_858 = tpu.scan <sum>, %get3A_855 masked %reduce_sum3A_857 : vector<16xf32>, vector<16xi1> -> vector<16xf32>
      %reduce_sum3A_859 = vector.extract %reduce_sum3A_858[15] : f32 from vector<16xf32>
      %broadcast_in_dim3A_860 = vector.broadcast %reduce_sum3A_859 : f32 to vector<16xf32>
      %select_n3A_861 = arith.select %eq3A_811, %broadcast_in_dim3A_860, %select_n3A_808 : vector<16xi1>, vector<16xf32>
      %swap3A_862 = arith.constant 0 : i32
      %swap3A_863 = arith.index_cast %swap3A_862 : i32 to index
      %swap3A_864 = arith.constant 0 : index
      %swap3A_865 = tpu.vector_load %arg13[%swap3A_863, %swap3A_864] {strides = array<i32>} : memref<4x16xf32, #tpu.memory_space<vmem>>, vector<16xf32>,
      tpu.vector_store %arg13[%swap3A_863, %swap3A_864], %select_n3A_821 {strides = array<i32>} : memref<4x16xf32, #tpu.memory_space<vmem>>, vector<16xf32>,
      %max3A = arith.constant 1.000000e+00 : f32
      %max3A_866 = vector.broadcast %max3A : f32 to vector<16xf32>
      %max3A_867 = arith.maximumf %select_n3A_821, %max3A_866 : vector<16xf32>
      %bitcast3A = vector.bitcast %max3A_867 : vector<16xf32> to vector<16xi32>
      %sub3A = arith.constant 2129950677 : i32
      %sub3A_868 = vector.broadcast %sub3A : i32 to vector<16xi32>
      %sub3A_869 = arith.subi %sub3A_868, %bitcast3A : vector<16xi32>
      %bitcast3A_870 = vector.bitcast %sub3A_869 : vector<16xi32> to vector<16xf32>
      %mul3A_871 = arith.mulf %max3A_867, %bitcast3A_870 : vector<16xf32>
      %sub3A_872 = arith.constant 2.000000e+00 : f32
      %sub3A_873 = vector.broadcast %sub3A_872 : f32 to vector<16xf32>
      %sub3A_874 = arith.subf %sub3A_873, %mul3A_871 : vector<16xf32>
      %mul3A_875 = arith.mulf %bitcast3A_870, %sub3A_874 : vector<16xf32>
      %mul3A_876 = arith.mulf %max3A_867, %mul3A_875 : vector<16xf32>
      %sub3A_877 = arith.constant 2.000000e+00 : f32
      %sub3A_878 = vector.broadcast %sub3A_877 : f32 to vector<16xf32>
      %sub3A_879 = arith.subf %sub3A_878, %mul3A_876 : vector<16xf32>
      %mul3A_880 = arith.mulf %mul3A_875, %sub3A_879 : vector<16xf32>
      %mul3A_881 = arith.mulf %select_n3A_831, %mul3A_880 : vector<16xf32>
      %swap3A_882 = arith.constant 0 : i32
      %swap3A_883 = arith.index_cast %swap3A_882 : i32 to index
      %swap3A_884 = arith.constant 0 : index
      %swap3A_885 = tpu.vector_load %arg12[%swap3A_883, %swap3A_884] {strides = array<i32>} : memref<4x16xf32, #tpu.memory_space<vmem>>, vector<16xf32>,
      tpu.vector_store %arg12[%swap3A_883, %swap3A_884], %mul3A_881 {strides = array<i32>} : memref<4x16xf32, #tpu.memory_space<vmem>>, vector<16xf32>,
      %mul3A_886 = arith.mulf %select_n3A_841, %mul3A_880 : vector<16xf32>
      %swap3A_887 = arith.constant 1 : i32
      %swap3A_888 = arith.index_cast %swap3A_887 : i32 to index
      %swap3A_889 = arith.constant 0 : index
      %swap3A_890 = tpu.vector_load %arg12[%swap3A_888, %swap3A_889] {strides = array<i32>} : memref<4x16xf32, #tpu.memory_space<vmem>>, vector<16xf32>,
      tpu.vector_store %arg12[%swap3A_888, %swap3A_889], %mul3A_886 {strides = array<i32>} : memref<4x16xf32, #tpu.memory_space<vmem>>, vector<16xf32>,
      %mul3A_891 = arith.mulf %select_n3A_851, %mul3A_880 : vector<16xf32>
      %swap3A_892 = arith.constant 2 : i32
      %swap3A_893 = arith.index_cast %swap3A_892 : i32 to index
      %swap3A_894 = arith.constant 0 : index
      %swap3A_895 = tpu.vector_load %arg12[%swap3A_893, %swap3A_894] {strides = array<i32>} : memref<4x16xf32, #tpu.memory_space<vmem>>, vector<16xf32>,
      tpu.vector_store %arg12[%swap3A_893, %swap3A_894], %mul3A_891 {strides = array<i32>} : memref<4x16xf32, #tpu.memory_space<vmem>>, vector<16xf32>,
      %mul3A_896 = arith.mulf %select_n3A_861, %mul3A_880 : vector<16xf32>
      %swap3A_897 = arith.constant 3 : i32
      %swap3A_898 = arith.index_cast %swap3A_897 : i32 to index
      %swap3A_899 = arith.constant 0 : index
      %swap3A_900 = tpu.vector_load %arg12[%swap3A_898, %swap3A_899] {strides = array<i32>} : memref<4x16xf32, #tpu.memory_space<vmem>>, vector<16xf32>,
      tpu.vector_store %arg12[%swap3A_898, %swap3A_899], %mul3A_896 {strides = array<i32>} : memref<4x16xf32, #tpu.memory_space<vmem>>, vector<16xf32>,
      %barrier3A_901 = arith.constant 0 : index
      tpu.barrier barrier_id(%barrier3A_901)
      %parallel_loop3A_902 = arith.constant 0 : i32
      %parallel_loop3A_903 = arith.constant 1024 : i32
      %parallel_loop3A_904 = arith.constant 1 : i32
      scf.for %parallel_loop3A_917 = %parallel_loop3A_902 to %parallel_loop3A_903 step %parallel_loop3A_904  : i32 {
        %parallel_loop3A_918 = arith.constant 5 : i32
        %parallel_loop3A_919 = arith.shrsi %parallel_loop3A_917, %parallel_loop3A_918 : i32
        %parallel_loop3A_920 = arith.constant 31 : i32
        %parallel_loop3A_921 = arith.andi %parallel_loop3A_917, %parallel_loop3A_920 : i32
        %parallel_loop3A_922 = arith.constant 4 : i32
        %parallel_loop3A_923 = arith.shli %parallel_loop3A_921, %parallel_loop3A_922 : i32
        %parallel_loop3A_924 = arith.index_cast %parallel_loop3A_919 : i32 to index
        %parallel_loop3A_925 = arith.index_cast %parallel_loop3A_923 : i32 to index
        %parallel_loop3A_926 = tpu.vector_load %arg7[%parallel_loop3A_924, %parallel_loop3A_925] {strides = array<i32>} : memref<32x512xi32, #tpu.memory_space<vmem>>, vector<16xi32>,
        %parallel_loop3A_927 = arith.constant 0 : i32
        %parallel_loop3A_928 = arith.index_cast %parallel_loop3A_927 : i32 to index
        %parallel_loop3A_929 = arith.index_cast %parallel_loop3A_919 : i32 to index
        %parallel_loop3A_930 = arith.index_cast %parallel_loop3A_923 : i32 to index
        %parallel_loop3A_931 = tpu.vector_load %arg6[%parallel_loop3A_928, %parallel_loop3A_929, %parallel_loop3A_930] {strides = array<i32>} : memref<4x32x512xf32, #tpu.memory_space<vmem>>, vector<16xf32>,
        %parallel_loop3A_932 = arith.constant 0 : i32
        %parallel_loop3A_933 = arith.constant 0 : i32
        %parallel_loop3A_934 = tpu.memref_slice %arg12[%parallel_loop3A_932, %parallel_loop3A_933] : memref<4x16xf32, #tpu.memory_space<vmem>> -> memref<1x16xf32, #tpu.memory_space<vmem>>
        %parallel_loop3A_935 = tpu.memref_squeeze %parallel_loop3A_934 : memref<1x16xf32, #tpu.memory_space<vmem>> -> memref<16xf32, #tpu.memory_space<vmem>>
        %parallel_loop3A_936 = tpu.vector_load_idx %parallel_loop3A_935[%parallel_loop3A_926] : memref<16xf32, #tpu.memory_space<vmem>>[vector<16xi32>], vector<16xf32>,
        %parallel_loop3A_937 = arith.subf %parallel_loop3A_931, %parallel_loop3A_936 : vector<16xf32>
        %parallel_loop3A_938 = arith.mulf %parallel_loop3A_937, %parallel_loop3A_937 : vector<16xf32>
        %parallel_loop3A_939 = arith.addf %broadcast_in_dim3A_0, %parallel_loop3A_938 : vector<16xf32>
        %parallel_loop3A_940 = arith.constant 1 : i32
        %parallel_loop3A_941 = arith.index_cast %parallel_loop3A_940 : i32 to index
        %parallel_loop3A_942 = arith.index_cast %parallel_loop3A_919 : i32 to index
        %parallel_loop3A_943 = arith.index_cast %parallel_loop3A_923 : i32 to index
        %parallel_loop3A_944 = tpu.vector_load %arg6[%parallel_loop3A_941, %parallel_loop3A_942, %parallel_loop3A_943] {strides = array<i32>} : memref<4x32x512xf32, #tpu.memory_space<vmem>>, vector<16xf32>,
        %parallel_loop3A_945 = arith.constant 1 : i32
        %parallel_loop3A_946 = arith.constant 0 : i32
        %parallel_loop3A_947 = tpu.memref_slice %arg12[%parallel_loop3A_945, %parallel_loop3A_946] : memref<4x16xf32, #tpu.memory_space<vmem>> -> memref<1x16xf32, #tpu.memory_space<vmem>>
        %parallel_loop3A_948 = tpu.memref_squeeze %parallel_loop3A_947 : memref<1x16xf32, #tpu.memory_space<vmem>> -> memref<16xf32, #tpu.memory_space<vmem>>
        %parallel_loop3A_949 = tpu.vector_load_idx %parallel_loop3A_948[%parallel_loop3A_926] : memref<16xf32, #tpu.memory_space<vmem>>[vector<16xi32>], vector<16xf32>,
        %parallel_loop3A_950 = arith.subf %parallel_loop3A_944, %parallel_loop3A_949 : vector<16xf32>
        %parallel_loop3A_951 = arith.mulf %parallel_loop3A_950, %parallel_loop3A_950 : vector<16xf32>
        %parallel_loop3A_952 = arith.addf %parallel_loop3A_939, %parallel_loop3A_951 : vector<16xf32>
        %parallel_loop3A_953 = arith.constant 2 : i32
        %parallel_loop3A_954 = arith.index_cast %parallel_loop3A_953 : i32 to index
        %parallel_loop3A_955 = arith.index_cast %parallel_loop3A_919 : i32 to index
        %parallel_loop3A_956 = arith.index_cast %parallel_loop3A_923 : i32 to index
        %parallel_loop3A_957 = tpu.vector_load %arg6[%parallel_loop3A_954, %parallel_loop3A_955, %parallel_loop3A_956] {strides = array<i32>} : memref<4x32x512xf32, #tpu.memory_space<vmem>>, vector<16xf32>,
        %parallel_loop3A_958 = arith.constant 2 : i32
        %parallel_loop3A_959 = arith.constant 0 : i32
        %parallel_loop3A_960 = tpu.memref_slice %arg12[%parallel_loop3A_958, %parallel_loop3A_959] : memref<4x16xf32, #tpu.memory_space<vmem>> -> memref<1x16xf32, #tpu.memory_space<vmem>>
        %parallel_loop3A_961 = tpu.memref_squeeze %parallel_loop3A_960 : memref<1x16xf32, #tpu.memory_space<vmem>> -> memref<16xf32, #tpu.memory_space<vmem>>
        %parallel_loop3A_962 = tpu.vector_load_idx %parallel_loop3A_961[%parallel_loop3A_926] : memref<16xf32, #tpu.memory_space<vmem>>[vector<16xi32>], vector<16xf32>,
        %parallel_loop3A_963 = arith.subf %parallel_loop3A_957, %parallel_loop3A_962 : vector<16xf32>
        %parallel_loop3A_964 = arith.mulf %parallel_loop3A_963, %parallel_loop3A_963 : vector<16xf32>
        %parallel_loop3A_965 = arith.addf %parallel_loop3A_952, %parallel_loop3A_964 : vector<16xf32>
        %parallel_loop3A_966 = arith.constant 3 : i32
        %parallel_loop3A_967 = arith.index_cast %parallel_loop3A_966 : i32 to index
        %parallel_loop3A_968 = arith.index_cast %parallel_loop3A_919 : i32 to index
        %parallel_loop3A_969 = arith.index_cast %parallel_loop3A_923 : i32 to index
        %parallel_loop3A_970 = tpu.vector_load %arg6[%parallel_loop3A_967, %parallel_loop3A_968, %parallel_loop3A_969] {strides = array<i32>} : memref<4x32x512xf32, #tpu.memory_space<vmem>>, vector<16xf32>,
        %parallel_loop3A_971 = arith.constant 3 : i32
        %parallel_loop3A_972 = arith.constant 0 : i32
        %parallel_loop3A_973 = tpu.memref_slice %arg12[%parallel_loop3A_971, %parallel_loop3A_972] : memref<4x16xf32, #tpu.memory_space<vmem>> -> memref<1x16xf32, #tpu.memory_space<vmem>>
        %parallel_loop3A_974 = tpu.memref_squeeze %parallel_loop3A_973 : memref<1x16xf32, #tpu.memory_space<vmem>> -> memref<16xf32, #tpu.memory_space<vmem>>
        %parallel_loop3A_975 = tpu.vector_load_idx %parallel_loop3A_974[%parallel_loop3A_926] : memref<16xf32, #tpu.memory_space<vmem>>[vector<16xi32>], vector<16xf32>,
        %parallel_loop3A_976 = arith.subf %parallel_loop3A_970, %parallel_loop3A_975 : vector<16xf32>
        %parallel_loop3A_977 = arith.mulf %parallel_loop3A_976, %parallel_loop3A_976 : vector<16xf32>
        %parallel_loop3A_978 = arith.addf %parallel_loop3A_965, %parallel_loop3A_977 : vector<16xf32>
        %parallel_loop3A_979 = arith.constant 2.500000e-01 : f32
        %parallel_loop3A_980 = vector.broadcast %parallel_loop3A_979 : f32 to vector<16xf32>
        %parallel_loop3A_981 = arith.maximumf %parallel_loop3A_978, %parallel_loop3A_980 : vector<16xf32>
        %parallel_loop3A_982 = vector.bitcast %parallel_loop3A_981 : vector<16xf32> to vector<16xi32>
        %parallel_loop3A_983 = arith.constant 1 : i32
        %parallel_loop3A_984 = vector.broadcast %parallel_loop3A_983 : i32 to vector<16xi32>
        %parallel_loop3A_985 = arith.shrsi %parallel_loop3A_982, %parallel_loop3A_984 : vector<16xi32>
        %parallel_loop3A_986 = arith.constant 1597463007 : i32
        %parallel_loop3A_987 = vector.broadcast %parallel_loop3A_986 : i32 to vector<16xi32>
        %parallel_loop3A_988 = arith.subi %parallel_loop3A_987, %parallel_loop3A_985 : vector<16xi32>
        %parallel_loop3A_989 = vector.bitcast %parallel_loop3A_988 : vector<16xi32> to vector<16xf32>
        %parallel_loop3A_990 = arith.constant 5.000000e-01 : f32
        %parallel_loop3A_991 = vector.broadcast %parallel_loop3A_990 : f32 to vector<16xf32>
        %parallel_loop3A_992 = arith.mulf %parallel_loop3A_991, %parallel_loop3A_981 : vector<16xf32>
        %parallel_loop3A_993 = arith.mulf %parallel_loop3A_992, %parallel_loop3A_989 : vector<16xf32>
        %parallel_loop3A_994 = arith.mulf %parallel_loop3A_993, %parallel_loop3A_989 : vector<16xf32>
        %parallel_loop3A_995 = arith.constant 1.500000e+00 : f32
        %parallel_loop3A_996 = vector.broadcast %parallel_loop3A_995 : f32 to vector<16xf32>
        %parallel_loop3A_997 = arith.subf %parallel_loop3A_996, %parallel_loop3A_994 : vector<16xf32>
        %parallel_loop3A_998 = arith.mulf %parallel_loop3A_989, %parallel_loop3A_997 : vector<16xf32>
        %parallel_loop3A_999 = arith.mulf %parallel_loop3A_981, %parallel_loop3A_998 : vector<16xf32>
        %parallel_loop3A_1000 = arith.subf %parallel_loop3A_981, %parallel_loop3A_999 : vector<16xf32>
        %parallel_loop3A_1001 = arith.constant 1.250000e+00 : f32
        %parallel_loop3A_1002 = vector.broadcast %parallel_loop3A_1001 : f32 to vector<16xf32>
        %parallel_loop3A_1003 = arith.addf %parallel_loop3A_1000, %parallel_loop3A_1002 : vector<16xf32>
        %parallel_loop3A_1004 = vector.bitcast %parallel_loop3A_1003 : vector<16xf32> to vector<16xi32>
        %parallel_loop3A_1005 = arith.constant 23 : i32
        %parallel_loop3A_1006 = vector.broadcast %parallel_loop3A_1005 : i32 to vector<16xi32>
        %parallel_loop3A_1007 = arith.shrsi %parallel_loop3A_1004, %parallel_loop3A_1006 : vector<16xi32>
        %parallel_loop3A_1008 = arith.constant 127 : i32
        %parallel_loop3A_1009 = vector.broadcast %parallel_loop3A_1008 : i32 to vector<16xi32>
        %parallel_loop3A_1010 = arith.subi %parallel_loop3A_1007, %parallel_loop3A_1009 : vector<16xi32>
        %parallel_loop3A_1011 = arith.sitofp %parallel_loop3A_1010 : vector<16xi32> to vector<16xf32>
        %parallel_loop3A_1012 = arith.constant 8388607 : i32
        %parallel_loop3A_1013 = vector.broadcast %parallel_loop3A_1012 : i32 to vector<16xi32>
        %parallel_loop3A_1014 = arith.andi %parallel_loop3A_1004, %parallel_loop3A_1013 : vector<16xi32>
        %parallel_loop3A_1015 = arith.constant 1065353216 : i32
        %parallel_loop3A_1016 = vector.broadcast %parallel_loop3A_1015 : i32 to vector<16xi32>
        %parallel_loop3A_1017 = arith.ori %parallel_loop3A_1014, %parallel_loop3A_1016 : vector<16xi32>
        %parallel_loop3A_1018 = vector.bitcast %parallel_loop3A_1017 : vector<16xi32> to vector<16xf32>
        %parallel_loop3A_1019 = arith.constant 0.0301026255 : f32
        %parallel_loop3A_1020 = vector.broadcast %parallel_loop3A_1019 : f32 to vector<16xf32>
        %parallel_loop3A_1021 = arith.mulf %parallel_loop3A_1020, %parallel_loop3A_1018 : vector<16xf32>
        %parallel_loop3A_1022 = arith.constant -0.280632526 : f32
        %parallel_loop3A_1023 = vector.broadcast %parallel_loop3A_1022 : f32 to vector<16xf32>
        %parallel_loop3A_1024 = arith.addf %parallel_loop3A_1021, %parallel_loop3A_1023 : vector<16xf32>
        %parallel_loop3A_1025 = arith.mulf %parallel_loop3A_1024, %parallel_loop3A_1018 : vector<16xf32>
        %parallel_loop3A_1026 = arith.constant 1.10480821 : f32
        %parallel_loop3A_1027 = vector.broadcast %parallel_loop3A_1026 : f32 to vector<16xf32>
        %parallel_loop3A_1028 = arith.addf %parallel_loop3A_1025, %parallel_loop3A_1027 : vector<16xf32>
        %parallel_loop3A_1029 = arith.mulf %parallel_loop3A_1028, %parallel_loop3A_1018 : vector<16xf32>
        %parallel_loop3A_1030 = arith.constant -2.42081261 : f32
        %parallel_loop3A_1031 = vector.broadcast %parallel_loop3A_1030 : f32 to vector<16xf32>
        %parallel_loop3A_1032 = arith.addf %parallel_loop3A_1029, %parallel_loop3A_1031 : vector<16xf32>
        %parallel_loop3A_1033 = arith.mulf %parallel_loop3A_1032, %parallel_loop3A_1018 : vector<16xf32>
        %parallel_loop3A_1034 = arith.constant 3.49822783 : f32
        %parallel_loop3A_1035 = vector.broadcast %parallel_loop3A_1034 : f32 to vector<16xf32>
        %parallel_loop3A_1036 = arith.addf %parallel_loop3A_1033, %parallel_loop3A_1035 : vector<16xf32>
        %parallel_loop3A_1037 = arith.mulf %parallel_loop3A_1036, %parallel_loop3A_1018 : vector<16xf32>
        %parallel_loop3A_1038 = arith.constant -1.9316715 : f32
        %parallel_loop3A_1039 = vector.broadcast %parallel_loop3A_1038 : f32 to vector<16xf32>
        %parallel_loop3A_1040 = arith.addf %parallel_loop3A_1037, %parallel_loop3A_1039 : vector<16xf32>
        %parallel_loop3A_1041 = arith.constant 0.693147182 : f32
        %parallel_loop3A_1042 = vector.broadcast %parallel_loop3A_1041 : f32 to vector<16xf32>
        %parallel_loop3A_1043 = arith.mulf %parallel_loop3A_1011, %parallel_loop3A_1042 : vector<16xf32>
        %parallel_loop3A_1044 = arith.addf %parallel_loop3A_1043, %parallel_loop3A_1040 : vector<16xf32>
        %parallel_loop3A_1045 = arith.constant 4 : i32
        %parallel_loop3A_1046 = vector.broadcast %parallel_loop3A_1045 : i32 to vector<16xi32>
        %parallel_loop3A_1047 = arith.shli %parallel_loop3A_926, %parallel_loop3A_1046 : vector<16xi32>
        %parallel_loop3A_1048 = arith.ori %parallel_loop3A_1047, %iota3A : vector<16xi32>
        %parallel_loop3A_1049 = arith.constant 5 : i32
        %parallel_loop3A_1050 = arith.constant 0 : i32
        %parallel_loop3A_1051 = tpu.memref_slice %arg9[%parallel_loop3A_1049, %parallel_loop3A_1050] : memref<8x128xf32, #tpu.memory_space<vmem>> -> memref<1x128xf32, #tpu.memory_space<vmem>>
        %parallel_loop3A_1052 = tpu.memref_squeeze %parallel_loop3A_1051 : memref<1x128xf32, #tpu.memory_space<vmem>> -> memref<128xf32, #tpu.memory_space<vmem>>
        tpu.vector_store_idx %parallel_loop3A_1052[%parallel_loop3A_1048], %parallel_loop3A_1044 {add = true} : memref<128xf32, #tpu.memory_space<vmem>>[vector<16xi32>], vector<16xf32>,
        %parallel_loop3A_1053 = arith.constant 6 : i32
        %parallel_loop3A_1054 = arith.constant 0 : i32
        %parallel_loop3A_1055 = tpu.memref_slice %arg9[%parallel_loop3A_1053, %parallel_loop3A_1054] : memref<8x128xf32, #tpu.memory_space<vmem>> -> memref<1x128xf32, #tpu.memory_space<vmem>>
        %parallel_loop3A_1056 = tpu.memref_squeeze %parallel_loop3A_1055 : memref<1x128xf32, #tpu.memory_space<vmem>> -> memref<128xf32, #tpu.memory_space<vmem>>
        tpu.vector_store_idx %parallel_loop3A_1056[%parallel_loop3A_1048], %broadcast_in_dim3A_2 {add = true} : memref<128xf32, #tpu.memory_space<vmem>>[vector<16xi32>], vector<16xf32>,
      } {sc.loop_unroll_factor = 6 : i64, sc.parallel_access}
      %lt3A = arith.constant 3 : i32
      %lt3A_905 = arith.cmpi slt, %scan3A_96, %lt3A : i32
      %convert_element_type3A_906 = arith.extui %lt3A_905 : i1 to i32
      %cond3A_907 = arith.constant 0 : i32
      %cond3A_908 = arith.cmpi ne, %convert_element_type3A_906, %cond3A_907 : i32
      scf.if %cond3A_908 {
        %add3A_917 = arith.constant 1 : i32
        %add3A_918 = arith.addi %add3A, %add3A_917 : i32
        %dma_start3A_919 = arith.constant 2 : i32
        %dma_start3A_920 = arith.constant 0 : i32
        %dma_start3A_921 = arith.constant 0 : i32
        %dma_start3A_922 = arith.constant 0 : i32
        %dma_start3A_923 = tpu.memref_slice %arg6[%dma_start3A_920, %dma_start3A_921, %dma_start3A_922] : memref<4x32x512xf32, #tpu.memory_space<vmem>> -> memref<1x32x512xf32, #tpu.memory_space<vmem>>
        %dma_start3A_924 = tpu.memref_squeeze %dma_start3A_923 : memref<1x32x512xf32, #tpu.memory_space<vmem>> -> memref<32x512xf32, #tpu.memory_space<vmem>>
        %dma_start3A_925 = arith.constant 0 : i32
        %dma_start3A_926 = tpu.memref_slice %arg2[%add3A_918, %dma_start3A_919, %mul3A_5, %dma_start3A_925] : memref<8x6x512x512xf32, #tpu.memory_space<hbm>> -> memref<1x1x32x512xf32, #tpu.memory_space<hbm>>
        %dma_start3A_927 = tpu.memref_squeeze %dma_start3A_926 : memref<1x1x32x512xf32, #tpu.memory_space<hbm>> -> memref<32x512xf32, #tpu.memory_space<hbm>>
        %dma_start3A_928 = arith.constant 0 : i32
        %dma_start3A_929 = arith.constant 0 : i32
        %dma_start3A_930 = tpu.memref_slice %arg6[%dma_start3A_920, %dma_start3A_928, %dma_start3A_929] : memref<4x32x512xf32, #tpu.memory_space<vmem>> -> memref<1x32x512xf32, #tpu.memory_space<vmem>>
        %dma_start3A_931 = tpu.memref_squeeze %dma_start3A_930 : memref<1x32x512xf32, #tpu.memory_space<vmem>> -> memref<32x512xf32, #tpu.memory_space<vmem>>
        %dma_start3A_932 = arith.constant 0 : i32
        %dma_start3A_933 = tpu.memref_slice %arg2[%add3A_918, %dma_start3A_919, %mul3A_5, %dma_start3A_932] : memref<8x6x512x512xf32, #tpu.memory_space<hbm>> -> memref<1x1x32x512xf32, #tpu.memory_space<hbm>>
        %dma_start3A_934 = tpu.memref_squeeze %dma_start3A_933 : memref<1x1x32x512xf32, #tpu.memory_space<hbm>> -> memref<32x512xf32, #tpu.memory_space<hbm>>
        tpu.enqueue_dma source(%dma_start3A_934 : memref<32x512xf32, #tpu.memory_space<hbm>>) target(%dma_start3A_931 : memref<32x512xf32, #tpu.memory_space<vmem>>) target_semaphore(%arg17 : memref<!tpu.dma_semaphore, #tpu.memory_space<semaphore_mem>>)
        %dma_start3A_935 = arith.constant 3 : i32
        %dma_start3A_936 = arith.constant 1 : i32
        %dma_start3A_937 = arith.constant 0 : i32
        %dma_start3A_938 = arith.constant 0 : i32
        %dma_start3A_939 = tpu.memref_slice %arg6[%dma_start3A_936, %dma_start3A_937, %dma_start3A_938] : memref<4x32x512xf32, #tpu.memory_space<vmem>> -> memref<1x32x512xf32, #tpu.memory_space<vmem>>
        %dma_start3A_940 = tpu.memref_squeeze %dma_start3A_939 : memref<1x32x512xf32, #tpu.memory_space<vmem>> -> memref<32x512xf32, #tpu.memory_space<vmem>>
        %dma_start3A_941 = arith.constant 0 : i32
        %dma_start3A_942 = tpu.memref_slice %arg2[%add3A_918, %dma_start3A_935, %mul3A_5, %dma_start3A_941] : memref<8x6x512x512xf32, #tpu.memory_space<hbm>> -> memref<1x1x32x512xf32, #tpu.memory_space<hbm>>
        %dma_start3A_943 = tpu.memref_squeeze %dma_start3A_942 : memref<1x1x32x512xf32, #tpu.memory_space<hbm>> -> memref<32x512xf32, #tpu.memory_space<hbm>>
        %dma_start3A_944 = arith.constant 0 : i32
        %dma_start3A_945 = arith.constant 0 : i32
        %dma_start3A_946 = tpu.memref_slice %arg6[%dma_start3A_936, %dma_start3A_944, %dma_start3A_945] : memref<4x32x512xf32, #tpu.memory_space<vmem>> -> memref<1x32x512xf32, #tpu.memory_space<vmem>>
        %dma_start3A_947 = tpu.memref_squeeze %dma_start3A_946 : memref<1x32x512xf32, #tpu.memory_space<vmem>> -> memref<32x512xf32, #tpu.memory_space<vmem>>
        %dma_start3A_948 = arith.constant 0 : i32
        %dma_start3A_949 = tpu.memref_slice %arg2[%add3A_918, %dma_start3A_935, %mul3A_5, %dma_start3A_948] : memref<8x6x512x512xf32, #tpu.memory_space<hbm>> -> memref<1x1x32x512xf32, #tpu.memory_space<hbm>>
        %dma_start3A_950 = tpu.memref_squeeze %dma_start3A_949 : memref<1x1x32x512xf32, #tpu.memory_space<hbm>> -> memref<32x512xf32, #tpu.memory_space<hbm>>
        tpu.enqueue_dma source(%dma_start3A_950 : memref<32x512xf32, #tpu.memory_space<hbm>>) target(%dma_start3A_947 : memref<32x512xf32, #tpu.memory_space<vmem>>) target_semaphore(%arg17 : memref<!tpu.dma_semaphore, #tpu.memory_space<semaphore_mem>>)
        %dma_start3A_951 = arith.constant 4 : i32
        %dma_start3A_952 = arith.constant 2 : i32
        %dma_start3A_953 = arith.constant 0 : i32
        %dma_start3A_954 = arith.constant 0 : i32
        %dma_start3A_955 = tpu.memref_slice %arg6[%dma_start3A_952, %dma_start3A_953, %dma_start3A_954] : memref<4x32x512xf32, #tpu.memory_space<vmem>> -> memref<1x32x512xf32, #tpu.memory_space<vmem>>
        %dma_start3A_956 = tpu.memref_squeeze %dma_start3A_955 : memref<1x32x512xf32, #tpu.memory_space<vmem>> -> memref<32x512xf32, #tpu.memory_space<vmem>>
        %dma_start3A_957 = arith.constant 0 : i32
        %dma_start3A_958 = tpu.memref_slice %arg2[%add3A_918, %dma_start3A_951, %mul3A_5, %dma_start3A_957] : memref<8x6x512x512xf32, #tpu.memory_space<hbm>> -> memref<1x1x32x512xf32, #tpu.memory_space<hbm>>
        %dma_start3A_959 = tpu.memref_squeeze %dma_start3A_958 : memref<1x1x32x512xf32, #tpu.memory_space<hbm>> -> memref<32x512xf32, #tpu.memory_space<hbm>>
        %dma_start3A_960 = arith.constant 0 : i32
        %dma_start3A_961 = arith.constant 0 : i32
        %dma_start3A_962 = tpu.memref_slice %arg6[%dma_start3A_952, %dma_start3A_960, %dma_start3A_961] : memref<4x32x512xf32, #tpu.memory_space<vmem>> -> memref<1x32x512xf32, #tpu.memory_space<vmem>>
        %dma_start3A_963 = tpu.memref_squeeze %dma_start3A_962 : memref<1x32x512xf32, #tpu.memory_space<vmem>> -> memref<32x512xf32, #tpu.memory_space<vmem>>
        %dma_start3A_964 = arith.constant 0 : i32
        %dma_start3A_965 = tpu.memref_slice %arg2[%add3A_918, %dma_start3A_951, %mul3A_5, %dma_start3A_964] : memref<8x6x512x512xf32, #tpu.memory_space<hbm>> -> memref<1x1x32x512xf32, #tpu.memory_space<hbm>>
        %dma_start3A_966 = tpu.memref_squeeze %dma_start3A_965 : memref<1x1x32x512xf32, #tpu.memory_space<hbm>> -> memref<32x512xf32, #tpu.memory_space<hbm>>
        tpu.enqueue_dma source(%dma_start3A_966 : memref<32x512xf32, #tpu.memory_space<hbm>>) target(%dma_start3A_963 : memref<32x512xf32, #tpu.memory_space<vmem>>) target_semaphore(%arg17 : memref<!tpu.dma_semaphore, #tpu.memory_space<semaphore_mem>>)
        %dma_start3A_967 = arith.constant 5 : i32
        %dma_start3A_968 = arith.constant 3 : i32
        %dma_start3A_969 = arith.constant 0 : i32
        %dma_start3A_970 = arith.constant 0 : i32
        %dma_start3A_971 = tpu.memref_slice %arg6[%dma_start3A_968, %dma_start3A_969, %dma_start3A_970] : memref<4x32x512xf32, #tpu.memory_space<vmem>> -> memref<1x32x512xf32, #tpu.memory_space<vmem>>
        %dma_start3A_972 = tpu.memref_squeeze %dma_start3A_971 : memref<1x32x512xf32, #tpu.memory_space<vmem>> -> memref<32x512xf32, #tpu.memory_space<vmem>>
        %dma_start3A_973 = arith.constant 0 : i32
        %dma_start3A_974 = tpu.memref_slice %arg2[%add3A_918, %dma_start3A_967, %mul3A_5, %dma_start3A_973] : memref<8x6x512x512xf32, #tpu.memory_space<hbm>> -> memref<1x1x32x512xf32, #tpu.memory_space<hbm>>
        %dma_start3A_975 = tpu.memref_squeeze %dma_start3A_974 : memref<1x1x32x512xf32, #tpu.memory_space<hbm>> -> memref<32x512xf32, #tpu.memory_space<hbm>>
        %dma_start3A_976 = arith.constant 0 : i32
        %dma_start3A_977 = arith.constant 0 : i32
        %dma_start3A_978 = tpu.memref_slice %arg6[%dma_start3A_968, %dma_start3A_976, %dma_start3A_977] : memref<4x32x512xf32, #tpu.memory_space<vmem>> -> memref<1x32x512xf32, #tpu.memory_space<vmem>>
        %dma_start3A_979 = tpu.memref_squeeze %dma_start3A_978 : memref<1x32x512xf32, #tpu.memory_space<vmem>> -> memref<32x512xf32, #tpu.memory_space<vmem>>
        %dma_start3A_980 = arith.constant 0 : i32
        %dma_start3A_981 = tpu.memref_slice %arg2[%add3A_918, %dma_start3A_967, %mul3A_5, %dma_start3A_980] : memref<8x6x512x512xf32, #tpu.memory_space<hbm>> -> memref<1x1x32x512xf32, #tpu.memory_space<hbm>>
        %dma_start3A_982 = tpu.memref_squeeze %dma_start3A_981 : memref<1x1x32x512xf32, #tpu.memory_space<hbm>> -> memref<32x512xf32, #tpu.memory_space<hbm>>
        tpu.enqueue_dma source(%dma_start3A_982 : memref<32x512xf32, #tpu.memory_space<hbm>>) target(%dma_start3A_979 : memref<32x512xf32, #tpu.memory_space<vmem>>) target_semaphore(%arg17 : memref<!tpu.dma_semaphore, #tpu.memory_space<semaphore_mem>>)
        %dma_start3A_983 = arith.constant 0 : i32
        %dma_start3A_984 = arith.constant 0 : i32
        %dma_start3A_985 = tpu.memref_slice %arg3[%add3A_918, %dma_start3A_983, %mul3A_5, %dma_start3A_984] : memref<8x2x512x512xi32, #tpu.memory_space<hbm>> -> memref<1x1x32x512xi32, #tpu.memory_space<hbm>>
        %dma_start3A_986 = tpu.memref_squeeze %dma_start3A_985 : memref<1x1x32x512xi32, #tpu.memory_space<hbm>> -> memref<32x512xi32, #tpu.memory_space<hbm>>
        %dma_start3A_987 = arith.constant 0 : i32
        %dma_start3A_988 = tpu.memref_slice %arg3[%add3A_918, %dma_start3A_983, %mul3A_5, %dma_start3A_987] : memref<8x2x512x512xi32, #tpu.memory_space<hbm>> -> memref<1x1x32x512xi32, #tpu.memory_space<hbm>>
        %dma_start3A_989 = tpu.memref_squeeze %dma_start3A_988 : memref<1x1x32x512xi32, #tpu.memory_space<hbm>> -> memref<32x512xi32, #tpu.memory_space<hbm>>
        tpu.enqueue_dma source(%dma_start3A_989 : memref<32x512xi32, #tpu.memory_space<hbm>>) target(%arg7 : memref<32x512xi32, #tpu.memory_space<vmem>>) target_semaphore(%arg17 : memref<!tpu.dma_semaphore, #tpu.memory_space<semaphore_mem>>)
        %dma_start3A_990 = arith.constant 1 : i32
        %dma_start3A_991 = arith.constant 0 : i32
        %dma_start3A_992 = tpu.memref_slice %arg3[%add3A_918, %dma_start3A_990, %mul3A_5, %dma_start3A_991] : memref<8x2x512x512xi32, #tpu.memory_space<hbm>> -> memref<1x1x32x512xi32, #tpu.memory_space<hbm>>
        %dma_start3A_993 = tpu.memref_squeeze %dma_start3A_992 : memref<1x1x32x512xi32, #tpu.memory_space<hbm>> -> memref<32x512xi32, #tpu.memory_space<hbm>>
        %dma_start3A_994 = arith.constant 0 : i32
        %dma_start3A_995 = tpu.memref_slice %arg3[%add3A_918, %dma_start3A_990, %mul3A_5, %dma_start3A_994] : memref<8x2x512x512xi32, #tpu.memory_space<hbm>> -> memref<1x1x32x512xi32, #tpu.memory_space<hbm>>
        %dma_start3A_996 = tpu.memref_squeeze %dma_start3A_995 : memref<1x1x32x512xi32, #tpu.memory_space<hbm>> -> memref<32x512xi32, #tpu.memory_space<hbm>>
        tpu.enqueue_dma source(%dma_start3A_996 : memref<32x512xi32, #tpu.memory_space<hbm>>) target(%arg8 : memref<32x512xi32, #tpu.memory_space<vmem>>) target_semaphore(%arg17 : memref<!tpu.dma_semaphore, #tpu.memory_space<semaphore_mem>>)
      } else {
      }
      "tpu.region"() ({
        %run_scoped3A_917 = tpu.sem_alloc : memref<!tpu.dma_semaphore, #tpu.memory_space<semaphore_mem>>
        %dma_start3A_918 = arith.constant 5 : i32
        %dma_start3A_919 = arith.constant 0 : i32
        %dma_start3A_920 = tpu.memref_slice %arg9[%dma_start3A_918, %dma_start3A_919] : memref<8x128xf32, #tpu.memory_space<vmem>> -> memref<2x128xf32, #tpu.memory_space<vmem>>
        %dma_start3A_921 = arith.constant 5 : i32
        %dma_start3A_922 = arith.constant 0 : i32
        %dma_start3A_923 = tpu.memref_slice %arg16[%arg1, %dma_start3A_921, %dma_start3A_922] : memref<16x8x128xf32, #tpu.memory_space<vmem_shared>> -> memref<1x2x128xf32, #tpu.memory_space<vmem_shared>>
        %dma_start3A_924 = tpu.memref_squeeze %dma_start3A_923 : memref<1x2x128xf32, #tpu.memory_space<vmem_shared>> -> memref<2x128xf32, #tpu.memory_space<vmem_shared>>
        %dma_start3A_925 = arith.constant 5 : i32
        %dma_start3A_926 = arith.constant 0 : i32
        %dma_start3A_927 = tpu.memref_slice %arg16[%arg1, %dma_start3A_925, %dma_start3A_926] : memref<16x8x128xf32, #tpu.memory_space<vmem_shared>> -> memref<1x2x128xf32, #tpu.memory_space<vmem_shared>>
        %dma_start3A_928 = tpu.memref_squeeze %dma_start3A_927 : memref<1x2x128xf32, #tpu.memory_space<vmem_shared>> -> memref<2x128xf32, #tpu.memory_space<vmem_shared>>
        %dma_start3A_929 = arith.constant 5 : i32
        %dma_start3A_930 = arith.constant 0 : i32
        %dma_start3A_931 = tpu.memref_slice %arg9[%dma_start3A_929, %dma_start3A_930] : memref<8x128xf32, #tpu.memory_space<vmem>> -> memref<2x128xf32, #tpu.memory_space<vmem>>
        tpu.enqueue_dma source(%dma_start3A_931 : memref<2x128xf32, #tpu.memory_space<vmem>>) target(%dma_start3A_928 : memref<2x128xf32, #tpu.memory_space<vmem_shared>>) target_semaphore(%run_scoped3A_917 : memref<!tpu.dma_semaphore, #tpu.memory_space<semaphore_mem>>)
        %dma_wait3A_932 = arith.constant 5 : i32
        %dma_wait3A_933 = arith.constant 0 : i32
        %dma_wait3A_934 = tpu.memref_slice %arg9[%dma_wait3A_932, %dma_wait3A_933] : memref<8x128xf32, #tpu.memory_space<vmem>> -> memref<2x128xf32, #tpu.memory_space<vmem>>
        %dma_wait3A_935 = arith.constant 5 : i32
        %dma_wait3A_936 = arith.constant 0 : i32
        %dma_wait3A_937 = tpu.memref_slice %arg16[%arg1, %dma_wait3A_935, %dma_wait3A_936] : memref<16x8x128xf32, #tpu.memory_space<vmem_shared>> -> memref<1x2x128xf32, #tpu.memory_space<vmem_shared>>
        %dma_wait3A_938 = tpu.memref_squeeze %dma_wait3A_937 : memref<1x2x128xf32, #tpu.memory_space<vmem_shared>> -> memref<2x128xf32, #tpu.memory_space<vmem_shared>>
        %dma_wait3A_939 = arith.constant 5 : i32
        %dma_wait3A_940 = arith.constant 0 : i32
        %dma_wait3A_941 = tpu.memref_slice %arg16[%arg1, %dma_wait3A_939, %dma_wait3A_940] : memref<16x8x128xf32, #tpu.memory_space<vmem_shared>> -> memref<1x2x128xf32, #tpu.memory_space<vmem_shared>>
        %dma_wait3A_942 = tpu.memref_squeeze %dma_wait3A_941 : memref<1x2x128xf32, #tpu.memory_space<vmem_shared>> -> memref<2x128xf32, #tpu.memory_space<vmem_shared>>
        %dma_wait3A_943 = arith.constant 5 : i32
        %dma_wait3A_944 = arith.constant 0 : i32
        %dma_wait3A_945 = tpu.memref_slice %arg9[%dma_wait3A_943, %dma_wait3A_944] : memref<8x128xf32, #tpu.memory_space<vmem>> -> memref<2x128xf32, #tpu.memory_space<vmem>>
        tpu.wait_dma2 semaphore(%run_scoped3A_917 : memref<!tpu.dma_semaphore, #tpu.memory_space<semaphore_mem>>) src(%dma_wait3A_945 : memref<2x128xf32, #tpu.memory_space<vmem>>) dst(%dma_wait3A_942 : memref<2x128xf32, #tpu.memory_space<vmem_shared>>)
        tpu.yield
      }) : () -> ()
      %barrier3A_909 = arith.constant 0 : index
      tpu.barrier barrier_id(%barrier3A_909)
      %eq3A_910 = arith.constant 0 : i32
      %eq3A_911 = arith.cmpi eq, %arg1, %eq3A_910 : i32
      %convert_element_type3A_912 = arith.extui %eq3A_911 : i1 to i32
      %cond3A_913 = arith.constant 0 : i32
      %cond3A_914 = arith.cmpi ne, %convert_element_type3A_912, %cond3A_913 : i32
      scf.if %cond3A_914 {
        %run_scoped3A_917 = arith.constant 0 : i32
        "tpu.region"() ({
          %run_scoped3A_1554 = tpu.sem_alloc : memref<!tpu.dma_semaphore, #tpu.memory_space<semaphore_mem>>
          %dma_start3A_1555 = arith.constant 5 : i32
          %dma_start3A_1556 = arith.constant 0 : i32
          %dma_start3A_1557 = tpu.memref_slice %arg11[%dma_start3A_1555, %dma_start3A_1556] : memref<8x128xf32, #tpu.memory_space<vmem>> -> memref<2x128xf32, #tpu.memory_space<vmem>>
          %dma_start3A_1558 = arith.constant 5 : i32
          %dma_start3A_1559 = arith.constant 0 : i32
          %dma_start3A_1560 = tpu.memref_slice %arg16[%run_scoped3A_917, %dma_start3A_1558, %dma_start3A_1559] : memref<16x8x128xf32, #tpu.memory_space<vmem_shared>> -> memref<1x2x128xf32, #tpu.memory_space<vmem_shared>>
          %dma_start3A_1561 = tpu.memref_squeeze %dma_start3A_1560 : memref<1x2x128xf32, #tpu.memory_space<vmem_shared>> -> memref<2x128xf32, #tpu.memory_space<vmem_shared>>
          %dma_start3A_1562 = arith.constant 5 : i32
          %dma_start3A_1563 = arith.constant 0 : i32
          %dma_start3A_1564 = tpu.memref_slice %arg11[%dma_start3A_1562, %dma_start3A_1563] : memref<8x128xf32, #tpu.memory_space<vmem>> -> memref<2x128xf32, #tpu.memory_space<vmem>>
          %dma_start3A_1565 = arith.constant 5 : i32
          %dma_start3A_1566 = arith.constant 0 : i32
          %dma_start3A_1567 = tpu.memref_slice %arg16[%run_scoped3A_917, %dma_start3A_1565, %dma_start3A_1566] : memref<16x8x128xf32, #tpu.memory_space<vmem_shared>> -> memref<1x2x128xf32, #tpu.memory_space<vmem_shared>>
          %dma_start3A_1568 = tpu.memref_squeeze %dma_start3A_1567 : memref<1x2x128xf32, #tpu.memory_space<vmem_shared>> -> memref<2x128xf32, #tpu.memory_space<vmem_shared>>
          tpu.enqueue_dma source(%dma_start3A_1568 : memref<2x128xf32, #tpu.memory_space<vmem_shared>>) target(%dma_start3A_1564 : memref<2x128xf32, #tpu.memory_space<vmem>>) target_semaphore(%run_scoped3A_1554 : memref<!tpu.dma_semaphore, #tpu.memory_space<semaphore_mem>>)
          %dma_wait3A_1569 = arith.constant 5 : i32
          %dma_wait3A_1570 = arith.constant 0 : i32
          %dma_wait3A_1571 = tpu.memref_slice %arg11[%dma_wait3A_1569, %dma_wait3A_1570] : memref<8x128xf32, #tpu.memory_space<vmem>> -> memref<2x128xf32, #tpu.memory_space<vmem>>
          %dma_wait3A_1572 = arith.constant 5 : i32
          %dma_wait3A_1573 = arith.constant 0 : i32
          %dma_wait3A_1574 = tpu.memref_slice %arg16[%run_scoped3A_917, %dma_wait3A_1572, %dma_wait3A_1573] : memref<16x8x128xf32, #tpu.memory_space<vmem_shared>> -> memref<1x2x128xf32, #tpu.memory_space<vmem_shared>>
          %dma_wait3A_1575 = tpu.memref_squeeze %dma_wait3A_1574 : memref<1x2x128xf32, #tpu.memory_space<vmem_shared>> -> memref<2x128xf32, #tpu.memory_space<vmem_shared>>
          %dma_wait3A_1576 = arith.constant 5 : i32
          %dma_wait3A_1577 = arith.constant 0 : i32
          %dma_wait3A_1578 = tpu.memref_slice %arg11[%dma_wait3A_1576, %dma_wait3A_1577] : memref<8x128xf32, #tpu.memory_space<vmem>> -> memref<2x128xf32, #tpu.memory_space<vmem>>
          %dma_wait3A_1579 = arith.constant 5 : i32
          %dma_wait3A_1580 = arith.constant 0 : i32
          %dma_wait3A_1581 = tpu.memref_slice %arg16[%run_scoped3A_917, %dma_wait3A_1579, %dma_wait3A_1580] : memref<16x8x128xf32, #tpu.memory_space<vmem_shared>> -> memref<1x2x128xf32, #tpu.memory_space<vmem_shared>>
          %dma_wait3A_1582 = tpu.memref_squeeze %dma_wait3A_1581 : memref<1x2x128xf32, #tpu.memory_space<vmem_shared>> -> memref<2x128xf32, #tpu.memory_space<vmem_shared>>
          tpu.wait_dma2 semaphore(%run_scoped3A_1554 : memref<!tpu.dma_semaphore, #tpu.memory_space<semaphore_mem>>) src(%dma_wait3A_1582 : memref<2x128xf32, #tpu.memory_space<vmem_shared>>) dst(%dma_wait3A_1578 : memref<2x128xf32, #tpu.memory_space<vmem>>)
          tpu.yield
        }) : () -> ()
        %scan3A_918 = arith.constant 0 : i32
        %scan3A_919 = arith.constant 1 : i32
        %scan3A_920 = arith.constant 15 : i32
        %scan3A_921 = arith.addi %scan3A_919, %scan3A_920 : i32
        %scan3A_922 = arith.constant 1 : i32
        %scan3A_923 = scf.for %scan3A_1554 = %scan3A_919 to %scan3A_921 step %scan3A_922 iter_args(%scan3A_1555 = %scan3A_918) -> (i32)  : i32 {
          "tpu.region"() ({
            %run_scoped3A_1765 = tpu.sem_alloc : memref<!tpu.dma_semaphore, #tpu.memory_space<semaphore_mem>>
            %dma_start3A_1766 = arith.constant 0 : i32
            %dma_start3A_1767 = arith.constant 0 : i32
            %dma_start3A_1768 = tpu.memref_slice %arg10[%dma_start3A_1766, %dma_start3A_1767] : memref<8x128xf32, #tpu.memory_space<vmem>> -> memref<2x128xf32, #tpu.memory_space<vmem>>
            %dma_start3A_1769 = arith.constant 5 : i32
            %dma_start3A_1770 = arith.constant 0 : i32
            %dma_start3A_1771 = tpu.memref_slice %arg16[%scan3A_1554, %dma_start3A_1769, %dma_start3A_1770] : memref<16x8x128xf32, #tpu.memory_space<vmem_shared>> -> memref<1x2x128xf32, #tpu.memory_space<vmem_shared>>
            %dma_start3A_1772 = tpu.memref_squeeze %dma_start3A_1771 : memref<1x2x128xf32, #tpu.memory_space<vmem_shared>> -> memref<2x128xf32, #tpu.memory_space<vmem_shared>>
            %dma_start3A_1773 = arith.constant 0 : i32
            %dma_start3A_1774 = arith.constant 0 : i32
            %dma_start3A_1775 = tpu.memref_slice %arg10[%dma_start3A_1773, %dma_start3A_1774] : memref<8x128xf32, #tpu.memory_space<vmem>> -> memref<2x128xf32, #tpu.memory_space<vmem>>
            %dma_start3A_1776 = arith.constant 5 : i32
            %dma_start3A_1777 = arith.constant 0 : i32
            %dma_start3A_1778 = tpu.memref_slice %arg16[%scan3A_1554, %dma_start3A_1776, %dma_start3A_1777] : memref<16x8x128xf32, #tpu.memory_space<vmem_shared>> -> memref<1x2x128xf32, #tpu.memory_space<vmem_shared>>
            %dma_start3A_1779 = tpu.memref_squeeze %dma_start3A_1778 : memref<1x2x128xf32, #tpu.memory_space<vmem_shared>> -> memref<2x128xf32, #tpu.memory_space<vmem_shared>>
            tpu.enqueue_dma source(%dma_start3A_1779 : memref<2x128xf32, #tpu.memory_space<vmem_shared>>) target(%dma_start3A_1775 : memref<2x128xf32, #tpu.memory_space<vmem>>) target_semaphore(%run_scoped3A_1765 : memref<!tpu.dma_semaphore, #tpu.memory_space<semaphore_mem>>)
            %dma_wait3A_1780 = arith.constant 0 : i32
            %dma_wait3A_1781 = arith.constant 0 : i32
            %dma_wait3A_1782 = tpu.memref_slice %arg10[%dma_wait3A_1780, %dma_wait3A_1781] : memref<8x128xf32, #tpu.memory_space<vmem>> -> memref<2x128xf32, #tpu.memory_space<vmem>>
            %dma_wait3A_1783 = arith.constant 5 : i32
            %dma_wait3A_1784 = arith.constant 0 : i32
            %dma_wait3A_1785 = tpu.memref_slice %arg16[%scan3A_1554, %dma_wait3A_1783, %dma_wait3A_1784] : memref<16x8x128xf32, #tpu.memory_space<vmem_shared>> -> memref<1x2x128xf32, #tpu.memory_space<vmem_shared>>
            %dma_wait3A_1786 = tpu.memref_squeeze %dma_wait3A_1785 : memref<1x2x128xf32, #tpu.memory_space<vmem_shared>> -> memref<2x128xf32, #tpu.memory_space<vmem_shared>>
            %dma_wait3A_1787 = arith.constant 0 : i32
            %dma_wait3A_1788 = arith.constant 0 : i32
            %dma_wait3A_1789 = tpu.memref_slice %arg10[%dma_wait3A_1787, %dma_wait3A_1788] : memref<8x128xf32, #tpu.memory_space<vmem>> -> memref<2x128xf32, #tpu.memory_space<vmem>>
            %dma_wait3A_1790 = arith.constant 5 : i32
            %dma_wait3A_1791 = arith.constant 0 : i32
            %dma_wait3A_1792 = tpu.memref_slice %arg16[%scan3A_1554, %dma_wait3A_1790, %dma_wait3A_1791] : memref<16x8x128xf32, #tpu.memory_space<vmem_shared>> -> memref<1x2x128xf32, #tpu.memory_space<vmem_shared>>
            %dma_wait3A_1793 = tpu.memref_squeeze %dma_wait3A_1792 : memref<1x2x128xf32, #tpu.memory_space<vmem_shared>> -> memref<2x128xf32, #tpu.memory_space<vmem_shared>>
            tpu.wait_dma2 semaphore(%run_scoped3A_1765 : memref<!tpu.dma_semaphore, #tpu.memory_space<semaphore_mem>>) src(%dma_wait3A_1793 : memref<2x128xf32, #tpu.memory_space<vmem_shared>>) dst(%dma_wait3A_1789 : memref<2x128xf32, #tpu.memory_space<vmem>>)
            tpu.yield
          }) : () -> ()
          %get3A_1556 = arith.constant 5 : i32
          %get3A_1557 = arith.index_cast %get3A_1556 : i32 to index
          %get3A_1558 = arith.constant 0 : index
          %get3A_1559 = tpu.vector_load %arg11[%get3A_1557, %get3A_1558] {strides = array<i32>} : memref<8x128xf32, #tpu.memory_space<vmem>>, vector<16xf32>,
          %get3A_1560 = arith.constant 0 : i32
          %get3A_1561 = arith.index_cast %get3A_1560 : i32 to index
          %get3A_1562 = arith.constant 0 : index
          %get3A_1563 = tpu.vector_load %arg10[%get3A_1561, %get3A_1562] {strides = array<i32>} : memref<8x128xf32, #tpu.memory_space<vmem>>, vector<16xf32>,
          %add3A_1564 = arith.addf %get3A_1559, %get3A_1563 : vector<16xf32>
          %swap3A_1565 = arith.constant 5 : i32
          %swap3A_1566 = arith.index_cast %swap3A_1565 : i32 to index
          %swap3A_1567 = arith.constant 0 : index
          %swap3A_1568 = tpu.vector_load %arg11[%swap3A_1566, %swap3A_1567] {strides = array<i32>} : memref<8x128xf32, #tpu.memory_space<vmem>>, vector<16xf32>,
          tpu.vector_store %arg11[%swap3A_1566, %swap3A_1567], %add3A_1564 {strides = array<i32>} : memref<8x128xf32, #tpu.memory_space<vmem>>, vector<16xf32>,
          %get3A_1569 = arith.constant 5 : i32
          %get3A_1570 = arith.index_cast %get3A_1569 : i32 to index
          %get3A_1571 = arith.constant 16 : index
          %get3A_1572 = tpu.vector_load %arg11[%get3A_1570, %get3A_1571] {strides = array<i32>} : memref<8x128xf32, #tpu.memory_space<vmem>>, vector<16xf32>,
          %get3A_1573 = arith.constant 0 : i32
          %get3A_1574 = arith.index_cast %get3A_1573 : i32 to index
          %get3A_1575 = arith.constant 16 : index
          %get3A_1576 = tpu.vector_load %arg10[%get3A_1574, %get3A_1575] {strides = array<i32>} : memref<8x128xf32, #tpu.memory_space<vmem>>, vector<16xf32>,
          %add3A_1577 = arith.addf %get3A_1572, %get3A_1576 : vector<16xf32>
          %swap3A_1578 = arith.constant 5 : i32
          %swap3A_1579 = arith.index_cast %swap3A_1578 : i32 to index
          %swap3A_1580 = arith.constant 16 : index
          %swap3A_1581 = tpu.vector_load %arg11[%swap3A_1579, %swap3A_1580] {strides = array<i32>} : memref<8x128xf32, #tpu.memory_space<vmem>>, vector<16xf32>,
          tpu.vector_store %arg11[%swap3A_1579, %swap3A_1580], %add3A_1577 {strides = array<i32>} : memref<8x128xf32, #tpu.memory_space<vmem>>, vector<16xf32>,
          %get3A_1582 = arith.constant 5 : i32
          %get3A_1583 = arith.index_cast %get3A_1582 : i32 to index
          %get3A_1584 = arith.constant 32 : index
          %get3A_1585 = tpu.vector_load %arg11[%get3A_1583, %get3A_1584] {strides = array<i32>} : memref<8x128xf32, #tpu.memory_space<vmem>>, vector<16xf32>,
          %get3A_1586 = arith.constant 0 : i32
          %get3A_1587 = arith.index_cast %get3A_1586 : i32 to index
          %get3A_1588 = arith.constant 32 : index
          %get3A_1589 = tpu.vector_load %arg10[%get3A_1587, %get3A_1588] {strides = array<i32>} : memref<8x128xf32, #tpu.memory_space<vmem>>, vector<16xf32>,
          %add3A_1590 = arith.addf %get3A_1585, %get3A_1589 : vector<16xf32>
          %swap3A_1591 = arith.constant 5 : i32
          %swap3A_1592 = arith.index_cast %swap3A_1591 : i32 to index
          %swap3A_1593 = arith.constant 32 : index
          %swap3A_1594 = tpu.vector_load %arg11[%swap3A_1592, %swap3A_1593] {strides = array<i32>} : memref<8x128xf32, #tpu.memory_space<vmem>>, vector<16xf32>,
          tpu.vector_store %arg11[%swap3A_1592, %swap3A_1593], %add3A_1590 {strides = array<i32>} : memref<8x128xf32, #tpu.memory_space<vmem>>, vector<16xf32>,
          %get3A_1595 = arith.constant 5 : i32
          %get3A_1596 = arith.index_cast %get3A_1595 : i32 to index
          %get3A_1597 = arith.constant 48 : index
          %get3A_1598 = tpu.vector_load %arg11[%get3A_1596, %get3A_1597] {strides = array<i32>} : memref<8x128xf32, #tpu.memory_space<vmem>>, vector<16xf32>,
          %get3A_1599 = arith.constant 0 : i32
          %get3A_1600 = arith.index_cast %get3A_1599 : i32 to index
          %get3A_1601 = arith.constant 48 : index
          %get3A_1602 = tpu.vector_load %arg10[%get3A_1600, %get3A_1601] {strides = array<i32>} : memref<8x128xf32, #tpu.memory_space<vmem>>, vector<16xf32>,
          %add3A_1603 = arith.addf %get3A_1598, %get3A_1602 : vector<16xf32>
          %swap3A_1604 = arith.constant 5 : i32
          %swap3A_1605 = arith.index_cast %swap3A_1604 : i32 to index
          %swap3A_1606 = arith.constant 48 : index
          %swap3A_1607 = tpu.vector_load %arg11[%swap3A_1605, %swap3A_1606] {strides = array<i32>} : memref<8x128xf32, #tpu.memory_space<vmem>>, vector<16xf32>,
          tpu.vector_store %arg11[%swap3A_1605, %swap3A_1606], %add3A_1603 {strides = array<i32>} : memref<8x128xf32, #tpu.memory_space<vmem>>, vector<16xf32>,
          %get3A_1608 = arith.constant 5 : i32
          %get3A_1609 = arith.index_cast %get3A_1608 : i32 to index
          %get3A_1610 = arith.constant 64 : index
          %get3A_1611 = tpu.vector_load %arg11[%get3A_1609, %get3A_1610] {strides = array<i32>} : memref<8x128xf32, #tpu.memory_space<vmem>>, vector<16xf32>,
          %get3A_1612 = arith.constant 0 : i32
          %get3A_1613 = arith.index_cast %get3A_1612 : i32 to index
          %get3A_1614 = arith.constant 64 : index
          %get3A_1615 = tpu.vector_load %arg10[%get3A_1613, %get3A_1614] {strides = array<i32>} : memref<8x128xf32, #tpu.memory_space<vmem>>, vector<16xf32>,
          %add3A_1616 = arith.addf %get3A_1611, %get3A_1615 : vector<16xf32>
          %swap3A_1617 = arith.constant 5 : i32
          %swap3A_1618 = arith.index_cast %swap3A_1617 : i32 to index
          %swap3A_1619 = arith.constant 64 : index
          %swap3A_1620 = tpu.vector_load %arg11[%swap3A_1618, %swap3A_1619] {strides = array<i32>} : memref<8x128xf32, #tpu.memory_space<vmem>>, vector<16xf32>,
          tpu.vector_store %arg11[%swap3A_1618, %swap3A_1619], %add3A_1616 {strides = array<i32>} : memref<8x128xf32, #tpu.memory_space<vmem>>, vector<16xf32>,
          %get3A_1621 = arith.constant 5 : i32
          %get3A_1622 = arith.index_cast %get3A_1621 : i32 to index
          %get3A_1623 = arith.constant 80 : index
          %get3A_1624 = tpu.vector_load %arg11[%get3A_1622, %get3A_1623] {strides = array<i32>} : memref<8x128xf32, #tpu.memory_space<vmem>>, vector<16xf32>,
          %get3A_1625 = arith.constant 0 : i32
          %get3A_1626 = arith.index_cast %get3A_1625 : i32 to index
          %get3A_1627 = arith.constant 80 : index
          %get3A_1628 = tpu.vector_load %arg10[%get3A_1626, %get3A_1627] {strides = array<i32>} : memref<8x128xf32, #tpu.memory_space<vmem>>, vector<16xf32>,
          %add3A_1629 = arith.addf %get3A_1624, %get3A_1628 : vector<16xf32>
          %swap3A_1630 = arith.constant 5 : i32
          %swap3A_1631 = arith.index_cast %swap3A_1630 : i32 to index
          %swap3A_1632 = arith.constant 80 : index
          %swap3A_1633 = tpu.vector_load %arg11[%swap3A_1631, %swap3A_1632] {strides = array<i32>} : memref<8x128xf32, #tpu.memory_space<vmem>>, vector<16xf32>,
          tpu.vector_store %arg11[%swap3A_1631, %swap3A_1632], %add3A_1629 {strides = array<i32>} : memref<8x128xf32, #tpu.memory_space<vmem>>, vector<16xf32>,
          %get3A_1634 = arith.constant 5 : i32
          %get3A_1635 = arith.index_cast %get3A_1634 : i32 to index
          %get3A_1636 = arith.constant 96 : index
          %get3A_1637 = tpu.vector_load %arg11[%get3A_1635, %get3A_1636] {strides = array<i32>} : memref<8x128xf32, #tpu.memory_space<vmem>>, vector<16xf32>,
          %get3A_1638 = arith.constant 0 : i32
          %get3A_1639 = arith.index_cast %get3A_1638 : i32 to index
          %get3A_1640 = arith.constant 96 : index
          %get3A_1641 = tpu.vector_load %arg10[%get3A_1639, %get3A_1640] {strides = array<i32>} : memref<8x128xf32, #tpu.memory_space<vmem>>, vector<16xf32>,
          %add3A_1642 = arith.addf %get3A_1637, %get3A_1641 : vector<16xf32>
          %swap3A_1643 = arith.constant 5 : i32
          %swap3A_1644 = arith.index_cast %swap3A_1643 : i32 to index
          %swap3A_1645 = arith.constant 96 : index
          %swap3A_1646 = tpu.vector_load %arg11[%swap3A_1644, %swap3A_1645] {strides = array<i32>} : memref<8x128xf32, #tpu.memory_space<vmem>>, vector<16xf32>,
          tpu.vector_store %arg11[%swap3A_1644, %swap3A_1645], %add3A_1642 {strides = array<i32>} : memref<8x128xf32, #tpu.memory_space<vmem>>, vector<16xf32>,
          %get3A_1647 = arith.constant 5 : i32
          %get3A_1648 = arith.index_cast %get3A_1647 : i32 to index
          %get3A_1649 = arith.constant 112 : index
          %get3A_1650 = tpu.vector_load %arg11[%get3A_1648, %get3A_1649] {strides = array<i32>} : memref<8x128xf32, #tpu.memory_space<vmem>>, vector<16xf32>,
          %get3A_1651 = arith.constant 0 : i32
          %get3A_1652 = arith.index_cast %get3A_1651 : i32 to index
          %get3A_1653 = arith.constant 112 : index
          %get3A_1654 = tpu.vector_load %arg10[%get3A_1652, %get3A_1653] {strides = array<i32>} : memref<8x128xf32, #tpu.memory_space<vmem>>, vector<16xf32>,
          %add3A_1655 = arith.addf %get3A_1650, %get3A_1654 : vector<16xf32>
          %swap3A_1656 = arith.constant 5 : i32
          %swap3A_1657 = arith.index_cast %swap3A_1656 : i32 to index
          %swap3A_1658 = arith.constant 112 : index
          %swap3A_1659 = tpu.vector_load %arg11[%swap3A_1657, %swap3A_1658] {strides = array<i32>} : memref<8x128xf32, #tpu.memory_space<vmem>>, vector<16xf32>,
          tpu.vector_store %arg11[%swap3A_1657, %swap3A_1658], %add3A_1655 {strides = array<i32>} : memref<8x128xf32, #tpu.memory_space<vmem>>, vector<16xf32>,
          %get3A_1660 = arith.constant 6 : i32
          %get3A_1661 = arith.index_cast %get3A_1660 : i32 to index
          %get3A_1662 = arith.constant 0 : index
          %get3A_1663 = tpu.vector_load %arg11[%get3A_1661, %get3A_1662] {strides = array<i32>} : memref<8x128xf32, #tpu.memory_space<vmem>>, vector<16xf32>,
          %get3A_1664 = arith.constant 1 : i32
          %get3A_1665 = arith.index_cast %get3A_1664 : i32 to index
          %get3A_1666 = arith.constant 0 : index
          %get3A_1667 = tpu.vector_load %arg10[%get3A_1665, %get3A_1666] {strides = array<i32>} : memref<8x128xf32, #tpu.memory_space<vmem>>, vector<16xf32>,
          %add3A_1668 = arith.addf %get3A_1663, %get3A_1667 : vector<16xf32>
          %swap3A_1669 = arith.constant 6 : i32
          %swap3A_1670 = arith.index_cast %swap3A_1669 : i32 to index
          %swap3A_1671 = arith.constant 0 : index
          %swap3A_1672 = tpu.vector_load %arg11[%swap3A_1670, %swap3A_1671] {strides = array<i32>} : memref<8x128xf32, #tpu.memory_space<vmem>>, vector<16xf32>,
          tpu.vector_store %arg11[%swap3A_1670, %swap3A_1671], %add3A_1668 {strides = array<i32>} : memref<8x128xf32, #tpu.memory_space<vmem>>, vector<16xf32>,
          %get3A_1673 = arith.constant 6 : i32
          %get3A_1674 = arith.index_cast %get3A_1673 : i32 to index
          %get3A_1675 = arith.constant 16 : index
          %get3A_1676 = tpu.vector_load %arg11[%get3A_1674, %get3A_1675] {strides = array<i32>} : memref<8x128xf32, #tpu.memory_space<vmem>>, vector<16xf32>,
          %get3A_1677 = arith.constant 1 : i32
          %get3A_1678 = arith.index_cast %get3A_1677 : i32 to index
          %get3A_1679 = arith.constant 16 : index
          %get3A_1680 = tpu.vector_load %arg10[%get3A_1678, %get3A_1679] {strides = array<i32>} : memref<8x128xf32, #tpu.memory_space<vmem>>, vector<16xf32>,
          %add3A_1681 = arith.addf %get3A_1676, %get3A_1680 : vector<16xf32>
          %swap3A_1682 = arith.constant 6 : i32
          %swap3A_1683 = arith.index_cast %swap3A_1682 : i32 to index
          %swap3A_1684 = arith.constant 16 : index
          %swap3A_1685 = tpu.vector_load %arg11[%swap3A_1683, %swap3A_1684] {strides = array<i32>} : memref<8x128xf32, #tpu.memory_space<vmem>>, vector<16xf32>,
          tpu.vector_store %arg11[%swap3A_1683, %swap3A_1684], %add3A_1681 {strides = array<i32>} : memref<8x128xf32, #tpu.memory_space<vmem>>, vector<16xf32>,
          %get3A_1686 = arith.constant 6 : i32
          %get3A_1687 = arith.index_cast %get3A_1686 : i32 to index
          %get3A_1688 = arith.constant 32 : index
          %get3A_1689 = tpu.vector_load %arg11[%get3A_1687, %get3A_1688] {strides = array<i32>} : memref<8x128xf32, #tpu.memory_space<vmem>>, vector<16xf32>,
          %get3A_1690 = arith.constant 1 : i32
          %get3A_1691 = arith.index_cast %get3A_1690 : i32 to index
          %get3A_1692 = arith.constant 32 : index
          %get3A_1693 = tpu.vector_load %arg10[%get3A_1691, %get3A_1692] {strides = array<i32>} : memref<8x128xf32, #tpu.memory_space<vmem>>, vector<16xf32>,
          %add3A_1694 = arith.addf %get3A_1689, %get3A_1693 : vector<16xf32>
          %swap3A_1695 = arith.constant 6 : i32
          %swap3A_1696 = arith.index_cast %swap3A_1695 : i32 to index
          %swap3A_1697 = arith.constant 32 : index
          %swap3A_1698 = tpu.vector_load %arg11[%swap3A_1696, %swap3A_1697] {strides = array<i32>} : memref<8x128xf32, #tpu.memory_space<vmem>>, vector<16xf32>,
          tpu.vector_store %arg11[%swap3A_1696, %swap3A_1697], %add3A_1694 {strides = array<i32>} : memref<8x128xf32, #tpu.memory_space<vmem>>, vector<16xf32>,
          %get3A_1699 = arith.constant 6 : i32
          %get3A_1700 = arith.index_cast %get3A_1699 : i32 to index
          %get3A_1701 = arith.constant 48 : index
          %get3A_1702 = tpu.vector_load %arg11[%get3A_1700, %get3A_1701] {strides = array<i32>} : memref<8x128xf32, #tpu.memory_space<vmem>>, vector<16xf32>,
          %get3A_1703 = arith.constant 1 : i32
          %get3A_1704 = arith.index_cast %get3A_1703 : i32 to index
          %get3A_1705 = arith.constant 48 : index
          %get3A_1706 = tpu.vector_load %arg10[%get3A_1704, %get3A_1705] {strides = array<i32>} : memref<8x128xf32, #tpu.memory_space<vmem>>, vector<16xf32>,
          %add3A_1707 = arith.addf %get3A_1702, %get3A_1706 : vector<16xf32>
          %swap3A_1708 = arith.constant 6 : i32
          %swap3A_1709 = arith.index_cast %swap3A_1708 : i32 to index
          %swap3A_1710 = arith.constant 48 : index
          %swap3A_1711 = tpu.vector_load %arg11[%swap3A_1709, %swap3A_1710] {strides = array<i32>} : memref<8x128xf32, #tpu.memory_space<vmem>>, vector<16xf32>,
          tpu.vector_store %arg11[%swap3A_1709, %swap3A_1710], %add3A_1707 {strides = array<i32>} : memref<8x128xf32, #tpu.memory_space<vmem>>, vector<16xf32>,
          %get3A_1712 = arith.constant 6 : i32
          %get3A_1713 = arith.index_cast %get3A_1712 : i32 to index
          %get3A_1714 = arith.constant 64 : index
          %get3A_1715 = tpu.vector_load %arg11[%get3A_1713, %get3A_1714] {strides = array<i32>} : memref<8x128xf32, #tpu.memory_space<vmem>>, vector<16xf32>,
          %get3A_1716 = arith.constant 1 : i32
          %get3A_1717 = arith.index_cast %get3A_1716 : i32 to index
          %get3A_1718 = arith.constant 64 : index
          %get3A_1719 = tpu.vector_load %arg10[%get3A_1717, %get3A_1718] {strides = array<i32>} : memref<8x128xf32, #tpu.memory_space<vmem>>, vector<16xf32>,
          %add3A_1720 = arith.addf %get3A_1715, %get3A_1719 : vector<16xf32>
          %swap3A_1721 = arith.constant 6 : i32
          %swap3A_1722 = arith.index_cast %swap3A_1721 : i32 to index
          %swap3A_1723 = arith.constant 64 : index
          %swap3A_1724 = tpu.vector_load %arg11[%swap3A_1722, %swap3A_1723] {strides = array<i32>} : memref<8x128xf32, #tpu.memory_space<vmem>>, vector<16xf32>,
          tpu.vector_store %arg11[%swap3A_1722, %swap3A_1723], %add3A_1720 {strides = array<i32>} : memref<8x128xf32, #tpu.memory_space<vmem>>, vector<16xf32>,
          %get3A_1725 = arith.constant 6 : i32
          %get3A_1726 = arith.index_cast %get3A_1725 : i32 to index
          %get3A_1727 = arith.constant 80 : index
          %get3A_1728 = tpu.vector_load %arg11[%get3A_1726, %get3A_1727] {strides = array<i32>} : memref<8x128xf32, #tpu.memory_space<vmem>>, vector<16xf32>,
          %get3A_1729 = arith.constant 1 : i32
          %get3A_1730 = arith.index_cast %get3A_1729 : i32 to index
          %get3A_1731 = arith.constant 80 : index
          %get3A_1732 = tpu.vector_load %arg10[%get3A_1730, %get3A_1731] {strides = array<i32>} : memref<8x128xf32, #tpu.memory_space<vmem>>, vector<16xf32>,
          %add3A_1733 = arith.addf %get3A_1728, %get3A_1732 : vector<16xf32>
          %swap3A_1734 = arith.constant 6 : i32
          %swap3A_1735 = arith.index_cast %swap3A_1734 : i32 to index
          %swap3A_1736 = arith.constant 80 : index
          %swap3A_1737 = tpu.vector_load %arg11[%swap3A_1735, %swap3A_1736] {strides = array<i32>} : memref<8x128xf32, #tpu.memory_space<vmem>>, vector<16xf32>,
          tpu.vector_store %arg11[%swap3A_1735, %swap3A_1736], %add3A_1733 {strides = array<i32>} : memref<8x128xf32, #tpu.memory_space<vmem>>, vector<16xf32>,
          %get3A_1738 = arith.constant 6 : i32
          %get3A_1739 = arith.index_cast %get3A_1738 : i32 to index
          %get3A_1740 = arith.constant 96 : index
          %get3A_1741 = tpu.vector_load %arg11[%get3A_1739, %get3A_1740] {strides = array<i32>} : memref<8x128xf32, #tpu.memory_space<vmem>>, vector<16xf32>,
          %get3A_1742 = arith.constant 1 : i32
          %get3A_1743 = arith.index_cast %get3A_1742 : i32 to index
          %get3A_1744 = arith.constant 96 : index
          %get3A_1745 = tpu.vector_load %arg10[%get3A_1743, %get3A_1744] {strides = array<i32>} : memref<8x128xf32, #tpu.memory_space<vmem>>, vector<16xf32>,
          %add3A_1746 = arith.addf %get3A_1741, %get3A_1745 : vector<16xf32>
          %swap3A_1747 = arith.constant 6 : i32
          %swap3A_1748 = arith.index_cast %swap3A_1747 : i32 to index
          %swap3A_1749 = arith.constant 96 : index
          %swap3A_1750 = tpu.vector_load %arg11[%swap3A_1748, %swap3A_1749] {strides = array<i32>} : memref<8x128xf32, #tpu.memory_space<vmem>>, vector<16xf32>,
          tpu.vector_store %arg11[%swap3A_1748, %swap3A_1749], %add3A_1746 {strides = array<i32>} : memref<8x128xf32, #tpu.memory_space<vmem>>, vector<16xf32>,
          %get3A_1751 = arith.constant 6 : i32
          %get3A_1752 = arith.index_cast %get3A_1751 : i32 to index
          %get3A_1753 = arith.constant 112 : index
          %get3A_1754 = tpu.vector_load %arg11[%get3A_1752, %get3A_1753] {strides = array<i32>} : memref<8x128xf32, #tpu.memory_space<vmem>>, vector<16xf32>,
          %get3A_1755 = arith.constant 1 : i32
          %get3A_1756 = arith.index_cast %get3A_1755 : i32 to index
          %get3A_1757 = arith.constant 112 : index
          %get3A_1758 = tpu.vector_load %arg10[%get3A_1756, %get3A_1757] {strides = array<i32>} : memref<8x128xf32, #tpu.memory_space<vmem>>, vector<16xf32>,
          %add3A_1759 = arith.addf %get3A_1754, %get3A_1758 : vector<16xf32>
          %swap3A_1760 = arith.constant 6 : i32
          %swap3A_1761 = arith.index_cast %swap3A_1760 : i32 to index
          %swap3A_1762 = arith.constant 112 : index
          %swap3A_1763 = tpu.vector_load %arg11[%swap3A_1761, %swap3A_1762] {strides = array<i32>} : memref<8x128xf32, #tpu.memory_space<vmem>>, vector<16xf32>,
          tpu.vector_store %arg11[%swap3A_1761, %swap3A_1762], %add3A_1759 {strides = array<i32>} : memref<8x128xf32, #tpu.memory_space<vmem>>, vector<16xf32>,
          %scan3A_1764 = arith.constant 0 : i32
          scf.yield %scan3A_1764 : i32
        }
        %scan3A_924 = arith.constant 15 : i32
        %eq3A_925 = arith.constant 1 : i32
        %eq3A_926 = vector.broadcast %eq3A_925 : i32 to vector<16xi32>
        %eq3A_927 = arith.cmpi eq, %iota3A, %eq3A_926 : vector<16xi32>
        %get3A_928 = arith.constant 5 : i32
        %get3A_929 = arith.index_cast %get3A_928 : i32 to index
        %get3A_930 = arith.constant 16 : index
        %get3A_931 = tpu.vector_load %arg11[%get3A_929, %get3A_930] {strides = array<i32>} : memref<8x128xf32, #tpu.memory_space<vmem>>, vector<16xf32>,
        %reduce_sum3A_932 = arith.constant true
        %reduce_sum3A_933 = vector.broadcast %reduce_sum3A_932 : i1 to vector<16xi1>
        %reduce_sum3A_934 = tpu.scan <sum>, %get3A_931 masked %reduce_sum3A_933 : vector<16xf32>, vector<16xi1> -> vector<16xf32>
        %reduce_sum3A_935 = vector.extract %reduce_sum3A_934[15] : f32 from vector<16xf32>
        %broadcast_in_dim3A_936 = vector.broadcast %reduce_sum3A_935 : f32 to vector<16xf32>
        %select_n3A_937 = arith.select %eq3A_927, %broadcast_in_dim3A_936, %broadcast_in_dim3A_0 : vector<16xi1>, vector<16xf32>
        %get3A_938 = arith.constant 6 : i32
        %get3A_939 = arith.index_cast %get3A_938 : i32 to index
        %get3A_940 = arith.constant 16 : index
        %get3A_941 = tpu.vector_load %arg11[%get3A_939, %get3A_940] {strides = array<i32>} : memref<8x128xf32, #tpu.memory_space<vmem>>, vector<16xf32>,
        %reduce_sum3A_942 = arith.constant true
        %reduce_sum3A_943 = vector.broadcast %reduce_sum3A_942 : i1 to vector<16xi1>
        %reduce_sum3A_944 = tpu.scan <sum>, %get3A_941 masked %reduce_sum3A_943 : vector<16xf32>, vector<16xi1> -> vector<16xf32>
        %reduce_sum3A_945 = vector.extract %reduce_sum3A_944[15] : f32 from vector<16xf32>
        %broadcast_in_dim3A_946 = vector.broadcast %reduce_sum3A_945 : f32 to vector<16xf32>
        %select_n3A_947 = arith.select %eq3A_927, %broadcast_in_dim3A_946, %broadcast_in_dim3A_0 : vector<16xi1>, vector<16xf32>
        %eq3A_948 = arith.constant 2 : i32
        %eq3A_949 = vector.broadcast %eq3A_948 : i32 to vector<16xi32>
        %eq3A_950 = arith.cmpi eq, %iota3A, %eq3A_949 : vector<16xi32>
        %get3A_951 = arith.constant 5 : i32
        %get3A_952 = arith.index_cast %get3A_951 : i32 to index
        %get3A_953 = arith.constant 32 : index
        %get3A_954 = tpu.vector_load %arg11[%get3A_952, %get3A_953] {strides = array<i32>} : memref<8x128xf32, #tpu.memory_space<vmem>>, vector<16xf32>,
        %reduce_sum3A_955 = arith.constant true
        %reduce_sum3A_956 = vector.broadcast %reduce_sum3A_955 : i1 to vector<16xi1>
        %reduce_sum3A_957 = tpu.scan <sum>, %get3A_954 masked %reduce_sum3A_956 : vector<16xf32>, vector<16xi1> -> vector<16xf32>
        %reduce_sum3A_958 = vector.extract %reduce_sum3A_957[15] : f32 from vector<16xf32>
        %broadcast_in_dim3A_959 = vector.broadcast %reduce_sum3A_958 : f32 to vector<16xf32>
        %select_n3A_960 = arith.select %eq3A_950, %broadcast_in_dim3A_959, %select_n3A_937 : vector<16xi1>, vector<16xf32>
        %get3A_961 = arith.constant 6 : i32
        %get3A_962 = arith.index_cast %get3A_961 : i32 to index
        %get3A_963 = arith.constant 32 : index
        %get3A_964 = tpu.vector_load %arg11[%get3A_962, %get3A_963] {strides = array<i32>} : memref<8x128xf32, #tpu.memory_space<vmem>>, vector<16xf32>,
        %reduce_sum3A_965 = arith.constant true
        %reduce_sum3A_966 = vector.broadcast %reduce_sum3A_965 : i1 to vector<16xi1>
        %reduce_sum3A_967 = tpu.scan <sum>, %get3A_964 masked %reduce_sum3A_966 : vector<16xf32>, vector<16xi1> -> vector<16xf32>
        %reduce_sum3A_968 = vector.extract %reduce_sum3A_967[15] : f32 from vector<16xf32>
        %broadcast_in_dim3A_969 = vector.broadcast %reduce_sum3A_968 : f32 to vector<16xf32>
        %select_n3A_970 = arith.select %eq3A_950, %broadcast_in_dim3A_969, %select_n3A_947 : vector<16xi1>, vector<16xf32>
        %eq3A_971 = arith.constant 3 : i32
        %eq3A_972 = vector.broadcast %eq3A_971 : i32 to vector<16xi32>
        %eq3A_973 = arith.cmpi eq, %iota3A, %eq3A_972 : vector<16xi32>
        %get3A_974 = arith.constant 5 : i32
        %get3A_975 = arith.index_cast %get3A_974 : i32 to index
        %get3A_976 = arith.constant 48 : index
        %get3A_977 = tpu.vector_load %arg11[%get3A_975, %get3A_976] {strides = array<i32>} : memref<8x128xf32, #tpu.memory_space<vmem>>, vector<16xf32>,
        %reduce_sum3A_978 = arith.constant true
        %reduce_sum3A_979 = vector.broadcast %reduce_sum3A_978 : i1 to vector<16xi1>
        %reduce_sum3A_980 = tpu.scan <sum>, %get3A_977 masked %reduce_sum3A_979 : vector<16xf32>, vector<16xi1> -> vector<16xf32>
        %reduce_sum3A_981 = vector.extract %reduce_sum3A_980[15] : f32 from vector<16xf32>
        %broadcast_in_dim3A_982 = vector.broadcast %reduce_sum3A_981 : f32 to vector<16xf32>
        %select_n3A_983 = arith.select %eq3A_973, %broadcast_in_dim3A_982, %select_n3A_960 : vector<16xi1>, vector<16xf32>
        %get3A_984 = arith.constant 6 : i32
        %get3A_985 = arith.index_cast %get3A_984 : i32 to index
        %get3A_986 = arith.constant 48 : index
        %get3A_987 = tpu.vector_load %arg11[%get3A_985, %get3A_986] {strides = array<i32>} : memref<8x128xf32, #tpu.memory_space<vmem>>, vector<16xf32>,
        %reduce_sum3A_988 = arith.constant true
        %reduce_sum3A_989 = vector.broadcast %reduce_sum3A_988 : i1 to vector<16xi1>
        %reduce_sum3A_990 = tpu.scan <sum>, %get3A_987 masked %reduce_sum3A_989 : vector<16xf32>, vector<16xi1> -> vector<16xf32>
        %reduce_sum3A_991 = vector.extract %reduce_sum3A_990[15] : f32 from vector<16xf32>
        %broadcast_in_dim3A_992 = vector.broadcast %reduce_sum3A_991 : f32 to vector<16xf32>
        %select_n3A_993 = arith.select %eq3A_973, %broadcast_in_dim3A_992, %select_n3A_970 : vector<16xi1>, vector<16xf32>
        %eq3A_994 = arith.constant 4 : i32
        %eq3A_995 = vector.broadcast %eq3A_994 : i32 to vector<16xi32>
        %eq3A_996 = arith.cmpi eq, %iota3A, %eq3A_995 : vector<16xi32>
        %get3A_997 = arith.constant 5 : i32
        %get3A_998 = arith.index_cast %get3A_997 : i32 to index
        %get3A_999 = arith.constant 64 : index
        %get3A_1000 = tpu.vector_load %arg11[%get3A_998, %get3A_999] {strides = array<i32>} : memref<8x128xf32, #tpu.memory_space<vmem>>, vector<16xf32>,
        %reduce_sum3A_1001 = arith.constant true
        %reduce_sum3A_1002 = vector.broadcast %reduce_sum3A_1001 : i1 to vector<16xi1>
        %reduce_sum3A_1003 = tpu.scan <sum>, %get3A_1000 masked %reduce_sum3A_1002 : vector<16xf32>, vector<16xi1> -> vector<16xf32>
        %reduce_sum3A_1004 = vector.extract %reduce_sum3A_1003[15] : f32 from vector<16xf32>
        %broadcast_in_dim3A_1005 = vector.broadcast %reduce_sum3A_1004 : f32 to vector<16xf32>
        %select_n3A_1006 = arith.select %eq3A_996, %broadcast_in_dim3A_1005, %select_n3A_983 : vector<16xi1>, vector<16xf32>
        %get3A_1007 = arith.constant 6 : i32
        %get3A_1008 = arith.index_cast %get3A_1007 : i32 to index
        %get3A_1009 = arith.constant 64 : index
        %get3A_1010 = tpu.vector_load %arg11[%get3A_1008, %get3A_1009] {strides = array<i32>} : memref<8x128xf32, #tpu.memory_space<vmem>>, vector<16xf32>,
        %reduce_sum3A_1011 = arith.constant true
        %reduce_sum3A_1012 = vector.broadcast %reduce_sum3A_1011 : i1 to vector<16xi1>
        %reduce_sum3A_1013 = tpu.scan <sum>, %get3A_1010 masked %reduce_sum3A_1012 : vector<16xf32>, vector<16xi1> -> vector<16xf32>
        %reduce_sum3A_1014 = vector.extract %reduce_sum3A_1013[15] : f32 from vector<16xf32>
        %broadcast_in_dim3A_1015 = vector.broadcast %reduce_sum3A_1014 : f32 to vector<16xf32>
        %select_n3A_1016 = arith.select %eq3A_996, %broadcast_in_dim3A_1015, %select_n3A_993 : vector<16xi1>, vector<16xf32>
        %eq3A_1017 = arith.constant 5 : i32
        %eq3A_1018 = vector.broadcast %eq3A_1017 : i32 to vector<16xi32>
        %eq3A_1019 = arith.cmpi eq, %iota3A, %eq3A_1018 : vector<16xi32>
        %get3A_1020 = arith.constant 5 : i32
        %get3A_1021 = arith.index_cast %get3A_1020 : i32 to index
        %get3A_1022 = arith.constant 80 : index
        %get3A_1023 = tpu.vector_load %arg11[%get3A_1021, %get3A_1022] {strides = array<i32>} : memref<8x128xf32, #tpu.memory_space<vmem>>, vector<16xf32>,
        %reduce_sum3A_1024 = arith.constant true
        %reduce_sum3A_1025 = vector.broadcast %reduce_sum3A_1024 : i1 to vector<16xi1>
        %reduce_sum3A_1026 = tpu.scan <sum>, %get3A_1023 masked %reduce_sum3A_1025 : vector<16xf32>, vector<16xi1> -> vector<16xf32>
        %reduce_sum3A_1027 = vector.extract %reduce_sum3A_1026[15] : f32 from vector<16xf32>
        %broadcast_in_dim3A_1028 = vector.broadcast %reduce_sum3A_1027 : f32 to vector<16xf32>
        %select_n3A_1029 = arith.select %eq3A_1019, %broadcast_in_dim3A_1028, %select_n3A_1006 : vector<16xi1>, vector<16xf32>
        %get3A_1030 = arith.constant 6 : i32
        %get3A_1031 = arith.index_cast %get3A_1030 : i32 to index
        %get3A_1032 = arith.constant 80 : index
        %get3A_1033 = tpu.vector_load %arg11[%get3A_1031, %get3A_1032] {strides = array<i32>} : memref<8x128xf32, #tpu.memory_space<vmem>>, vector<16xf32>,
        %reduce_sum3A_1034 = arith.constant true
        %reduce_sum3A_1035 = vector.broadcast %reduce_sum3A_1034 : i1 to vector<16xi1>
        %reduce_sum3A_1036 = tpu.scan <sum>, %get3A_1033 masked %reduce_sum3A_1035 : vector<16xf32>, vector<16xi1> -> vector<16xf32>
        %reduce_sum3A_1037 = vector.extract %reduce_sum3A_1036[15] : f32 from vector<16xf32>
        %broadcast_in_dim3A_1038 = vector.broadcast %reduce_sum3A_1037 : f32 to vector<16xf32>
        %select_n3A_1039 = arith.select %eq3A_1019, %broadcast_in_dim3A_1038, %select_n3A_1016 : vector<16xi1>, vector<16xf32>
        %eq3A_1040 = arith.constant 6 : i32
        %eq3A_1041 = vector.broadcast %eq3A_1040 : i32 to vector<16xi32>
        %eq3A_1042 = arith.cmpi eq, %iota3A, %eq3A_1041 : vector<16xi32>
        %get3A_1043 = arith.constant 5 : i32
        %get3A_1044 = arith.index_cast %get3A_1043 : i32 to index
        %get3A_1045 = arith.constant 96 : index
        %get3A_1046 = tpu.vector_load %arg11[%get3A_1044, %get3A_1045] {strides = array<i32>} : memref<8x128xf32, #tpu.memory_space<vmem>>, vector<16xf32>,
        %reduce_sum3A_1047 = arith.constant true
        %reduce_sum3A_1048 = vector.broadcast %reduce_sum3A_1047 : i1 to vector<16xi1>
        %reduce_sum3A_1049 = tpu.scan <sum>, %get3A_1046 masked %reduce_sum3A_1048 : vector<16xf32>, vector<16xi1> -> vector<16xf32>
        %reduce_sum3A_1050 = vector.extract %reduce_sum3A_1049[15] : f32 from vector<16xf32>
        %broadcast_in_dim3A_1051 = vector.broadcast %reduce_sum3A_1050 : f32 to vector<16xf32>
        %select_n3A_1052 = arith.select %eq3A_1042, %broadcast_in_dim3A_1051, %select_n3A_1029 : vector<16xi1>, vector<16xf32>
        %get3A_1053 = arith.constant 6 : i32
        %get3A_1054 = arith.index_cast %get3A_1053 : i32 to index
        %get3A_1055 = arith.constant 96 : index
        %get3A_1056 = tpu.vector_load %arg11[%get3A_1054, %get3A_1055] {strides = array<i32>} : memref<8x128xf32, #tpu.memory_space<vmem>>, vector<16xf32>,
        %reduce_sum3A_1057 = arith.constant true
        %reduce_sum3A_1058 = vector.broadcast %reduce_sum3A_1057 : i1 to vector<16xi1>
        %reduce_sum3A_1059 = tpu.scan <sum>, %get3A_1056 masked %reduce_sum3A_1058 : vector<16xf32>, vector<16xi1> -> vector<16xf32>
        %reduce_sum3A_1060 = vector.extract %reduce_sum3A_1059[15] : f32 from vector<16xf32>
        %broadcast_in_dim3A_1061 = vector.broadcast %reduce_sum3A_1060 : f32 to vector<16xf32>
        %select_n3A_1062 = arith.select %eq3A_1042, %broadcast_in_dim3A_1061, %select_n3A_1039 : vector<16xi1>, vector<16xf32>
        %eq3A_1063 = arith.constant 7 : i32
        %eq3A_1064 = vector.broadcast %eq3A_1063 : i32 to vector<16xi32>
        %eq3A_1065 = arith.cmpi eq, %iota3A, %eq3A_1064 : vector<16xi32>
        %get3A_1066 = arith.constant 5 : i32
        %get3A_1067 = arith.index_cast %get3A_1066 : i32 to index
        %get3A_1068 = arith.constant 112 : index
        %get3A_1069 = tpu.vector_load %arg11[%get3A_1067, %get3A_1068] {strides = array<i32>} : memref<8x128xf32, #tpu.memory_space<vmem>>, vector<16xf32>,
        %reduce_sum3A_1070 = arith.constant true
        %reduce_sum3A_1071 = vector.broadcast %reduce_sum3A_1070 : i1 to vector<16xi1>
        %reduce_sum3A_1072 = tpu.scan <sum>, %get3A_1069 masked %reduce_sum3A_1071 : vector<16xf32>, vector<16xi1> -> vector<16xf32>
        %reduce_sum3A_1073 = vector.extract %reduce_sum3A_1072[15] : f32 from vector<16xf32>
        %broadcast_in_dim3A_1074 = vector.broadcast %reduce_sum3A_1073 : f32 to vector<16xf32>
        %select_n3A_1075 = arith.select %eq3A_1065, %broadcast_in_dim3A_1074, %select_n3A_1052 : vector<16xi1>, vector<16xf32>
        %get3A_1076 = arith.constant 6 : i32
        %get3A_1077 = arith.index_cast %get3A_1076 : i32 to index
        %get3A_1078 = arith.constant 112 : index
        %get3A_1079 = tpu.vector_load %arg11[%get3A_1077, %get3A_1078] {strides = array<i32>} : memref<8x128xf32, #tpu.memory_space<vmem>>, vector<16xf32>,
        %reduce_sum3A_1080 = arith.constant true
        %reduce_sum3A_1081 = vector.broadcast %reduce_sum3A_1080 : i1 to vector<16xi1>
        %reduce_sum3A_1082 = tpu.scan <sum>, %get3A_1079 masked %reduce_sum3A_1081 : vector<16xf32>, vector<16xi1> -> vector<16xf32>
        %reduce_sum3A_1083 = vector.extract %reduce_sum3A_1082[15] : f32 from vector<16xf32>
        %broadcast_in_dim3A_1084 = vector.broadcast %reduce_sum3A_1083 : f32 to vector<16xf32>
        %select_n3A_1085 = arith.select %eq3A_1065, %broadcast_in_dim3A_1084, %select_n3A_1062 : vector<16xi1>, vector<16xf32>
        %get3A_1086 = arith.constant 0 : i32
        %get3A_1087 = arith.index_cast %get3A_1086 : i32 to index
        %get3A_1088 = arith.constant 0 : index
        %get3A_1089 = tpu.vector_load %arg13[%get3A_1087, %get3A_1088] {strides = array<i32>} : memref<4x16xf32, #tpu.memory_space<vmem>>, vector<16xf32>,
        %ge3A = arith.constant 1 : i32
        %ge3A_1090 = vector.broadcast %ge3A : i32 to vector<16xi32>
        %ge3A_1091 = arith.cmpi sge, %iota3A, %ge3A_1090 : vector<16xi32>
        %lt3A_1092 = arith.constant 8 : i32
        %lt3A_1093 = vector.broadcast %lt3A_1092 : i32 to vector<16xi32>
        %lt3A_1094 = arith.cmpi slt, %iota3A, %lt3A_1093 : vector<16xi32>
        %and3A = arith.andi %ge3A_1091, %lt3A_1094 : vector<16xi1>
        %gt3A = arith.constant 0.000000e+00 : f32
        %gt3A_1095 = vector.broadcast %gt3A : f32 to vector<16xf32>
        %gt3A_1096 = arith.cmpf ogt, %select_n3A_1085, %gt3A_1095 : vector<16xf32>
        %gt3A_1097 = arith.constant 0.000000e+00 : f32
        %gt3A_1098 = vector.broadcast %gt3A_1097 : f32 to vector<16xf32>
        %gt3A_1099 = arith.cmpf ogt, %get3A_1089, %gt3A_1098 : vector<16xf32>
        %and3A_1100 = arith.andi %gt3A_1096, %gt3A_1099 : vector<16xi1>
        %and3A_1101 = arith.andi %and3A_1100, %and3A : vector<16xi1>
        %jit3A = arith.constant 1.000000e+00 : f32
        %jit3A_1102 = arith.constant 0.000000e+00 : f32
        %broadcast_in_dim3A_1103 = vector.broadcast %jit3A : f32 to vector<16xf32>
        %broadcast_in_dim3A_1104 = vector.broadcast %jit3A_1102 : f32 to vector<16xf32>
        %select_n3A_1105 = arith.select %and3A_1101, %broadcast_in_dim3A_1103, %broadcast_in_dim3A_1104 : vector<16xi1>, vector<16xf32>
        %swap3A_1106 = arith.constant 3 : i32
        %swap3A_1107 = arith.index_cast %swap3A_1106 : i32 to index
        %swap3A_1108 = arith.constant 0 : index
        %swap3A_1109 = tpu.vector_load %arg13[%swap3A_1107, %swap3A_1108] {strides = array<i32>} : memref<4x16xf32, #tpu.memory_space<vmem>>, vector<16xf32>,
        tpu.vector_store %arg13[%swap3A_1107, %swap3A_1108], %select_n3A_1105 {strides = array<i32>} : memref<4x16xf32, #tpu.memory_space<vmem>>, vector<16xf32>,
        %reduce_sum3A_1110 = arith.constant true
        %reduce_sum3A_1111 = vector.broadcast %reduce_sum3A_1110 : i1 to vector<16xi1>
        %reduce_sum3A_1112 = tpu.scan <sum>, %select_n3A_1105 masked %reduce_sum3A_1111 : vector<16xf32>, vector<16xi1> -> vector<16xf32>
        %reduce_sum3A_1113 = vector.extract %reduce_sum3A_1112[15] : f32 from vector<16xf32>
        %add3A_1114 = vector.broadcast %reduce_sum3A_1113 : f32 to vector<16xf32>
        %add3A_1115 = arith.addf %broadcast_in_dim3A_0, %add3A_1114 : vector<16xf32>
        %max3A_1116 = arith.constant 1.000000e+00 : f32
        %max3A_1117 = vector.broadcast %max3A_1116 : f32 to vector<16xf32>
        %max3A_1118 = arith.maximumf %select_n3A_1085, %max3A_1117 : vector<16xf32>
        %bitcast3A_1119 = vector.bitcast %max3A_1118 : vector<16xf32> to vector<16xi32>
        %sub3A_1120 = arith.constant 2129950677 : i32
        %sub3A_1121 = vector.broadcast %sub3A_1120 : i32 to vector<16xi32>
        %sub3A_1122 = arith.subi %sub3A_1121, %bitcast3A_1119 : vector<16xi32>
        %bitcast3A_1123 = vector.bitcast %sub3A_1122 : vector<16xi32> to vector<16xf32>
        %mul3A_1124 = arith.mulf %max3A_1118, %bitcast3A_1123 : vector<16xf32>
        %sub3A_1125 = arith.constant 2.000000e+00 : f32
        %sub3A_1126 = vector.broadcast %sub3A_1125 : f32 to vector<16xf32>
        %sub3A_1127 = arith.subf %sub3A_1126, %mul3A_1124 : vector<16xf32>
        %mul3A_1128 = arith.mulf %bitcast3A_1123, %sub3A_1127 : vector<16xf32>
        %mul3A_1129 = arith.mulf %max3A_1118, %mul3A_1128 : vector<16xf32>
        %sub3A_1130 = arith.constant 2.000000e+00 : f32
        %sub3A_1131 = vector.broadcast %sub3A_1130 : f32 to vector<16xf32>
        %sub3A_1132 = arith.subf %sub3A_1131, %mul3A_1129 : vector<16xf32>
        %mul3A_1133 = arith.mulf %mul3A_1128, %sub3A_1132 : vector<16xf32>
        %mul3A_1134 = arith.mulf %select_n3A_1075, %mul3A_1133 : vector<16xf32>
        %mul3A_1135 = arith.mulf %select_n3A_1105, %mul3A_1134 : vector<16xf32>
        %reduce_sum3A_1136 = arith.constant true
        %reduce_sum3A_1137 = vector.broadcast %reduce_sum3A_1136 : i1 to vector<16xi1>
        %reduce_sum3A_1138 = tpu.scan <sum>, %mul3A_1135 masked %reduce_sum3A_1137 : vector<16xf32>, vector<16xi1> -> vector<16xf32>
        %reduce_sum3A_1139 = vector.extract %reduce_sum3A_1138[15] : f32 from vector<16xf32>
        %gt3A_1140 = arith.constant 0.000000e+00 : f32
        %gt3A_1141 = vector.broadcast %gt3A_1140 : f32 to vector<16xf32>
        %gt3A_1142 = arith.cmpf ogt, %add3A_1115, %gt3A_1141 : vector<16xf32>
        %max3A_1143 = arith.constant 1.000000e+00 : f32
        %max3A_1144 = vector.broadcast %max3A_1143 : f32 to vector<16xf32>
        %max3A_1145 = arith.maximumf %add3A_1115, %max3A_1144 : vector<16xf32>
        %bitcast3A_1146 = vector.bitcast %max3A_1145 : vector<16xf32> to vector<16xi32>
        %sub3A_1147 = arith.constant 2129950677 : i32
        %sub3A_1148 = vector.broadcast %sub3A_1147 : i32 to vector<16xi32>
        %sub3A_1149 = arith.subi %sub3A_1148, %bitcast3A_1146 : vector<16xi32>
        %bitcast3A_1150 = vector.bitcast %sub3A_1149 : vector<16xi32> to vector<16xf32>
        %mul3A_1151 = arith.mulf %max3A_1145, %bitcast3A_1150 : vector<16xf32>
        %sub3A_1152 = arith.constant 2.000000e+00 : f32
        %sub3A_1153 = vector.broadcast %sub3A_1152 : f32 to vector<16xf32>
        %sub3A_1154 = arith.subf %sub3A_1153, %mul3A_1151 : vector<16xf32>
        %mul3A_1155 = arith.mulf %bitcast3A_1150, %sub3A_1154 : vector<16xf32>
        %mul3A_1156 = arith.mulf %max3A_1145, %mul3A_1155 : vector<16xf32>
        %sub3A_1157 = arith.constant 2.000000e+00 : f32
        %sub3A_1158 = vector.broadcast %sub3A_1157 : f32 to vector<16xf32>
        %sub3A_1159 = arith.subf %sub3A_1158, %mul3A_1156 : vector<16xf32>
        %mul3A_1160 = arith.mulf %mul3A_1155, %sub3A_1159 : vector<16xf32>
        %mul3A_1161 = vector.broadcast %reduce_sum3A_1139 : f32 to vector<16xf32>
        %mul3A_1162 = arith.mulf %mul3A_1161, %mul3A_1160 : vector<16xf32>
        %jit3A_1163 = arith.constant 0.000000e+00 : f32
        %broadcast_in_dim3A_1164 = vector.broadcast %jit3A_1163 : f32 to vector<16xf32>
        %select_n3A_1165 = arith.select %gt3A_1142, %mul3A_1162, %broadcast_in_dim3A_1164 : vector<16xi1>, vector<16xf32>
        %get3A_1166 = arith.constant 0 : i32
        %get3A_1167 = arith.constant 0 : i32
        %get3A_1168 = arith.index_cast %get3A_1166 : i32 to index
        %get3A_1169 = arith.index_cast %get3A_1167 : i32 to index
        %get3A_1170 = arith.constant 0 : index
        %get3A_1171 = tpu.vector_load %arg15[%get3A_1168, %get3A_1169, %get3A_1170] {strides = array<i32>} : memref<2x2x16xi32, #tpu.memory_space<vmem>>, vector<16xi32>,
        %get3A_1172 = arith.constant 0 : i32
        %get3A_1173 = arith.constant 1 : i32
        %get3A_1174 = arith.index_cast %get3A_1172 : i32 to index
        %get3A_1175 = arith.index_cast %get3A_1173 : i32 to index
        %get3A_1176 = arith.constant 0 : index
        %get3A_1177 = tpu.vector_load %arg15[%get3A_1174, %get3A_1175, %get3A_1176] {strides = array<i32>} : memref<2x2x16xi32, #tpu.memory_space<vmem>>, vector<16xi32>,
        %lt3A_1178 = arith.cmpi slt, %get3A_1171, %get3A_1177 : vector<16xi32>
        %jit3A_1179 = arith.constant 1.000000e+00 : f32
        %jit3A_1180 = arith.constant 0.000000e+00 : f32
        %broadcast_in_dim3A_1181 = vector.broadcast %jit3A_1179 : f32 to vector<16xf32>
        %broadcast_in_dim3A_1182 = vector.broadcast %jit3A_1180 : f32 to vector<16xf32>
        %select_n3A_1183 = arith.select %lt3A_1178, %broadcast_in_dim3A_1181, %broadcast_in_dim3A_1182 : vector<16xi1>, vector<16xf32>
        %gather3A = arith.constant 0 : i32
        %gather3A_1184 = arith.constant 0 : i32
        %gather3A_1185 = tpu.memref_slice %arg12[%gather3A, %gather3A_1184] : memref<4x16xf32, #tpu.memory_space<vmem>> -> memref<1x16xf32, #tpu.memory_space<vmem>>
        %gather3A_1186 = tpu.memref_squeeze %gather3A_1185 : memref<1x16xf32, #tpu.memory_space<vmem>> -> memref<16xf32, #tpu.memory_space<vmem>>
        %gather3A_1187 = tpu.vector_load_idx %gather3A_1186[%get3A_1171] : memref<16xf32, #tpu.memory_space<vmem>>[vector<16xi32>], vector<16xf32>,
        %gather3A_1188 = arith.constant 0 : i32
        %gather3A_1189 = arith.constant 0 : i32
        %gather3A_1190 = tpu.memref_slice %arg12[%gather3A_1188, %gather3A_1189] : memref<4x16xf32, #tpu.memory_space<vmem>> -> memref<1x16xf32, #tpu.memory_space<vmem>>
        %gather3A_1191 = tpu.memref_squeeze %gather3A_1190 : memref<1x16xf32, #tpu.memory_space<vmem>> -> memref<16xf32, #tpu.memory_space<vmem>>
        %gather3A_1192 = tpu.vector_load_idx %gather3A_1191[%get3A_1177] : memref<16xf32, #tpu.memory_space<vmem>>[vector<16xi32>], vector<16xf32>,
        %sub3A_1193 = arith.subf %gather3A_1187, %gather3A_1192 : vector<16xf32>
        %mul3A_1194 = arith.mulf %sub3A_1193, %sub3A_1193 : vector<16xf32>
        %add3A_1195 = arith.addf %broadcast_in_dim3A_0, %mul3A_1194 : vector<16xf32>
        %gather3A_1196 = arith.constant 1 : i32
        %gather3A_1197 = arith.constant 0 : i32
        %gather3A_1198 = tpu.memref_slice %arg12[%gather3A_1196, %gather3A_1197] : memref<4x16xf32, #tpu.memory_space<vmem>> -> memref<1x16xf32, #tpu.memory_space<vmem>>
        %gather3A_1199 = tpu.memref_squeeze %gather3A_1198 : memref<1x16xf32, #tpu.memory_space<vmem>> -> memref<16xf32, #tpu.memory_space<vmem>>
        %gather3A_1200 = tpu.vector_load_idx %gather3A_1199[%get3A_1171] : memref<16xf32, #tpu.memory_space<vmem>>[vector<16xi32>], vector<16xf32>,
        %gather3A_1201 = arith.constant 1 : i32
        %gather3A_1202 = arith.constant 0 : i32
        %gather3A_1203 = tpu.memref_slice %arg12[%gather3A_1201, %gather3A_1202] : memref<4x16xf32, #tpu.memory_space<vmem>> -> memref<1x16xf32, #tpu.memory_space<vmem>>
        %gather3A_1204 = tpu.memref_squeeze %gather3A_1203 : memref<1x16xf32, #tpu.memory_space<vmem>> -> memref<16xf32, #tpu.memory_space<vmem>>
        %gather3A_1205 = tpu.vector_load_idx %gather3A_1204[%get3A_1177] : memref<16xf32, #tpu.memory_space<vmem>>[vector<16xi32>], vector<16xf32>,
        %sub3A_1206 = arith.subf %gather3A_1200, %gather3A_1205 : vector<16xf32>
        %mul3A_1207 = arith.mulf %sub3A_1206, %sub3A_1206 : vector<16xf32>
        %add3A_1208 = arith.addf %add3A_1195, %mul3A_1207 : vector<16xf32>
        %gather3A_1209 = arith.constant 2 : i32
        %gather3A_1210 = arith.constant 0 : i32
        %gather3A_1211 = tpu.memref_slice %arg12[%gather3A_1209, %gather3A_1210] : memref<4x16xf32, #tpu.memory_space<vmem>> -> memref<1x16xf32, #tpu.memory_space<vmem>>
        %gather3A_1212 = tpu.memref_squeeze %gather3A_1211 : memref<1x16xf32, #tpu.memory_space<vmem>> -> memref<16xf32, #tpu.memory_space<vmem>>
        %gather3A_1213 = tpu.vector_load_idx %gather3A_1212[%get3A_1171] : memref<16xf32, #tpu.memory_space<vmem>>[vector<16xi32>], vector<16xf32>,
        %gather3A_1214 = arith.constant 2 : i32
        %gather3A_1215 = arith.constant 0 : i32
        %gather3A_1216 = tpu.memref_slice %arg12[%gather3A_1214, %gather3A_1215] : memref<4x16xf32, #tpu.memory_space<vmem>> -> memref<1x16xf32, #tpu.memory_space<vmem>>
        %gather3A_1217 = tpu.memref_squeeze %gather3A_1216 : memref<1x16xf32, #tpu.memory_space<vmem>> -> memref<16xf32, #tpu.memory_space<vmem>>
        %gather3A_1218 = tpu.vector_load_idx %gather3A_1217[%get3A_1177] : memref<16xf32, #tpu.memory_space<vmem>>[vector<16xi32>], vector<16xf32>,
        %sub3A_1219 = arith.subf %gather3A_1213, %gather3A_1218 : vector<16xf32>
        %mul3A_1220 = arith.mulf %sub3A_1219, %sub3A_1219 : vector<16xf32>
        %add3A_1221 = arith.addf %add3A_1208, %mul3A_1220 : vector<16xf32>
        %gather3A_1222 = arith.constant 3 : i32
        %gather3A_1223 = arith.constant 0 : i32
        %gather3A_1224 = tpu.memref_slice %arg12[%gather3A_1222, %gather3A_1223] : memref<4x16xf32, #tpu.memory_space<vmem>> -> memref<1x16xf32, #tpu.memory_space<vmem>>
        %gather3A_1225 = tpu.memref_squeeze %gather3A_1224 : memref<1x16xf32, #tpu.memory_space<vmem>> -> memref<16xf32, #tpu.memory_space<vmem>>
        %gather3A_1226 = tpu.vector_load_idx %gather3A_1225[%get3A_1171] : memref<16xf32, #tpu.memory_space<vmem>>[vector<16xi32>], vector<16xf32>,
        %gather3A_1227 = arith.constant 3 : i32
        %gather3A_1228 = arith.constant 0 : i32
        %gather3A_1229 = tpu.memref_slice %arg12[%gather3A_1227, %gather3A_1228] : memref<4x16xf32, #tpu.memory_space<vmem>> -> memref<1x16xf32, #tpu.memory_space<vmem>>
        %gather3A_1230 = tpu.memref_squeeze %gather3A_1229 : memref<1x16xf32, #tpu.memory_space<vmem>> -> memref<16xf32, #tpu.memory_space<vmem>>
        %gather3A_1231 = tpu.vector_load_idx %gather3A_1230[%get3A_1177] : memref<16xf32, #tpu.memory_space<vmem>>[vector<16xi32>], vector<16xf32>,
        %sub3A_1232 = arith.subf %gather3A_1226, %gather3A_1231 : vector<16xf32>
        %mul3A_1233 = arith.mulf %sub3A_1232, %sub3A_1232 : vector<16xf32>
        %add3A_1234 = arith.addf %add3A_1221, %mul3A_1233 : vector<16xf32>
        %max3A_1235 = arith.constant 9.99999996E-13 : f32
        %max3A_1236 = vector.broadcast %max3A_1235 : f32 to vector<16xf32>
        %max3A_1237 = arith.maximumf %add3A_1234, %max3A_1236 : vector<16xf32>
        %bitcast3A_1238 = vector.bitcast %max3A_1237 : vector<16xf32> to vector<16xi32>
        %shift_right_arithmetic3A = arith.constant 1 : i32
        %shift_right_arithmetic3A_1239 = vector.broadcast %shift_right_arithmetic3A : i32 to vector<16xi32>
        %shift_right_arithmetic3A_1240 = arith.shrsi %bitcast3A_1238, %shift_right_arithmetic3A_1239 : vector<16xi32>
        %sub3A_1241 = arith.constant 1597463007 : i32
        %sub3A_1242 = vector.broadcast %sub3A_1241 : i32 to vector<16xi32>
        %sub3A_1243 = arith.subi %sub3A_1242, %shift_right_arithmetic3A_1240 : vector<16xi32>
        %bitcast3A_1244 = vector.bitcast %sub3A_1243 : vector<16xi32> to vector<16xf32>
        %mul3A_1245 = arith.constant 5.000000e-01 : f32
        %mul3A_1246 = vector.broadcast %mul3A_1245 : f32 to vector<16xf32>
        %mul3A_1247 = arith.mulf %mul3A_1246, %max3A_1237 : vector<16xf32>
        %mul3A_1248 = arith.mulf %mul3A_1247, %bitcast3A_1244 : vector<16xf32>
        %mul3A_1249 = arith.mulf %mul3A_1248, %bitcast3A_1244 : vector<16xf32>
        %sub3A_1250 = arith.constant 1.500000e+00 : f32
        %sub3A_1251 = vector.broadcast %sub3A_1250 : f32 to vector<16xf32>
        %sub3A_1252 = arith.subf %sub3A_1251, %mul3A_1249 : vector<16xf32>
        %mul3A_1253 = arith.mulf %bitcast3A_1244, %sub3A_1252 : vector<16xf32>
        %mul3A_1254 = arith.constant 5.000000e-01 : f32
        %mul3A_1255 = vector.broadcast %mul3A_1254 : f32 to vector<16xf32>
        %mul3A_1256 = arith.mulf %mul3A_1255, %max3A_1237 : vector<16xf32>
        %mul3A_1257 = arith.mulf %mul3A_1256, %mul3A_1253 : vector<16xf32>
        %mul3A_1258 = arith.mulf %mul3A_1257, %mul3A_1253 : vector<16xf32>
        %sub3A_1259 = arith.constant 1.500000e+00 : f32
        %sub3A_1260 = vector.broadcast %sub3A_1259 : f32 to vector<16xf32>
        %sub3A_1261 = arith.subf %sub3A_1260, %mul3A_1258 : vector<16xf32>
        %mul3A_1262 = arith.mulf %mul3A_1253, %sub3A_1261 : vector<16xf32>
        %mul3A_1263 = arith.mulf %max3A_1237, %mul3A_1262 : vector<16xf32>
        %sub3A_1264 = arith.constant 3.000000e+00 : f32
        %sub3A_1265 = vector.broadcast %sub3A_1264 : f32 to vector<16xf32>
        %sub3A_1266 = arith.subf %sub3A_1265, %mul3A_1263 : vector<16xf32>
        %max3A_1267 = arith.constant 0.000000e+00 : f32
        %max3A_1268 = vector.broadcast %max3A_1267 : f32 to vector<16xf32>
        %max3A_1269 = arith.maximumf %sub3A_1266, %max3A_1268 : vector<16xf32>
        %gather3A_1270 = arith.constant 3 : i32
        %gather3A_1271 = arith.constant 0 : i32
        %gather3A_1272 = tpu.memref_slice %arg13[%gather3A_1270, %gather3A_1271] : memref<4x16xf32, #tpu.memory_space<vmem>> -> memref<1x16xf32, #tpu.memory_space<vmem>>
        %gather3A_1273 = tpu.memref_squeeze %gather3A_1272 : memref<1x16xf32, #tpu.memory_space<vmem>> -> memref<16xf32, #tpu.memory_space<vmem>>
        %gather3A_1274 = tpu.vector_load_idx %gather3A_1273[%get3A_1171] : memref<16xf32, #tpu.memory_space<vmem>>[vector<16xi32>], vector<16xf32>,
        %gather3A_1275 = arith.constant 3 : i32
        %gather3A_1276 = arith.constant 0 : i32
        %gather3A_1277 = tpu.memref_slice %arg13[%gather3A_1275, %gather3A_1276] : memref<4x16xf32, #tpu.memory_space<vmem>> -> memref<1x16xf32, #tpu.memory_space<vmem>>
        %gather3A_1278 = tpu.memref_squeeze %gather3A_1277 : memref<1x16xf32, #tpu.memory_space<vmem>> -> memref<16xf32, #tpu.memory_space<vmem>>
        %gather3A_1279 = tpu.vector_load_idx %gather3A_1278[%get3A_1177] : memref<16xf32, #tpu.memory_space<vmem>>[vector<16xi32>], vector<16xf32>,
        %mul3A_1280 = arith.mulf %max3A_1269, %max3A_1269 : vector<16xf32>
        %add3A_1281 = arith.constant 1.000000e+00 : f32
        %add3A_1282 = vector.broadcast %add3A_1281 : f32 to vector<16xf32>
        %add3A_1283 = arith.addf %mul3A_1280, %add3A_1282 : vector<16xf32>
        %bitcast3A_1284 = vector.bitcast %add3A_1283 : vector<16xf32> to vector<16xi32>
        %shift_right_arithmetic3A_1285 = arith.constant 23 : i32
        %shift_right_arithmetic3A_1286 = vector.broadcast %shift_right_arithmetic3A_1285 : i32 to vector<16xi32>
        %shift_right_arithmetic3A_1287 = arith.shrsi %bitcast3A_1284, %shift_right_arithmetic3A_1286 : vector<16xi32>
        %sub3A_1288 = arith.constant 127 : i32
        %sub3A_1289 = vector.broadcast %sub3A_1288 : i32 to vector<16xi32>
        %sub3A_1290 = arith.subi %shift_right_arithmetic3A_1287, %sub3A_1289 : vector<16xi32>
        %convert_element_type3A_1291 = arith.sitofp %sub3A_1290 : vector<16xi32> to vector<16xf32>
        %and3A_1292 = arith.constant 8388607 : i32
        %and3A_1293 = vector.broadcast %and3A_1292 : i32 to vector<16xi32>
        %and3A_1294 = arith.andi %bitcast3A_1284, %and3A_1293 : vector<16xi32>
        %or3A = arith.constant 1065353216 : i32
        %or3A_1295 = vector.broadcast %or3A : i32 to vector<16xi32>
        %or3A_1296 = arith.ori %and3A_1294, %or3A_1295 : vector<16xi32>
        %bitcast3A_1297 = vector.bitcast %or3A_1296 : vector<16xi32> to vector<16xf32>
        %broadcast_in_dim3A_1298 = arith.constant 0.0301026255 : f32
        %broadcast_in_dim3A_1299 = vector.broadcast %broadcast_in_dim3A_1298 : f32 to vector<16xf32>
        %mul3A_1300 = arith.mulf %broadcast_in_dim3A_1299, %bitcast3A_1297 : vector<16xf32>
        %add3A_1301 = arith.constant -0.280632526 : f32
        %add3A_1302 = vector.broadcast %add3A_1301 : f32 to vector<16xf32>
        %add3A_1303 = arith.addf %mul3A_1300, %add3A_1302 : vector<16xf32>
        %mul3A_1304 = arith.mulf %add3A_1303, %bitcast3A_1297 : vector<16xf32>
        %add3A_1305 = arith.constant 1.10480821 : f32
        %add3A_1306 = vector.broadcast %add3A_1305 : f32 to vector<16xf32>
        %add3A_1307 = arith.addf %mul3A_1304, %add3A_1306 : vector<16xf32>
        %mul3A_1308 = arith.mulf %add3A_1307, %bitcast3A_1297 : vector<16xf32>
        %add3A_1309 = arith.constant -2.42081261 : f32
        %add3A_1310 = vector.broadcast %add3A_1309 : f32 to vector<16xf32>
        %add3A_1311 = arith.addf %mul3A_1308, %add3A_1310 : vector<16xf32>
        %mul3A_1312 = arith.mulf %add3A_1311, %bitcast3A_1297 : vector<16xf32>
        %add3A_1313 = arith.constant 3.49822783 : f32
        %add3A_1314 = vector.broadcast %add3A_1313 : f32 to vector<16xf32>
        %add3A_1315 = arith.addf %mul3A_1312, %add3A_1314 : vector<16xf32>
        %mul3A_1316 = arith.mulf %add3A_1315, %bitcast3A_1297 : vector<16xf32>
        %add3A_1317 = arith.constant -1.9316715 : f32
        %add3A_1318 = vector.broadcast %add3A_1317 : f32 to vector<16xf32>
        %add3A_1319 = arith.addf %mul3A_1316, %add3A_1318 : vector<16xf32>
        %mul3A_1320 = arith.constant 0.693147182 : f32
        %mul3A_1321 = vector.broadcast %mul3A_1320 : f32 to vector<16xf32>
        %mul3A_1322 = arith.mulf %convert_element_type3A_1291, %mul3A_1321 : vector<16xf32>
        %add3A_1323 = arith.addf %mul3A_1322, %add3A_1319 : vector<16xf32>
        %mul3A_1324 = arith.mulf %add3A_1323, %gather3A_1274 : vector<16xf32>
        %mul3A_1325 = arith.mulf %mul3A_1324, %gather3A_1279 : vector<16xf32>
        %mul3A_1326 = arith.mulf %mul3A_1325, %select_n3A_1183 : vector<16xf32>
        %reduce_sum3A_1327 = arith.constant true
        %reduce_sum3A_1328 = vector.broadcast %reduce_sum3A_1327 : i1 to vector<16xi1>
        %reduce_sum3A_1329 = tpu.scan <sum>, %mul3A_1326 masked %reduce_sum3A_1328 : vector<16xf32>, vector<16xi1> -> vector<16xf32>
        %reduce_sum3A_1330 = vector.extract %reduce_sum3A_1329[15] : f32 from vector<16xf32>
        %add3A_1331 = arith.constant 0.000000e+00 : f32
        %add3A_1332 = arith.addf %add3A_1331, %reduce_sum3A_1330 : f32
        %get3A_1333 = arith.constant 1 : i32
        %get3A_1334 = arith.constant 0 : i32
        %get3A_1335 = arith.index_cast %get3A_1333 : i32 to index
        %get3A_1336 = arith.index_cast %get3A_1334 : i32 to index
        %get3A_1337 = arith.constant 0 : index
        %get3A_1338 = tpu.vector_load %arg15[%get3A_1335, %get3A_1336, %get3A_1337] {strides = array<i32>} : memref<2x2x16xi32, #tpu.memory_space<vmem>>, vector<16xi32>,
        %get3A_1339 = arith.constant 1 : i32
        %get3A_1340 = arith.constant 1 : i32
        %get3A_1341 = arith.index_cast %get3A_1339 : i32 to index
        %get3A_1342 = arith.index_cast %get3A_1340 : i32 to index
        %get3A_1343 = arith.constant 0 : index
        %get3A_1344 = tpu.vector_load %arg15[%get3A_1341, %get3A_1342, %get3A_1343] {strides = array<i32>} : memref<2x2x16xi32, #tpu.memory_space<vmem>>, vector<16xi32>,
        %lt3A_1345 = arith.cmpi slt, %get3A_1338, %get3A_1344 : vector<16xi32>
        %jit3A_1346 = arith.constant 1.000000e+00 : f32
        %jit3A_1347 = arith.constant 0.000000e+00 : f32
        %broadcast_in_dim3A_1348 = vector.broadcast %jit3A_1346 : f32 to vector<16xf32>
        %broadcast_in_dim3A_1349 = vector.broadcast %jit3A_1347 : f32 to vector<16xf32>
        %select_n3A_1350 = arith.select %lt3A_1345, %broadcast_in_dim3A_1348, %broadcast_in_dim3A_1349 : vector<16xi1>, vector<16xf32>
        %gather3A_1351 = arith.constant 0 : i32
        %gather3A_1352 = arith.constant 0 : i32
        %gather3A_1353 = tpu.memref_slice %arg12[%gather3A_1351, %gather3A_1352] : memref<4x16xf32, #tpu.memory_space<vmem>> -> memref<1x16xf32, #tpu.memory_space<vmem>>
        %gather3A_1354 = tpu.memref_squeeze %gather3A_1353 : memref<1x16xf32, #tpu.memory_space<vmem>> -> memref<16xf32, #tpu.memory_space<vmem>>
        %gather3A_1355 = tpu.vector_load_idx %gather3A_1354[%get3A_1338] : memref<16xf32, #tpu.memory_space<vmem>>[vector<16xi32>], vector<16xf32>,
        %gather3A_1356 = arith.constant 0 : i32
        %gather3A_1357 = arith.constant 0 : i32
        %gather3A_1358 = tpu.memref_slice %arg12[%gather3A_1356, %gather3A_1357] : memref<4x16xf32, #tpu.memory_space<vmem>> -> memref<1x16xf32, #tpu.memory_space<vmem>>
        %gather3A_1359 = tpu.memref_squeeze %gather3A_1358 : memref<1x16xf32, #tpu.memory_space<vmem>> -> memref<16xf32, #tpu.memory_space<vmem>>
        %gather3A_1360 = tpu.vector_load_idx %gather3A_1359[%get3A_1344] : memref<16xf32, #tpu.memory_space<vmem>>[vector<16xi32>], vector<16xf32>,
        %sub3A_1361 = arith.subf %gather3A_1355, %gather3A_1360 : vector<16xf32>
        %mul3A_1362 = arith.mulf %sub3A_1361, %sub3A_1361 : vector<16xf32>
        %add3A_1363 = arith.addf %broadcast_in_dim3A_0, %mul3A_1362 : vector<16xf32>
        %gather3A_1364 = arith.constant 1 : i32
        %gather3A_1365 = arith.constant 0 : i32
        %gather3A_1366 = tpu.memref_slice %arg12[%gather3A_1364, %gather3A_1365] : memref<4x16xf32, #tpu.memory_space<vmem>> -> memref<1x16xf32, #tpu.memory_space<vmem>>
        %gather3A_1367 = tpu.memref_squeeze %gather3A_1366 : memref<1x16xf32, #tpu.memory_space<vmem>> -> memref<16xf32, #tpu.memory_space<vmem>>
        %gather3A_1368 = tpu.vector_load_idx %gather3A_1367[%get3A_1338] : memref<16xf32, #tpu.memory_space<vmem>>[vector<16xi32>], vector<16xf32>,
        %gather3A_1369 = arith.constant 1 : i32
        %gather3A_1370 = arith.constant 0 : i32
        %gather3A_1371 = tpu.memref_slice %arg12[%gather3A_1369, %gather3A_1370] : memref<4x16xf32, #tpu.memory_space<vmem>> -> memref<1x16xf32, #tpu.memory_space<vmem>>
        %gather3A_1372 = tpu.memref_squeeze %gather3A_1371 : memref<1x16xf32, #tpu.memory_space<vmem>> -> memref<16xf32, #tpu.memory_space<vmem>>
        %gather3A_1373 = tpu.vector_load_idx %gather3A_1372[%get3A_1344] : memref<16xf32, #tpu.memory_space<vmem>>[vector<16xi32>], vector<16xf32>,
        %sub3A_1374 = arith.subf %gather3A_1368, %gather3A_1373 : vector<16xf32>
        %mul3A_1375 = arith.mulf %sub3A_1374, %sub3A_1374 : vector<16xf32>
        %add3A_1376 = arith.addf %add3A_1363, %mul3A_1375 : vector<16xf32>
        %gather3A_1377 = arith.constant 2 : i32
        %gather3A_1378 = arith.constant 0 : i32
        %gather3A_1379 = tpu.memref_slice %arg12[%gather3A_1377, %gather3A_1378] : memref<4x16xf32, #tpu.memory_space<vmem>> -> memref<1x16xf32, #tpu.memory_space<vmem>>
        %gather3A_1380 = tpu.memref_squeeze %gather3A_1379 : memref<1x16xf32, #tpu.memory_space<vmem>> -> memref<16xf32, #tpu.memory_space<vmem>>
        %gather3A_1381 = tpu.vector_load_idx %gather3A_1380[%get3A_1338] : memref<16xf32, #tpu.memory_space<vmem>>[vector<16xi32>], vector<16xf32>,
        %gather3A_1382 = arith.constant 2 : i32
        %gather3A_1383 = arith.constant 0 : i32
        %gather3A_1384 = tpu.memref_slice %arg12[%gather3A_1382, %gather3A_1383] : memref<4x16xf32, #tpu.memory_space<vmem>> -> memref<1x16xf32, #tpu.memory_space<vmem>>
        %gather3A_1385 = tpu.memref_squeeze %gather3A_1384 : memref<1x16xf32, #tpu.memory_space<vmem>> -> memref<16xf32, #tpu.memory_space<vmem>>
        %gather3A_1386 = tpu.vector_load_idx %gather3A_1385[%get3A_1344] : memref<16xf32, #tpu.memory_space<vmem>>[vector<16xi32>], vector<16xf32>,
        %sub3A_1387 = arith.subf %gather3A_1381, %gather3A_1386 : vector<16xf32>
        %mul3A_1388 = arith.mulf %sub3A_1387, %sub3A_1387 : vector<16xf32>
        %add3A_1389 = arith.addf %add3A_1376, %mul3A_1388 : vector<16xf32>
        %gather3A_1390 = arith.constant 3 : i32
        %gather3A_1391 = arith.constant 0 : i32
        %gather3A_1392 = tpu.memref_slice %arg12[%gather3A_1390, %gather3A_1391] : memref<4x16xf32, #tpu.memory_space<vmem>> -> memref<1x16xf32, #tpu.memory_space<vmem>>
        %gather3A_1393 = tpu.memref_squeeze %gather3A_1392 : memref<1x16xf32, #tpu.memory_space<vmem>> -> memref<16xf32, #tpu.memory_space<vmem>>
        %gather3A_1394 = tpu.vector_load_idx %gather3A_1393[%get3A_1338] : memref<16xf32, #tpu.memory_space<vmem>>[vector<16xi32>], vector<16xf32>,
        %gather3A_1395 = arith.constant 3 : i32
        %gather3A_1396 = arith.constant 0 : i32
        %gather3A_1397 = tpu.memref_slice %arg12[%gather3A_1395, %gather3A_1396] : memref<4x16xf32, #tpu.memory_space<vmem>> -> memref<1x16xf32, #tpu.memory_space<vmem>>
        %gather3A_1398 = tpu.memref_squeeze %gather3A_1397 : memref<1x16xf32, #tpu.memory_space<vmem>> -> memref<16xf32, #tpu.memory_space<vmem>>
        %gather3A_1399 = tpu.vector_load_idx %gather3A_1398[%get3A_1344] : memref<16xf32, #tpu.memory_space<vmem>>[vector<16xi32>], vector<16xf32>,
        %sub3A_1400 = arith.subf %gather3A_1394, %gather3A_1399 : vector<16xf32>
        %mul3A_1401 = arith.mulf %sub3A_1400, %sub3A_1400 : vector<16xf32>
        %add3A_1402 = arith.addf %add3A_1389, %mul3A_1401 : vector<16xf32>
        %max3A_1403 = arith.constant 9.99999996E-13 : f32
        %max3A_1404 = vector.broadcast %max3A_1403 : f32 to vector<16xf32>
        %max3A_1405 = arith.maximumf %add3A_1402, %max3A_1404 : vector<16xf32>
        %bitcast3A_1406 = vector.bitcast %max3A_1405 : vector<16xf32> to vector<16xi32>
        %shift_right_arithmetic3A_1407 = arith.constant 1 : i32
        %shift_right_arithmetic3A_1408 = vector.broadcast %shift_right_arithmetic3A_1407 : i32 to vector<16xi32>
        %shift_right_arithmetic3A_1409 = arith.shrsi %bitcast3A_1406, %shift_right_arithmetic3A_1408 : vector<16xi32>
        %sub3A_1410 = arith.constant 1597463007 : i32
        %sub3A_1411 = vector.broadcast %sub3A_1410 : i32 to vector<16xi32>
        %sub3A_1412 = arith.subi %sub3A_1411, %shift_right_arithmetic3A_1409 : vector<16xi32>
        %bitcast3A_1413 = vector.bitcast %sub3A_1412 : vector<16xi32> to vector<16xf32>
        %mul3A_1414 = arith.constant 5.000000e-01 : f32
        %mul3A_1415 = vector.broadcast %mul3A_1414 : f32 to vector<16xf32>
        %mul3A_1416 = arith.mulf %mul3A_1415, %max3A_1405 : vector<16xf32>
        %mul3A_1417 = arith.mulf %mul3A_1416, %bitcast3A_1413 : vector<16xf32>
        %mul3A_1418 = arith.mulf %mul3A_1417, %bitcast3A_1413 : vector<16xf32>
        %sub3A_1419 = arith.constant 1.500000e+00 : f32
        %sub3A_1420 = vector.broadcast %sub3A_1419 : f32 to vector<16xf32>
        %sub3A_1421 = arith.subf %sub3A_1420, %mul3A_1418 : vector<16xf32>
        %mul3A_1422 = arith.mulf %bitcast3A_1413, %sub3A_1421 : vector<16xf32>
        %mul3A_1423 = arith.constant 5.000000e-01 : f32
        %mul3A_1424 = vector.broadcast %mul3A_1423 : f32 to vector<16xf32>
        %mul3A_1425 = arith.mulf %mul3A_1424, %max3A_1405 : vector<16xf32>
        %mul3A_1426 = arith.mulf %mul3A_1425, %mul3A_1422 : vector<16xf32>
        %mul3A_1427 = arith.mulf %mul3A_1426, %mul3A_1422 : vector<16xf32>
        %sub3A_1428 = arith.constant 1.500000e+00 : f32
        %sub3A_1429 = vector.broadcast %sub3A_1428 : f32 to vector<16xf32>
        %sub3A_1430 = arith.subf %sub3A_1429, %mul3A_1427 : vector<16xf32>
        %mul3A_1431 = arith.mulf %mul3A_1422, %sub3A_1430 : vector<16xf32>
        %mul3A_1432 = arith.mulf %max3A_1405, %mul3A_1431 : vector<16xf32>
        %sub3A_1433 = arith.constant 3.000000e+00 : f32
        %sub3A_1434 = vector.broadcast %sub3A_1433 : f32 to vector<16xf32>
        %sub3A_1435 = arith.subf %sub3A_1434, %mul3A_1432 : vector<16xf32>
        %max3A_1436 = arith.constant 0.000000e+00 : f32
        %max3A_1437 = vector.broadcast %max3A_1436 : f32 to vector<16xf32>
        %max3A_1438 = arith.maximumf %sub3A_1435, %max3A_1437 : vector<16xf32>
        %gather3A_1439 = arith.constant 3 : i32
        %gather3A_1440 = arith.constant 0 : i32
        %gather3A_1441 = tpu.memref_slice %arg13[%gather3A_1439, %gather3A_1440] : memref<4x16xf32, #tpu.memory_space<vmem>> -> memref<1x16xf32, #tpu.memory_space<vmem>>
        %gather3A_1442 = tpu.memref_squeeze %gather3A_1441 : memref<1x16xf32, #tpu.memory_space<vmem>> -> memref<16xf32, #tpu.memory_space<vmem>>
        %gather3A_1443 = tpu.vector_load_idx %gather3A_1442[%get3A_1338] : memref<16xf32, #tpu.memory_space<vmem>>[vector<16xi32>], vector<16xf32>,
        %gather3A_1444 = arith.constant 3 : i32
        %gather3A_1445 = arith.constant 0 : i32
        %gather3A_1446 = tpu.memref_slice %arg13[%gather3A_1444, %gather3A_1445] : memref<4x16xf32, #tpu.memory_space<vmem>> -> memref<1x16xf32, #tpu.memory_space<vmem>>
        %gather3A_1447 = tpu.memref_squeeze %gather3A_1446 : memref<1x16xf32, #tpu.memory_space<vmem>> -> memref<16xf32, #tpu.memory_space<vmem>>
        %gather3A_1448 = tpu.vector_load_idx %gather3A_1447[%get3A_1344] : memref<16xf32, #tpu.memory_space<vmem>>[vector<16xi32>], vector<16xf32>,
        %mul3A_1449 = arith.mulf %max3A_1438, %max3A_1438 : vector<16xf32>
        %add3A_1450 = arith.constant 1.000000e+00 : f32
        %add3A_1451 = vector.broadcast %add3A_1450 : f32 to vector<16xf32>
        %add3A_1452 = arith.addf %mul3A_1449, %add3A_1451 : vector<16xf32>
        %bitcast3A_1453 = vector.bitcast %add3A_1452 : vector<16xf32> to vector<16xi32>
        %shift_right_arithmetic3A_1454 = arith.constant 23 : i32
        %shift_right_arithmetic3A_1455 = vector.broadcast %shift_right_arithmetic3A_1454 : i32 to vector<16xi32>
        %shift_right_arithmetic3A_1456 = arith.shrsi %bitcast3A_1453, %shift_right_arithmetic3A_1455 : vector<16xi32>
        %sub3A_1457 = arith.constant 127 : i32
        %sub3A_1458 = vector.broadcast %sub3A_1457 : i32 to vector<16xi32>
        %sub3A_1459 = arith.subi %shift_right_arithmetic3A_1456, %sub3A_1458 : vector<16xi32>
        %convert_element_type3A_1460 = arith.sitofp %sub3A_1459 : vector<16xi32> to vector<16xf32>
        %and3A_1461 = arith.constant 8388607 : i32
        %and3A_1462 = vector.broadcast %and3A_1461 : i32 to vector<16xi32>
        %and3A_1463 = arith.andi %bitcast3A_1453, %and3A_1462 : vector<16xi32>
        %or3A_1464 = arith.constant 1065353216 : i32
        %or3A_1465 = vector.broadcast %or3A_1464 : i32 to vector<16xi32>
        %or3A_1466 = arith.ori %and3A_1463, %or3A_1465 : vector<16xi32>
        %bitcast3A_1467 = vector.bitcast %or3A_1466 : vector<16xi32> to vector<16xf32>
        %broadcast_in_dim3A_1468 = arith.constant 0.0301026255 : f32
        %broadcast_in_dim3A_1469 = vector.broadcast %broadcast_in_dim3A_1468 : f32 to vector<16xf32>
        %mul3A_1470 = arith.mulf %broadcast_in_dim3A_1469, %bitcast3A_1467 : vector<16xf32>
        %add3A_1471 = arith.constant -0.280632526 : f32
        %add3A_1472 = vector.broadcast %add3A_1471 : f32 to vector<16xf32>
        %add3A_1473 = arith.addf %mul3A_1470, %add3A_1472 : vector<16xf32>
        %mul3A_1474 = arith.mulf %add3A_1473, %bitcast3A_1467 : vector<16xf32>
        %add3A_1475 = arith.constant 1.10480821 : f32
        %add3A_1476 = vector.broadcast %add3A_1475 : f32 to vector<16xf32>
        %add3A_1477 = arith.addf %mul3A_1474, %add3A_1476 : vector<16xf32>
        %mul3A_1478 = arith.mulf %add3A_1477, %bitcast3A_1467 : vector<16xf32>
        %add3A_1479 = arith.constant -2.42081261 : f32
        %add3A_1480 = vector.broadcast %add3A_1479 : f32 to vector<16xf32>
        %add3A_1481 = arith.addf %mul3A_1478, %add3A_1480 : vector<16xf32>
        %mul3A_1482 = arith.mulf %add3A_1481, %bitcast3A_1467 : vector<16xf32>
        %add3A_1483 = arith.constant 3.49822783 : f32
        %add3A_1484 = vector.broadcast %add3A_1483 : f32 to vector<16xf32>
        %add3A_1485 = arith.addf %mul3A_1482, %add3A_1484 : vector<16xf32>
        %mul3A_1486 = arith.mulf %add3A_1485, %bitcast3A_1467 : vector<16xf32>
        %add3A_1487 = arith.constant -1.9316715 : f32
        %add3A_1488 = vector.broadcast %add3A_1487 : f32 to vector<16xf32>
        %add3A_1489 = arith.addf %mul3A_1486, %add3A_1488 : vector<16xf32>
        %mul3A_1490 = arith.constant 0.693147182 : f32
        %mul3A_1491 = vector.broadcast %mul3A_1490 : f32 to vector<16xf32>
        %mul3A_1492 = arith.mulf %convert_element_type3A_1460, %mul3A_1491 : vector<16xf32>
        %add3A_1493 = arith.addf %mul3A_1492, %add3A_1489 : vector<16xf32>
        %mul3A_1494 = arith.mulf %add3A_1493, %gather3A_1443 : vector<16xf32>
        %mul3A_1495 = arith.mulf %mul3A_1494, %gather3A_1448 : vector<16xf32>
        %mul3A_1496 = arith.mulf %mul3A_1495, %select_n3A_1350 : vector<16xf32>
        %reduce_sum3A_1497 = arith.constant true
        %reduce_sum3A_1498 = vector.broadcast %reduce_sum3A_1497 : i1 to vector<16xi1>
        %reduce_sum3A_1499 = tpu.scan <sum>, %mul3A_1496 masked %reduce_sum3A_1498 : vector<16xf32>, vector<16xi1> -> vector<16xf32>
        %reduce_sum3A_1500 = vector.extract %reduce_sum3A_1499[15] : f32 from vector<16xf32>
        %add3A_1501 = arith.addf %add3A_1332, %reduce_sum3A_1500 : f32
        %sub3A_1502 = arith.constant 1.000000e+00 : f32
        %sub3A_1503 = vector.broadcast %sub3A_1502 : f32 to vector<16xf32>
        %sub3A_1504 = arith.subf %add3A_1115, %sub3A_1503 : vector<16xf32>
        %mul3A_1505 = arith.mulf %add3A_1115, %sub3A_1504 : vector<16xf32>
        %max3A_1506 = arith.constant 1.000000e+00 : f32
        %max3A_1507 = vector.broadcast %max3A_1506 : f32 to vector<16xf32>
        %max3A_1508 = arith.maximumf %mul3A_1505, %max3A_1507 : vector<16xf32>
        %gt3A_1509 = arith.constant 1.000000e+00 : f32
        %gt3A_1510 = vector.broadcast %gt3A_1509 : f32 to vector<16xf32>
        %gt3A_1511 = arith.cmpf ogt, %add3A_1115, %gt3A_1510 : vector<16xf32>
        %bitcast3A_1512 = vector.bitcast %max3A_1508 : vector<16xf32> to vector<16xi32>
        %sub3A_1513 = arith.constant 2129950677 : i32
        %sub3A_1514 = vector.broadcast %sub3A_1513 : i32 to vector<16xi32>
        %sub3A_1515 = arith.subi %sub3A_1514, %bitcast3A_1512 : vector<16xi32>
        %bitcast3A_1516 = vector.bitcast %sub3A_1515 : vector<16xi32> to vector<16xf32>
        %mul3A_1517 = arith.mulf %max3A_1508, %bitcast3A_1516 : vector<16xf32>
        %sub3A_1518 = arith.constant 2.000000e+00 : f32
        %sub3A_1519 = vector.broadcast %sub3A_1518 : f32 to vector<16xf32>
        %sub3A_1520 = arith.subf %sub3A_1519, %mul3A_1517 : vector<16xf32>
        %mul3A_1521 = arith.mulf %bitcast3A_1516, %sub3A_1520 : vector<16xf32>
        %mul3A_1522 = arith.mulf %max3A_1508, %mul3A_1521 : vector<16xf32>
        %sub3A_1523 = arith.constant 2.000000e+00 : f32
        %sub3A_1524 = vector.broadcast %sub3A_1523 : f32 to vector<16xf32>
        %sub3A_1525 = arith.subf %sub3A_1524, %mul3A_1522 : vector<16xf32>
        %mul3A_1526 = arith.mulf %mul3A_1521, %sub3A_1525 : vector<16xf32>
        %mul3A_1527 = vector.broadcast %add3A_1501 : f32 to vector<16xf32>
        %mul3A_1528 = arith.mulf %mul3A_1527, %mul3A_1526 : vector<16xf32>
        %jit3A_1529 = arith.constant 0.000000e+00 : f32
        %broadcast_in_dim3A_1530 = vector.broadcast %jit3A_1529 : f32 to vector<16xf32>
        %select_n3A_1531 = arith.select %gt3A_1511, %mul3A_1528, %broadcast_in_dim3A_1530 : vector<16xi1>, vector<16xf32>
        %eq3A_1532 = vector.broadcast %scan3A_96 : i32 to vector<16xi32>
        %eq3A_1533 = arith.cmpi eq, %iota3A, %eq3A_1532 : vector<16xi32>
        %get3A_1534 = arith.constant 0 : i32
        %get3A_1535 = arith.index_cast %get3A_1534 : i32 to index
        %get3A_1536 = arith.constant 0 : index
        %get3A_1537 = tpu.vector_load %arg14[%get3A_1535, %get3A_1536] {strides = array<i32>} : memref<2x16xf32, #tpu.memory_space<vmem>>, vector<16xf32>,
        %select_n3A_1538 = arith.select %eq3A_1533, %select_n3A_1165, %get3A_1537 : vector<16xi1>, vector<16xf32>
        %swap3A_1539 = arith.constant 0 : i32
        %swap3A_1540 = arith.index_cast %swap3A_1539 : i32 to index
        %swap3A_1541 = arith.constant 0 : index
        %swap3A_1542 = tpu.vector_load %arg14[%swap3A_1540, %swap3A_1541] {strides = array<i32>} : memref<2x16xf32, #tpu.memory_space<vmem>>, vector<16xf32>,
        tpu.vector_store %arg14[%swap3A_1540, %swap3A_1541], %select_n3A_1538 {strides = array<i32>} : memref<2x16xf32, #tpu.memory_space<vmem>>, vector<16xf32>,
        %eq3A_1543 = vector.broadcast %scan3A_96 : i32 to vector<16xi32>
        %eq3A_1544 = arith.cmpi eq, %iota3A, %eq3A_1543 : vector<16xi32>
        %get3A_1545 = arith.constant 1 : i32
        %get3A_1546 = arith.index_cast %get3A_1545 : i32 to index
        %get3A_1547 = arith.constant 0 : index
        %get3A_1548 = tpu.vector_load %arg14[%get3A_1546, %get3A_1547] {strides = array<i32>} : memref<2x16xf32, #tpu.memory_space<vmem>>, vector<16xf32>,
        %select_n3A_1549 = arith.select %eq3A_1544, %select_n3A_1531, %get3A_1548 : vector<16xi1>, vector<16xf32>
        %swap3A_1550 = arith.constant 1 : i32
        %swap3A_1551 = arith.index_cast %swap3A_1550 : i32 to index
        %swap3A_1552 = arith.constant 0 : index
        %swap3A_1553 = tpu.vector_load %arg14[%swap3A_1551, %swap3A_1552] {strides = array<i32>} : memref<2x16xf32, #tpu.memory_space<vmem>>, vector<16xf32>,
        tpu.vector_store %arg14[%swap3A_1551, %swap3A_1552], %select_n3A_1549 {strides = array<i32>} : memref<2x16xf32, #tpu.memory_space<vmem>>, vector<16xf32>,
      } else {
      }
      %barrier3A_915 = arith.constant 0 : index
      tpu.barrier barrier_id(%barrier3A_915)
      %scan3A_916 = arith.constant 0 : i32
      scf.yield %scan3A_916 : i32
    }
    %scan3A_90 = arith.constant 4 : i32
    %eq3A_91 = arith.constant 0 : i32
    %eq3A_92 = arith.cmpi eq, %arg1, %eq3A_91 : i32
    %convert_element_type3A_93 = arith.extui %eq3A_92 : i1 to i32
    %cond3A_94 = arith.constant 0 : i32
    %cond3A_95 = arith.cmpi ne, %convert_element_type3A_93, %cond3A_94 : i32
    scf.if %cond3A_95 {
      "tpu.region"() ({
        %run_scoped3A = tpu.sem_alloc : memref<!tpu.dma_semaphore, #tpu.memory_space<semaphore_mem>>
        %dma_start3A_96 = arith.constant 0 : i32
        %dma_start3A_97 = arith.constant 0 : i32
        %dma_start3A_98 = tpu.memref_slice %arg5[%arg0, %dma_start3A_96, %dma_start3A_97] : memref<2x2x16xf32, #tpu.memory_space<hbm>> -> memref<1x2x16xf32, #tpu.memory_space<hbm>>
        %dma_start3A_99 = tpu.memref_squeeze %dma_start3A_98 : memref<1x2x16xf32, #tpu.memory_space<hbm>> -> memref<2x16xf32, #tpu.memory_space<hbm>>
        %dma_start3A_100 = arith.constant 0 : i32
        %dma_start3A_101 = arith.constant 0 : i32
        %dma_start3A_102 = tpu.memref_slice %arg5[%arg0, %dma_start3A_100, %dma_start3A_101] : memref<2x2x16xf32, #tpu.memory_space<hbm>> -> memref<1x2x16xf32, #tpu.memory_space<hbm>>
        %dma_start3A_103 = tpu.memref_squeeze %dma_start3A_102 : memref<1x2x16xf32, #tpu.memory_space<hbm>> -> memref<2x16xf32, #tpu.memory_space<hbm>>
        tpu.enqueue_dma source(%arg14 : memref<2x16xf32, #tpu.memory_space<vmem>>) target(%dma_start3A_103 : memref<2x16xf32, #tpu.memory_space<hbm>>) target_semaphore(%run_scoped3A : memref<!tpu.dma_semaphore, #tpu.memory_space<semaphore_mem>>)
        %dma_wait3A = arith.constant 0 : i32
        %dma_wait3A_104 = arith.constant 0 : i32
        %dma_wait3A_105 = tpu.memref_slice %arg5[%arg0, %dma_wait3A, %dma_wait3A_104] : memref<2x2x16xf32, #tpu.memory_space<hbm>> -> memref<1x2x16xf32, #tpu.memory_space<hbm>>
        %dma_wait3A_106 = tpu.memref_squeeze %dma_wait3A_105 : memref<1x2x16xf32, #tpu.memory_space<hbm>> -> memref<2x16xf32, #tpu.memory_space<hbm>>
        %dma_wait3A_107 = arith.constant 0 : i32
        %dma_wait3A_108 = arith.constant 0 : i32
        %dma_wait3A_109 = tpu.memref_slice %arg5[%arg0, %dma_wait3A_107, %dma_wait3A_108] : memref<2x2x16xf32, #tpu.memory_space<hbm>> -> memref<1x2x16xf32, #tpu.memory_space<hbm>>
        %dma_wait3A_110 = tpu.memref_squeeze %dma_wait3A_109 : memref<1x2x16xf32, #tpu.memory_space<hbm>> -> memref<2x16xf32, #tpu.memory_space<hbm>>
        tpu.wait_dma2 semaphore(%run_scoped3A : memref<!tpu.dma_semaphore, #tpu.memory_space<semaphore_mem>>) src(%arg14 : memref<2x16xf32, #tpu.memory_space<vmem>>) dst(%dma_wait3A_110 : memref<2x16xf32, #tpu.memory_space<hbm>>)
        tpu.yield
      }) : () -> ()
    } else {
    }
    return
  }
}

</mosaic_0001>

<sc_bundles>
// kernel: kernel.3.cloned.1.call-start
scs
__scs_entry_jumppad:
0x0: {  	(pc) =	sbr.rel $0x88, $3  }
0x1: {  	(tag) =	ssettag $0x0;
	lr =	simm.s32 $0x1  }
0x2: {  	[smem:$0x3F9F] =	sst lr;
	_ =	strace $0xD0000000  }
0x3: {  	_ = 	snop  }
0x4: {  	_ = 	snop  }
0x5: {  	_ = 	snop  }
0x6: {  	_ = 	snop  }
0x7: {  	_ = 	snop  }
__scs_overlays_trampoline_lowered:
0x8: {  	[smem:$0x3FAE] =	sst s0  }
0x9: {  	[smem:$0x3FAF] =	sst s1  }
0xa: {  	[smem:$0x3FB0] =	sst s2  }
0xb: {  	[smem:$0x3FB1] =	sst s3  }
0xc: {  	[smem:$0x3FB2] =	sst s4  }
0xd: {  	[smem:$0x3FB3] =	sst s5  }
0xe: {  	[smem:$0x3FB4] =	sst s6  }
0xf: {  	[smem:$0x3FB5] =	sst s7  }
0x10: {  	[smem:$0x3FB6] =	sst s8  }
0x11: {  	[smem:$0x3FB7] =	sst s9;
	s0 =	simm.s32 @!p0 $0x0  }
0x12: {  	s1 =	sld [smem:$0x3F9D];
	s0 =	simm.s32 @p0 $0x1  }
0x13: {  	[smem:$0x3FB8] =	sst s0;
	s0 =	simm.s32 @!p1 $0x0  }
0x14: {  	s2 =	sld [smem:$0x3F9C];
	s0 =	simm.s32 @p1 $0x1  }
0x15: {  	[smem:$0x3FB9] =	sst s0;
	s0 =	simm.s32 @!p2 $0x0  }
0x16: {  	s3 =	sld [smem:$0x3FDB];
	s0 =	simm.s32 @p2 $0x1  }
0x17: {  	s4 =	simm.s32 $0x1BF5;
	[smem:$0x3FBB] =	sst s0  }
0x18: {  	s0 =	sld [smem:$0x3F9E];
	_ =	swait.ge [sflag:s4], $0x0  }
0x19: {  	s7 =	sld [smem:$0x3F9F]  }
0x1a: {  	s8 =	sadd.s32 $0xFFFFE003, lr  }
0x1b: {  	s9 =	sadd.s32 $0xFFFFFEF7, lr;
	s5 =	simm.s32 $0xFFFFFFFF;
	p2 =	slt.u32 s8, $0xFFFFF086  }
0x1c: {  	p1 =	slt.u32 s9, $0xF7A;
	s5 =	simm.s32 @!p2 $0x0  }
0x1d: {  	s5 =	simm.s32 @p1 $0x1;
	p0 =	seq.s32 s7, s2  }
0x1e: {  	s7 =	smul.u32 @!p0 $0xF7A, s2;
	p2 =	seq.s32 @!p0 s5, $0x0  }
0x1f: {  	s9 =	smul.u32 $0xF7A, s1;
	s8 =	simm.s32 @!p0 $0x1BF5;
	p2 =	por !p2, p0  }
0x20: {  	[sflag:s8] =	ssyncset.s32 @!p0 $0xFFFFF086;
	s6 =	sadd.s32 @!p0 s3, s7;
	s7 =	simm.s32 @!p0 $0x108  }
0x21: {  	s3 =	sadd.s32 s3, s9;
	s6 =	sadd.s32 @!p0 $0x88, s6;
	s7 =	simm.s32 @p2 $0x1082  }
0x22: {  	[simem:s7], [sflag:s8] =	dma.local @!p0 [hbm:s6], $0xF7A  }
0x23: {  	s9 =	sor.u32 $0xD0000000, s2;
	s6 =	simm.s32 $0x108;
	_ =	swait.ge @!p0 [sflag:s8], $0x0  }
0x24: {  	s3 =	sadd.s32 $0x88, s3;
	s6 =	simm.s32 @!p1 $0x1082;
	[sflag:s4] =	ssyncset.s32 $0xFFFFF086  }
0x25: {  	[simem:s6], [sflag:s4] =	dma.local [hbm:s3], $0xF7A  }
0x26: {  	[smem:$0x3F9F] =	sst s1;
	(tag) =	ssettag s2;
	_ =	strace s9  }
0x27: {  	s1 =	sld [smem:$0x3FAF]  }
0x28: {  	s2 =	sld [smem:$0x3FB0]  }
0x29: {  	s4 =	sld [smem:$0x3FB2]  }
0x2a: {  	p0 =	seq.s32 s5, $0x0;
	s5 =	sld [smem:$0x3FB3]  }
0x2b: {  	s6 =	sld [smem:$0x3FB4]  }
0x2c: {  	s7 =	sld [smem:$0x3FB5]  }
0x2d: {  	s3 =	simm.s32 $0x108;
	s8 =	sld [smem:$0x3FB6]  }
0x2e: {  	s3 =	simm.s32 @!p0 $0x1082;
	s9 =	sld [smem:$0x3FB7]  }
0x2f: {  	lr =	sadd.s32 s0, s3;
	s0 =	sld [smem:$0x3FAE]  }
0x30: {  	s3 =	sld [smem:$0x3FB1]  }
0x31: {  	[smem:$0x3FBA] =	sst s10  }
0x32: {  	s10 =	sld [smem:$0x3FB8];
	_ =	sdelay $0x3  }
0x33: {  	p0 =	seq.s32 s10, $0x1;
	s10 =	sld [smem:$0x3FBA];
	_ =	sdelay $0x3  }
0x34: {  	[smem:$0x3FBA] =	sst s10  }
0x35: {  	s10 =	sld [smem:$0x3FB9];
	_ =	sdelay $0x3  }
0x36: {  	p1 =	seq.s32 s10, $0x1;
	s10 =	sld [smem:$0x3FBA];
	_ =	sdelay $0x3  }
0x37: {  	[smem:$0x3FBA] =	sst s10  }
0x38: {  	s10 =	sld [smem:$0x3FBB]  }
0x39: {  	_ = 	snop;
	(pc) =	sbr.ind lr, $3  }
0x3a: {  	_ = 	snop  }
0x3b: {  	_ = 	snop  }
0x3c: {  	p2 =	seq.s32 s10, $0x1;
	s10 =	sld [smem:$0x3FBA]  }
0x3d: {  	_ =	shalt  }
0x3e: {  	_ =	shalt  }
0x3f: {  	_ =	shalt  }
0x40: {  	_ =	shalt  }
0x41: {  	_ =	shalt  }
0x42: {  	_ =	shalt  }
0x43: {  	_ =	shalt  }
0x44: {  	_ =	shalt  }
0x45: {  	_ =	shalt  }
0x46: {  	_ =	shalt  }
0x47: {  	_ =	shalt  }
0x48: {  	_ =	shalt  }
0x49: {  	_ =	shalt  }
0x4a: {  	_ =	shalt  }
0x4b: {  	_ =	shalt  }
0x4c: {  	_ =	shalt  }
0x4d: {  	_ =	shalt  }
0x4e: {  	_ =	shalt  }
0x4f: {  	_ =	shalt  }
0x50: {  	_ =	shalt  }
0x51: {  	_ =	shalt  }
0x52: {  	_ =	shalt  }
0x53: {  	_ =	shalt  }
0x54: {  	_ =	shalt  }
0x55: {  	_ =	shalt  }
0x56: {  	_ =	shalt  }
0x57: {  	_ =	shalt  }
0x58: {  	_ =	shalt  }
0x59: {  	_ =	shalt  }
0x5a: {  	_ =	shalt  }
0x5b: {  	_ =	shalt  }
0x5c: {  	_ =	shalt  }
0x5d: {  	_ =	shalt  }
0x5e: {  	_ =	shalt  }
0x5f: {  	_ =	shalt  }
0x60: {  	_ =	shalt  }
0x61: {  	_ =	shalt  }
0x62: {  	_ =	shalt  }
0x63: {  	_ =	shalt  }
0x64: {  	_ =	shalt  }
0x65: {  	_ =	shalt  }
0x66: {  	_ =	shalt  }
0x67: {  	_ =	shalt  }
0x68: {  	_ =	shalt  }
0x69: {  	_ =	shalt  }
0x6a: {  	_ =	shalt  }
0x6b: {  	_ =	shalt  }
0x6c: {  	_ =	shalt  }
0x6d: {  	_ =	shalt  }
0x6e: {  	_ =	shalt  }
0x6f: {  	_ =	shalt  }
0x70: {  	_ =	shalt  }
0x71: {  	_ =	shalt  }
0x72: {  	_ =	shalt  }
0x73: {  	_ =	shalt  }
0x74: {  	_ =	shalt  }
0x75: {  	_ =	shalt  }
0x76: {  	_ =	shalt  }
0x77: {  	_ =	shalt  }
0x78: {  	_ =	shalt  }
0x79: {  	_ =	shalt  }
0x7a: {  	_ =	shalt  }
0x7b: {  	_ =	shalt  }
0x7c: {  	_ =	shalt  }
0x7d: {  	_ =	shalt  }
0x7e: {  	_ =	shalt  }
0x7f: {  	_ =	shalt  }
0x80: {  	_ =	shalt  }
0x81: {  	_ =	shalt  }
0x82: {  	_ =	shalt  }
0x83: {  	_ =	shalt  }
0x84: {  	_ =	shalt  }
0x85: {  	_ =	shalt  }
0x86: {  	_ =	shalt  }
0x87: {  	_ =	shalt  }
.Lfunc_end0:
.L_simem_size_0:
called_computation_lowered:
.L_overlay_start_0:
0x88: {  	s2 =	sld [smem:$0x3FD9]  }
0x89: {  	s3 =	sld [smem:$0x3FFE];
	_ =	sdelay $0x1  }
0x8a: {  	s1 =	srdreg.scid  }
0x8b: {  	s0 =	sand.u32 $0x1, s1  }
0x8c: {  	s17 =	sshll.u32 s0, $0xA;
	s2 =	sadd.s32 s3, s2  }
0x8d: {  	s2 =	sadd.s32 s2, s17  }
0x8e: {  	[smem:$0x3FC6] =	sst s2  }
0x8f: {  	_ = 	snop  }
0x90: {  	s2 =	sld [smem:$0x3FC9]  }
0x91: {  	s18 =	sld [smem:$0x3FC8];
	(tm) =	ssettm $0x1  }
0x92: {  	s4 =	sld [smem:$0x3FFB];
	_ =	sdelay $0x3  }
0x93: {  	_ =	strace s4  }
0x94: {  	s4 =	sld [smem:$0x3FFC];
	_ =	sdelay $0x3  }
0x95: {  	_ =	strace s4  }
0x96: {  	s4 =	sld [smem:$0x3FFD];
	_ =	sdelay $0x3  }
0x97: {  	_ =	strace s4  }
0x98: {  	_ =	strace $0x8FFFFFFF  }
0x99: {  	s19 =	sld [smem:$0x3FDB];
	_ =	sdelay $0x1  }
0x9a: {  	s5 =	simm.s32 $_scs_section_size  }
0x9b: {  	s6 =	simm.s32 $_size__tile_overlayer_lowered;
	s7 =	simm.s32 $_tile_overlayer_lowered  }
0x9c: {  	s22 =	simm.s32 $0x1BFF;
	s21 =	sshll.u32 s7, $0x1;
	s4 =	sadd.s32 s5, s19  }
0x9d: {  	s8 =	simm.s32 $0x0;
	s20 =	sshll.u32 s6, $0x1;
	s6 =	sadd.s32 s21, s4  }
0x9e: {  	[timem:s8], [sflag:s22] =	dma.local [hbm:s6], s20  }
0x9f: {  	_ =	swait.ge [sflag:s22], s20  }
0xa0: {  	s5 =	ssub.s32 $0x0, s20;
	[sflag:s22] =	ssyncset.done $0x0  }
0xa1: {  	[sflag:s22] =	ssyncadd.s32 s5;
	_ =	sdelay $0x1  }
0xa2: {  	s23 =	simm.s32 $0x1B8B  }
0xa3: {  	_ =	swait.ge [sflag:s23], $0x1  }
0xa4: {  	[sflag:s23] =	ssyncset.done $0x0  }
0xa5: {  	s25 =	simm.s32 $0x1B8E;
	s24 =	sld [smem:$0x3FFE];
	[sflag:s23] =	ssyncadd.s32 $0xFFFFFFFF  }
0xa6: {  	s26 =	simm.s32 $execute0_lowered;
	[smem:$0x3FD2] =	sst s25  }
0xa7: {  	s6 =	sshll.u32 s26, $0x1;
	_ =	strace $0x80000046;
	[dreg:$0x1] =	wrdreg $0xFFFFFFFF  }
0xa8: {  	s28 =	simm.s32 $_size_execute0_lowered;
	s4 =	sadd.s32 s4, s6;
	[dreg:$0x0] =	wrdreg $0x0  }
0xa9: {  	s6 =	sshll.u32 s28, $0x1;
	[dreg:$0x2] =	wrdreg s4  }
0xaa: {  	[dreg:$0x3] =	wrdreg s6  }
0xab: {  	[dreg:$0x4] =	wrdreg $0xC0  }
0xac: {  	_ =	task [dreg:s8], $0x5FFFF  }
0xad: {  	[dreg:$0x1] =	wrdreg $0xFFFFFFFF  }
0xae: {  	[dreg:$0x0] =	wrdreg $0x60  }
0xaf: {  	[dreg:$0x2] =	wrdreg s2  }
0xb0: {  	[dreg:$0x3] =	wrdreg s18  }
0xb1: {  	[dreg:$0x4] =	wrdreg s24  }
0xb2: {  	[dreg:$0x5] =	wrdreg $0x193000  }
0xb3: {  	[dreg:$0x6] =	wrdreg $0x9  }
0xb4: {  	_ =	task.clear_ibuf [dreg:s8], $0x7FFFF;
	_ =	strace $0x90000046  }
0xb5: {  	s29 =	simm.s32 $0x9;
	_ =	strace $0x80000048  }
0xb6: {  	_ =	swait.ge [sflag:s29], $0x1  }
0xb7: {  	[sflag:s29] =	ssyncadd.s32 $0xFFFFFFFF  }
0xb8: {  	_ =	strace $0x90000048  }
0xb9: {  	_ =	sfence  }
0xba: {  	s30 =	sld [smem:$0x0];
	_ =	sdelay $0x2  }
0xbb: {  	s31 =	sshll.u32 s1, $0xD;
	s1 =	sshrl.u32 s1, $0x2  }
0xbc: {  	s3 =	sand.u32 $0x4000, s31;
	s1 =	sadd.s32 s1, s30  }
0xbd: {  	s0 =	sor.u32 s3, s0;
	s1 =	sshll.u32 s1, $0x11  }
0xbe: {  	s0 =	sor.u32 s1, s0  }
0xbf: {  	s0 =	sadd.s32 $0x8F2B, s0  }
0xc0: {  	[sflag:s0] =	ssyncadd.remote.s32 $0x1  }
0xc1: {  	_ =	sfence.sel $0xFFFF  }
0xc2: {  	[dreg:$0x0] =	wrdreg $0xFFFFFFFF;
	(pc) =	sbr.abs _section_cstart, $3  }
0xc3: {  	[dreg:$0x1] =	wrdreg $0xFFFFFFFF  }
0xc4: {  	_ =	task.clear_ibuf [dreg:s8], $0x2FFFF;
	_ =	strace $0x9FFFFFFF  }
0xc5: {  	(tm) =	ssettm $0x7FFFFFFF  }
tec
execute0_lowered:
.L_overlay_start_1:
0x0: {  	(tag) =	ssettag $0x1  }
0x1: {  	s9 =	rddreg [dreg:$0x0]  }
0x2: {  	s10 =	rddreg [dreg:$0x1]  }
0x3: {  	s0 =	rddreg [dreg:$0x2]  }
0x4: {  	s3 =	rddreg [dreg:$0x3];
	s2 =	simm.s32 $0x0  }
0x5: {  	s1 =	srdreg.scid;
	s14 =	stileid.u32;
	s29 =	simm.s32 $0x1  }
0x6: {  	s30 =	simm.s32 $0x18200;
	s31 =	simm.s32 $0x18000;
	s28 =	simm.s32 $0x18D00  }
0x7: {  	[smem:$0x7FF] =	sst s2;
	s1 =	sand.u32 $0x1, s1;
	s5 =	sshll.u32 s14, $0xE  }
0x8: {  	s6 =	sadd.s32 $0x600, s0;
	s20 =	sshll.u32 s14, $0xA;
	s22 =	sadd.s32 $0x8000, s10  }
0x9: {  	s25 =	sadd.s32 $0x280, s3;
	p0 =	sne.s32 s14, $0x0;
	s2 =	simm.s32 $0x0  }
0xa: {  	s4 =	smul.u32 $0x600000, s1;
	_ =	strace $0x80000047;
	[dreg:$0x5] =	wrdreg s6  }
0xb: {  	s15 =	ssub.s32 $0x2, s1;
	s7 =	sshll.u32 s1, $0x5;
	[dreg:$0xb] =	wrdreg s22  }
0xc: {  	s16 =	sshll.u32 s1, $0x2;
	s1 =	sshll.u32 s1, $0x15;
	[dreg:$0x10] =	wrdreg s25  }
0xd: {  	s25 =	simm.s32 $0x18C00;
	s8 =	sshrl.u32 s15, $0x1;
	s0 =	sadd.s32 s7, s0  }
0xe: {  	s1 =	sor.u32 s5, s1;
	s23 =	sor.u32 $0x1, s16;
	s7 =	simm.s32 $0x18280  }
0xf: {  	s4 =	sor.u32 s5, s4;
	s6 =	ssub.s32 s15, s8;
	s1 =	sshrl.u32 s1, $0x3  }
0x10: {  	[dreg:$0xe] =	wrdreg s23;
	s0 =	sadd.s32 $0x800, s0;
	s8 =	simm.s32 $0x18300  }
0x11: {  	s4 =	sshrl.u32 s4, $0x3;
	s21 =	sadd.s32 s10, s1;
	[dreg:$0x11] =	wrdreg s0  }
0x12: {  	s1 =	sadd.s32 s1, s22;
	s26 =	smax.u32 s6, $0x1;
	[dreg:$0xa] =	wrdreg s21  }
0x13: {  	s22 =	simm.s32 $0x2;
	s4 =	sadd.s32 s4, s9;
	[dreg:$0xd] =	wrdreg s1  }
0x14: {  	s0 =	simm.s32 $0x18080;
	[dreg:$0x12] =	wrdreg s26;
	s17 =	sadd.s32 $0x10000, s4  }
0x15: {  	s6 =	simm.s32 $0x18D80;
	s18 =	sadd.s32 $0x18000, s4;
	[dreg:$0x6] =	wrdreg s17  }
.Ltmp0:
0x16: {  	v0 =	vimm.f32 $0.0e+00;
	s19 =	sadd.s32 $0x20000, s4;
	[dreg:$0x7] =	wrdreg s18;
	(pc) =	sbr.rel .LBB2_1-.Ltmp0, $4  }
0x17: {  	v1 =	vlaneseq.u32;
	v2 =	vimm.f32 $1.000000000e+00;
	vm0 =	vmmov $0x1;
	s21 =	simm.s32 $0x18180;
	s4 =	sadd.s32 $0x28000, s4;
	[dreg:$0x8] =	wrdreg s19  }
0x18: {  	vm1 =	vcmask $0x320;
	vm2 =	vcmask $0x720;
	vm3 =	vcmask $0xB20;
	s26 =	simm.s32 $0x18C80;
	[dreg:$0x9] =	wrdreg s4;
	s4 =	sadd.s32 s20, s3  }
0x19: {  	vm4 =	vcmask $0xF20;
	vm5 =	vcmask $0x1320;
	vm6 =	vcmask $0x1720;
	s20 =	sadd.s32 $0x680, s3;
	[dreg:$0xc] =	wrdreg s4;
	s24 =	sadd.s32 $0x280, s4  }
0x1a: {  	vm7 =	vcmask $0x1B20;
	vm8 =	vcmask $0x704;
	vm9 =	vcmask $0x1F04;
	s18 =	simm.s32 $0x18100;
	[dreg:$0xf] =	wrdreg s24;
	s24 =	simm.s32 $0x18400  }
.LBB2_14:
0x1b: {  	s2 =	rddreg [dreg:$0x13]  }
0x1c: {  	s1 =	rddreg [dreg:$0x12];
	s2 =	sadd.s32 $0x1, s2  }
0x1d: {  	p1 =	sne.s32 s2, s1  }
.Ltmp1:
0x1e: {  	_ = 	snop;
	(pc) =	sbr.rel @!p1 .LBB2_15-.Ltmp1, $1  }
0x1f: {  	_ =	sdelay $0x3  }
.LBB2_1:
0x20: {  	[dreg:$0x13] =	wrdreg s2  }
0x21: {  	s1 =	simm.s32 $0x0;
	s23 =	rddreg [dreg:$0x5];
	s4 =	simm.s32 $0x19100  }
0x22: {  	[tilespmem:s4], [sflag:$0x2] =	stream.linear.gather [hbm4b:s23+s1], $0x200, $0x38;
	[tilespmem:$0x19700] =	vst v63  }
0x23: {  	_ =	swait.ge [sflag:s22], $0x200  }
0x24: {  	[sflag:s22] =	ssyncset.done $0x0  }
0x25: {  	v3 =	vimm.f32 @!p0 $0.0e+00;
	[sflag:s22] =	ssyncadd.s32 $0xFFFFFE00  }
0x26: {  	[tilespmem:$0x19000] =	vst @!p0 v3  }
0x27: {  	s9 =	rddreg [dreg:$0x6];
	[tilespmem:$0x19080] =	vst @!p0 v3  }
0x28: {  	[tilespmem:s1], [sflag:$0x1] =	stream.linear.gather [hbm4b:s9+s1], $0x4000, $0x38;
	[tilespmem:$0x19700] =	vst v63  }
0x29: {  	s11 =	simm.s32 $0x4000;
	s10 =	rddreg [dreg:$0x7]  }
0x2a: {  	[tilespmem:s11], [sflag:$0x1] =	stream.linear.gather [hbm4b:s10+s1], $0x4000, $0x38;
	[tilespmem:$0x19700] =	vst v63  }
0x2b: {  	s13 =	simm.s32 $0x8000;
	s12 =	rddreg [dreg:$0x8]  }
0x2c: {  	[tilespmem:s13], [sflag:$0x1] =	stream.linear.gather [hbm4b:s12+s1], $0x4000, $0x38;
	[tilespmem:$0x19700] =	vst v63  }
0x2d: {  	s15 =	simm.s32 $0xC000;
	s14 =	rddreg [dreg:$0x9]  }
0x2e: {  	[tilespmem:s15], [sflag:$0x1] =	stream.linear.gather [hbm4b:s14+s1], $0x4000, $0x38;
	[tilespmem:$0x19700] =	vst v63  }
.Ltmp2:
0x2f: {  	_ = 	snop;
	(pc) =	sbr.rel .LBB2_2-.Ltmp2, $4  }
0x30: {  	s17 =	simm.s32 $0x10000;
	s16 =	rddreg [dreg:$0xa]  }
0x31: {  	[tilespmem:s17], [sflag:$0x1] =	stream.linear.gather [hbm4b:s16+s1], $0x4000, $0x38;
	[tilespmem:$0x19700] =	vst v63  }
0x32: {  	s23 =	simm.s32 $0x14000;
	s19 =	rddreg [dreg:$0xd];
	s14 =	simm.s32 $0x0  }
0x33: {  	[tilespmem:s23], [sflag:$0x1] =	stream.linear.gather [hbm4b:s19+s1], $0x4000, $0x38;
	[tilespmem:$0x19700] =	vst v63  }
.LBB2_16:
0x34: {  	s14 =	sadd.s32 $0x1, s14  }
0x35: {  	p1 =	seq.s32 s14, $0x4  }
.Ltmp3:
0x36: {  	_ = 	snop;
	(pc) =	sbr.rel @p1 .LBB2_14-.Ltmp3, $2  }
0x37: {  	_ =	sdelay $0x1  }
0x38: {  	[bflag:$0x0] =	sbarrier.arrive $0xFFFF;
	_ =	sdelay $0x1  }
.LBB2_2:
0x39: {  	_ =	swait.ge [sflag:s29], $0x4000  }
0x3a: {  	[sflag:s29] =	ssyncset.done $0x0  }
0x3b: {  	[sflag:s29] =	ssyncadd.s32 $0xFFFFC000  }
0x3c: {  	_ =	swait.ge [sflag:s29], $0x4000  }
0x3d: {  	[sflag:s29] =	ssyncset.done $0x0  }
0x3e: {  	[sflag:s29] =	ssyncadd.s32 $0xFFFFC000  }
0x3f: {  	_ =	swait.ge [sflag:s29], $0x4000  }
0x40: {  	[sflag:s29] =	ssyncset.done $0x0  }
0x41: {  	[sflag:s29] =	ssyncadd.s32 $0xFFFFC000  }
0x42: {  	_ =	swait.ge [sflag:s29], $0x4000  }
0x43: {  	[sflag:s29] =	ssyncset.done $0x0  }
0x44: {  	[sflag:s29] =	ssyncadd.s32 $0xFFFFC000  }
0x45: {  	_ =	swait.ge [sflag:s29], $0x4000  }
0x46: {  	[sflag:s29] =	ssyncset.done $0x0  }
0x47: {  	[sflag:s29] =	ssyncadd.s32 $0xFFFFC000  }
0x48: {  	_ =	swait.ge [sflag:s29], $0x4000  }
0x49: {  	[sflag:s29] =	ssyncset.done $0x0  }
0x4a: {  	[sflag:s29] =	ssyncadd.s32 $0xFFFFC000  }
0x4b: {  	[tilespmem:$0x18000] =	vst v0  }
0x4c: {  	[tilespmem:$0x18010] =	vst v0  }
0x4d: {  	[tilespmem:$0x18020] =	vst v0  }
0x4e: {  	[tilespmem:$0x18030] =	vst v0  }
0x4f: {  	[tilespmem:$0x18040] =	vst v0  }
0x50: {  	[tilespmem:$0x18050] =	vst v0  }
0x51: {  	[tilespmem:$0x18060] =	vst v0  }
0x52: {  	[tilespmem:$0x18070] =	vst v0  }
0x53: {  	[tilespmem:$0x18080] =	vst v0  }
0x54: {  	[tilespmem:$0x18090] =	vst v0  }
0x55: {  	[tilespmem:$0x180A0] =	vst v0  }
0x56: {  	[tilespmem:$0x180B0] =	vst v0  }
0x57: {  	[tilespmem:$0x180C0] =	vst v0  }
0x58: {  	[tilespmem:$0x180D0] =	vst v0  }
0x59: {  	[tilespmem:$0x180E0] =	vst v0  }
0x5a: {  	[tilespmem:$0x180F0] =	vst v0  }
0x5b: {  	[tilespmem:$0x18100] =	vst v0  }
0x5c: {  	[tilespmem:$0x18110] =	vst v0  }
0x5d: {  	[tilespmem:$0x18120] =	vst v0  }
0x5e: {  	[tilespmem:$0x18130] =	vst v0  }
0x5f: {  	[tilespmem:$0x18140] =	vst v0  }
0x60: {  	[tilespmem:$0x18150] =	vst v0  }
0x61: {  	[tilespmem:$0x18160] =	vst v0  }
0x62: {  	[tilespmem:$0x18170] =	vst v0  }
0x63: {  	[tilespmem:$0x18180] =	vst v0  }
0x64: {  	[tilespmem:$0x18190] =	vst v0  }
0x65: {  	[tilespmem:$0x181A0] =	vst v0  }
0x66: {  	[tilespmem:$0x181B0] =	vst v0  }
0x67: {  	[tilespmem:$0x181C0] =	vst v0  }
0x68: {  	[tilespmem:$0x181D0] =	vst v0  }
0x69: {  	[tilespmem:$0x181E0] =	vst v0  }
0x6a: {  	[tilespmem:$0x181F0] =	vst v0  }
0x6b: {  	[tilespmem:$0x18200] =	vst v0  }
0x6c: {  	[tilespmem:$0x18210] =	vst v0  }
0x6d: {  	[tilespmem:$0x18220] =	vst v0  }
0x6e: {  	[tilespmem:$0x18230] =	vst v0  }
0x6f: {  	[tilespmem:$0x18240] =	vst v0  }
0x70: {  	[tilespmem:$0x18250] =	vst v0  }
0x71: {  	[tilespmem:$0x18260] =	vst v0  }
0x72: {  	[tilespmem:$0x18270] =	vst v0  }
0x73: {  	[tilespmem:$0x18280] =	vst v0  }
0x74: {  	[tilespmem:$0x18290] =	vst v0  }
0x75: {  	[tilespmem:$0x182A0] =	vst v0  }
0x76: {  	[tilespmem:$0x182B0] =	vst v0  }
0x77: {  	[tilespmem:$0x182C0] =	vst v0  }
0x78: {  	[tilespmem:$0x182D0] =	vst v0  }
0x79: {  	[tilespmem:$0x182E0] =	vst v0  }
0x7a: {  	[tilespmem:$0x182F0] =	vst v0  }
0x7b: {  	[tilespmem:$0x18300] =	vst v0  }
0x7c: {  	[tilespmem:$0x18310] =	vst v0  }
0x7d: {  	[tilespmem:$0x18320] =	vst v0  }
0x7e: {  	[tilespmem:$0x18330] =	vst v0  }
0x7f: {  	[tilespmem:$0x18340] =	vst v0  }
0x80: {  	[tilespmem:$0x18350] =	vst v0  }
0x81: {  	[tilespmem:$0x18360] =	vst v0  }
0x82: {  	[tilespmem:$0x18370] =	vst v0  }
0x83: {  	[tilespmem:$0x18380] =	vst v0  }
0x84: {  	[tilespmem:$0x18390] =	vst v0  }
0x85: {  	[tilespmem:$0x183A0] =	vst v0  }
0x86: {  	[tilespmem:$0x183B0] =	vst v0  }
0x87: {  	s4 =	simm.s32 $0x0;
	s1 =	simm.s32 $0x0;
	[tilespmem:$0x183C0] =	vst v0  }
0x88: {  	s9 =	simm.s32 $0x0;
	s1 =	sand.u32 $0x3000, s1;
	s2 =	sand.u32 $0xC00, s4;
	[tilespmem:$0x183D0] =	vst v0  }
0x89: {  	s23 =	sand.u32 $0x380, s9;
	s1 =	sor.u32 s2, s1;
	[tilespmem:$0x183E0] =	vst v0  }
0x8a: {  	s9 =	sor.u32 s23, s1;
	[tilespmem:$0x183F0] =	vst v0  }
0x8b: {  	v3 =	vld [tilespmem:s9+$0x14070];
	_ =	sdelay $0x1  }
0x8c: {  	v4 =	vld [tilespmem:s9+$0x14000]  }
0x8d: {  	v5 =	vld [tilespmem:s9+$0x14010]  }
0x8e: {  	v8 =	vld [tilespmem:s9+$0x14020]  }
0x8f: {  	v3 =	vshll.u32 v3, $0x4  }
0x90: {  	v9 =	vld [tilespmem:s9+$0x14030];
	v10 =	vor.u32 v1, v3  }
0x91: {  	v3 =	vshll.u32 v4, $0x4  }
0x92: {  	v11 =	vld [tilespmem:s9+$0x14060];
	v6 =	vor.u32 v1, v3;
	v3 =	vshll.u32 v5, $0x4  }
0x93: {  	v4 =	vld [tilespmem:s9+$0x14040];
	v7 =	vor.u32 v1, v3;
	v3 =	vshll.u32 v8, $0x4  }
0x94: {  	v5 =	vld [tilespmem:s9+$0x14050];
	v8 =	vor.u32 v1, v3  }
0x95: {  	v3 =	vshll.u32 v9, $0x4;
	[tilespmem:v10+s30+$0x0] =	vst.idx.add.f32.msk $0xffff, v2  }
0x96: {  	v9 =	vor.u32 v1, v3;
	v12 =	vld [tilespmem:s9+$0x70]  }
0x97: {  	[tilespmem:v6+s30+$0x0] =	vst.idx.add.f32.msk $0xffff, v2  }
0x98: {  	[tilespmem:v7+s30+$0x0] =	vst.idx.add.f32.msk $0xffff, v2  }
0x99: {  	v3 =	vshll.u32 v4, $0x4;
	[tilespmem:v8+s30+$0x0] =	vst.idx.add.f32.msk $0xffff, v2  }
0x9a: {  	v3 =	vor.u32 v1, v3;
	v13 =	vld [tilespmem:s9+$0x10]  }
0x9b: {  	[tilespmem:v9+s30+$0x0] =	vst.idx.add.f32.msk $0xffff, v2  }
0x9c: {  	v4 =	vshll.u32 v5, $0x4;
	v14 =	vld [tilespmem:s9+$0x20]  }
0x9d: {  	v5 =	vshll.u32 v11, $0x4;
	v4 =	vor.u32 v1, v4;
	v15 =	vld [tilespmem:s9+$0x30]  }
0x9e: {  	v5 =	vor.u32 v1, v5;
	[tilespmem:v10+s31+$0x0] =	vst.idx.add.f32.msk $0xffff, v12  }
0x9f: {  	[tilespmem:v3+s30+$0x0] =	vst.idx.add.f32.msk $0xffff, v2  }
0xa0: {  	v12 =	vld [tilespmem:s9+$0x0]  }
0xa1: {  	v11 =	vld [tilespmem:s9+$0x4070]  }
0xa2: {  	[tilespmem:v4+s30+$0x0] =	vst.idx.add.f32.msk $0xffff, v2  }
0xa3: {  	[tilespmem:v5+s30+$0x0] =	vst.idx.add.f32.msk $0xffff, v2  }
0xa4: {  	v16 =	vld [tilespmem:s9+$0x40]  }
0xa5: {  	v17 =	vld [tilespmem:s9+$0x50]  }
0xa6: {  	v18 =	vld [tilespmem:s9+$0x60]  }
0xa7: {  	[tilespmem:v7+s31+$0x0] =	vst.idx.add.f32.msk $0xffff, v13  }
0xa8: {  	[tilespmem:v8+s31+$0x0] =	vst.idx.add.f32.msk $0xffff, v14  }
0xa9: {  	[tilespmem:v9+s31+$0x0] =	vst.idx.add.f32.msk $0xffff, v15  }
0xaa: {  	[tilespmem:v6+s31+$0x0] =	vst.idx.add.f32.msk $0xffff, v12  }
0xab: {  	v12 =	vld [tilespmem:s9+$0x4020]  }
0xac: {  	v13 =	vld [tilespmem:s9+$0x4030]  }
0xad: {  	[tilespmem:v10+s0+$0x0] =	vst.idx.add.f32.msk $0xffff, v11  }
0xae: {  	[tilespmem:v3+s31+$0x0] =	vst.idx.add.f32.msk $0xffff, v16  }
0xaf: {  	v11 =	vld [tilespmem:s9+$0x8070]  }
0xb0: {  	[tilespmem:v4+s31+$0x0] =	vst.idx.add.f32.msk $0xffff, v17  }
0xb1: {  	[tilespmem:v5+s31+$0x0] =	vst.idx.add.f32.msk $0xffff, v18  }
0xb2: {  	v14 =	vld [tilespmem:s9+$0x4040]  }
0xb3: {  	v15 =	vld [tilespmem:s9+$0x4050]  }
0xb4: {  	v16 =	vld [tilespmem:s9+$0x4060]  }
0xb5: {  	[tilespmem:v8+s0+$0x0] =	vst.idx.add.f32.msk $0xffff, v12  }
0xb6: {  	[tilespmem:v9+s0+$0x0] =	vst.idx.add.f32.msk $0xffff, v13  }
0xb7: {  	v12 =	vld [tilespmem:s9+$0x8020]  }
0xb8: {  	v13 =	vld [tilespmem:s9+$0x8030]  }
0xb9: {  	[tilespmem:v10+s18+$0x0] =	vst.idx.add.f32.msk $0xffff, v11  }
0xba: {  	[tilespmem:v3+s0+$0x0] =	vst.idx.add.f32.msk $0xffff, v14  }
0xbb: {  	v11 =	vld [tilespmem:s9+$0xC070]  }
0xbc: {  	[tilespmem:v4+s0+$0x0] =	vst.idx.add.f32.msk $0xffff, v15  }
0xbd: {  	[tilespmem:v5+s0+$0x0] =	vst.idx.add.f32.msk $0xffff, v16  }
0xbe: {  	v14 =	vld [tilespmem:s9+$0x8040]  }
0xbf: {  	v15 =	vld [tilespmem:s9+$0x8050]  }
0xc0: {  	v16 =	vld [tilespmem:s9+$0x8060]  }
0xc1: {  	[tilespmem:v8+s18+$0x0] =	vst.idx.add.f32.msk $0xffff, v12  }
0xc2: {  	[tilespmem:v10+s21+$0x0] =	vst.idx.add.f32.msk $0xffff, v11  }
0xc3: {  	v10 =	vld [tilespmem:s9+$0x4000]  }
0xc4: {  	v11 =	vld [tilespmem:s9+$0x4010]  }
0xc5: {  	[tilespmem:v9+s18+$0x0] =	vst.idx.add.f32.msk $0xffff, v13  }
0xc6: {  	v13 =	vld [tilespmem:s9+$0xC020]  }
0xc7: {  	v12 =	vld [tilespmem:s9+$0xC030]  }
0xc8: {  	[tilespmem:v6+s0+$0x0] =	vst.idx.add.f32.msk $0xffff, v10  }
0xc9: {  	[tilespmem:v7+s0+$0x0] =	vst.idx.add.f32.msk $0xffff, v11  }
0xca: {  	v10 =	vld [tilespmem:s9+$0x8000]  }
0xcb: {  	v11 =	vld [tilespmem:s9+$0x8010]  }
0xcc: {  	[tilespmem:v3+s18+$0x0] =	vst.idx.add.f32.msk $0xffff, v14  }
0xcd: {  	[tilespmem:v4+s18+$0x0] =	vst.idx.add.f32.msk $0xffff, v15  }
0xce: {  	[tilespmem:v5+s18+$0x0] =	vst.idx.add.f32.msk $0xffff, v16  }
0xcf: {  	[tilespmem:v6+s18+$0x0] =	vst.idx.add.f32.msk $0xffff, v10  }
0xd0: {  	[tilespmem:v7+s18+$0x0] =	vst.idx.add.f32.msk $0xffff, v11  }
0xd1: {  	v15 =	vld [tilespmem:s9+$0xC000]  }
0xd2: {  	v14 =	vld [tilespmem:s9+$0xC010]  }
0xd3: {  	v11 =	vld [tilespmem:s9+$0xC040]  }
0xd4: {  	s19 =	simm.s32 $0x0;
	v10 =	vld [tilespmem:s9+$0xC050]  }
.LBB2_3:
0xd5: {  	s19 =	sadd.s32 $0x8, s19;
	v16 =	vld [tilespmem:s9+$0xC060]  }
0xd6: {  	s4 =	sadd.s32 $0x400, s4;
	s1 =	sshll.u32 s19, $0x4;
	p1 =	slt.u32 s19, $0x3F8;
	[tilespmem:v6+s21+$0x0] =	vst.idx.add.f32.msk $0xffff, v15  }
0xd7: {  	s2 =	sand.u32 $0xC00, s4;
	s9 =	sshll.u32 s19, $0x2;
	s1 =	sand.u32 $0x3000, s1;
	[tilespmem:v7+s21+$0x0] =	vst.idx.add.f32.msk $0xffff, v14  }
0xd8: {  	s1 =	sor.u32 s2, s1;
	s2 =	sand.u32 $0x380, s9;
	[tilespmem:v8+s21+$0x0] =	vst.idx.add.f32.msk $0xffff, v13  }
0xd9: {  	s9 =	sor.u32 s2, s1;
	[tilespmem:v9+s21+$0x0] =	vst.idx.add.f32.msk $0xffff, v12  }
0xda: {  	v6 =	vld [tilespmem:s9+$0x14070]  }
0xdb: {  	v7 =	vld [tilespmem:s9+$0x14000]  }
0xdc: {  	v8 =	vld [tilespmem:s9+$0x14010]  }
0xdd: {  	v9 =	vld [tilespmem:s9+$0x14020]  }
0xde: {  	v12 =	vld [tilespmem:s9+$0x14030]  }
0xdf: {  	v13 =	vld [tilespmem:s9+$0x14040];
	v6 =	vshll.u32 v6, $0x4  }
0xe0: {  	v7 =	vshll.u32 v7, $0x4;
	v14 =	vld [tilespmem:s9+$0x14050];
	v15 =	vor.u32 v1, v6  }
0xe1: {  	v6 =	vor.u32 v1, v7;
	v7 =	vshll.u32 v8, $0x4;
	v17 =	vld [tilespmem:s9+$0x14060]  }
0xe2: {  	v7 =	vor.u32 v1, v7;
	v8 =	vshll.u32 v9, $0x4;
	[tilespmem:v3+s21+$0x0] =	vst.idx.add.f32.msk $0xffff, v11  }
0xe3: {  	v8 =	vor.u32 v1, v8;
	v3 =	vshll.u32 v12, $0x4;
	[tilespmem:v4+s21+$0x0] =	vst.idx.add.f32.msk $0xffff, v10  }
0xe4: {  	v9 =	vor.u32 v1, v3;
	v3 =	vshll.u32 v13, $0x4;
	[tilespmem:v5+s21+$0x0] =	vst.idx.add.f32.msk $0xffff, v16  }
0xe5: {  	v3 =	vor.u32 v1, v3;
	v4 =	vshll.u32 v14, $0x4;
	[tilespmem:v15+s30+$0x0] =	vst.idx.add.f32.msk $0xffff, v2  }
0xe6: {  	v4 =	vor.u32 v1, v4;
	v5 =	vshll.u32 v17, $0x4;
	v10 =	vld [tilespmem:s9+$0x70]  }
0xe7: {  	[tilespmem:v6+s30+$0x0] =	vst.idx.add.f32.msk $0xffff, v2;
	v5 =	vor.u32 v1, v5  }
0xe8: {  	[tilespmem:v7+s30+$0x0] =	vst.idx.add.f32.msk $0xffff, v2  }
0xe9: {  	[tilespmem:v8+s30+$0x0] =	vst.idx.add.f32.msk $0xffff, v2  }
0xea: {  	[tilespmem:v9+s30+$0x0] =	vst.idx.add.f32.msk $0xffff, v2  }
0xeb: {  	[tilespmem:v15+s31+$0x0] =	vst.idx.add.f32.msk $0xffff, v10  }
0xec: {  	v10 =	vld [tilespmem:s9+$0x4070]  }
0xed: {  	[tilespmem:v3+s30+$0x0] =	vst.idx.add.f32.msk $0xffff, v2  }
0xee: {  	[tilespmem:v4+s30+$0x0] =	vst.idx.add.f32.msk $0xffff, v2  }
0xef: {  	[tilespmem:v5+s30+$0x0] =	vst.idx.add.f32.msk $0xffff, v2  }
0xf0: {  	v11 =	vld [tilespmem:s9+$0x0]  }
0xf1: {  	[tilespmem:v15+s0+$0x0] =	vst.idx.add.f32.msk $0xffff, v10  }
0xf2: {  	v10 =	vld [tilespmem:s9+$0x8070]  }
0xf3: {  	v12 =	vld [tilespmem:s9+$0x10]  }
0xf4: {  	v13 =	vld [tilespmem:s9+$0x20]  }
0xf5: {  	v14 =	vld [tilespmem:s9+$0x30]  }
0xf6: {  	v16 =	vld [tilespmem:s9+$0x40]  }
0xf7: {  	[tilespmem:v15+s18+$0x0] =	vst.idx.add.f32.msk $0xffff, v10  }
0xf8: {  	v10 =	vld [tilespmem:s9+$0xC070]  }
0xf9: {  	v17 =	vld [tilespmem:s9+$0x50]  }
0xfa: {  	v18 =	vld [tilespmem:s9+$0x60]  }
0xfb: {  	[tilespmem:v6+s31+$0x0] =	vst.idx.add.f32.msk $0xffff, v11  }
0xfc: {  	[tilespmem:v7+s31+$0x0] =	vst.idx.add.f32.msk $0xffff, v12  }
0xfd: {  	[tilespmem:v15+s21+$0x0] =	vst.idx.add.f32.msk $0xffff, v10  }
0xfe: {  	[tilespmem:v8+s31+$0x0] =	vst.idx.add.f32.msk $0xffff, v13  }
0xff: {  	[tilespmem:v9+s31+$0x0] =	vst.idx.add.f32.msk $0xffff, v14  }
0x100: {  	[tilespmem:v3+s31+$0x0] =	vst.idx.add.f32.msk $0xffff, v16  }
0x101: {  	[tilespmem:v4+s31+$0x0] =	vst.idx.add.f32.msk $0xffff, v17  }
0x102: {  	[tilespmem:v5+s31+$0x0] =	vst.idx.add.f32.msk $0xffff, v18  }
0x103: {  	v10 =	vld [tilespmem:s9+$0x4000]  }
0x104: {  	v11 =	vld [tilespmem:s9+$0x4010]  }
0x105: {  	v12 =	vld [tilespmem:s9+$0x4020]  }
0x106: {  	v13 =	vld [tilespmem:s9+$0x4030]  }
0x107: {  	v14 =	vld [tilespmem:s9+$0x4040]  }
0x108: {  	v15 =	vld [tilespmem:s9+$0x4050]  }
0x109: {  	v16 =	vld [tilespmem:s9+$0x4060]  }
0x10a: {  	[tilespmem:v6+s0+$0x0] =	vst.idx.add.f32.msk $0xffff, v10  }
0x10b: {  	[tilespmem:v7+s0+$0x0] =	vst.idx.add.f32.msk $0xffff, v11  }
0x10c: {  	[tilespmem:v8+s0+$0x0] =	vst.idx.add.f32.msk $0xffff, v12  }
0x10d: {  	[tilespmem:v9+s0+$0x0] =	vst.idx.add.f32.msk $0xffff, v13  }
0x10e: {  	[tilespmem:v3+s0+$0x0] =	vst.idx.add.f32.msk $0xffff, v14  }
0x10f: {  	[tilespmem:v4+s0+$0x0] =	vst.idx.add.f32.msk $0xffff, v15  }
0x110: {  	[tilespmem:v5+s0+$0x0] =	vst.idx.add.f32.msk $0xffff, v16  }
0x111: {  	v10 =	vld [tilespmem:s9+$0x8000]  }
0x112: {  	v11 =	vld [tilespmem:s9+$0x8010]  }
0x113: {  	v12 =	vld [tilespmem:s9+$0x8020]  }
0x114: {  	v13 =	vld [tilespmem:s9+$0x8030]  }
0x115: {  	v14 =	vld [tilespmem:s9+$0x8040]  }
0x116: {  	v15 =	vld [tilespmem:s9+$0x8050]  }
0x117: {  	v16 =	vld [tilespmem:s9+$0x8060]  }
0x118: {  	[tilespmem:v6+s18+$0x0] =	vst.idx.add.f32.msk $0xffff, v10  }
0x119: {  	[tilespmem:v7+s18+$0x0] =	vst.idx.add.f32.msk $0xffff, v11  }
0x11a: {  	[tilespmem:v8+s18+$0x0] =	vst.idx.add.f32.msk $0xffff, v12  }
0x11b: {  	[tilespmem:v9+s18+$0x0] =	vst.idx.add.f32.msk $0xffff, v13  }
0x11c: {  	[tilespmem:v3+s18+$0x0] =	vst.idx.add.f32.msk $0xffff, v14  }
0x11d: {  	[tilespmem:v4+s18+$0x0] =	vst.idx.add.f32.msk $0xffff, v15  }
0x11e: {  	[tilespmem:v5+s18+$0x0] =	vst.idx.add.f32.msk $0xffff, v16  }
0x11f: {  	v15 =	vld [tilespmem:s9+$0xC000]  }
.Ltmp4:
0x120: {  	v14 =	vld [tilespmem:s9+$0xC010];
	(pc) =	sbr.rel @p1 .LBB2_3-.Ltmp4, $4  }
0x121: {  	v13 =	vld [tilespmem:s9+$0xC020]  }
0x122: {  	v12 =	vld [tilespmem:s9+$0xC030]  }
0x123: {  	v11 =	vld [tilespmem:s9+$0xC040]  }
0x124: {  	v10 =	vld [tilespmem:s9+$0xC050]  }
0x125: {  	_ =	sdelay $0x2  }
0x126: {  	v16 =	vld [tilespmem:s9+$0xC060]  }
0x127: {  	[tilespmem:v6+s21+$0x0] =	vst.idx.add.f32.msk $0xffff, v15  }
0x128: {  	[tilespmem:v7+s21+$0x0] =	vst.idx.add.f32.msk $0xffff, v14  }
0x129: {  	[tilespmem:v8+s21+$0x0] =	vst.idx.add.f32.msk $0xffff, v13  }
0x12a: {  	[tilespmem:v9+s21+$0x0] =	vst.idx.add.f32.msk $0xffff, v12  }
0x12b: {  	[tilespmem:v3+s21+$0x0] =	vst.idx.add.f32.msk $0xffff, v11  }
0x12c: {  	[tilespmem:v4+s21+$0x0] =	vst.idx.add.f32.msk $0xffff, v10  }
0x12d: {  	[tilespmem:v5+s21+$0x0] =	vst.idx.add.f32.msk $0xffff, v16  }
0x12e: {  	s1 =	rddreg [dreg:$0xc]  }
0x12f: {  	[spmem:s1] =	stream.linear.scatter [tilespmem:s31], [sflag:$0x2], $0x280, $0x38;
	[tilespmem:$0x19700] =	vst v63  }
0x130: {  	_ =	swait.ge [sflag:s22], $0x280  }
0x131: {  	[sflag:s22] =	ssyncset.done $0x0  }
0x132: {  	[sflag:s22] =	ssyncadd.s32 $0xFFFFFD80  }
0x133: {  	s23 =	simm.s32 $0x18800;
	[bflag:$0x0] =	sbarrier.arrive $0xFFFF  }
0x134: {  	[tilespmem:s23], [sflag:$0x2] =	stream.linear.gather [spmem:s3], $0x280, $0x38;
	[tilespmem:$0x19700] =	vst v63  }
0x135: {  	_ =	swait.ge [sflag:s22], $0x280  }
0x136: {  	[sflag:s22] =	ssyncset.done $0x0  }
0x137: {  	s4 =	simm.s32 $0x1000;
	[sflag:s22] =	ssyncadd.s32 $0xFFFFFD80  }
.LBB2_5:
0x138: {  	s1 =	sshra.s32 s4, $0x2  }
0x139: {  	s1 =	sadd.s32 s1, s3  }
0x13a: {  	[tilespmem:s24], [sflag:$0x2] =	stream.linear.gather [spmem:s1], $0x280, $0x38;
	[tilespmem:$0x19700] =	vst v63  }
0x13b: {  	_ =	swait.ge [sflag:s22], $0x280  }
0x13c: {  	[sflag:s22] =	ssyncset.done $0x0  }
0x13d: {  	[sflag:s22] =	ssyncadd.s32 $0xFFFFFD80  }
0x13e: {  	v3 =	vld [tilespmem:$0x18800]  }
0x13f: {  	v4 =	vld [tilespmem:$0x18400]  }
0x140: {  	v5 =	vld [tilespmem:$0x18810]  }
0x141: {  	v6 =	vld [tilespmem:$0x18410]  }
0x142: {  	v7 =	vld [tilespmem:$0x18820]  }
0x143: {  	v8 =	vld [tilespmem:$0x18420]  }
0x144: {  	v9 =	vld [tilespmem:$0x18830]  }
0x145: {  	v10 =	vld [tilespmem:$0x18430]  }
0x146: {  	v11 =	vld [tilespmem:$0x18840]  }
0x147: {  	v12 =	vld [tilespmem:$0x18440]  }
0x148: {  	v13 =	vld [tilespmem:$0x18850]  }
0x149: {  	v14 =	vld [tilespmem:$0x18450]  }
0x14a: {  	v15 =	vld [tilespmem:$0x18860]  }
0x14b: {  	v16 =	vld [tilespmem:$0x18460]  }
0x14c: {  	v17 =	vld [tilespmem:$0x18870]  }
0x14d: {  	v18 =	vld [tilespmem:$0x18470]  }
0x14e: {  	v19 =	vld [tilespmem:$0x18880]  }
0x14f: {  	v20 =	vld [tilespmem:$0x18480]  }
0x150: {  	v21 =	vld [tilespmem:$0x18890]  }
0x151: {  	v22 =	vld [tilespmem:$0x18490]  }
0x152: {  	v23 =	vld [tilespmem:$0x188A0]  }
0x153: {  	v24 =	vld [tilespmem:$0x184A0]  }
0x154: {  	v25 =	vld [tilespmem:$0x188B0]  }
0x155: {  	v26 =	vld [tilespmem:$0x184B0]  }
0x156: {  	v27 =	vld [tilespmem:$0x188C0]  }
0x157: {  	v28 =	vld [tilespmem:$0x184C0]  }
0x158: {  	v29 =	vld [tilespmem:$0x188D0]  }
0x159: {  	v30 =	vld [tilespmem:$0x184D0]  }
0x15a: {  	v31 =	vld [tilespmem:$0x188E0]  }
0x15b: {  	v32 =	vld [tilespmem:$0x184E0]  }
0x15c: {  	v33 =	vld [tilespmem:$0x188F0]  }
0x15d: {  	v34 =	vld [tilespmem:$0x184F0]  }
0x15e: {  	v35 =	vld [tilespmem:$0x18900]  }
0x15f: {  	v36 =	vld [tilespmem:$0x18500]  }
0x160: {  	v37 =	vld [tilespmem:$0x18910]  }
0x161: {  	v38 =	vld [tilespmem:$0x18510]  }
0x162: {  	v39 =	vld [tilespmem:$0x18920]  }
0x163: {  	v40 =	vld [tilespmem:$0x18520]  }
0x164: {  	v41 =	vld [tilespmem:$0x18930]  }
0x165: {  	v42 =	vld [tilespmem:$0x18530]  }
0x166: {  	v43 =	vld [tilespmem:$0x18940]  }
0x167: {  	v44 =	vld [tilespmem:$0x18540]  }
0x168: {  	v45 =	vld [tilespmem:$0x18950]  }
0x169: {  	v46 =	vld [tilespmem:$0x18550]  }
0x16a: {  	v47 =	vld [tilespmem:$0x18960]  }
0x16b: {  	v48 =	vld [tilespmem:$0x18970];
	v3 =	vadd.f32 v4, v3  }
0x16c: {  	v50 =	vld [tilespmem:$0x185D0];
	v5 =	vadd.f32 v6, v5  }
0x16d: {  	v51 =	vld [tilespmem:$0x189E0];
	v6 =	vadd.f32 v38, v37;
	[tilespmem:$0x18800] =	vst v3  }
0x16e: {  	v4 =	vld [tilespmem:$0x18560];
	v3 =	vadd.f32 v8, v7;
	[tilespmem:$0x18810] =	vst v5  }
0x16f: {  	v52 =	vld [tilespmem:$0x185E0];
	v5 =	vadd.f32 v10, v9;
	[tilespmem:$0x18910] =	vst v6  }
0x170: {  	v53 =	vld [tilespmem:$0x189F0];
	v7 =	vadd.f32 v36, v35;
	[tilespmem:$0x18820] =	vst v3  }
0x171: {  	v8 =	vld [tilespmem:$0x18570];
	v3 =	vadd.f32 v12, v11;
	[tilespmem:$0x18830] =	vst v5  }
0x172: {  	v54 =	vld [tilespmem:$0x18A00];
	v5 =	vadd.f32 v14, v13;
	[tilespmem:$0x18900] =	vst v7  }
0x173: {  	v55 =	vld [tilespmem:$0x18600];
	v4 =	vadd.f32 v4, v47;
	[tilespmem:$0x18840] =	vst v3  }
0x174: {  	v9 =	vld [tilespmem:$0x18980];
	v3 =	vadd.f32 v16, v15;
	[tilespmem:$0x18850] =	vst v5  }
0x175: {  	v10 =	vld [tilespmem:$0x18580];
	v5 =	vadd.f32 v18, v17;
	[tilespmem:$0x18960] =	vst v4  }
0x176: {  	v12 =	vld [tilespmem:$0x189C0];
	v8 =	vadd.f32 v8, v48;
	[tilespmem:$0x18860] =	vst v3  }
0x177: {  	v18 =	vld [tilespmem:$0x185C0];
	v4 =	vadd.f32 v42, v41;
	[tilespmem:$0x18870] =	vst v5  }
0x178: {  	v11 =	vld [tilespmem:$0x18990];
	v3 =	vadd.f32 v20, v19;
	[tilespmem:$0x18970] =	vst v8  }
0x179: {  	v13 =	vld [tilespmem:$0x18590];
	v5 =	vadd.f32 v22, v21;
	[tilespmem:$0x18930] =	vst v4  }
0x17a: {  	v14 =	vld [tilespmem:$0x189A0];
	[tilespmem:$0x18880] =	vst v3;
	v3 =	vadd.f32 v24, v23  }
0x17b: {  	v15 =	vld [tilespmem:$0x185A0];
	[tilespmem:$0x18890] =	vst v5;
	v5 =	vadd.f32 v26, v25  }
0x17c: {  	v56 =	vld [tilespmem:$0x18A10];
	v8 =	vadd.f32 v18, v12;
	[tilespmem:$0x188A0] =	vst v3  }
0x17d: {  	v57 =	vld [tilespmem:$0x18610];
	v12 =	vadd.f32 v10, v9;
	[tilespmem:$0x188B0] =	vst v5  }
0x17e: {  	v58 =	vld [tilespmem:$0x18A20];
	v10 =	vadd.f32 v13, v11;
	[tilespmem:$0x189C0] =	vst v8  }
0x17f: {  	v59 =	vld [tilespmem:$0x18A30];
	v3 =	vadd.f32 v28, v27;
	[tilespmem:$0x18980] =	vst v12  }
0x180: {  	v19 =	vld [tilespmem:$0x189D0];
	v9 =	vadd.f32 v15, v14;
	[tilespmem:$0x18990] =	vst v10  }
0x181: {  	v60 =	vld [tilespmem:$0x18A50];
	[tilespmem:$0x188C0] =	vst v3;
	v3 =	vadd.f32 v32, v31  }
0x182: {  	v16 =	vld [tilespmem:$0x189B0];
	v15 =	vadd.f32 v57, v56;
	[tilespmem:$0x189A0] =	vst v9  }
0x183: {  	v17 =	vld [tilespmem:$0x185B0];
	[tilespmem:$0x188E0] =	vst v3;
	v3 =	vadd.f32 v44, v43  }
0x184: {  	v61 =	vld [tilespmem:$0x18640];
	v5 =	vadd.f32 v30, v29;
	[tilespmem:$0x18A10] =	vst v15  }
0x185: {  	v19 =	vadd.f32 v50, v19;
	[tilespmem:$0x18940] =	vst v3;
	v3 =	vld [tilespmem:$0x185F0]  }
0x186: {  	v62 =	vld [tilespmem:$0x18A70];
	v8 =	vadd.f32 v52, v51;
	[tilespmem:$0x188D0] =	vst v5  }
0x187: {  	v11 =	vld [tilespmem:$0x18650];
	v5 =	vadd.f32 v34, v33;
	[tilespmem:$0x189D0] =	vst v19  }
0x188: {  	v18 =	vld [tilespmem:$0x18620];
	[tilespmem:$0x189E0] =	vst v8;
	v8 =	vadd.f32 v17, v16  }
0x189: {  	v13 =	vld [tilespmem:$0x18630];
	v16 =	vadd.f32 v55, v54;
	[tilespmem:$0x188F0] =	vst v5  }
0x18a: {  	v19 =	vld [tilespmem:$0x18A40];
	[tilespmem:$0x189B0] =	vst v8;
	v3 =	vadd.f32 v3, v53  }
0x18b: {  	v17 =	vld [tilespmem:$0x18660];
	v5 =	vadd.f32 v46, v45;
	[tilespmem:$0x18A00] =	vst v16  }
0x18c: {  	v11 =	vadd.f32 v11, v60;
	[tilespmem:$0x189F0] =	vst v3;
	v3 =	vld [tilespmem:$0x18A60]  }
0x18d: {  	v63 =	vld [tilespmem:$0x18670];
	v14 =	vadd.f32 v18, v58;
	[tilespmem:$0x18950] =	vst v5  }
0x18e: {  	v13 =	vadd.f32 v13, v59;
	[tilespmem:$0x18A50] =	vst v11  }
0x18f: {  	p1 =	sne.s32 s4, $0xF000;
	v5 =	vadd.f32 v40, v39;
	[tilespmem:$0x18A20] =	vst v14  }
.Ltmp5:
0x190: {  	[tilespmem:$0x18A30] =	vst v13;
	v11 =	vadd.f32 v61, v19;
	(pc) =	sbr.rel @p1 .LBB2_5-.Ltmp5, $4  }
0x191: {  	[tilespmem:$0x18920] =	vst v5;
	v17 =	vadd.f32 v17, v3  }
0x192: {  	[tilespmem:$0x18A40] =	vst v11;
	v3 =	vadd.f32 v63, v62  }
0x193: {  	[tilespmem:$0x18A60] =	vst v17  }
0x194: {  	s4 =	sadd.s32 $0x1000, s4;
	[tilespmem:$0x18A70] =	vst v3  }
0x195: {  	v17 =	vld [tilespmem:$0x18800]  }
0x196: {  	v18 =	vld [tilespmem:$0x18880];
	_ =	sdelay $0x2  }
0x197: {  	(xrf2) =	vadd.scan.msk.f32 $0xffff, v16  }
0x198: {  	v45 =	vld [tilespmem:$0x18810];
	(xrf2) =	vadd.scan.msk.f32 $0xffff, v17  }
0x199: {  	v46 =	vld [tilespmem:$0x18890];
	(xrf2) =	vadd.scan.msk.f32 $0xffff, v18  }
0x19a: {  	(xrf2) =	vadd.scan.msk.f32 $0xffff, v7  }
0x19b: {  	(xrf2) =	vadd.scan.msk.f32 $0xffff, v12  }
0x19c: {  	(xrf2) =	vadd.scan.msk.f32 $0xffff, v15  }
0x19d: {  	v47 =	vld [tilespmem:$0x18820];
	(xrf2) =	vadd.scan.msk.f32 $0xffff, v45  }
0x19e: {  	v48 =	vld [tilespmem:$0x188A0];
	(xrf2) =	vadd.scan.msk.f32 $0xffff, v46  }
0x19f: {  	(xrf2) =	vadd.scan.msk.f32 $0xffff, v6  }
0x1a0: {  	(xrf2) =	vadd.scan.msk.f32 $0xffff, v10  }
0x1a1: {  	v49, _, _ =	vpop (xrf2);
	(xrf2) =	vadd.scan.msk.f32 $0xffff, v14  }
0x1a2: {  	v51 =	vld [tilespmem:$0x18830];
	v50, _, _ =	vpop (xrf2);
	(xrf2) =	vadd.scan.msk.f32 $0xffff, v47  }
0x1a3: {  	v53 =	vld [tilespmem:$0x188B0];
	v52, _, _ =	vpop (xrf2);
	(xrf2) =	vadd.scan.msk.f32 $0xffff, v48  }
0x1a4: {  	v54, _, _ =	vpop (xrf2);
	(xrf2) =	vadd.scan.msk.f32 $0xffff, v5  }
0x1a5: {  	v55, _, _ =	vpop (xrf2);
	(xrf2) =	vadd.scan.msk.f32 $0xffff, v9  }
0x1a6: {  	v56, _, _ =	vpop (xrf2);
	(xrf2) =	vadd.scan.msk.f32 $0xffff, v13  }
0x1a7: {  	v58 =	vld [tilespmem:$0x18840];
	v57, _, _ =	vpop (xrf2);
	(xrf2) =	vadd.scan.msk.f32 $0xffff, v51  }
0x1a8: {  	v60 =	vld [tilespmem:$0x188C0];
	v59, _, _ =	vpop (xrf2);
	(xrf2) =	vadd.scan.msk.f32 $0xffff, v53  }
0x1a9: {  	v62 =	vld [tilespmem:$0x18940];
	v61, _, _ =	vpop (xrf2);
	(xrf2) =	vadd.scan.msk.f32 $0xffff, v4  }
0x1aa: {  	v32 =	vld [tilespmem:$0x189C0];
	v63, _, _ =	vpop (xrf2);
	(xrf2) =	vadd.scan.msk.f32 $0xffff, v8  }
0x1ab: {  	v33 =	vld [tilespmem:$0x18A50];
	v19, _, _ =	vpop (xrf2);
	(xrf2) =	vadd.scan.msk.f32 $0xffff, v11  }
0x1ac: {  	v34 =	vld [tilespmem:$0x18850];
	v20, _, _ =	vpop (xrf2);
	(xrf2) =	vadd.scan.msk.f32 $0xffff, v58  }
0x1ad: {  	v35 =	vld [tilespmem:$0x188D0];
	v21, _, _ =	vpop (xrf2);
	(xrf2) =	vadd.scan.msk.f32 $0xffff, v60  }
0x1ae: {  	v36 =	vld [tilespmem:$0x18950];
	v22, _, _ =	vpop (xrf2);
	(xrf2) =	vadd.scan.msk.f32 $0xffff, v62  }
0x1af: {  	v37 =	vld [tilespmem:$0x189D0];
	v23, _, _ =	vpop (xrf2);
	(xrf2) =	vadd.scan.msk.f32 $0xffff, v32  }
0x1b0: {  	v38 =	vld [tilespmem:$0x18A60];
	v24, _, _ =	vpop (xrf2);
	(xrf2) =	vadd.scan.msk.f32 $0xffff, v33  }
0x1b1: {  	v39 =	vld [tilespmem:$0x18860];
	v25, _, _ =	vpop (xrf2);
	(xrf2) =	vadd.scan.msk.f32 $0xffff, v34  }
0x1b2: {  	v40 =	vld [tilespmem:$0x188E0];
	v26, _, _ =	vpop (xrf2);
	(xrf2) =	vadd.scan.msk.f32 $0xffff, v35  }
0x1b3: {  	v41 =	vld [tilespmem:$0x18960];
	v27, _, _ =	vpop (xrf2);
	(xrf2) =	vadd.scan.msk.f32 $0xffff, v36  }
0x1b4: {  	v42 =	vld [tilespmem:$0x189E0];
	v28, _, _ =	vpop (xrf2);
	(xrf2) =	vadd.scan.msk.f32 $0xffff, v37  }
0x1b5: {  	v29, _, _ =	vpop (xrf2);
	(xrf2) =	vadd.scan.msk.f32 $0xffff, v38  }
0x1b6: {  	v43, _, _ =	vpop (xrf2);
	(xrf2) =	vadd.scan.msk.f32 $0xffff, v39  }
0x1b7: {  	v44, _, _ =	vpop (xrf2);
	(xrf2) =	vadd.scan.msk.f32 $0xffff, v40  }
0x1b8: {  	v45, _, _ =	vpop (xrf2);
	(xrf2) =	vadd.scan.msk.f32 $0xffff, v41  }
0x1b9: {  	v46 =	vbroadcast v49, $0xF;
	v47, _, _ =	vpop (xrf2);
	(xrf2) =	vadd.scan.msk.f32 $0xffff, v42  }
0x1ba: {  	v14 =	vbroadcast v52, $0xF;
	v15 =	vbroadcast v54, $0xF;
	v49, _, _ =	vpop (xrf2);
	(xrf2) =	vadd.scan.msk.f32 $0xffff, v3  }
0x1bb: {  	v48 =	vbroadcast v50, $0xF;
	v5 =	vbroadcast v55, $0xF;
	v3, _, _ =	vpop (xrf2)  }
0x1bc: {  	v14 =	vnsel vm0, $0x0, v14;
	v9 =	vbroadcast v56, $0xF;
	v15 =	vnsel vm0, $0x0, v15;
	v30, _, _ =	vpop (xrf2)  }
0x1bd: {  	v13 =	vbroadcast v57, $0xF;
	v5 =	vnsel vm0, $0x0, v5;
	v4 =	vnsel vm0, $0x0, v46;
	v31, _, _ =	vpop (xrf2)  }
0x1be: {  	v50 =	vbroadcast v59, $0xF;
	v8 =	vnsel vm0, $0x0, v48;
	v53 =	vbroadcast v61, $0xF;
	v51, _, _ =	vpop (xrf2)  }
0x1bf: {  	v4 =	vsel vm1, v4, v9;
	v8 =	vsel vm1, v8, v13;
	v54 =	vbroadcast v63, $0xF;
	v52, _, _ =	vpop (xrf2)  }
0x1c0: {  	v9 =	vsel vm1, v14, v50;
	v19 =	vbroadcast v19, $0xF;
	v14 =	vsel vm1, v15, v53;
	v55, _, _ =	vpop (xrf2)  }
0x1c1: {  	v20 =	vbroadcast v20, $0xF;
	v5 =	vsel vm1, v5, v54;
	v56 =	vbroadcast v24, $0xF;
	v57, _, _ =	vpop (xrf2)  }
0x1c2: {  	v61 =	vld [tilespmem:$0x18870];
	v4 =	vsel vm2, v4, v19;
	v21 =	vbroadcast v21, $0xF;
	v58 =	vbroadcast v29, $0xF;
	v59, _, _ =	vpop (xrf2)  }
0x1c3: {  	v63 =	vld [tilespmem:$0x188F0];
	v8 =	vsel vm2, v8, v20;
	v4 =	vsel vm3, v4, v56;
	v10 =	vbroadcast v49, $0xF;
	v60, _, _ =	vpop (xrf2)  }
0x1c4: {  	v22 =	vbroadcast v22, $0xF;
	v33 =	vld [tilespmem:$0x18970];
	v4 =	vsel vm4, v4, v58;
	v13 =	vbroadcast v52, $0xF;
	v62, _, _ =	vpop (xrf2)  }
0x1c5: {  	v23 =	vbroadcast v23, $0xF;
	v35 =	vld [tilespmem:$0x189F0];
	v4 =	vsel vm5, v4, v10;
	v32 =	vbroadcast v62, $0xF  }
0x1c6: {  	v9 =	vsel vm2, v9, v21;
	v34 =	vbroadcast v25, $0xF;
	v4 =	vsel vm6, v4, v13  }
0x1c7: {  	v14 =	vsel vm2, v14, v22;
	v5 =	vsel vm2, v5, v23;
	(xrf2) =	vadd.scan.msk.f32 $0xffff, v61;
	v4 =	vsel vm7, v4, v32  }
0x1c8: {  	v36 =	vbroadcast v26, $0xF;
	v8 =	vsel vm3, v8, v34;
	(xrf2) =	vadd.scan.msk.f32 $0xffff, v63;
	v37 =	vmax.f32 v4, $1.000000000e+00  }
0x1c9: {  	v38 =	vbroadcast v27, $0xF;
	v39 =	vbroadcast v28, $0xF;
	(xrf2) =	vadd.scan.msk.f32 $0xffff, v33;
	v40 =	vsub.s32 $0x7EF477D5, v37  }
0x1ca: {  	v9 =	vsel vm3, v9, v36;
	v41 =	vbroadcast v43, $0xF;
	(xrf2) =	vadd.scan.msk.f32 $0xffff, v35;
	v42 =	vmul.f32 v40, v37  }
0x1cb: {  	v14 =	vsel vm3, v14, v38;
	v5 =	vsel vm3, v5, v39;
	v7 =	vbroadcast v44, $0xF  }
0x1cc: {  	v43 =	vbroadcast v45, $0xF;
	v8 =	vsel vm4, v8, v41;
	v11 =	vsub.f32 $2.000000000e+00, v42  }
0x1cd: {  	v7 =	vsel vm4, v9, v7;
	v6 =	vbroadcast v47, $0xF;
	v3 =	vbroadcast v3, $0xF  }
0x1ce: {  	v44 =	vsel vm4, v14, v43;
	v46 =	vbroadcast v30, $0xF;
	v45 =	vmul.f32 v40, v11  }
0x1cf: {  	v5 =	vsel vm4, v5, v6;
	v47 =	vbroadcast v31, $0xF;
	v48 =	vbroadcast v51, $0xF  }
0x1d0: {  	v3 =	vsel vm5, v8, v3;
	v7 =	vsel vm5, v7, v46;
	v49 =	vmul.f32 v45, v37  }
0x1d1: {  	v6 =	vsel vm5, v44, v47;
	v50 =	vbroadcast v55, $0xF;
	v5 =	vsel vm5, v5, v48;
	v52, _, _ =	vpop (xrf2)  }
0x1d2: {  	v51 =	vbroadcast v57, $0xF;
	v53 =	vbroadcast v59, $0xF;
	v54, _, _ =	vpop (xrf2);
	v11 =	vsub.f32 $2.000000000e+00, v49  }
0x1d3: {  	v3 =	vsel vm6, v3, v50;
	v58 =	vbroadcast v60, $0xF;
	v55 =	vbroadcast v52, $0xF;
	v56, _, _ =	vpop (xrf2)  }
0x1d4: {  	v7 =	vsel vm6, v7, v51;
	v57 =	vbroadcast v54, $0xF;
	v60, _, _ =	vpop (xrf2);
	v10 =	vmul.f32 v11, v45  }
0x1d5: {  	v5 =	vsel vm6, v5, v58;
	v3 =	vsel vm7, v3, v55;
	v61 =	vbroadcast v60, $0xF  }
0x1d6: {  	v59 =	vbroadcast v56, $0xF;
	v7 =	vsel vm7, v7, v57;
	v3 =	vmul.f32 v10, v3  }
0x1d7: {  	v6 =	vsel vm6, v6, v53;
	[tilespmem:$0x18E00] =	vst v4;
	v5 =	vsel vm7, v5, v61;
	v62 =	vmul.f32 v10, v7  }
0x1d8: {  	v6 =	vsel vm7, v6, v59;
	v63 =	vmul.f32 v10, v5;
	[tilespmem:$0x18C00] =	vst v3  }
0x1d9: {  	v3 =	vmul.f32 v10, v6;
	[tilespmem:$0x18C80] =	vst v62  }
0x1da: {  	[tilespmem:$0x18D80] =	vst v63  }
0x1db: {  	s9 =	simm.s32 $0xFFFFFFFA;
	[tilespmem:$0x18D00] =	vst v3  }
0x1dc: {  	s19 =	simm.s32 $0x280;
	s4 =	simm.s32 $0x50;
	[bflag:$0x0] =	sbarrier.arrive $0xFFFF  }
.LBB2_7:
0x1dd: {  	s11 =	sadd.s32 $0x6, s9  }
0x1de: {  	s2 =	sadd.s32 $0xFFFFFD80, s19;
	s1 =	sshll.u32 s11, $0x4  }
0x1df: {  	s2 =	sand.u32 $0xC00, s2;
	s17 =	sshll.u32 s11, $0x2;
	s1 =	sand.u32 $0x3000, s1  }
0x1e0: {  	s23 =	sadd.s32 $0xFFFFFFB0, s4;
	s15 =	sand.u32 $0x380, s17;
	s1 =	sor.u32 s2, s1  }
0x1e1: {  	s16 =	sand.u32 $0x60, s23;
	s1 =	sor.u32 s15, s1  }
0x1e2: {  	s2 =	sor.u32 s16, s1  }
0x1e3: {  	s23 =	sor.u32 $0x4000, s1;
	v3 =	vld [tilespmem:s2+$0x10000]  }
0x1e4: {  	v5 =	vld [tilespmem:s2+$0x0];
	s2 =	sor.u32 $0x10, s16;
	s12 =	sor.u32 s16, s23  }
0x1e5: {  	s10 =	sor.u32 s2, s1;
	v7 =	vld [tilespmem:s12+$0x0]  }
0x1e6: {  	v4 =	vld [tilespmem:s10+$0x10000]  }
0x1e7: {  	s12 =	sor.u32 $0x8000, s1;
	s23 =	sor.u32 s2, s23;
	v12 =	vld [tilespmem:s10+$0x0]  }
0x1e8: {  	s13 =	sor.u32 s16, s12;
	v45 =	vld [tilespmem:s23+$0x0]  }
0x1e9: {  	s1 =	sor.u32 $0xC000, s1;
	s12 =	sor.u32 s2, s12;
	v9 =	vld [tilespmem:s13+$0x0]  }
0x1ea: {  	s13 =	sor.u32 s16, s1;
	v48 =	vld [tilespmem:s12+$0x0]  }
0x1eb: {  	s1 =	sor.u32 s2, s1;
	v11 =	vld [tilespmem:s13+$0x0]  }
0x1ec: {  	s17 =	sadd.s32 $0x8, s9;
	s15 =	sadd.s32 $0xFFFFFFD0, s4;
	s16 =	sadd.s32 $0xFFFFFE80, s19;
	v51 =	vld [tilespmem:s1+$0x0]  }
0x1ed: {  	s13 =	sand.u32 $0x60, s15;
	s15 =	sshll.u32 s17, $0x4;
	s16 =	sand.u32 $0xC00, s16;
	v6 =	vld.idx.msk [tilespmem:v3+s25+$0x0], $0xffff  }
0x1ee: {  	s10 =	sand.u32 $0x7000, s15;
	s15 =	sshll.u32 s17, $0x2;
	s17 =	sor.u32 s16, s13;
	v8 =	vld.idx.msk [tilespmem:v3+s26+$0x0], $0xffff  }
0x1ef: {  	s15 =	sand.u32 $0x380, s15;
	s17 =	sor.u32 s10, s17;
	v10 =	vld.idx.msk [tilespmem:v3+s28+$0x0], $0xffff  }
0x1f0: {  	s17 =	sor.u32 s15, s17;
	v13 =	vld.idx.msk [tilespmem:v3+s6+$0x0], $0xffff  }
0x1f1: {  	v15 =	vld [tilespmem:s17+$0x0]  }
0x1f2: {  	s10 =	sor.u32 s16, s10;
	v44 =	vld.idx.msk [tilespmem:v4+s25+$0x0], $0xffff  }
0x1f3: {  	s10 =	sor.u32 s15, s10;
	v14 =	vld.idx.msk [tilespmem:v4+s26+$0x0], $0xffff  }
0x1f4: {  	s10 =	sor.u32 s13, s10;
	v49 =	vld.idx.msk [tilespmem:v4+s28+$0x0], $0xffff;
	v6 =	vsub.f32 v5, v6;
	v7 =	vsub.f32 v7, v8  }
0x1f5: {  	s23 =	sadd.s32 $0xFFFFFF00, s19;
	s2 =	sadd.s32 $0x9, s9;
	s12 =	sadd.s32 $0xFFFFFFE0, s4;
	v54 =	vld [tilespmem:s10+$0x4000]  }
0x1f6: {  	s23 =	sand.u32 $0xC00, s23;
	s1 =	sand.u32 $0x70, s12;
	s12 =	sshll.u32 s2, $0x4;
	v52 =	vld.idx.msk [tilespmem:v4+s6+$0x0], $0xffff;
	v9 =	vsub.f32 v9, v10;
	v6 =	vmul.f32 v6, v6;
	v7 =	vmul.f32 v7, v7  }
0x1f7: {  	s2 =	sshll.u32 s2, $0x2;
	s12 =	sand.u32 $0x7000, s12;
	v5 =	vld [tilespmem:s17+$0x10000];
	v47 =	vsub.f32 v11, v13;
	s17 =	sor.u32 s23, s1;
	v8 =	vsub.f32 v12, v44  }
0x1f8: {  	s2 =	sand.u32 $0x380, s2;
	v19 =	vld [tilespmem:s10+$0x8000];
	s17 =	sor.u32 s12, s17;
	s12 =	sor.u32 s23, s12;
	v46 =	vmul.f32 v9, v9;
	v10 =	vsub.f32 v45, v14;
	v6 =	vadd.f32 v7, v6  }
0x1f9: {  	v58 =	vld [tilespmem:s10+$0xC000];
	v50 =	vmul.f32 v47, v47;
	s15 =	sor.u32 s2, s17;
	v11 =	vsub.f32 v48, v49;
	s2 =	sor.u32 s2, s12  }
0x1fa: {  	v20 =	vld [tilespmem:s15+$0x0];
	s1 =	sor.u32 s1, s2;
	v8 =	vmul.f32 v8, v8;
	v10 =	vmul.f32 v10, v10;
	v6 =	vadd.f32 v46, v6  }
0x1fb: {  	v7 =	vsub.f32 v51, v52;
	v22 =	vld [tilespmem:s1+$0x4000]  }
0x1fc: {  	v56 =	vmul.f32 v11, v11;
	v25 =	vld [tilespmem:s1+$0x8000];
	v8 =	vadd.f32 v10, v8;
	v6 =	vadd.f32 v50, v6  }
0x1fd: {  	s16 =	sadd.s32 $0xFFFFFF80, s19;
	s13 =	sadd.s32 $0xFFFFFFF0, s4;
	s23 =	sadd.s32 $0xA, s9;
	v63 =	vld [tilespmem:s1+$0xC000]  }
0x1fe: {  	s12 =	sand.u32 $0x60, s13;
	s17 =	sshll.u32 s23, $0x4;
	s13 =	sand.u32 $0xC00, s16;
	v7 =	vmul.f32 v7, v7;
	v8 =	vadd.f32 v56, v8;
	v17 =	vmax.f32 v6, $2.500000000e-01;
	v6 =	vld [tilespmem:s15+$0x10000]  }
0x1ff: {  	s10 =	sshll.u32 s23, $0x2;
	s23 =	sor.u32 s13, s12;
	v16 =	vld.idx.msk [tilespmem:v5+s25+$0x0], $0xffff;
	s15 =	sand.u32 $0x7000, s17  }
0x200: {  	s2 =	sand.u32 $0x380, s10;
	v55 =	vld.idx.msk [tilespmem:v5+s26+$0x0], $0xffff;
	v7 =	vadd.f32 v7, v8;
	s17 =	sor.u32 s15, s23  }
0x201: {  	v57 =	vld.idx.msk [tilespmem:v5+s28+$0x0], $0xffff;
	s10 =	sor.u32 s2, s17  }
0x202: {  	v53 =	vshra.s32 v17, $0x1;
	v18 =	vmul.f32 $5.000000000e-01, v17;
	s13 =	sor.u32 s13, s15;
	v61 =	vmax.f32 v7, $2.500000000e-01;
	v7 =	vld [tilespmem:s10+$0x10000]  }
0x203: {  	v3 =	vshll.u32 v3, $0x4;
	v59 =	vld.idx.msk [tilespmem:v5+s6+$0x0], $0xffff;
	v12 =	vsub.s32 $0x5F3759DF, v53;
	s2 =	sor.u32 s2, s13  }
0x204: {  	v3 =	vor.u32 v1, v3;
	v4 =	vshll.u32 v4, $0x4;
	v18 =	vmul.f32 v12, v18;
	v26 =	vld [tilespmem:s10+$0x0];
	s2 =	sor.u32 s12, s2  }
0x205: {  	v23 =	vshra.s32 v61, $0x1;
	v24 =	vmul.f32 $5.000000000e-01, v61;
	v15 =	vsub.f32 v15, v16;
	v36 =	vld [tilespmem:s2+$0x4000]  }
0x206: {  	v13 =	vsub.f32 v54, v55;
	v62 =	vsub.s32 $0x5F3759DF, v23;
	v18 =	vmul.f32 v12, v18;
	v21 =	vld.idx.msk [tilespmem:v6+s25+$0x0], $0xffff  }
0x207: {  	v4 =	vor.u32 v1, v4;
	v9 =	vsub.f32 v19, v57;
	v24 =	vmul.f32 v62, v24;
	v27 =	vld.idx.msk [tilespmem:v6+s26+$0x0], $0xffff  }
0x208: {  	v15 =	vmul.f32 v15, v15;
	v13 =	vmul.f32 v13, v13;
	v60 =	vsub.f32 $1.500000000e+00, v18;
	v32 =	vld.idx.msk [tilespmem:v6+s28+$0x0], $0xffff  }
0x209: {  	v5 =	vshll.u32 v5, $0x4;
	v10 =	vsub.f32 v58, v59;
	v24 =	vmul.f32 v62, v24;
	v35 =	vld.idx.msk [tilespmem:v6+s6+$0x0], $0xffff  }
0x20a: {  	s9 =	sadd.s32 $0xB, s9;
	v9 =	vmul.f32 v9, v9;
	v13 =	vadd.f32 v13, v15;
	v8 =	vmul.f32 v12, v60;
	v28 =	vld.idx.msk [tilespmem:v7+s25+$0x0], $0xffff  }
0x20b: {  	s1 =	sand.u32 $0x70, s4;
	v5 =	vor.u32 v1, v5;
	s23 =	sshll.u32 s9, $0x4;
	s17 =	sand.u32 $0xC00, s19;
	v10 =	vmul.f32 v10, v10;
	v34 =	vsub.f32 $1.500000000e+00, v24;
	v39 =	vld.idx.msk [tilespmem:v7+s26+$0x0], $0xffff  }
0x20c: {  	s9 =	sshll.u32 s9, $0x2;
	s10 =	sand.u32 $0x7000, s23;
	s23 =	sor.u32 s17, s1;
	v6 =	vshll.u32 v6, $0x4;
	v9 =	vadd.f32 v9, v13;
	v8 =	vmul.f32 v8, v17;
	v42 =	vld.idx.msk [tilespmem:v7+s28+$0x0], $0xffff  }
0x20d: {  	s9 =	sand.u32 $0x380, s9;
	s16 =	sor.u32 s10, s23;
	v6 =	vor.u32 v1, v6;
	v12 =	vmul.f32 v62, v34;
	v58 =	vld.idx.msk [tilespmem:v7+s6+$0x0], $0xffff;
	v7 =	vshll.u32 v7, $0x4  }
0x20e: {  	v41 =	vld [tilespmem:s2+$0x8000];
	s16 =	sor.u32 s9, s16;
	v9 =	vadd.f32 v10, v9;
	v7 =	vor.u32 v1, v7;
	v33 =	vsub.f32 v17, v8  }
0x20f: {  	v8 =	vld [tilespmem:s16+$0x10000];
	v38 =	vsub.f32 v20, v21;
	v40 =	vsub.f32 v22, v27;
	v12 =	vmul.f32 v12, v61  }
0x210: {  	v14 =	vsub.f32 v25, v32;
	v23 =	vsub.f32 v63, v35;
	v9 =	vmax.f32 v9, $2.500000000e-01  }
0x211: {  	v57 =	vshra.s32 v9, $0x1;
	v60 =	vmul.f32 $5.000000000e-01, v9;
	v16 =	vadd.f32 $1.250000000e+00, v33  }
0x212: {  	s10 =	sor.u32 s17, s10;
	v19 =	vmul.f32 v38, v38;
	v21 =	vmul.f32 v40, v40;
	v12 =	vsub.f32 v61, v12  }
0x213: {  	v56 =	vld [tilespmem:s2+$0xC000];
	s9 =	sor.u32 s9, s10;
	v14 =	vmul.f32 v14, v14;
	v51 =	vmul.f32 v23, v23;
	v52 =	vsub.f32 v26, v28  }
0x214: {  	v43 =	vld [tilespmem:s16+$0x0];
	s1 =	sor.u32 s1, s9;
	v22 =	vsub.s32 $0x5F3759DF, v57;
	v15 =	vsub.f32 v36, v39;
	v11 =	vsub.f32 v41, v42  }
0x215: {  	v46 =	vld [tilespmem:s1+$0x4000];
	v37 =	vand.u32 $0x7FFFFF, v16;
	v16 =	vshra.s32 v16, $0x17;
	v19 =	vadd.f32 v21, v19  }
0x216: {  	v53 =	vld [tilespmem:s1+$0x8000];
	v12 =	vadd.f32 $1.250000000e+00, v12;
	v17 =	vor.u32 $0x3F800000, v37;
	v16 =	vadd.s32 $0xFFFFFF81, v16  }
0x217: {  	v55 =	vmul.f32 v52, v52;
	v15 =	vmul.f32 v15, v15;
	v48 =	vadd.f32 v14, v19;
	v45 =	vld.idx.msk [tilespmem:v8+s25+$0x0], $0xffff  }
0x218: {  	v11 =	vmul.f32 v11, v11;
	v44 =	vmul.f32 $3.010262550e-02, v17;
	v19 =	vsub.f32 v56, v58;
	v47 =	vld.idx.msk [tilespmem:v8+s26+$0x0], $0xffff  }
0x219: {  	v62 =	vld [tilespmem:s1+$0xC000];
	v49 =	vcvt.s32.f32 v16;
	v15 =	vadd.f32 v15, v55;
	v10 =	vadd.f32 v51, v48  }
0x21a: {  	v29 =	vand.u32 $0x7FFFFF, v12;
	v12 =	vshra.s32 v12, $0x17;
	v18 =	vadd.f32 $-2.806325260e-01, v44;
	v54 =	vld.idx.msk [tilespmem:v8+s28+$0x0], $0xffff  }
0x21b: {  	v28 =	vld.idx.msk [tilespmem:v8+s6+$0x0], $0xffff;
	v19 =	vmul.f32 v19, v19;
	v11 =	vadd.f32 v11, v15;
	v10 =	vmax.f32 v10, $2.500000000e-01  }
0x21c: {  	v50 =	vmul.f32 v17, v18;
	v61 =	vshra.s32 v10, $0x1;
	v13 =	vsub.f32 v43, v45  }
0x21d: {  	v63 =	vmul.f32 $5.000000000e-01, v10;
	v11 =	vadd.f32 v19, v11;
	v21 =	vsub.f32 v46, v47  }
0x21e: {  	v25 =	vsub.s32 $0x5F3759DF, v61;
	v16 =	vadd.f32 $1.104808210e+00, v50;
	v13 =	vmul.f32 v13, v13  }
0x21f: {  	v20 =	vsub.f32 v53, v54;
	v59 =	vmul.f32 v21, v21;
	v21 =	vmul.f32 v22, v60  }
0x220: {  	v15 =	vmul.f32 v25, v63;
	v18 =	vsub.f32 v62, v28;
	v16 =	vmul.f32 v17, v16  }
0x221: {  	v20 =	vmul.f32 v20, v20;
	v13 =	vadd.f32 v59, v13;
	v21 =	vmul.f32 v22, v21  }
0x222: {  	v11 =	vmax.f32 v11, $2.500000000e-01;
	v15 =	vmul.f32 v25, v15;
	v16 =	vadd.f32 $-2.420812610e+00, v16  }
0x223: {  	v18 =	vmul.f32 v18, v18;
	v13 =	vadd.f32 v20, v13;
	v21 =	vsub.f32 $1.500000000e+00, v21  }
0x224: {  	v34 =	vmul.f32 $5.000000000e-01, v11;
	v15 =	vsub.f32 $1.500000000e+00, v15;
	v16 =	vmul.f32 v17, v16  }
0x225: {  	v20 =	vor.u32 $0x3F800000, v29;
	v21 =	vmul.f32 v22, v21;
	v13 =	vadd.f32 v18, v13  }
0x226: {  	v33 =	vshra.s32 v11, $0x1;
	v15 =	vmul.f32 v25, v15;
	v30 =	vmul.f32 $3.010262550e-02, v20  }
0x227: {  	v32 =	vmul.f32 v21, v9;
	v13 =	vmax.f32 v13, $2.500000000e-01;
	v21 =	vsub.s32 $0x5F3759DF, v33  }
0x228: {  	v35 =	vshra.s32 v13, $0x1;
	v36 =	vmul.f32 $5.000000000e-01, v13;
	v37 =	vmul.f32 v21, v34  }
0x229: {  	v15 =	vmul.f32 v15, v10;
	v23 =	vadd.f32 $-2.806325260e-01, v30;
	v38 =	vsub.s32 $0x5F3759DF, v35  }
0x22a: {  	v12 =	vadd.s32 $0xFFFFFF81, v12;
	v39 =	vmul.f32 v38, v36;
	v18 =	vmul.f32 v21, v37  }
0x22b: {  	v16 =	vadd.f32 $3.498227830e+00, v16;
	v10 =	vsub.f32 v10, v15;
	v31 =	vmul.f32 v20, v23  }
0x22c: {  	v9 =	vsub.f32 v9, v32;
	v15 =	vmul.f32 v38, v39;
	v18 =	vsub.f32 $1.500000000e+00, v18  }
0x22d: {  	v12 =	vcvt.s32.f32 v12;
	v10 =	vadd.f32 $1.250000000e+00, v10;
	v19 =	vadd.f32 $1.104808210e+00, v31  }
0x22e: {  	v16 =	vmul.f32 v17, v16;
	v15 =	vsub.f32 $1.500000000e+00, v15;
	v18 =	vmul.f32 v21, v18  }
0x22f: {  	v9 =	vadd.f32 $1.250000000e+00, v9;
	v42 =	vand.u32 $0x7FFFFF, v10;
	v40 =	vmul.f32 v20, v19  }
0x230: {  	v23 =	vor.u32 $0x3F800000, v42;
	v15 =	vmul.f32 v38, v15;
	v18 =	vmul.f32 v18, v11  }
0x231: {  	v41 =	vand.u32 $0x7FFFFF, v9;
	v44 =	vmul.f32 $3.010262550e-02, v23;
	v17 =	vadd.f32 $-2.420812610e+00, v40  }
0x232: {  	v19 =	vor.u32 $0x3F800000, v41;
	v15 =	vmul.f32 v15, v13;
	v11 =	vsub.f32 v11, v18  }
0x233: {  	v43 =	vmul.f32 $3.010262550e-02, v19;
	v21 =	vadd.f32 $-2.806325260e-01, v44;
	v17 =	vmul.f32 v20, v17  }
0x234: {  	v14 =	vmul.f32 $6.931471820e-01, v49;
	v13 =	vsub.f32 v13, v15;
	v11 =	vadd.f32 $1.250000000e+00, v11  }
0x235: {  	v12 =	vmul.f32 $6.931471820e-01, v12;
	v45 =	vadd.f32 $-2.806325260e-01, v43;
	v17 =	vadd.f32 $3.498227830e+00, v17  }
0x236: {  	v46 =	vmul.f32 v23, v21;
	v13 =	vadd.f32 $1.250000000e+00, v13;
	v48 =	vand.u32 $0x7FFFFF, v11  }
0x237: {  	v22 =	vmul.f32 v19, v45;
	v17 =	vmul.f32 v20, v17;
	v20 =	vor.u32 $0x3F800000, v48  }
0x238: {  	v18 =	vadd.f32 $1.104808210e+00, v46;
	v49 =	vand.u32 $0x7FFFFF, v13;
	v50 =	vmul.f32 $3.010262550e-02, v20  }
0x239: {  	v16 =	vadd.f32 $-1.931671500e+00, v16;
	v47 =	vadd.f32 $1.104808210e+00, v22;
	v21 =	vor.u32 $0x3F800000, v49  }
0x23a: {  	v18 =	vmul.f32 v23, v18;
	v51 =	vmul.f32 $3.010262550e-02, v21;
	v22 =	vadd.f32 $-2.806325260e-01, v50  }
0x23b: {  	v14 =	vadd.f32 v16, v14;
	v10 =	vshra.s32 v10, $0x17;
	v9 =	vshra.s32 v9, $0x17  }
0x23c: {  	v18 =	vadd.f32 $-2.420812610e+00, v18;
	v24 =	vadd.f32 $-2.806325260e-01, v51;
	v52 =	vmul.f32 v20, v22  }
0x23d: {  	v10 =	vadd.s32 $0xFFFFFF81, v10;
	v9 =	vadd.s32 $0xFFFFFF81, v9;
	v15 =	vmul.f32 v19, v47  }
0x23e: {  	v18 =	vmul.f32 v23, v18;
	v54 =	vmul.f32 v21, v24;
	v16 =	vadd.f32 $1.104808210e+00, v52  }
0x23f: {  	v10 =	vcvt.s32.f32 v10;
	v9 =	vcvt.s32.f32 v9;
	v15 =	vadd.f32 $-2.420812610e+00, v15  }
0x240: {  	v53 =	vadd.f32 $3.498227830e+00, v18;
	v18 =	vadd.f32 $1.104808210e+00, v54;
	v16 =	vmul.f32 v20, v16  }
0x241: {  	v10 =	vmul.f32 $6.931471820e-01, v10;
	v17 =	vadd.f32 $-1.931671500e+00, v17;
	v15 =	vmul.f32 v19, v15  }
0x242: {  	v9 =	vmul.f32 $6.931471820e-01, v9;
	v18 =	vmul.f32 v21, v18;
	v16 =	vadd.f32 $-2.420812610e+00, v16  }
0x243: {  	v11 =	vshra.s32 v11, $0x17;
	v12 =	vadd.f32 v17, v12;
	v15 =	vadd.f32 $3.498227830e+00, v15  }
0x244: {  	v17 =	vmul.f32 v23, v53;
	v18 =	vadd.f32 $-2.420812610e+00, v18;
	v16 =	vmul.f32 v20, v16  }
0x245: {  	v11 =	vadd.s32 $0xFFFFFF81, v11;
	v58 =	vshra.s32 v13, $0x17;
	v15 =	vmul.f32 v19, v15  }
0x246: {  	[tilespmem:v3+s7+$0x0] =	vst.idx.add.f32.msk $0xffff, v14;
	v17 =	vadd.f32 $-1.931671500e+00, v17;
	v18 =	vmul.f32 v21, v18;
	v55 =	vadd.f32 $3.498227830e+00, v16  }
0x247: {  	v11 =	vcvt.s32.f32 v11;
	[tilespmem:v4+s7+$0x0] =	vst.idx.add.f32.msk $0xffff, v12;
	v12 =	vadd.s32 $0xFFFFFF81, v58;
	v15 =	vadd.f32 $-1.931671500e+00, v15  }
0x248: {  	[tilespmem:v3+s8+$0x0] =	vst.idx.add.f32.msk $0xffff, v2;
	v10 =	vadd.f32 v17, v10;
	v56 =	vadd.f32 $3.498227830e+00, v18;
	v57 =	vmul.f32 v20, v55  }
0x249: {  	v8 =	vshll.u32 v8, $0x4;
	v60 =	vmul.f32 $6.931471820e-01, v11;
	[tilespmem:v4+s8+$0x0] =	vst.idx.add.f32.msk $0xffff, v2;
	v61 =	vcvt.s32.f32 v12  }
0x24a: {  	v9 =	vadd.f32 v15, v9;
	[tilespmem:v6+s7+$0x0] =	vst.idx.add.f32.msk $0xffff, v10;
	v3 =	vmul.f32 v21, v56;
	v59 =	vadd.f32 $-1.931671500e+00, v57  }
0x24b: {  	v62 =	vor.u32 v1, v8;
	[tilespmem:v6+s8+$0x0] =	vst.idx.add.f32.msk $0xffff, v2  }
0x24c: {  	p1 =	slt.u32 s11, $0x3F6;
	v63 =	vmul.f32 $6.931471820e-01, v61;
	[tilespmem:v5+s7+$0x0] =	vst.idx.add.f32.msk $0xffff, v9;
	v4 =	vadd.f32 v59, v60;
	v3 =	vadd.f32 $-1.931671500e+00, v3  }
.Ltmp6:
0x24d: {  	[tilespmem:v5+s8+$0x0] =	vst.idx.add.f32.msk $0xffff, v2;
	(pc) =	sbr.rel @p1 .LBB2_7-.Ltmp6, $4  }
0x24e: {  	[tilespmem:v7+s7+$0x0] =	vst.idx.add.f32.msk $0xffff, v4;
	v3 =	vadd.f32 v3, v63  }
0x24f: {  	s4 =	sadd.s32 $0x60, s4;
	[tilespmem:v7+s8+$0x0] =	vst.idx.add.f32.msk $0xffff, v2  }
0x250: {  	s19 =	sadd.s32 $0x300, s19;
	s17 =	simm.s32 $0x3FC;
	s2 =	simm.s32 $0x1FE00;
	[tilespmem:v62+s7+$0x0] =	vst.idx.add.f32.msk $0xffff, v3  }
0x251: {  	s23 =	simm.s32 $0x40;
	s9 =	smov.u32 s11;
	s1 =	simm.s32 $0x0;
	[tilespmem:v62+s8+$0x0] =	vst.idx.add.f32.msk $0xffff, v2  }
.LBB2_8:
0x252: {  	s4 =	sshrl.u32 s17, $0x8;
	s9 =	sshrl.u32 s2, $0xA  }
0x253: {  	s11 =	sshrl.u32 s17, $0x5;
	s10 =	sshll.u32 s4, $0xC;
	s9 =	sand.u32 $0x3, s9  }
0x254: {  	s11 =	sand.u32 $0x7, s11;
	s10 =	sadd.s32 s10, s23;
	s12 =	sshll.u32 s9, $0xA  }
0x255: {  	s15 =	sshll.u32 s11, $0x7;
	s10 =	sadd.s32 s12, s10  }
0x256: {  	s10 =	sadd.s32 s15, s10  }
0x257: {  	v3 =	vld [tilespmem:s10+$0x10000];
	_ =	sdelay $0x1  }
0x258: {  	s4 =	sshll.u32 s4, $0xE;
	s9 =	sshll.u32 s9, $0xC  }
0x259: {  	s16 =	sshll.u32 s11, $0x9;
	s4 =	sor.u32 s9, s4  }
0x25a: {  	s4 =	sor.u32 s16, s4  }
0x25b: {  	s19 =	sshra.s32 s1, $0x2;
	s4 =	sshrl.u32 s4, $0x2  }
0x25c: {  	v4 =	vld [tilespmem:s10+$0x0];
	s4 =	sadd.s32 s19, s4  }
0x25d: {  	v6 =	vld [tilespmem:s4+$0x4040]  }
0x25e: {  	v5 =	vld.idx.msk [tilespmem:v3+s25+$0x0], $0xffff  }
0x25f: {  	v7 =	vld.idx.msk [tilespmem:v3+s26+$0x0], $0xffff  }
0x260: {  	v8 =	vld [tilespmem:s4+$0x8040]  }
0x261: {  	v9 =	vld.idx.msk [tilespmem:v3+s28+$0x0], $0xffff  }
0x262: {  	v10 =	vld [tilespmem:s4+$0xC040]  }
0x263: {  	v11 =	vld.idx.msk [tilespmem:v3+s6+$0x0], $0xffff  }
0x264: {  	v4 =	vsub.f32 v4, v5;
	v57 =	vsub.f32 v6, v7;
	_ =	sdelay $0x1  }
0x265: {  	v58 =	vsub.f32 v8, v9;
	v4 =	vmul.f32 v4, v4;
	v5 =	vmul.f32 v57, v57;
	_ =	sdelay $0x1  }
0x266: {  	v59 =	vsub.f32 v10, v11;
	v6 =	vmul.f32 v58, v58;
	v4 =	vadd.f32 v5, v4;
	_ =	sdelay $0x1  }
0x267: {  	v5 =	vmul.f32 v59, v59;
	v4 =	vadd.f32 v6, v4;
	_ =	sdelay $0x1  }
0x268: {  	v4 =	vadd.f32 v5, v4;
	_ =	sdelay $0x1  }
0x269: {  	v4 =	vmax.f32 v4, $2.500000000e-01  }
0x26a: {  	v60 =	vshra.s32 v4, $0x1;
	v61 =	vmul.f32 $-5.000000000e-01, v4  }
0x26b: {  	v5 =	vsub.s32 $0x5F3759DF, v60  }
0x26c: {  	v6 =	vmul.f32 v5, v61;
	_ =	sdelay $0x1  }
0x26d: {  	v6 =	vmul.f32 v5, v6;
	_ =	sdelay $0x1  }
0x26e: {  	v6 =	vadd.f32 $1.500000000e+00, v6;
	_ =	sdelay $0x1  }
0x26f: {  	v5 =	vmul.f32 v5, v6;
	_ =	sdelay $0x1  }
0x270: {  	v5 =	vmul.f32 v5, v4;
	_ =	sdelay $0x1  }
0x271: {  	v4 =	vsub.f32 v4, v5;
	_ =	sdelay $0x1  }
0x272: {  	v4 =	vadd.f32 $1.250000000e+00, v4;
	_ =	sdelay $0x1  }
0x273: {  	v62 =	vand.u32 $0x7FFFFF, v4  }
0x274: {  	v5 =	vor.u32 $0x3F800000, v62  }
0x275: {  	v63 =	vmul.f32 $3.010262550e-02, v5;
	_ =	sdelay $0x1  }
0x276: {  	v6 =	vadd.f32 $-2.806325260e-01, v63;
	_ =	sdelay $0x1  }
0x277: {  	v6 =	vmul.f32 v5, v6;
	_ =	sdelay $0x1  }
0x278: {  	v6 =	vadd.f32 $1.104808210e+00, v6;
	_ =	sdelay $0x1  }
0x279: {  	v6 =	vmul.f32 v5, v6;
	_ =	sdelay $0x1  }
0x27a: {  	v6 =	vadd.f32 $-2.420812610e+00, v6;
	_ =	sdelay $0x1  }
0x27b: {  	v6 =	vmul.f32 v5, v6;
	_ =	sdelay $0x1  }
0x27c: {  	v4 =	vshra.s32 v4, $0x17;
	v6 =	vadd.f32 $3.498227830e+00, v6  }
0x27d: {  	v4 =	vadd.s32 $0xFFFFFF81, v4  }
0x27e: {  	v3 =	vshll.u32 v3, $0x4;
	v4 =	vcvt.s32.f32 v4;
	v5 =	vmul.f32 v5, v6  }
0x27f: {  	v3 =	vor.u32 v1, v3  }
0x280: {  	p1 =	sne.s32 s1, $0xC0;
	v4 =	vmul.f32 $6.931471820e-01, v4;
	v5 =	vadd.f32 $-1.931671500e+00, v5  }
.Ltmp7:
0x281: {  	_ = 	snop;
	(pc) =	sbr.rel @p1 .LBB2_8-.Ltmp7, $3  }
0x282: {  	v4 =	vadd.f32 v5, v4;
	_ =	sdelay $0x1  }
0x283: {  	s17 =	sadd.s32 $0x1, s17;
	[tilespmem:v3+s7+$0x0] =	vst.idx.add.f32.msk $0xffff, v4  }
0x284: {  	s2 =	sadd.s32 $0x80, s2;
	s1 =	sadd.s32 $0x40, s1;
	s23 =	sadd.s32 $0x10, s23;
	[tilespmem:v3+s8+$0x0] =	vst.idx.add.f32.msk $0xffff, v2  }
0x285: {  	p1 =	seq.s32 s14, $0x3;
	s1 =	rddreg [dreg:$0xe]  }
0x286: {  	s1 =	sadd.s32 @!p1 s14, s1  }
0x287: {  	s2 =	smul.u32 @!p1 $0x180000, s1;
	_ =	sdelay $0x1  }
0x288: {  	s2 =	sor.u32 @!p1 s5, s2  }
0x289: {  	s4 =	rddreg [dreg:$0x0];
	s2 =	sshrl.u32 @!p1 s2, $0x3  }
0x28a: {  	s2 =	sadd.s32 @!p1 s4, s2  }
0x28b: {  	s9 =	simm.s32 @!p1 $0x0;
	s4 =	sadd.s32 @!p1 $0x10000, s2  }
0x28c: {  	[tilespmem:s9], [sflag:$0x1] =	stream.linear.gather @!p1 [hbm4b:s4+s9], $0x4000, $0x38;
	[tilespmem:$0x19700] =	vst v63  }
0x28d: {  	s10 =	simm.s32 @!p1 $0x4000;
	s4 =	sadd.s32 @!p1 $0x18000, s2  }
0x28e: {  	[tilespmem:s10], [sflag:$0x1] =	stream.linear.gather @!p1 [hbm4b:s4+s9], $0x4000, $0x38;
	[tilespmem:$0x19700] =	vst v63  }
0x28f: {  	s1 =	sshll.u32 @!p1 s1, $0x13;
	s4 =	sadd.s32 @!p1 $0x20000, s2;
	s10 =	simm.s32 @!p1 $0x8000  }
0x290: {  	[tilespmem:s10], [sflag:$0x1] =	stream.linear.gather @!p1 [hbm4b:s4+s9], $0x4000, $0x38;
	[tilespmem:$0x19700] =	vst v63  }
0x291: {  	s1 =	sor.u32 @!p1 s5, s1;
	s2 =	sadd.s32 @!p1 $0x28000, s2;
	s4 =	simm.s32 @!p1 $0xC000  }
0x292: {  	[tilespmem:s4], [sflag:$0x1] =	stream.linear.gather @!p1 [hbm4b:s2+s9], $0x4000, $0x38;
	[tilespmem:$0x19700] =	vst v63  }
0x293: {  	s1 =	sshrl.u32 @!p1 s1, $0x3;
	s2 =	rddreg [dreg:$0x1]  }
0x294: {  	s4 =	simm.s32 @!p1 $0x10000;
	s2 =	sadd.s32 @!p1 s2, s1  }
0x295: {  	[tilespmem:s4], [sflag:$0x1] =	stream.linear.gather @!p1 [hbm4b:s2+s9], $0x4000, $0x38;
	[tilespmem:$0x19700] =	vst v63  }
0x296: {  	s2 =	rddreg [dreg:$0xb]  }
0x297: {  	s1 =	sadd.s32 @!p1 s1, s2;
	s2 =	simm.s32 @!p1 $0x14000  }
0x298: {  	[tilespmem:s2], [sflag:$0x1] =	stream.linear.gather @!p1 [hbm4b:s1+s9], $0x4000, $0x38;
	[tilespmem:$0x19700] =	vst v63  }
0x299: {  	s23 =	rddreg [dreg:$0xf]  }
0x29a: {  	[spmem:s23] =	stream.linear.scatter [tilespmem:s7], [sflag:$0x2], $0x100, $0x38;
	[tilespmem:$0x19700] =	vst v63  }
.Ltmp8:
0x29b: {  	_ =	swait.ge [sflag:s22], $0x100;
	(pc) =	sbr.rel @p0 .LBB2_16-.Ltmp8, $3  }
0x29c: {  	[sflag:s22] =	ssyncset.done $0x0  }
0x29d: {  	[sflag:s22] =	ssyncadd.s32 $0xFFFFFF00  }
0x29e: {  	[bflag:$0x0] =	sbarrier.arrive $0xFFFF;
	_ =	sdelay $0x1  }
0x29f: {  	s1 =	rddreg [dreg:$0x10];
	s2 =	simm.s32 $0x18A80  }
0x2a0: {  	[tilespmem:s2], [sflag:$0x2] =	stream.linear.gather [spmem:s1], $0x100, $0x38;
	[tilespmem:$0x19700] =	vst v63  }
0x2a1: {  	_ =	swait.ge [sflag:s22], $0x100  }
0x2a2: {  	[sflag:s22] =	ssyncset.done $0x0  }
0x2a3: {  	s23 =	sadd.s32 $0x0, s20;
	[sflag:s22] =	ssyncadd.s32 $0xFFFFFF00  }
0x2a4: {  	[tilespmem:s24], [sflag:$0x2] =	stream.linear.gather [spmem:s23], $0x100, $0x38;
	[tilespmem:$0x19700] =	vst v63  }
0x2a5: {  	_ =	swait.ge [sflag:s22], $0x100  }
0x2a6: {  	[sflag:s22] =	ssyncset.done $0x0  }
0x2a7: {  	[sflag:s22] =	ssyncadd.s32 $0xFFFFFF00  }
0x2a8: {  	v3 =	vld [tilespmem:$0x184F0]  }
0x2a9: {  	v4 =	vld [tilespmem:$0x184E0]  }
0x2aa: {  	v5 =	vld [tilespmem:$0x184D0]  }
0x2ab: {  	v6 =	vld [tilespmem:$0x184B0]  }
0x2ac: {  	v7 =	vld [tilespmem:$0x184A0]  }
0x2ad: {  	v8 =	vld [tilespmem:$0x18490]  }
0x2ae: {  	s4 =	simm.s32 $0x1000;
	v9 =	vld [tilespmem:$0x18480]  }
.LBB2_11:
0x2af: {  	p1 =	sne.s32 s4, $0xE000;
	v10 =	vld [tilespmem:$0x184C0];
	s9 =	smov.u32 s4;
	s4 =	sadd.s32 $0x1000, s4  }
0x2b0: {  	v11 =	vld [tilespmem:$0x18470]  }
0x2b1: {  	v12 =	vld [tilespmem:$0x18460]  }
0x2b2: {  	v13 =	vld [tilespmem:$0x18B10]  }
0x2b3: {  	v14 =	vld [tilespmem:$0x18B20]  }
0x2b4: {  	v15 =	vld [tilespmem:$0x18B00]  }
0x2b5: {  	v16 =	vld [tilespmem:$0x18AF0]  }
0x2b6: {  	v17 =	vld [tilespmem:$0x18450]  }
0x2b7: {  	v18 =	vld [tilespmem:$0x18440];
	v8 =	vadd.f32 v8, v13  }
0x2b8: {  	v13 =	vld [tilespmem:$0x18410];
	v7 =	vadd.f32 v7, v14  }
0x2b9: {  	v14 =	vld [tilespmem:$0x18430];
	v9 =	vadd.f32 v9, v15;
	[tilespmem:$0x18B10] =	vst v8  }
0x2ba: {  	v8 =	vld [tilespmem:$0x18420];
	[tilespmem:$0x18B20] =	vst v7  }
0x2bb: {  	[tilespmem:$0x18B00] =	vst v9;
	v7 =	vld [tilespmem:$0x18B40]  }
0x2bc: {  	v9 =	vld [tilespmem:$0x18400]  }
0x2bd: {  	v15 =	vld [tilespmem:$0x18AE0]  }
0x2be: {  	v19 =	vld [tilespmem:$0x18AD0]  }
0x2bf: {  	v20 =	vld [tilespmem:$0x18B30]  }
0x2c0: {  	v21 =	vld [tilespmem:$0x18A80];
	v7 =	vadd.f32 v10, v7  }
0x2c1: {  	v10 =	vadd.f32 v11, v16;
	v11 =	vld [tilespmem:$0x18B50]  }
0x2c2: {  	v16 =	vld [tilespmem:$0x18AC0];
	v12 =	vadd.f32 v12, v15;
	[tilespmem:$0x18B40] =	vst v7  }
0x2c3: {  	v7 =	vadd.f32 v17, v19;
	[tilespmem:$0x18AF0] =	vst v10;
	v10 =	vld [tilespmem:$0x18B60]  }
0x2c4: {  	v15 =	vld [tilespmem:$0x18AA0];
	[tilespmem:$0x18AE0] =	vst v12;
	v6 =	vadd.f32 v6, v20  }
0x2c5: {  	v9 =	vadd.f32 v9, v21;
	[tilespmem:$0x18AD0] =	vst v7;
	v7 =	vld [tilespmem:$0x18B70]  }
0x2c6: {  	v12 =	vld [tilespmem:$0x18AB0];
	[tilespmem:$0x18B30] =	vst v6;
	v5 =	vadd.f32 v5, v11  }
0x2c7: {  	[tilespmem:$0x18A80] =	vst v9;
	v6 =	vld [tilespmem:$0x18A90];
	v9 =	vadd.f32 v18, v16  }
0x2c8: {  	[tilespmem:$0x18B50] =	vst v5;
	v4 =	vadd.f32 v4, v10  }
0x2c9: {  	v5 =	vadd.f32 v8, v15;
	[tilespmem:$0x18AC0] =	vst v9  }
0x2ca: {  	[tilespmem:$0x18B60] =	vst v4;
	v3 =	vadd.f32 v3, v7  }
0x2cb: {  	v4 =	vadd.f32 v14, v12  }
0x2cc: {  	v6 =	vadd.f32 v13, v6;
	[tilespmem:$0x18B70] =	vst v3  }
0x2cd: {  	[tilespmem:$0x18AA0] =	vst v5  }
0x2ce: {  	s1 =	sshra.s32 s9, $0x2;
	[tilespmem:$0x18AB0] =	vst v4  }
0x2cf: {  	s1 =	sadd.s32 s1, s20;
	[tilespmem:$0x18A90] =	vst v6  }
0x2d0: {  	[tilespmem:s24], [sflag:$0x2] =	stream.linear.gather [spmem:s1], $0x100, $0x38;
	[tilespmem:$0x19700] =	vst v63  }
0x2d1: {  	_ =	swait.ge [sflag:s22], $0x100  }
0x2d2: {  	[sflag:s22] =	ssyncset.done $0x0  }
0x2d3: {  	[sflag:s22] =	ssyncadd.s32 $0xFFFFFF00  }
0x2d4: {  	v3 =	vld [tilespmem:$0x184F0]  }
0x2d5: {  	v4 =	vld [tilespmem:$0x184E0]  }
.Ltmp9:
0x2d6: {  	v5 =	vld [tilespmem:$0x184D0];
	(pc) =	sbr.rel @p1 .LBB2_11-.Ltmp9, $4  }
0x2d7: {  	v6 =	vld [tilespmem:$0x184B0]  }
0x2d8: {  	v7 =	vld [tilespmem:$0x184A0]  }
0x2d9: {  	v8 =	vld [tilespmem:$0x18490]  }
0x2da: {  	v9 =	vld [tilespmem:$0x18480]  }
0x2db: {  	v10 =	vld [tilespmem:$0x184C0]  }
0x2dc: {  	v11 =	vld [tilespmem:$0x18470]  }
0x2dd: {  	v12 =	vld [tilespmem:$0x18460]  }
0x2de: {  	v13 =	vld [tilespmem:$0x18B10]  }
0x2df: {  	v14 =	vld [tilespmem:$0x18B20]  }
0x2e0: {  	v15 =	vld [tilespmem:$0x18450]  }
0x2e1: {  	v16 =	vld [tilespmem:$0x18440]  }
0x2e2: {  	v17 =	vld [tilespmem:$0x18410]  }
0x2e3: {  	v18 =	vld [tilespmem:$0x18A90]  }
0x2e4: {  	v19 =	vld [tilespmem:$0x18420]  }
0x2e5: {  	v20 =	vld [tilespmem:$0x18AA0]  }
0x2e6: {  	v21 =	vld [tilespmem:$0x18430]  }
0x2e7: {  	v22 =	vld [tilespmem:$0x18AB0]  }
0x2e8: {  	v23 =	vld [tilespmem:$0x18B30];
	v17 =	vadd.f32 v17, v18  }
0x2e9: {  	v50 =	vld [tilespmem:$0x18AC0];
	v13 =	vadd.f32 v8, v13  }
0x2ea: {  	v51 =	vld [tilespmem:$0x18B40];
	v19 =	vadd.f32 v19, v20;
	(xrf2) =	vadd.scan.msk.f32 $0xffff, v17  }
0x2eb: {  	v52 =	vld [tilespmem:$0x18AD0];
	v14 =	vadd.f32 v7, v14;
	(xrf2) =	vadd.scan.msk.f32 $0xffff, v13  }
0x2ec: {  	v53 =	vld [tilespmem:$0x18B50];
	v21 =	vadd.f32 v21, v22;
	(xrf2) =	vadd.scan.msk.f32 $0xffff, v19  }
0x2ed: {  	v54 =	vld [tilespmem:$0x18AE0];
	v6 =	vadd.f32 v6, v23;
	(xrf2) =	vadd.scan.msk.f32 $0xffff, v14  }
0x2ee: {  	v55 =	vld [tilespmem:$0x18B60];
	v16 =	vadd.f32 v16, v50;
	(xrf2) =	vadd.scan.msk.f32 $0xffff, v21  }
0x2ef: {  	v56 =	vld [tilespmem:$0x18AF0];
	v10 =	vadd.f32 v10, v51;
	(xrf2) =	vadd.scan.msk.f32 $0xffff, v6  }
0x2f0: {  	v57 =	vld [tilespmem:$0x18B70];
	v15 =	vadd.f32 v15, v52;
	(xrf2) =	vadd.scan.msk.f32 $0xffff, v16  }
0x2f1: {  	v5 =	vadd.f32 v5, v53;
	(xrf2) =	vadd.scan.msk.f32 $0xffff, v10  }
0x2f2: {  	v12 =	vadd.f32 v12, v54;
	(xrf2) =	vadd.scan.msk.f32 $0xffff, v15  }
0x2f3: {  	v58 =	vld [tilespmem:$0x18B00];
	v59 =	vadd.f32 v4, v55;
	(xrf2) =	vadd.scan.msk.f32 $0xffff, v5  }
0x2f4: {  	v60 =	vadd.f32 v11, v56;
	v7, _, _ =	vpop (xrf2);
	(xrf2) =	vadd.scan.msk.f32 $0xffff, v12  }
0x2f5: {  	v18 =	vadd.f32 v3, v57;
	v3, _, _ =	vpop (xrf2);
	(xrf2) =	vadd.scan.msk.f32 $0xffff, v59  }
0x2f6: {  	v11, _, _ =	vpop (xrf2);
	(xrf2) =	vadd.scan.msk.f32 $0xffff, v60  }
0x2f7: {  	v61, _, _ =	vpop (xrf2);
	(xrf2) =	vadd.scan.msk.f32 $0xffff, v18  }
0x2f8: {  	v62 =	vld [tilespmem:$0x18400];
	v9 =	vadd.f32 v9, v58;
	[tilespmem:$0x18B10] =	vst v13;
	v8, _, _ =	vpop (xrf2)  }
0x2f9: {  	v24 =	vld [tilespmem:$0x18A80];
	[tilespmem:$0x18B20] =	vst v14;
	v63, _, _ =	vpop (xrf2)  }
0x2fa: {  	[tilespmem:$0x18B00] =	vst v9;
	v3 =	vbroadcast v3, $0xF;
	v14, _, _ =	vpop (xrf2)  }
0x2fb: {  	[tilespmem:$0x18B40] =	vst v10;
	v25, _, _ =	vpop (xrf2)  }
0x2fc: {  	[tilespmem:$0x18AF0] =	vst v60;
	v9, _, _ =	vpop (xrf2)  }
0x2fd: {  	[tilespmem:$0x18AE0] =	vst v12;
	v28 =	vbroadcast v61, $0xF;
	v27, _, _ =	vpop (xrf2)  }
0x2fe: {  	v29 =	vadd.f32 v62, v24;
	[tilespmem:$0x18AD0] =	vst v15;
	v30 =	vnsel vm8, $0x0, v3;
	v31 =	vbroadcast v63, $0xF;
	v3, _, _ =	vpop (xrf2)  }
0x2ff: {  	[tilespmem:$0x18B30] =	vst v6;
	v32 =	vsel vm2, v30, v28;
	v33 =	vbroadcast v25, $0xF;
	v34, _, _ =	vpop (xrf2)  }
0x300: {  	v37 =	vld [tilespmem:$0x18E00];
	[tilespmem:$0x18A80] =	vst v29;
	v35 =	vsel vm3, v32, v31;
	v36 =	vbroadcast v27, $0xF;
	v6, _, _ =	vpop (xrf2)  }
0x301: {  	v4 =	vld [tilespmem:$0x19100];
	[tilespmem:$0x18B50] =	vst v5;
	v38 =	vsel vm4, v35, v33;
	v39 =	vbroadcast v34, $0xF;
	v40, _, _ =	vpop (xrf2)  }
0x302: {  	[tilespmem:$0x18AC0] =	vst v16;
	v5 =	vld [tilespmem:$0x19180];
	v41 =	vsel vm5, v38, v36;
	v12 =	vbroadcast v40, $0xF  }
0x303: {  	[tilespmem:$0x18B60] =	vst v59;
	v10 =	vsel vm6, v41, v39  }
0x304: {  	[tilespmem:$0x18B70] =	vst v18;
	v42 =	vsel vm7, v10, v12  }
0x305: {  	vm11 =	vgt.f32 v37, $0.0e+00;
	[tilespmem:$0x18AA0] =	vst v19;
	vm10 =	vgt.f32 v42, $0.0e+00  }
0x306: {  	v43 =	vsel vm9, $0x3F800000, v0;
	[tilespmem:$0x18AB0] =	vst v21;
	vm10 =	vmand vm11, vm10  }
0x307: {  	[tilespmem:$0x18A90] =	vst v17;
	v13 =	vld [tilespmem:$0x19280];
	v10 =	vnsel vm10, $0x0, v43  }
0x308: {  	v12 =	vld [tilespmem:$0x19200];
	[tilespmem:$0x18F80] =	vst v10  }
0x309: {  	v16 =	vld.idx.msk [tilespmem:v4+s25+$0x0], $0xffff  }
0x30a: {  	v17 =	vld.idx.msk [tilespmem:v5+s25+$0x0], $0xffff  }
0x30b: {  	v18 =	vld.idx.msk [tilespmem:v4+s26+$0x0], $0xffff  }
0x30c: {  	v19 =	vld.idx.msk [tilespmem:v5+s26+$0x0], $0xffff  }
0x30d: {  	v44 =	vld.idx.msk [tilespmem:v4+s28+$0x0], $0xffff  }
0x30e: {  	v21 =	vld.idx.msk [tilespmem:v5+s28+$0x0], $0xffff  }
0x30f: {  	v22 =	vld.idx.msk [tilespmem:v4+s6+$0x0], $0xffff  }
0x310: {  	v45 =	vld.idx.msk [tilespmem:v5+s6+$0x0], $0xffff  }
0x311: {  	v47 =	vld.idx.msk [tilespmem:v13+s25+$0x0], $0xffff  }
0x312: {  	v27 =	vld.idx.msk [tilespmem:v13+s26+$0x0], $0xffff  }
0x313: {  	v49 =	vld.idx.msk [tilespmem:v13+s28+$0x0], $0xffff  }
0x314: {  	v46 =	vld.idx.msk [tilespmem:v12+s25+$0x0], $0xffff  }
0x315: {  	v26 =	vld.idx.msk [tilespmem:v12+s26+$0x0], $0xffff  }
0x316: {  	v28 =	vld.idx.msk [tilespmem:v12+s28+$0x0], $0xffff  }
0x317: {  	v51 =	vld.idx.msk [tilespmem:v13+s6+$0x0], $0xffff;
	v16 =	vsub.f32 v16, v17  }
0x318: {  	v50 =	vld.idx.msk [tilespmem:v12+s6+$0x0], $0xffff;
	v48 =	vsub.f32 v18, v19  }
0x319: {  	v20 =	vsub.f32 v44, v21;
	v16 =	vmul.f32 v16, v16  }
0x31a: {  	v17 =	vmul.f32 v48, v48;
	v24 =	vsub.f32 v46, v47;
	v52 =	vsub.f32 v26, v27  }
0x31b: {  	v53 =	vsub.f32 v22, v45;
	v20 =	vmul.f32 v20, v20;
	v18 =	vsub.f32 v28, v49  }
0x31c: {  	v16 =	vadd.f32 v17, v16;
	v54 =	vmul.f32 v24, v24;
	v55 =	vmul.f32 v52, v52  }
0x31d: {  	v19 =	vsub.f32 v50, v51;
	v17 =	vmul.f32 v53, v53  }
0x31e: {  	v18 =	vmul.f32 v18, v18;
	v16 =	vadd.f32 v20, v16;
	v56 =	vadd.f32 v55, v54;
	_ =	sdelay $0x1  }
0x31f: {  	v58 =	vmul.f32 v19, v19;
	v16 =	vadd.f32 v17, v16;
	v57 =	vadd.f32 v18, v56;
	_ =	sdelay $0x1  }
0x320: {  	v16 =	vmax.f32 v16, $9.999999960e-13;
	v17 =	vadd.f32 v58, v57  }
0x321: {  	v59 =	vshra.s32 v16, $0x1;
	v60 =	vmul.f32 $5.000000000e-01, v16  }
0x322: {  	v18 =	vsub.s32 $0x5F3759DF, v59;
	v17 =	vmax.f32 v17, $9.999999960e-13  }
0x323: {  	v61 =	vmul.f32 v18, v60;
	v62 =	vshra.s32 v17, $0x1;
	v63 =	vmul.f32 $5.000000000e-01, v17  }
0x324: {  	v21 =	vsub.s32 $0x5F3759DF, v62  }
0x325: {  	v20 =	vmul.f32 v18, v61;
	v24 =	vmul.f32 v21, v63;
	_ =	sdelay $0x1  }
0x326: {  	v20 =	vsub.f32 $1.500000000e+00, v20;
	v23 =	vmul.f32 v21, v24;
	_ =	sdelay $0x1  }
0x327: {  	v18 =	vmul.f32 v18, v20;
	v25 =	vsub.f32 $1.500000000e+00, v23;
	_ =	sdelay $0x1  }
0x328: {  	v19 =	vmul.f32 v18, v60;
	v20 =	vmul.f32 v21, v25;
	_ =	sdelay $0x1  }
0x329: {  	v19 =	vmul.f32 v19, v18;
	v21 =	vmul.f32 v20, v63;
	_ =	sdelay $0x1  }
0x32a: {  	v19 =	vsub.f32 $1.500000000e+00, v19;
	v21 =	vmul.f32 v21, v20;
	_ =	sdelay $0x1  }
0x32b: {  	v18 =	vmul.f32 v19, v18;
	v26 =	vsub.f32 $1.500000000e+00, v21;
	_ =	sdelay $0x1  }
0x32c: {  	v16 =	vmul.f32 v18, v16;
	v27 =	vmul.f32 v26, v20;
	_ =	sdelay $0x1  }
0x32d: {  	v16 =	vsub.f32 $3.000000000e+00, v16;
	v17 =	vmul.f32 v27, v17;
	_ =	sdelay $0x1  }
0x32e: {  	v16 =	vmax.f32 v16, $0.0e+00;
	v17 =	vsub.f32 $3.000000000e+00, v17  }
0x32f: {  	v16 =	vmul.f32 v16, v16  }
0x330: {  	v17 =	vmax.f32 v17, $0.0e+00  }
0x331: {  	v16 =	vadd.f32 $1.000000000e+00, v16;
	v17 =	vmul.f32 v17, v17;
	_ =	sdelay $0x1  }
0x332: {  	v28 =	vand.u32 $0x7FFFFF, v16;
	v17 =	vadd.f32 $1.000000000e+00, v17  }
0x333: {  	v18 =	vor.u32 $0x3F800000, v28  }
0x334: {  	v29 =	vmul.f32 $3.010262550e-02, v18;
	v30 =	vand.u32 $0x7FFFFF, v17  }
0x335: {  	v20 =	vor.u32 $0x3F800000, v30  }
0x336: {  	v19 =	vadd.f32 $-2.806325260e-01, v29;
	v31 =	vmul.f32 $3.010262550e-02, v20;
	_ =	sdelay $0x1  }
0x337: {  	v19 =	vmul.f32 v18, v19;
	v21 =	vadd.f32 $-2.806325260e-01, v31  }
0x338: {  	v7 =	vbroadcast v7, $0xF  }
0x339: {  	v11 =	vbroadcast v11, $0xF;
	v19 =	vadd.f32 $1.104808210e+00, v19;
	v21 =	vmul.f32 v20, v21  }
0x33a: {  	v7 =	vnsel vm8, $0x0, v7  }
0x33b: {  	v7 =	vsel vm2, v7, v11;
	v32 =	vmul.f32 v18, v19;
	v33 =	vadd.f32 $1.104808210e+00, v21  }
0x33c: {  	v8 =	vbroadcast v8, $0xF;
	v14 =	vbroadcast v14, $0xF;
	v15 =	vmax.f32 v42, $1.000000000e+00  }
0x33d: {  	v34 =	vsub.s32 $0x7EF477D5, v15;
	v11 =	vadd.f32 $-2.420812610e+00, v32;
	v19 =	vmul.f32 v20, v33  }
0x33e: {  	v7 =	vsel vm3, v7, v8;
	v35 =	vmul.f32 v34, v15  }
0x33f: {  	v7 =	vsel vm4, v7, v14;
	v11 =	vmul.f32 v18, v11;
	v36 =	vadd.f32 $-2.420812610e+00, v19  }
0x340: {  	v9 =	vbroadcast v9, $0xF;
	v8 =	vsub.f32 $2.000000000e+00, v35;
	v16 =	vshra.s32 v16, $0x17  }
0x341: {  	v16 =	vadd.s32 $0xFFFFFF81, v16;
	v11 =	vadd.f32 $3.498227830e+00, v11;
	v14 =	vmul.f32 v20, v36  }
0x342: {  	v7 =	vsel vm5, v7, v9;
	v8 =	vmul.f32 v34, v8;
	v37 =	vcvt.s32.f32 v16  }
0x343: {  	s1 =	simm.s32 $0x18F80;
	v38 =	vshra.s32 v17, $0x17;
	v11 =	vmul.f32 v18, v11;
	v14 =	vadd.f32 $3.498227830e+00, v14  }
0x344: {  	v39 =	vld.idx.msk [tilespmem:v4+s1+$0x0], $0xffff;
	v15 =	vmul.f32 v8, v15;
	v9 =	vmul.f32 $6.931471820e-01, v37;
	v16 =	vadd.s32 $0xFFFFFF81, v38  }
0x345: {  	v40 =	vld.idx.msk [tilespmem:v5+s1+$0x0], $0xffff;
	v16 =	vcvt.s32.f32 v16;
	v11 =	vadd.f32 $-1.931671500e+00, v11;
	v14 =	vmul.f32 v20, v14  }
0x346: {  	v3 =	vbroadcast v3, $0xF;
	v6 =	vbroadcast v6, $0xF;
	v41 =	vld.idx.msk [tilespmem:v12+s1+$0x0], $0xffff;
	v15 =	vsub.f32 $2.000000000e+00, v15  }
0x347: {  	v43 =	vmul.f32 $6.931471820e-01, v16;
	v9 =	vadd.f32 v11, v9;
	v42 =	vadd.f32 $-1.931671500e+00, v14  }
0x348: {  	v3 =	vsel vm6, v7, v3;
	v45 =	vld.idx.msk [tilespmem:v13+s1+$0x0], $0xffff;
	v44 =	vmul.f32 v15, v8  }
0x349: {  	v3 =	vsel vm7, v3, v6;
	v46 =	vmul.f32 v9, v39;
	v47 =	vadd.f32 v42, v43  }
0x34a: {  	v3 =	vmul.f32 v44, v3  }
0x34b: {  	vm10 =	vlt.s32 v4, v5;
	v48 =	vmul.f32 v46, v40;
	v49 =	vmul.f32 v47, v41  }
0x34c: {  	v50 =	vsel vm10, $0x3F800000, v0;
	v3 =	vmul.f32 v3, v10  }
0x34d: {  	(xrf2) =	vadd.scan.msk.f32 $0xffff, v10;
	vm10 =	vlt.s32 v12, v13;
	v4 =	vmul.f32 v48, v50;
	v5 =	vmul.f32 v49, v45  }
0x34e: {  	(xrf2) =	vadd.scan.msk.f32 $0xffff, v3;
	v3 =	vsel vm10, $0x3F800000, v0  }
0x34f: {  	(xrf2) =	vadd.scan.msk.f32 $0xffff, v4;
	v3 =	vmul.f32 v5, v3;
	_ =	sdelay $0x1  }
0x350: {  	(xrf2) =	vadd.scan.msk.f32 $0xffff, v3;
	_ =	sdelay $0x5  }
0x351: {  	v3, _, _ =	vpop (xrf2)  }
0x352: {  	v51, _, _ =	vpop (xrf2);
	v3 =	vadd.f32 $0.0e+00, v3  }
0x353: {  	v52, _, _ =	vpop (xrf2)  }
0x354: {  	v3 =	vbroadcast v3, $0xF;
	(v2sf) =	vpush v52, $0xF  }
0x355: {  	v53, _, _ =	vpop (xrf2)  }
0x356: {  	v54 =	vadd.f32 $-1.000000000e+00, v3;
	(v2sf) =	vpush v53, $0xF;
	_ =	sdelay $0x1  }
0x357: {  	v5 =	vmul.f32 v54, v3  }
0x358: {  	v55 =	vmax.f32 v3, $1.000000000e+00  }
0x359: {  	v56 =	vsub.s32 $0x7EF477D5, v55;
	v5 =	vmax.f32 v5, $1.000000000e+00  }
0x35a: {  	v57 =	vmul.f32 v56, v55;
	v58 =	vsub.s32 $0x7EF477D5, v5  }
0x35b: {  	v59 =	vmul.f32 v58, v5  }
0x35c: {  	v8 =	vsub.f32 $2.000000000e+00, v57  }
0x35d: {  	v10 =	vsub.f32 $2.000000000e+00, v59  }
0x35e: {  	v7 =	vmul.f32 v56, v8  }
0x35f: {  	v60 =	vmul.f32 v58, v10  }
0x360: {  	v6 =	vmul.f32 v7, v55  }
0x361: {  	v5 =	vmul.f32 v60, v5  }
0x362: {  	v6 =	vsub.f32 $2.000000000e+00, v6;
	s23 =	spop (v2sf)  }
0x363: {  	v5 =	vsub.f32 $2.000000000e+00, v5;
	s1 =	sadd.f32 $0.0e+00, s23  }
0x364: {  	v61 =	vld [tilespmem:$0x19000];
	v4 =	vbroadcast v51, $0xF;
	v6 =	vmul.f32 v6, v7;
	s2 =	spop (v2sf)  }
0x365: {  	v62 =	vld [tilespmem:$0x19080];
	v5 =	vmul.f32 v5, v60;
	s1 =	sadd.f32 s2, s1  }
0x366: {  	v4 =	vmul.f32 v6, v4  }
0x367: {  	v63 =	vmov s14;
	s14 =	sadd.s32 $0x1, s14;
	vm10 =	vgt.f32 v3, $0.0e+00;
	v5 =	vmul.f32 s1, v5  }
0x368: {  	vm11 =	veq.s32 v63, v1;
	p1 =	seq.s32 s14, $0x4;
	v4 =	vnsel vm10, $0x0, v4;
	vm10 =	vgt.f32 v3, $1.000000000e+00  }
.Ltmp10:
0x369: {  	v4 =	vsel vm11, v4, v61;
	v3 =	vnsel vm10, $0x0, v5;
	(pc) =	sbr.rel @!p1 .LBB2_2-.Ltmp10, $3  }
0x36a: {  	[tilespmem:$0x19000] =	vst v4;
	v3 =	vsel vm11, v3, v62  }
0x36b: {  	[tilespmem:$0x19080] =	vst v3  }
0x36c: {  	[bflag:$0x0] =	sbarrier.arrive $0xFFFF;
	_ =	sdelay $0x1  }
0x36d: {  	s1 =	simm.s32 $0x0  }
.Ltmp11:
0x36e: {  	s2 =	rddreg [dreg:$0x11];
	s4 =	simm.s32 $0x19000;
	(pc) =	sbr.rel .LBB2_14-.Ltmp11, $4  }
0x36f: {  	[hbm4b:s2+s1] =	stream.linear.scatter [tilespmem:s4], [sflag:$0x2], $0x100, $0x38;
	[tilespmem:$0x19700] =	vst v63  }
0x370: {  	_ =	swait.ge [sflag:s22], $0x100  }
0x371: {  	[sflag:s22] =	ssyncset.done $0x0  }
0x372: {  	[sflag:s22] =	ssyncadd.s32 $0xFFFFFF00  }
.LBB2_15:
0x373: {  	_ =	sfence.sel $0x180000  }
0x374: {  	[bflag:$0x0] =	sbarrier.arrive $0xFFFF  }
0x375: {  	_ =	strace $0x90000047  }
0x376: {  	[bflag:$0x2] =	sbarrier.arrive $0xFFFF  }
0x377: {  	s0 =	rddreg [dreg:$0x4]  }
0x378: {  	s0 =	sadd.s32 @!p0 $0x100000, s0  }
0x379: {  	[sflag:s0] =	ssyncadd.tile.s32 @!p0 $0x1;
	_ =	shalt  }
.Lfunc_end2:
_tile_overlayer_lowered:
.L_overlay_start_2:
0x37a: {  	(tag) =	ssettag $0x2  }
0x37b: {  	s0 =	rddreg [dreg:$0x0];
	s2 =	stileid.u32  }
0x37c: {  	s1 =	rddreg [dreg:$0x1];
	p0 =	sne.s32 s2, $0x0  }
0x37d: {  	s3 =	rddreg [dreg:$0x2];
	[bflag:$0x3] =	sbarrier.arrive $0xFFFF;
	s2 =	simm.s32 @!p0 $0x1C02  }
0x37e: {  	[timem:s3], [sflag:s2] =	dma.local @!p0 [hbm:s0], s1  }
0x37f: {  	s0 =	simm.s32 @!p0 $0x2  }
0x380: {  	_ =	swait.ge @!p0 [sflag:s0], s1  }
0x381: {  	s1 =	ssub.s32 @!p0 $0x0, s1;
	[sflag:s0] =	ssyncset.done @!p0 $0x0  }
0x382: {  	[sflag:s0] =	ssyncadd.s32 @!p0 s1  }
0x383: {  	[bflag:$0x3] =	sbarrier.arrive $0xFFFF  }
0x384: {  	_ =	shalt  }

</sc_bundles>
